<compile_context>
chip_gen: v7x
topology: tpu7x:2x2x1
jax: 0.10.2.dev20260603
libtpu: 0.0.44.dev20260713+nightly
codegen_flags: <defaults>
</compile_context>

<pallas_src>
import jax
import jax.numpy as jnp
from jax import lax
from jax.experimental import pallas as pl
from jax.experimental.pallas import tpu as pltpu
from jax.experimental.pallas import tpu_sc as plsc

_BETA = 5.5
_M, _D, _B, _C = 65536, 512, 16384, 1000
_L = 16
_NC, _NS = 2, 16
_NW = _NC * _NS
_SPT = _M // _NW
_WCH = _SPT // _L
_SCH = _B // _L
_JBITS = 14
_ROWS_BLOCK = 256
_I32MAX = jnp.iinfo(jnp.int32).max


def _stats_body(probt_ref, val_ref, ent_ref, valn_ref):
    x = probt_ref[...] * _BETA
    m = jnp.max(x, axis=0, keepdims=True)
    xt = x - m
    e = jnp.exp(xt)
    z = jnp.sum(e, axis=0, keepdims=True)
    s = jnp.sum(e * xt, axis=0, keepdims=True)
    ent_ref[0, 0, :] = (jnp.log(z) - s / z)[0]
    v = val_ref[...]
    n = jnp.sqrt(jnp.sum(v * v, axis=-1, keepdims=True))
    valn_ref[...] = v / n


_NB = _B // _ROWS_BLOCK

_stats_call = pl.pallas_call(
    _stats_body,
    grid=(_NB,),
    in_specs=[
        pl.BlockSpec((_C, _ROWS_BLOCK), lambda i: (0, i)),
        pl.BlockSpec((_ROWS_BLOCK, _D), lambda i: (i, 0)),
    ],
    out_specs=[
        pl.BlockSpec((1, 1, _ROWS_BLOCK), lambda i: (i, 0, 0)),
        pl.BlockSpec((_ROWS_BLOCK, _D), lambda i: (i, 0)),
    ],
    out_shape=[
        jax.ShapeDtypeStruct((_NB, 1, _ROWS_BLOCK), jnp.float32),
        jax.ShapeDtypeStruct((_B, _D), jnp.float32),
    ],
)


def _gather16(x, idx):
    return lax.gather(
        x,
        idx[:, None],
        lax.GatherDimensionNumbers(
            offset_dims=(), collapsed_slice_dims=(0,), start_index_map=(0,)
        ),
        slice_sizes=(1,),
        mode=lax.GatherScatterMode.PROMISE_IN_BOUNDS,
    )


_RCH = 64
_NCP = _SPT // _RCH


def _sc_body(mem_hbm, entmem_hbm, idx_hbm, ent_hbm, valn_hbm, out_hbm,
             idx_v, ent_v, entmem_v, lastw_v, slist_v, jlist_v, rows_v,
             cbuf_v, copy_sem, dma_sem):
    wid = lax.axis_index("s") * _NC + lax.axis_index("c")
    base = wid * _SPT

    pltpu.sync_copy(idx_hbm, idx_v)
    pltpu.sync_copy(ent_hbm, ent_v)
    pltpu.sync_copy(entmem_hbm.at[pl.ds(base, _SPT)], entmem_v)

    iota = lax.iota(jnp.int32, _L)
    neg1 = jnp.full((_L,), -1, jnp.int32)
    big = jnp.full((_L,), _I32MAX, jnp.int32)
    nxt = jnp.minimum(iota + 1, _L - 1)
    zero16 = jnp.zeros((_L,), jnp.int32)

    def init_body(k, c):
        lastw_v[pl.ds(k * _L, _L)] = neg1
        return c

    lax.fori_loop(0, _WCH, init_body, 0)

    def scan_body(i, c):
        sv = idx_v[pl.ds(i * _L, _L)]
        jv = i * _L + iota
        inr = (sv >= base) & (sv < base + _SPT)
        comb = jnp.where(inr, (sv << _JBITS) + jv, big)
        srt = plsc.sort_key_val(comb, comb)[0]
        s_s = lax.shift_right_arithmetic(srt, _JBITS)
        j_s = lax.bitwise_and(srt, _B - 1)
        valid = srt != big
        s_nxt = _gather16(s_s, nxt)
        lastrun = (s_s != s_nxt) | (iota == _L - 1)
        plsc.store_scatter(lastw_v, [s_s - base], j_s, mask=valid & lastrun)
        return c

    _SEG = _SCH // _NCP
    stores = [None] * _NCP
    gathers = [None] * _NCP
    gathers[0] = pltpu.async_copy(
        mem_hbm.at[pl.ds(base, _RCH)], cbuf_v.at[0], dma_sem
    )
    for c in range(_NCP):
        gathers[c].wait()
        stores[c] = pltpu.async_copy(
            cbuf_v.at[c % 2], out_hbm.at[pl.ds(base + c * _RCH, _RCH)],
            copy_sem,
        )
        if c + 1 < _NCP:
            if c >= 1:
                stores[c - 1].wait()
            gathers[c + 1] = pltpu.async_copy(
                mem_hbm.at[pl.ds(base + (c + 1) * _RCH, _RCH)],
                cbuf_v.at[(c + 1) % 2], dma_sem,
            )
        lax.fori_loop(c * _SEG, (c + 1) * _SEG, scan_body, 0)

    def win_body(k, cnt):
        wj = lastw_v[pl.ds(k * _L, _L)]
        written = wj >= 0
        entw = plsc.load_gather(ent_v, [wj], mask=written)
        sent = entmem_v[pl.ds(k * _L, _L)]
        win = written & (entw < sent)
        wi = win.astype(jnp.int32)
        pos = cnt + plsc.cumsum(wi) - wi
        svec = base + k * _L + iota
        plsc.store_scatter(slist_v, [pos], svec, mask=win)
        plsc.store_scatter(jlist_v, [pos], wj, mask=win)
        return cnt + jnp.sum(wi)

    cnt = lax.fori_loop(0, _WCH, win_body, jnp.int32(0))

    stores[-1].wait()

    nch = (cnt + _L - 1) // _L

    def _drain_one_scatter():
        pltpu.make_async_copy(
            valn_hbm.at[zero16], rows_v.at[0], copy_sem
        ).wait()

    def dma_body(c, carry):
        b = lax.bitwise_and(c, 1)
        lanemask = (c * _L + iota) < cnt
        sv = slist_v[pl.ds(c * _L, _L)]
        jv = jlist_v[pl.ds(c * _L, _L)]
        sv = jnp.where(lanemask, sv, _gather16(sv, zero16))
        jv = jnp.where(lanemask, jv, _gather16(jv, zero16))

        @pl.when(c >= 2)
        def _():
            _drain_one_scatter()

        pltpu.async_copy(valn_hbm.at[jv], rows_v.at[b], dma_sem).wait()
        pltpu.async_copy(rows_v.at[b], out_hbm.at[sv], copy_sem)
        return carry

    lax.fori_loop(0, nch, dma_body, 0)

    @pl.when(nch >= 1)
    def _():
        _drain_one_scatter()

    @pl.when(nch >= 2)
    def _():
        _drain_one_scatter()


_sc_call = pl.kernel(
    _sc_body,
    out_type=jax.ShapeDtypeStruct((_M, _D), jnp.float32),
    mesh=plsc.VectorSubcoreMesh(
        core_axis_name="c", subcore_axis_name="s", num_cores=_NC,
        num_subcores=_NS,
    ),
    scratch_types=[
        pltpu.VMEM((_B,), jnp.int32),
        pltpu.VMEM((_B,), jnp.float32),
        pltpu.VMEM((_SPT,), jnp.float32),
        pltpu.VMEM((_SPT,), jnp.int32),
        pltpu.VMEM((_SPT,), jnp.int32),
        pltpu.VMEM((_SPT,), jnp.int32),
        pltpu.VMEM((2, _L, _D), jnp.float32),
        pltpu.VMEM((2, _RCH, _D), jnp.float32),
        pltpu.SemaphoreType.DMA,
        pltpu.SemaphoreType.DMA,
    ],
    compiler_params=pltpu.CompilerParams(needs_layout_passes=False),
)


def kernel(mem, ent_mem, val, prob, idx):
    ent3, val_n = _stats_call(prob.T, val)
    ent = ent3.reshape(_B)
    return _sc_call(mem, ent_mem, idx.astype(jnp.int32), ent, val_n)

# --- scband reference (transcript-rebuilt; emitter-appended) ---
"""Pipeline reference for scband-cliptta-44796508897390 (READ-ONLY COPY).

The authoritative reference and input builder live on the scoring server;
editing this copy changes nothing except your own understanding.
"""

import jax, jax.numpy as jnp
import numpy as np

BETA = 5.5  # from CLIPTTA.__init__
M, D, B, C = 65536, 512, 16384, 1000


def setup_inputs(seed: int = 0) -> dict:
    key = jax.random.key(seed)
    k1, k2, k3, k4, k5 = jax.random.split(key, 5)
    # memory bank of L2-normalized image features (image_feature_memory, flattened)
    mem = jax.random.normal(k1, (M, D), dtype=jnp.float32)
    mem = mem / jnp.linalg.norm(mem, axis=-1, keepdims=True)
    # per-slot entropy memory (image_entropy_mem), uniform over [0, log C]
    ent_mem = jax.random.uniform(k2, (M,), dtype=jnp.float32) * float(np.log(C))
    # batched candidate features to write
    val = jax.random.normal(k3, (B, D), dtype=jnp.float32)
    # raw classifier logits used to compute pseudo-label prediction entropy
    prob = jax.random.normal(k4, (B, C), dtype=jnp.float32)
    # flattened (pseudo_label, slot) write indices
    idx = jax.random.randint(k5, (B,), 0, M)
    return {"mem": mem, "ent_mem": ent_mem, "val": val, "prob": prob, "idx": idx}


def reference(mem, ent_mem, val, prob, idx):
    # update_memory_bank ('local_global' branch), batched:
    # 1) normalize selected image features before writing
    val_n = val / jnp.linalg.norm(val, axis=-1, keepdims=True)
    # 2) prediction entropy of the candidate: -(p * log p).sum  (mean_prob entropy)
    p = jax.nn.softmax(prob * BETA, axis=-1)
    ent = -(p * jnp.log(p + 1e-10)).sum(axis=-1)
    # 3) entropy-gated replacement: only overwrite a slot if the new entropy
    #    is lower than the stored entropy at that slot (the sort/replace logic)
    old_feat = jnp.take(mem, idx, axis=0)
    slot_ent = jnp.take(ent_mem, idx, axis=0)
    accept = ent < slot_ent
    write = jnp.where(accept[:, None], val_n, old_feat)
    # 4) scatter-overwrite into the memory bank
    mem_new = mem.at[idx].set(write)
    return mem_new

if __name__ == "__main__":
    import jax
    _d = setup_inputs()
    print(jax.jit(kernel)(*tuple(_d.values())))

</pallas_src>

<mosaic_0001>
#map = affine_map<(d0, d1) -> (0, 0)>
#map1 = affine_map<(d0, d1) -> (0)>
module attributes {stable_mosaic.version = 14 : i64} {
  func.func @_sc_body(%arg0: i32, %arg1: i32, %arg2: memref<65536x512xf32, #tpu.memory_space<hbm>>, %arg3: memref<65536xf32, #tpu.memory_space<hbm>>, %arg4: memref<16384xi32, #tpu.memory_space<hbm>>, %arg5: memref<16384xf32, #tpu.memory_space<hbm>>, %arg6: memref<16384x512xf32, #tpu.memory_space<hbm>>, %arg7: memref<65536x512xf32, #tpu.memory_space<hbm>>, %arg8: memref<16384xi32, #tpu.memory_space<vmem>>, %arg9: memref<16384xf32, #tpu.memory_space<vmem>>, %arg10: memref<2048xf32, #tpu.memory_space<vmem>>, %arg11: memref<2048xi32, #tpu.memory_space<vmem>>, %arg12: memref<2048xi32, #tpu.memory_space<vmem>>, %arg13: memref<2048xi32, #tpu.memory_space<vmem>>, %arg14: memref<2x16x512xf32, #tpu.memory_space<vmem>>, %arg15: memref<2x64x512xf32, #tpu.memory_space<vmem>>, %arg16: memref<!tpu.dma_semaphore, #tpu.memory_space<semaphore_mem>>, %arg17: memref<!tpu.dma_semaphore, #tpu.memory_space<semaphore_mem>>) attributes {dimension_semantics = [#tpu.dimension_semantics<core_parallel>, #tpu.dimension_semantics<subcore_parallel>], iteration_bounds = array<i64: 2, 16>, scalar_prefetch = 0 : i64, scratch_operands = 10 : i64, tpu.core_type = #tpu.core_type<sc_vector_subcore>, window_params = [{transform_indices = #map}, {transform_indices = #map1}, {transform_indices = #map1}, {transform_indices = #map1}, {transform_indices = #map}, {transform_indices = #map}]} {
    %mul3A = arith.constant 2 : i32
    %mul3A_0 = arith.muli %arg1, %mul3A : i32
    %add3A = arith.addi %mul3A_0, %arg0 : i32
    %mul3A_1 = arith.constant 2048 : i32
    %mul3A_2 = arith.muli %add3A, %mul3A_1 : i32
    "tpu.region"() ({
      %run_scoped3A = tpu.sem_alloc : memref<!tpu.dma_semaphore, #tpu.memory_space<semaphore_mem>>
      tpu.enqueue_dma source(%arg4 : memref<16384xi32, #tpu.memory_space<hbm>>) target(%arg8 : memref<16384xi32, #tpu.memory_space<vmem>>) target_semaphore(%run_scoped3A : memref<!tpu.dma_semaphore, #tpu.memory_space<semaphore_mem>>)
      tpu.wait_dma2 semaphore(%run_scoped3A : memref<!tpu.dma_semaphore, #tpu.memory_space<semaphore_mem>>) src(%arg4 : memref<16384xi32, #tpu.memory_space<hbm>>) dst(%arg8 : memref<16384xi32, #tpu.memory_space<vmem>>)
      tpu.yield
    }) : () -> ()
    "tpu.region"() ({
      %run_scoped3A = tpu.sem_alloc : memref<!tpu.dma_semaphore, #tpu.memory_space<semaphore_mem>>
      tpu.enqueue_dma source(%arg5 : memref<16384xf32, #tpu.memory_space<hbm>>) target(%arg9 : memref<16384xf32, #tpu.memory_space<vmem>>) target_semaphore(%run_scoped3A : memref<!tpu.dma_semaphore, #tpu.memory_space<semaphore_mem>>)
      tpu.wait_dma2 semaphore(%run_scoped3A : memref<!tpu.dma_semaphore, #tpu.memory_space<semaphore_mem>>) src(%arg5 : memref<16384xf32, #tpu.memory_space<hbm>>) dst(%arg9 : memref<16384xf32, #tpu.memory_space<vmem>>)
      tpu.yield
    }) : () -> ()
    "tpu.region"() ({
      %run_scoped3A = tpu.sem_alloc : memref<!tpu.dma_semaphore, #tpu.memory_space<semaphore_mem>>
      %dma_start3A_2028 = tpu.memref_slice %arg3[%mul3A_2] : memref<65536xf32, #tpu.memory_space<hbm>> -> memref<2048xf32, #tpu.memory_space<hbm>>
      %dma_start3A_2029 = tpu.memref_slice %arg3[%mul3A_2] : memref<65536xf32, #tpu.memory_space<hbm>> -> memref<2048xf32, #tpu.memory_space<hbm>>
      tpu.enqueue_dma source(%dma_start3A_2029 : memref<2048xf32, #tpu.memory_space<hbm>>) target(%arg10 : memref<2048xf32, #tpu.memory_space<vmem>>) target_semaphore(%run_scoped3A : memref<!tpu.dma_semaphore, #tpu.memory_space<semaphore_mem>>)
      %dma_wait3A_2030 = tpu.memref_slice %arg3[%mul3A_2] : memref<65536xf32, #tpu.memory_space<hbm>> -> memref<2048xf32, #tpu.memory_space<hbm>>
      %dma_wait3A_2031 = tpu.memref_slice %arg3[%mul3A_2] : memref<65536xf32, #tpu.memory_space<hbm>> -> memref<2048xf32, #tpu.memory_space<hbm>>
      tpu.wait_dma2 semaphore(%run_scoped3A : memref<!tpu.dma_semaphore, #tpu.memory_space<semaphore_mem>>) src(%dma_wait3A_2031 : memref<2048xf32, #tpu.memory_space<hbm>>) dst(%arg10 : memref<2048xf32, #tpu.memory_space<vmem>>)
      tpu.yield
    }) : () -> ()
    %iota3A = tpu.iota {dimensions = array<i32: 0>} : vector<16xi32>
    %broadcast_in_dim3A = arith.constant -1 : i32
    %broadcast_in_dim3A_3 = vector.broadcast %broadcast_in_dim3A : i32 to vector<16xi32>
    %broadcast_in_dim3A_4 = arith.constant 2147483647 : i32
    %broadcast_in_dim3A_5 = vector.broadcast %broadcast_in_dim3A_4 : i32 to vector<16xi32>
    %add3A_6 = arith.constant 1 : i32
    %add3A_7 = vector.broadcast %add3A_6 : i32 to vector<16xi32>
    %add3A_8 = arith.addi %iota3A, %add3A_7 : vector<16xi32>
    %min3A = arith.constant 15 : i32
    %min3A_9 = vector.broadcast %min3A : i32 to vector<16xi32>
    %min3A_10 = arith.minsi %add3A_8, %min3A_9 : vector<16xi32>
    %broadcast_in_dim3A_11 = arith.constant 0 : i32
    %broadcast_in_dim3A_12 = vector.broadcast %broadcast_in_dim3A_11 : i32 to vector<16xi32>
    %scan3A = arith.constant 0 : i32
    %scan3A_13 = arith.constant 0 : i32
    %scan3A_14 = arith.constant 128 : i32
    %scan3A_15 = arith.addi %scan3A_13, %scan3A_14 : i32
    %scan3A_16 = arith.constant 1 : i32
    scf.for %scan3A_2028 = %scan3A_13 to %scan3A_15 step %scan3A_16  : i32 {
      %mul3A_2029 = arith.constant 16 : i32
      %mul3A_2030 = arith.muli %scan3A_2028, %mul3A_2029 : i32
      %swap3A = arith.index_cast %mul3A_2030 : i32 to index
      %swap3A_2031 = tpu.vector_load %arg11[%swap3A] {strides = array<i32>} : memref<2048xi32, #tpu.memory_space<vmem>>, vector<16xi32>,
      tpu.vector_store %arg11[%swap3A], %broadcast_in_dim3A_3 {strides = array<i32>} : memref<2048xi32, #tpu.memory_space<vmem>>, vector<16xi32>,
    }
    %scan3A_17 = arith.constant 128 : i32
    %dma_start3A = arith.constant 0 : i32
    %dma_start3A_18 = arith.constant 0 : i32
    %dma_start3A_19 = arith.constant 0 : i32
    %dma_start3A_20 = tpu.memref_slice %arg15[%dma_start3A, %dma_start3A_18, %dma_start3A_19] : memref<2x64x512xf32, #tpu.memory_space<vmem>> -> memref<1x64x512xf32, #tpu.memory_space<vmem>>
    %dma_start3A_21 = tpu.memref_squeeze %dma_start3A_20 : memref<1x64x512xf32, #tpu.memory_space<vmem>> -> memref<64x512xf32, #tpu.memory_space<vmem>>
    %dma_start3A_22 = arith.constant 0 : i32
    %dma_start3A_23 = tpu.memref_slice %arg2[%mul3A_2, %dma_start3A_22] : memref<65536x512xf32, #tpu.memory_space<hbm>> -> memref<64x512xf32, #tpu.memory_space<hbm>>
    %dma_start3A_24 = arith.constant 0 : i32
    %dma_start3A_25 = arith.constant 0 : i32
    %dma_start3A_26 = tpu.memref_slice %arg15[%dma_start3A, %dma_start3A_24, %dma_start3A_25] : memref<2x64x512xf32, #tpu.memory_space<vmem>> -> memref<1x64x512xf32, #tpu.memory_space<vmem>>
    %dma_start3A_27 = tpu.memref_squeeze %dma_start3A_26 : memref<1x64x512xf32, #tpu.memory_space<vmem>> -> memref<64x512xf32, #tpu.memory_space<vmem>>
    %dma_start3A_28 = arith.constant 0 : i32
    %dma_start3A_29 = tpu.memref_slice %arg2[%mul3A_2, %dma_start3A_28] : memref<65536x512xf32, #tpu.memory_space<hbm>> -> memref<64x512xf32, #tpu.memory_space<hbm>>
    tpu.enqueue_dma source(%dma_start3A_29 : memref<64x512xf32, #tpu.memory_space<hbm>>) target(%dma_start3A_27 : memref<64x512xf32, #tpu.memory_space<vmem>>) target_semaphore(%arg17 : memref<!tpu.dma_semaphore, #tpu.memory_space<semaphore_mem>>)
    %dma_wait3A = arith.constant 0 : i32
    %dma_wait3A_30 = arith.constant 0 : i32
    %dma_wait3A_31 = arith.constant 0 : i32
    %dma_wait3A_32 = tpu.memref_slice %arg15[%dma_wait3A, %dma_wait3A_30, %dma_wait3A_31] : memref<2x64x512xf32, #tpu.memory_space<vmem>> -> memref<1x64x512xf32, #tpu.memory_space<vmem>>
    %dma_wait3A_33 = tpu.memref_squeeze %dma_wait3A_32 : memref<1x64x512xf32, #tpu.memory_space<vmem>> -> memref<64x512xf32, #tpu.memory_space<vmem>>
    %dma_wait3A_34 = arith.constant 0 : i32
    %dma_wait3A_35 = tpu.memref_slice %arg2[%mul3A_2, %dma_wait3A_34] : memref<65536x512xf32, #tpu.memory_space<hbm>> -> memref<64x512xf32, #tpu.memory_space<hbm>>
    %dma_wait3A_36 = arith.constant 0 : i32
    %dma_wait3A_37 = arith.constant 0 : i32
    %dma_wait3A_38 = tpu.memref_slice %arg15[%dma_wait3A, %dma_wait3A_36, %dma_wait3A_37] : memref<2x64x512xf32, #tpu.memory_space<vmem>> -> memref<1x64x512xf32, #tpu.memory_space<vmem>>
    %dma_wait3A_39 = tpu.memref_squeeze %dma_wait3A_38 : memref<1x64x512xf32, #tpu.memory_space<vmem>> -> memref<64x512xf32, #tpu.memory_space<vmem>>
    %dma_wait3A_40 = arith.constant 0 : i32
    %dma_wait3A_41 = tpu.memref_slice %arg2[%mul3A_2, %dma_wait3A_40] : memref<65536x512xf32, #tpu.memory_space<hbm>> -> memref<64x512xf32, #tpu.memory_space<hbm>>
    tpu.wait_dma2 semaphore(%arg17 : memref<!tpu.dma_semaphore, #tpu.memory_space<semaphore_mem>>) src(%dma_wait3A_41 : memref<64x512xf32, #tpu.memory_space<hbm>>) dst(%dma_wait3A_39 : memref<64x512xf32, #tpu.memory_space<vmem>>)
    %add3A_42 = arith.constant 0 : i32
    %add3A_43 = arith.addi %mul3A_2, %add3A_42 : i32
    %dma_start3A_44 = arith.constant 0 : i32
    %dma_start3A_45 = arith.constant 0 : i32
    %dma_start3A_46 = arith.constant 0 : i32
    %dma_start3A_47 = tpu.memref_slice %arg15[%dma_start3A_44, %dma_start3A_45, %dma_start3A_46] : memref<2x64x512xf32, #tpu.memory_space<vmem>> -> memref<1x64x512xf32, #tpu.memory_space<vmem>>
    %dma_start3A_48 = tpu.memref_squeeze %dma_start3A_47 : memref<1x64x512xf32, #tpu.memory_space<vmem>> -> memref<64x512xf32, #tpu.memory_space<vmem>>
    %dma_start3A_49 = arith.constant 0 : i32
    %dma_start3A_50 = tpu.memref_slice %arg7[%add3A_43, %dma_start3A_49] : memref<65536x512xf32, #tpu.memory_space<hbm>> -> memref<64x512xf32, #tpu.memory_space<hbm>>
    %dma_start3A_51 = arith.constant 0 : i32
    %dma_start3A_52 = tpu.memref_slice %arg7[%add3A_43, %dma_start3A_51] : memref<65536x512xf32, #tpu.memory_space<hbm>> -> memref<64x512xf32, #tpu.memory_space<hbm>>
    %dma_start3A_53 = arith.constant 0 : i32
    %dma_start3A_54 = arith.constant 0 : i32
    %dma_start3A_55 = tpu.memref_slice %arg15[%dma_start3A_44, %dma_start3A_53, %dma_start3A_54] : memref<2x64x512xf32, #tpu.memory_space<vmem>> -> memref<1x64x512xf32, #tpu.memory_space<vmem>>
    %dma_start3A_56 = tpu.memref_squeeze %dma_start3A_55 : memref<1x64x512xf32, #tpu.memory_space<vmem>> -> memref<64x512xf32, #tpu.memory_space<vmem>>
    tpu.enqueue_dma source(%dma_start3A_56 : memref<64x512xf32, #tpu.memory_space<vmem>>) target(%dma_start3A_52 : memref<64x512xf32, #tpu.memory_space<hbm>>) target_semaphore(%arg16 : memref<!tpu.dma_semaphore, #tpu.memory_space<semaphore_mem>>)
    %add3A_57 = arith.constant 64 : i32
    %add3A_58 = arith.addi %mul3A_2, %add3A_57 : i32
    %dma_start3A_59 = arith.constant 1 : i32
    %dma_start3A_60 = arith.constant 0 : i32
    %dma_start3A_61 = arith.constant 0 : i32
    %dma_start3A_62 = tpu.memref_slice %arg15[%dma_start3A_59, %dma_start3A_60, %dma_start3A_61] : memref<2x64x512xf32, #tpu.memory_space<vmem>> -> memref<1x64x512xf32, #tpu.memory_space<vmem>>
    %dma_start3A_63 = tpu.memref_squeeze %dma_start3A_62 : memref<1x64x512xf32, #tpu.memory_space<vmem>> -> memref<64x512xf32, #tpu.memory_space<vmem>>
    %dma_start3A_64 = arith.constant 0 : i32
    %dma_start3A_65 = tpu.memref_slice %arg2[%add3A_58, %dma_start3A_64] : memref<65536x512xf32, #tpu.memory_space<hbm>> -> memref<64x512xf32, #tpu.memory_space<hbm>>
    %dma_start3A_66 = arith.constant 0 : i32
    %dma_start3A_67 = arith.constant 0 : i32
    %dma_start3A_68 = tpu.memref_slice %arg15[%dma_start3A_59, %dma_start3A_66, %dma_start3A_67] : memref<2x64x512xf32, #tpu.memory_space<vmem>> -> memref<1x64x512xf32, #tpu.memory_space<vmem>>
    %dma_start3A_69 = tpu.memref_squeeze %dma_start3A_68 : memref<1x64x512xf32, #tpu.memory_space<vmem>> -> memref<64x512xf32, #tpu.memory_space<vmem>>
    %dma_start3A_70 = arith.constant 0 : i32
    %dma_start3A_71 = tpu.memref_slice %arg2[%add3A_58, %dma_start3A_70] : memref<65536x512xf32, #tpu.memory_space<hbm>> -> memref<64x512xf32, #tpu.memory_space<hbm>>
    tpu.enqueue_dma source(%dma_start3A_71 : memref<64x512xf32, #tpu.memory_space<hbm>>) target(%dma_start3A_69 : memref<64x512xf32, #tpu.memory_space<vmem>>) target_semaphore(%arg17 : memref<!tpu.dma_semaphore, #tpu.memory_space<semaphore_mem>>)
    %scan3A_72 = arith.constant 0 : i32
    %scan3A_73 = arith.constant 0 : i32
    %scan3A_74 = arith.constant 32 : i32
    %scan3A_75 = arith.addi %scan3A_73, %scan3A_74 : i32
    %scan3A_76 = arith.constant 1 : i32
    scf.for %scan3A_2028 = %scan3A_73 to %scan3A_75 step %scan3A_76  : i32 {
      %mul3A_2029 = arith.constant 16 : i32
      %mul3A_2030 = arith.muli %scan3A_2028, %mul3A_2029 : i32
      %get3A = arith.index_cast %mul3A_2030 : i32 to index
      %get3A_2031 = tpu.vector_load %arg8[%get3A] {strides = array<i32>} : memref<16384xi32, #tpu.memory_space<vmem>>, vector<16xi32>,
      %mul3A_2032 = arith.constant 16 : i32
      %mul3A_2033 = arith.muli %scan3A_2028, %mul3A_2032 : i32
      %add3A_2034 = vector.broadcast %mul3A_2033 : i32 to vector<16xi32>
      %add3A_2035 = arith.addi %add3A_2034, %iota3A : vector<16xi32>
      %ge3A_2036 = vector.broadcast %mul3A_2 : i32 to vector<16xi32>
      %ge3A_2037 = arith.cmpi sge, %get3A_2031, %ge3A_2036 : vector<16xi32>
      %add3A_2038 = arith.constant 2048 : i32
      %add3A_2039 = arith.addi %mul3A_2, %add3A_2038 : i32
      %lt3A = vector.broadcast %add3A_2039 : i32 to vector<16xi32>
      %lt3A_2040 = arith.cmpi slt, %get3A_2031, %lt3A : vector<16xi32>
      %and3A_2041 = arith.andi %ge3A_2037, %lt3A_2040 : vector<16xi1>
      %shift_left3A = arith.constant 14 : i32
      %shift_left3A_2042 = vector.broadcast %shift_left3A : i32 to vector<16xi32>
      %shift_left3A_2043 = arith.shli %get3A_2031, %shift_left3A_2042 : vector<16xi32>
      %add3A_2044 = arith.addi %shift_left3A_2043, %add3A_2035 : vector<16xi32>
      %select_n3A_2045 = arith.select %and3A_2041, %add3A_2044, %broadcast_in_dim3A_5 : vector<16xi1>, vector<16xi32>
      %masked_sort3A = arith.constant dense<true> : vector<16xi1>
      %masked_sort3A_2046 = arith.constant -2147483648 : i32
      %masked_sort3A_2047 = vector.broadcast %masked_sort3A_2046 : i32 to vector<16xi32>
      %masked_sort3A_2048 = arith.xori %select_n3A_2045, %masked_sort3A_2047 : vector<16xi32>
      %masked_sort3A_2049, %masked_sort3A_2050, %masked_sort3A_2051 = tpu.sort %masked_sort3A_2048, %select_n3A_2045 masked %masked_sort3A : (vector<16xi32>, vector<16xi32>, vector<16xi1>) -> (vector<16xi1>, vector<16xi32>, vector<16xi32>)
      %masked_sort3A_2052 = arith.xori %masked_sort3A_2050, %masked_sort3A_2047 : vector<16xi32>
      %shift_right_arithmetic3A = arith.constant 14 : i32
      %shift_right_arithmetic3A_2053 = vector.broadcast %shift_right_arithmetic3A : i32 to vector<16xi32>
      %shift_right_arithmetic3A_2054 = arith.shrsi %masked_sort3A_2052, %shift_right_arithmetic3A_2053 : vector<16xi32>
      %and3A_2055 = arith.constant 16383 : i32
      %and3A_2056 = vector.broadcast %and3A_2055 : i32 to vector<16xi32>
      %and3A_2057 = arith.andi %masked_sort3A_2052, %and3A_2056 : vector<16xi32>
      %ne3A_2058 = arith.cmpi ne, %masked_sort3A_2052, %broadcast_in_dim3A_5 : vector<16xi32>
      %broadcast_in_dim3A_2059 = vector.shape_cast %min3A_10 : vector<16xi32> to vector<16x1xi32>
      %gather3A = vector.shape_cast %broadcast_in_dim3A_2059 : vector<16x1xi32> to vector<16xi32>
      %gather3A_2060 = tpu.dynamic_gather %shift_right_arithmetic3A_2054[%gather3A] in [0] : vector<16xi32>, vector<16xi32> -> vector<16xi32>
      %ne3A_2061 = arith.cmpi ne, %shift_right_arithmetic3A_2054, %gather3A_2060 : vector<16xi32>
      %eq3A = arith.constant 15 : i32
      %eq3A_2062 = vector.broadcast %eq3A : i32 to vector<16xi32>
      %eq3A_2063 = arith.cmpi eq, %iota3A, %eq3A_2062 : vector<16xi32>
      %or3A = arith.ori %ne3A_2061, %eq3A_2063 : vector<16xi1>
      %sub3A_2064 = vector.broadcast %mul3A_2 : i32 to vector<16xi32>
      %sub3A_2065 = arith.subi %shift_right_arithmetic3A_2054, %sub3A_2064 : vector<16xi32>
      %and3A_2066 = arith.andi %ne3A_2058, %or3A : vector<16xi1>
      tpu.vector_store_idx %arg11[%sub3A_2065], %and3A_2057 masked %and3A_2066 : memref<2048xi32, #tpu.memory_space<vmem>>[vector<16xi32>], vector<16xi32>, vector<16xi1>
    }
    %scan3A_77 = arith.constant 32 : i32
    %dma_wait3A_78 = arith.constant 1 : i32
    %dma_wait3A_79 = arith.constant 0 : i32
    %dma_wait3A_80 = arith.constant 0 : i32
    %dma_wait3A_81 = tpu.memref_slice %arg15[%dma_wait3A_78, %dma_wait3A_79, %dma_wait3A_80] : memref<2x64x512xf32, #tpu.memory_space<vmem>> -> memref<1x64x512xf32, #tpu.memory_space<vmem>>
    %dma_wait3A_82 = tpu.memref_squeeze %dma_wait3A_81 : memref<1x64x512xf32, #tpu.memory_space<vmem>> -> memref<64x512xf32, #tpu.memory_space<vmem>>
    %dma_wait3A_83 = arith.constant 0 : i32
    %dma_wait3A_84 = tpu.memref_slice %arg2[%add3A_58, %dma_wait3A_83] : memref<65536x512xf32, #tpu.memory_space<hbm>> -> memref<64x512xf32, #tpu.memory_space<hbm>>
    %dma_wait3A_85 = arith.constant 0 : i32
    %dma_wait3A_86 = arith.constant 0 : i32
    %dma_wait3A_87 = tpu.memref_slice %arg15[%dma_wait3A_78, %dma_wait3A_85, %dma_wait3A_86] : memref<2x64x512xf32, #tpu.memory_space<vmem>> -> memref<1x64x512xf32, #tpu.memory_space<vmem>>
    %dma_wait3A_88 = tpu.memref_squeeze %dma_wait3A_87 : memref<1x64x512xf32, #tpu.memory_space<vmem>> -> memref<64x512xf32, #tpu.memory_space<vmem>>
    %dma_wait3A_89 = arith.constant 0 : i32
    %dma_wait3A_90 = tpu.memref_slice %arg2[%add3A_58, %dma_wait3A_89] : memref<65536x512xf32, #tpu.memory_space<hbm>> -> memref<64x512xf32, #tpu.memory_space<hbm>>
    tpu.wait_dma2 semaphore(%arg17 : memref<!tpu.dma_semaphore, #tpu.memory_space<semaphore_mem>>) src(%dma_wait3A_90 : memref<64x512xf32, #tpu.memory_space<hbm>>) dst(%dma_wait3A_88 : memref<64x512xf32, #tpu.memory_space<vmem>>)
    %add3A_91 = arith.constant 64 : i32
    %add3A_92 = arith.addi %mul3A_2, %add3A_91 : i32
    %dma_start3A_93 = arith.constant 1 : i32
    %dma_start3A_94 = arith.constant 0 : i32
    %dma_start3A_95 = arith.constant 0 : i32
    %dma_start3A_96 = tpu.memref_slice %arg15[%dma_start3A_93, %dma_start3A_94, %dma_start3A_95] : memref<2x64x512xf32, #tpu.memory_space<vmem>> -> memref<1x64x512xf32, #tpu.memory_space<vmem>>
    %dma_start3A_97 = tpu.memref_squeeze %dma_start3A_96 : memref<1x64x512xf32, #tpu.memory_space<vmem>> -> memref<64x512xf32, #tpu.memory_space<vmem>>
    %dma_start3A_98 = arith.constant 0 : i32
    %dma_start3A_99 = tpu.memref_slice %arg7[%add3A_92, %dma_start3A_98] : memref<65536x512xf32, #tpu.memory_space<hbm>> -> memref<64x512xf32, #tpu.memory_space<hbm>>
    %dma_start3A_100 = arith.constant 0 : i32
    %dma_start3A_101 = tpu.memref_slice %arg7[%add3A_92, %dma_start3A_100] : memref<65536x512xf32, #tpu.memory_space<hbm>> -> memref<64x512xf32, #tpu.memory_space<hbm>>
    %dma_start3A_102 = arith.constant 0 : i32
    %dma_start3A_103 = arith.constant 0 : i32
    %dma_start3A_104 = tpu.memref_slice %arg15[%dma_start3A_93, %dma_start3A_102, %dma_start3A_103] : memref<2x64x512xf32, #tpu.memory_space<vmem>> -> memref<1x64x512xf32, #tpu.memory_space<vmem>>
    %dma_start3A_105 = tpu.memref_squeeze %dma_start3A_104 : memref<1x64x512xf32, #tpu.memory_space<vmem>> -> memref<64x512xf32, #tpu.memory_space<vmem>>
    tpu.enqueue_dma source(%dma_start3A_105 : memref<64x512xf32, #tpu.memory_space<vmem>>) target(%dma_start3A_101 : memref<64x512xf32, #tpu.memory_space<hbm>>) target_semaphore(%arg16 : memref<!tpu.dma_semaphore, #tpu.memory_space<semaphore_mem>>)
    %dma_wait3A_106 = arith.constant 0 : i32
    %dma_wait3A_107 = arith.constant 0 : i32
    %dma_wait3A_108 = arith.constant 0 : i32
    %dma_wait3A_109 = tpu.memref_slice %arg15[%dma_wait3A_106, %dma_wait3A_107, %dma_wait3A_108] : memref<2x64x512xf32, #tpu.memory_space<vmem>> -> memref<1x64x512xf32, #tpu.memory_space<vmem>>
    %dma_wait3A_110 = tpu.memref_squeeze %dma_wait3A_109 : memref<1x64x512xf32, #tpu.memory_space<vmem>> -> memref<64x512xf32, #tpu.memory_space<vmem>>
    %dma_wait3A_111 = arith.constant 0 : i32
    %dma_wait3A_112 = tpu.memref_slice %arg7[%add3A_43, %dma_wait3A_111] : memref<65536x512xf32, #tpu.memory_space<hbm>> -> memref<64x512xf32, #tpu.memory_space<hbm>>
    %dma_wait3A_113 = arith.constant 0 : i32
    %dma_wait3A_114 = tpu.memref_slice %arg7[%add3A_43, %dma_wait3A_113] : memref<65536x512xf32, #tpu.memory_space<hbm>> -> memref<64x512xf32, #tpu.memory_space<hbm>>
    %dma_wait3A_115 = arith.constant 0 : i32
    %dma_wait3A_116 = arith.constant 0 : i32
    %dma_wait3A_117 = tpu.memref_slice %arg15[%dma_wait3A_106, %dma_wait3A_115, %dma_wait3A_116] : memref<2x64x512xf32, #tpu.memory_space<vmem>> -> memref<1x64x512xf32, #tpu.memory_space<vmem>>
    %dma_wait3A_118 = tpu.memref_squeeze %dma_wait3A_117 : memref<1x64x512xf32, #tpu.memory_space<vmem>> -> memref<64x512xf32, #tpu.memory_space<vmem>>
    tpu.wait_dma2 semaphore(%arg16 : memref<!tpu.dma_semaphore, #tpu.memory_space<semaphore_mem>>) src(%dma_wait3A_118 : memref<64x512xf32, #tpu.memory_space<vmem>>) dst(%dma_wait3A_114 : memref<64x512xf32, #tpu.memory_space<hbm>>)
    %add3A_119 = arith.constant 128 : i32
    %add3A_120 = arith.addi %mul3A_2, %add3A_119 : i32
    %dma_start3A_121 = arith.constant 0 : i32
    %dma_start3A_122 = arith.constant 0 : i32
    %dma_start3A_123 = arith.constant 0 : i32
    %dma_start3A_124 = tpu.memref_slice %arg15[%dma_start3A_121, %dma_start3A_122, %dma_start3A_123] : memref<2x64x512xf32, #tpu.memory_space<vmem>> -> memref<1x64x512xf32, #tpu.memory_space<vmem>>
    %dma_start3A_125 = tpu.memref_squeeze %dma_start3A_124 : memref<1x64x512xf32, #tpu.memory_space<vmem>> -> memref<64x512xf32, #tpu.memory_space<vmem>>
    %dma_start3A_126 = arith.constant 0 : i32
    %dma_start3A_127 = tpu.memref_slice %arg2[%add3A_120, %dma_start3A_126] : memref<65536x512xf32, #tpu.memory_space<hbm>> -> memref<64x512xf32, #tpu.memory_space<hbm>>
    %dma_start3A_128 = arith.constant 0 : i32
    %dma_start3A_129 = arith.constant 0 : i32
    %dma_start3A_130 = tpu.memref_slice %arg15[%dma_start3A_121, %dma_start3A_128, %dma_start3A_129] : memref<2x64x512xf32, #tpu.memory_space<vmem>> -> memref<1x64x512xf32, #tpu.memory_space<vmem>>
    %dma_start3A_131 = tpu.memref_squeeze %dma_start3A_130 : memref<1x64x512xf32, #tpu.memory_space<vmem>> -> memref<64x512xf32, #tpu.memory_space<vmem>>
    %dma_start3A_132 = arith.constant 0 : i32
    %dma_start3A_133 = tpu.memref_slice %arg2[%add3A_120, %dma_start3A_132] : memref<65536x512xf32, #tpu.memory_space<hbm>> -> memref<64x512xf32, #tpu.memory_space<hbm>>
    tpu.enqueue_dma source(%dma_start3A_133 : memref<64x512xf32, #tpu.memory_space<hbm>>) target(%dma_start3A_131 : memref<64x512xf32, #tpu.memory_space<vmem>>) target_semaphore(%arg17 : memref<!tpu.dma_semaphore, #tpu.memory_space<semaphore_mem>>)
    %scan3A_134 = arith.constant 0 : i32
    %scan3A_135 = arith.constant 32 : i32
    %scan3A_136 = arith.constant 32 : i32
    %scan3A_137 = arith.addi %scan3A_135, %scan3A_136 : i32
    %scan3A_138 = arith.constant 1 : i32
    scf.for %scan3A_2028 = %scan3A_135 to %scan3A_137 step %scan3A_138  : i32 {
      %mul3A_2029 = arith.constant 16 : i32
      %mul3A_2030 = arith.muli %scan3A_2028, %mul3A_2029 : i32
      %get3A = arith.index_cast %mul3A_2030 : i32 to index
      %get3A_2031 = tpu.vector_load %arg8[%get3A] {strides = array<i32>} : memref<16384xi32, #tpu.memory_space<vmem>>, vector<16xi32>,
      %mul3A_2032 = arith.constant 16 : i32
      %mul3A_2033 = arith.muli %scan3A_2028, %mul3A_2032 : i32
      %add3A_2034 = vector.broadcast %mul3A_2033 : i32 to vector<16xi32>
      %add3A_2035 = arith.addi %add3A_2034, %iota3A : vector<16xi32>
      %ge3A_2036 = vector.broadcast %mul3A_2 : i32 to vector<16xi32>
      %ge3A_2037 = arith.cmpi sge, %get3A_2031, %ge3A_2036 : vector<16xi32>
      %add3A_2038 = arith.constant 2048 : i32
      %add3A_2039 = arith.addi %mul3A_2, %add3A_2038 : i32
      %lt3A = vector.broadcast %add3A_2039 : i32 to vector<16xi32>
      %lt3A_2040 = arith.cmpi slt, %get3A_2031, %lt3A : vector<16xi32>
      %and3A_2041 = arith.andi %ge3A_2037, %lt3A_2040 : vector<16xi1>
      %shift_left3A = arith.constant 14 : i32
      %shift_left3A_2042 = vector.broadcast %shift_left3A : i32 to vector<16xi32>
      %shift_left3A_2043 = arith.shli %get3A_2031, %shift_left3A_2042 : vector<16xi32>
      %add3A_2044 = arith.addi %shift_left3A_2043, %add3A_2035 : vector<16xi32>
      %select_n3A_2045 = arith.select %and3A_2041, %add3A_2044, %broadcast_in_dim3A_5 : vector<16xi1>, vector<16xi32>
      %masked_sort3A = arith.constant dense<true> : vector<16xi1>
      %masked_sort3A_2046 = arith.constant -2147483648 : i32
      %masked_sort3A_2047 = vector.broadcast %masked_sort3A_2046 : i32 to vector<16xi32>
      %masked_sort3A_2048 = arith.xori %select_n3A_2045, %masked_sort3A_2047 : vector<16xi32>
      %masked_sort3A_2049, %masked_sort3A_2050, %masked_sort3A_2051 = tpu.sort %masked_sort3A_2048, %select_n3A_2045 masked %masked_sort3A : (vector<16xi32>, vector<16xi32>, vector<16xi1>) -> (vector<16xi1>, vector<16xi32>, vector<16xi32>)
      %masked_sort3A_2052 = arith.xori %masked_sort3A_2050, %masked_sort3A_2047 : vector<16xi32>
      %shift_right_arithmetic3A = arith.constant 14 : i32
      %shift_right_arithmetic3A_2053 = vector.broadcast %shift_right_arithmetic3A : i32 to vector<16xi32>
      %shift_right_arithmetic3A_2054 = arith.shrsi %masked_sort3A_2052, %shift_right_arithmetic3A_2053 : vector<16xi32>
      %and3A_2055 = arith.constant 16383 : i32
      %and3A_2056 = vector.broadcast %and3A_2055 : i32 to vector<16xi32>
      %and3A_2057 = arith.andi %masked_sort3A_2052, %and3A_2056 : vector<16xi32>
      %ne3A_2058 = arith.cmpi ne, %masked_sort3A_2052, %broadcast_in_dim3A_5 : vector<16xi32>
      %broadcast_in_dim3A_2059 = vector.shape_cast %min3A_10 : vector<16xi32> to vector<16x1xi32>
      %gather3A = vector.shape_cast %broadcast_in_dim3A_2059 : vector<16x1xi32> to vector<16xi32>
      %gather3A_2060 = tpu.dynamic_gather %shift_right_arithmetic3A_2054[%gather3A] in [0] : vector<16xi32>, vector<16xi32> -> vector<16xi32>
      %ne3A_2061 = arith.cmpi ne, %shift_right_arithmetic3A_2054, %gather3A_2060 : vector<16xi32>
      %eq3A = arith.constant 15 : i32
      %eq3A_2062 = vector.broadcast %eq3A : i32 to vector<16xi32>
      %eq3A_2063 = arith.cmpi eq, %iota3A, %eq3A_2062 : vector<16xi32>
      %or3A = arith.ori %ne3A_2061, %eq3A_2063 : vector<16xi1>
      %sub3A_2064 = vector.broadcast %mul3A_2 : i32 to vector<16xi32>
      %sub3A_2065 = arith.subi %shift_right_arithmetic3A_2054, %sub3A_2064 : vector<16xi32>
      %and3A_2066 = arith.andi %ne3A_2058, %or3A : vector<16xi1>
      tpu.vector_store_idx %arg11[%sub3A_2065], %and3A_2057 masked %and3A_2066 : memref<2048xi32, #tpu.memory_space<vmem>>[vector<16xi32>], vector<16xi32>, vector<16xi1>
    }
    %scan3A_139 = arith.constant 32 : i32
    %dma_wait3A_140 = arith.constant 0 : i32
    %dma_wait3A_141 = arith.constant 0 : i32
    %dma_wait3A_142 = arith.constant 0 : i32
    %dma_wait3A_143 = tpu.memref_slice %arg15[%dma_wait3A_140, %dma_wait3A_141, %dma_wait3A_142] : memref<2x64x512xf32, #tpu.memory_space<vmem>> -> memref<1x64x512xf32, #tpu.memory_space<vmem>>
    %dma_wait3A_144 = tpu.memref_squeeze %dma_wait3A_143 : memref<1x64x512xf32, #tpu.memory_space<vmem>> -> memref<64x512xf32, #tpu.memory_space<vmem>>
    %dma_wait3A_145 = arith.constant 0 : i32
    %dma_wait3A_146 = tpu.memref_slice %arg2[%add3A_120, %dma_wait3A_145] : memref<65536x512xf32, #tpu.memory_space<hbm>> -> memref<64x512xf32, #tpu.memory_space<hbm>>
    %dma_wait3A_147 = arith.constant 0 : i32
    %dma_wait3A_148 = arith.constant 0 : i32
    %dma_wait3A_149 = tpu.memref_slice %arg15[%dma_wait3A_140, %dma_wait3A_147, %dma_wait3A_148] : memref<2x64x512xf32, #tpu.memory_space<vmem>> -> memref<1x64x512xf32, #tpu.memory_space<vmem>>
    %dma_wait3A_150 = tpu.memref_squeeze %dma_wait3A_149 : memref<1x64x512xf32, #tpu.memory_space<vmem>> -> memref<64x512xf32, #tpu.memory_space<vmem>>
    %dma_wait3A_151 = arith.constant 0 : i32
    %dma_wait3A_152 = tpu.memref_slice %arg2[%add3A_120, %dma_wait3A_151] : memref<65536x512xf32, #tpu.memory_space<hbm>> -> memref<64x512xf32, #tpu.memory_space<hbm>>
    tpu.wait_dma2 semaphore(%arg17 : memref<!tpu.dma_semaphore, #tpu.memory_space<semaphore_mem>>) src(%dma_wait3A_152 : memref<64x512xf32, #tpu.memory_space<hbm>>) dst(%dma_wait3A_150 : memref<64x512xf32, #tpu.memory_space<vmem>>)
    %add3A_153 = arith.constant 128 : i32
    %add3A_154 = arith.addi %mul3A_2, %add3A_153 : i32
    %dma_start3A_155 = arith.constant 0 : i32
    %dma_start3A_156 = arith.constant 0 : i32
    %dma_start3A_157 = arith.constant 0 : i32
    %dma_start3A_158 = tpu.memref_slice %arg15[%dma_start3A_155, %dma_start3A_156, %dma_start3A_157] : memref<2x64x512xf32, #tpu.memory_space<vmem>> -> memref<1x64x512xf32, #tpu.memory_space<vmem>>
    %dma_start3A_159 = tpu.memref_squeeze %dma_start3A_158 : memref<1x64x512xf32, #tpu.memory_space<vmem>> -> memref<64x512xf32, #tpu.memory_space<vmem>>
    %dma_start3A_160 = arith.constant 0 : i32
    %dma_start3A_161 = tpu.memref_slice %arg7[%add3A_154, %dma_start3A_160] : memref<65536x512xf32, #tpu.memory_space<hbm>> -> memref<64x512xf32, #tpu.memory_space<hbm>>
    %dma_start3A_162 = arith.constant 0 : i32
    %dma_start3A_163 = tpu.memref_slice %arg7[%add3A_154, %dma_start3A_162] : memref<65536x512xf32, #tpu.memory_space<hbm>> -> memref<64x512xf32, #tpu.memory_space<hbm>>
    %dma_start3A_164 = arith.constant 0 : i32
    %dma_start3A_165 = arith.constant 0 : i32
    %dma_start3A_166 = tpu.memref_slice %arg15[%dma_start3A_155, %dma_start3A_164, %dma_start3A_165] : memref<2x64x512xf32, #tpu.memory_space<vmem>> -> memref<1x64x512xf32, #tpu.memory_space<vmem>>
    %dma_start3A_167 = tpu.memref_squeeze %dma_start3A_166 : memref<1x64x512xf32, #tpu.memory_space<vmem>> -> memref<64x512xf32, #tpu.memory_space<vmem>>
    tpu.enqueue_dma source(%dma_start3A_167 : memref<64x512xf32, #tpu.memory_space<vmem>>) target(%dma_start3A_163 : memref<64x512xf32, #tpu.memory_space<hbm>>) target_semaphore(%arg16 : memref<!tpu.dma_semaphore, #tpu.memory_space<semaphore_mem>>)
    %dma_wait3A_168 = arith.constant 1 : i32
    %dma_wait3A_169 = arith.constant 0 : i32
    %dma_wait3A_170 = arith.constant 0 : i32
    %dma_wait3A_171 = tpu.memref_slice %arg15[%dma_wait3A_168, %dma_wait3A_169, %dma_wait3A_170] : memref<2x64x512xf32, #tpu.memory_space<vmem>> -> memref<1x64x512xf32, #tpu.memory_space<vmem>>
    %dma_wait3A_172 = tpu.memref_squeeze %dma_wait3A_171 : memref<1x64x512xf32, #tpu.memory_space<vmem>> -> memref<64x512xf32, #tpu.memory_space<vmem>>
    %dma_wait3A_173 = arith.constant 0 : i32
    %dma_wait3A_174 = tpu.memref_slice %arg7[%add3A_92, %dma_wait3A_173] : memref<65536x512xf32, #tpu.memory_space<hbm>> -> memref<64x512xf32, #tpu.memory_space<hbm>>
    %dma_wait3A_175 = arith.constant 0 : i32
    %dma_wait3A_176 = tpu.memref_slice %arg7[%add3A_92, %dma_wait3A_175] : memref<65536x512xf32, #tpu.memory_space<hbm>> -> memref<64x512xf32, #tpu.memory_space<hbm>>
    %dma_wait3A_177 = arith.constant 0 : i32
    %dma_wait3A_178 = arith.constant 0 : i32
    %dma_wait3A_179 = tpu.memref_slice %arg15[%dma_wait3A_168, %dma_wait3A_177, %dma_wait3A_178] : memref<2x64x512xf32, #tpu.memory_space<vmem>> -> memref<1x64x512xf32, #tpu.memory_space<vmem>>
    %dma_wait3A_180 = tpu.memref_squeeze %dma_wait3A_179 : memref<1x64x512xf32, #tpu.memory_space<vmem>> -> memref<64x512xf32, #tpu.memory_space<vmem>>
    tpu.wait_dma2 semaphore(%arg16 : memref<!tpu.dma_semaphore, #tpu.memory_space<semaphore_mem>>) src(%dma_wait3A_180 : memref<64x512xf32, #tpu.memory_space<vmem>>) dst(%dma_wait3A_176 : memref<64x512xf32, #tpu.memory_space<hbm>>)
    %add3A_181 = arith.constant 192 : i32
    %add3A_182 = arith.addi %mul3A_2, %add3A_181 : i32
    %dma_start3A_183 = arith.constant 1 : i32
    %dma_start3A_184 = arith.constant 0 : i32
    %dma_start3A_185 = arith.constant 0 : i32
    %dma_start3A_186 = tpu.memref_slice %arg15[%dma_start3A_183, %dma_start3A_184, %dma_start3A_185] : memref<2x64x512xf32, #tpu.memory_space<vmem>> -> memref<1x64x512xf32, #tpu.memory_space<vmem>>
    %dma_start3A_187 = tpu.memref_squeeze %dma_start3A_186 : memref<1x64x512xf32, #tpu.memory_space<vmem>> -> memref<64x512xf32, #tpu.memory_space<vmem>>
    %dma_start3A_188 = arith.constant 0 : i32
    %dma_start3A_189 = tpu.memref_slice %arg2[%add3A_182, %dma_start3A_188] : memref<65536x512xf32, #tpu.memory_space<hbm>> -> memref<64x512xf32, #tpu.memory_space<hbm>>
    %dma_start3A_190 = arith.constant 0 : i32
    %dma_start3A_191 = arith.constant 0 : i32
    %dma_start3A_192 = tpu.memref_slice %arg15[%dma_start3A_183, %dma_start3A_190, %dma_start3A_191] : memref<2x64x512xf32, #tpu.memory_space<vmem>> -> memref<1x64x512xf32, #tpu.memory_space<vmem>>
    %dma_start3A_193 = tpu.memref_squeeze %dma_start3A_192 : memref<1x64x512xf32, #tpu.memory_space<vmem>> -> memref<64x512xf32, #tpu.memory_space<vmem>>
    %dma_start3A_194 = arith.constant 0 : i32
    %dma_start3A_195 = tpu.memref_slice %arg2[%add3A_182, %dma_start3A_194] : memref<65536x512xf32, #tpu.memory_space<hbm>> -> memref<64x512xf32, #tpu.memory_space<hbm>>
    tpu.enqueue_dma source(%dma_start3A_195 : memref<64x512xf32, #tpu.memory_space<hbm>>) target(%dma_start3A_193 : memref<64x512xf32, #tpu.memory_space<vmem>>) target_semaphore(%arg17 : memref<!tpu.dma_semaphore, #tpu.memory_space<semaphore_mem>>)
    %scan3A_196 = arith.constant 0 : i32
    %scan3A_197 = arith.constant 64 : i32
    %scan3A_198 = arith.constant 32 : i32
    %scan3A_199 = arith.addi %scan3A_197, %scan3A_198 : i32
    %scan3A_200 = arith.constant 1 : i32
    scf.for %scan3A_2028 = %scan3A_197 to %scan3A_199 step %scan3A_200  : i32 {
      %mul3A_2029 = arith.constant 16 : i32
      %mul3A_2030 = arith.muli %scan3A_2028, %mul3A_2029 : i32
      %get3A = arith.index_cast %mul3A_2030 : i32 to index
      %get3A_2031 = tpu.vector_load %arg8[%get3A] {strides = array<i32>} : memref<16384xi32, #tpu.memory_space<vmem>>, vector<16xi32>,
      %mul3A_2032 = arith.constant 16 : i32
      %mul3A_2033 = arith.muli %scan3A_2028, %mul3A_2032 : i32
      %add3A_2034 = vector.broadcast %mul3A_2033 : i32 to vector<16xi32>
      %add3A_2035 = arith.addi %add3A_2034, %iota3A : vector<16xi32>
      %ge3A_2036 = vector.broadcast %mul3A_2 : i32 to vector<16xi32>
      %ge3A_2037 = arith.cmpi sge, %get3A_2031, %ge3A_2036 : vector<16xi32>
      %add3A_2038 = arith.constant 2048 : i32
      %add3A_2039 = arith.addi %mul3A_2, %add3A_2038 : i32
      %lt3A = vector.broadcast %add3A_2039 : i32 to vector<16xi32>
      %lt3A_2040 = arith.cmpi slt, %get3A_2031, %lt3A : vector<16xi32>
      %and3A_2041 = arith.andi %ge3A_2037, %lt3A_2040 : vector<16xi1>
      %shift_left3A = arith.constant 14 : i32
      %shift_left3A_2042 = vector.broadcast %shift_left3A : i32 to vector<16xi32>
      %shift_left3A_2043 = arith.shli %get3A_2031, %shift_left3A_2042 : vector<16xi32>
      %add3A_2044 = arith.addi %shift_left3A_2043, %add3A_2035 : vector<16xi32>
      %select_n3A_2045 = arith.select %and3A_2041, %add3A_2044, %broadcast_in_dim3A_5 : vector<16xi1>, vector<16xi32>
      %masked_sort3A = arith.constant dense<true> : vector<16xi1>
      %masked_sort3A_2046 = arith.constant -2147483648 : i32
      %masked_sort3A_2047 = vector.broadcast %masked_sort3A_2046 : i32 to vector<16xi32>
      %masked_sort3A_2048 = arith.xori %select_n3A_2045, %masked_sort3A_2047 : vector<16xi32>
      %masked_sort3A_2049, %masked_sort3A_2050, %masked_sort3A_2051 = tpu.sort %masked_sort3A_2048, %select_n3A_2045 masked %masked_sort3A : (vector<16xi32>, vector<16xi32>, vector<16xi1>) -> (vector<16xi1>, vector<16xi32>, vector<16xi32>)
      %masked_sort3A_2052 = arith.xori %masked_sort3A_2050, %masked_sort3A_2047 : vector<16xi32>
      %shift_right_arithmetic3A = arith.constant 14 : i32
      %shift_right_arithmetic3A_2053 = vector.broadcast %shift_right_arithmetic3A : i32 to vector<16xi32>
      %shift_right_arithmetic3A_2054 = arith.shrsi %masked_sort3A_2052, %shift_right_arithmetic3A_2053 : vector<16xi32>
      %and3A_2055 = arith.constant 16383 : i32
      %and3A_2056 = vector.broadcast %and3A_2055 : i32 to vector<16xi32>
      %and3A_2057 = arith.andi %masked_sort3A_2052, %and3A_2056 : vector<16xi32>
      %ne3A_2058 = arith.cmpi ne, %masked_sort3A_2052, %broadcast_in_dim3A_5 : vector<16xi32>
      %broadcast_in_dim3A_2059 = vector.shape_cast %min3A_10 : vector<16xi32> to vector<16x1xi32>
      %gather3A = vector.shape_cast %broadcast_in_dim3A_2059 : vector<16x1xi32> to vector<16xi32>
      %gather3A_2060 = tpu.dynamic_gather %shift_right_arithmetic3A_2054[%gather3A] in [0] : vector<16xi32>, vector<16xi32> -> vector<16xi32>
      %ne3A_2061 = arith.cmpi ne, %shift_right_arithmetic3A_2054, %gather3A_2060 : vector<16xi32>
      %eq3A = arith.constant 15 : i32
      %eq3A_2062 = vector.broadcast %eq3A : i32 to vector<16xi32>
      %eq3A_2063 = arith.cmpi eq, %iota3A, %eq3A_2062 : vector<16xi32>
      %or3A = arith.ori %ne3A_2061, %eq3A_2063 : vector<16xi1>
      %sub3A_2064 = vector.broadcast %mul3A_2 : i32 to vector<16xi32>
      %sub3A_2065 = arith.subi %shift_right_arithmetic3A_2054, %sub3A_2064 : vector<16xi32>
      %and3A_2066 = arith.andi %ne3A_2058, %or3A : vector<16xi1>
      tpu.vector_store_idx %arg11[%sub3A_2065], %and3A_2057 masked %and3A_2066 : memref<2048xi32, #tpu.memory_space<vmem>>[vector<16xi32>], vector<16xi32>, vector<16xi1>
    }
    %scan3A_201 = arith.constant 32 : i32
    %dma_wait3A_202 = arith.constant 1 : i32
    %dma_wait3A_203 = arith.constant 0 : i32
    %dma_wait3A_204 = arith.constant 0 : i32
    %dma_wait3A_205 = tpu.memref_slice %arg15[%dma_wait3A_202, %dma_wait3A_203, %dma_wait3A_204] : memref<2x64x512xf32, #tpu.memory_space<vmem>> -> memref<1x64x512xf32, #tpu.memory_space<vmem>>
    %dma_wait3A_206 = tpu.memref_squeeze %dma_wait3A_205 : memref<1x64x512xf32, #tpu.memory_space<vmem>> -> memref<64x512xf32, #tpu.memory_space<vmem>>
    %dma_wait3A_207 = arith.constant 0 : i32
    %dma_wait3A_208 = tpu.memref_slice %arg2[%add3A_182, %dma_wait3A_207] : memref<65536x512xf32, #tpu.memory_space<hbm>> -> memref<64x512xf32, #tpu.memory_space<hbm>>
    %dma_wait3A_209 = arith.constant 0 : i32
    %dma_wait3A_210 = arith.constant 0 : i32
    %dma_wait3A_211 = tpu.memref_slice %arg15[%dma_wait3A_202, %dma_wait3A_209, %dma_wait3A_210] : memref<2x64x512xf32, #tpu.memory_space<vmem>> -> memref<1x64x512xf32, #tpu.memory_space<vmem>>
    %dma_wait3A_212 = tpu.memref_squeeze %dma_wait3A_211 : memref<1x64x512xf32, #tpu.memory_space<vmem>> -> memref<64x512xf32, #tpu.memory_space<vmem>>
    %dma_wait3A_213 = arith.constant 0 : i32
    %dma_wait3A_214 = tpu.memref_slice %arg2[%add3A_182, %dma_wait3A_213] : memref<65536x512xf32, #tpu.memory_space<hbm>> -> memref<64x512xf32, #tpu.memory_space<hbm>>
    tpu.wait_dma2 semaphore(%arg17 : memref<!tpu.dma_semaphore, #tpu.memory_space<semaphore_mem>>) src(%dma_wait3A_214 : memref<64x512xf32, #tpu.memory_space<hbm>>) dst(%dma_wait3A_212 : memref<64x512xf32, #tpu.memory_space<vmem>>)
    %add3A_215 = arith.constant 192 : i32
    %add3A_216 = arith.addi %mul3A_2, %add3A_215 : i32
    %dma_start3A_217 = arith.constant 1 : i32
    %dma_start3A_218 = arith.constant 0 : i32
    %dma_start3A_219 = arith.constant 0 : i32
    %dma_start3A_220 = tpu.memref_slice %arg15[%dma_start3A_217, %dma_start3A_218, %dma_start3A_219] : memref<2x64x512xf32, #tpu.memory_space<vmem>> -> memref<1x64x512xf32, #tpu.memory_space<vmem>>
    %dma_start3A_221 = tpu.memref_squeeze %dma_start3A_220 : memref<1x64x512xf32, #tpu.memory_space<vmem>> -> memref<64x512xf32, #tpu.memory_space<vmem>>
    %dma_start3A_222 = arith.constant 0 : i32
    %dma_start3A_223 = tpu.memref_slice %arg7[%add3A_216, %dma_start3A_222] : memref<65536x512xf32, #tpu.memory_space<hbm>> -> memref<64x512xf32, #tpu.memory_space<hbm>>
    %dma_start3A_224 = arith.constant 0 : i32
    %dma_start3A_225 = tpu.memref_slice %arg7[%add3A_216, %dma_start3A_224] : memref<65536x512xf32, #tpu.memory_space<hbm>> -> memref<64x512xf32, #tpu.memory_space<hbm>>
    %dma_start3A_226 = arith.constant 0 : i32
    %dma_start3A_227 = arith.constant 0 : i32
    %dma_start3A_228 = tpu.memref_slice %arg15[%dma_start3A_217, %dma_start3A_226, %dma_start3A_227] : memref<2x64x512xf32, #tpu.memory_space<vmem>> -> memref<1x64x512xf32, #tpu.memory_space<vmem>>
    %dma_start3A_229 = tpu.memref_squeeze %dma_start3A_228 : memref<1x64x512xf32, #tpu.memory_space<vmem>> -> memref<64x512xf32, #tpu.memory_space<vmem>>
    tpu.enqueue_dma source(%dma_start3A_229 : memref<64x512xf32, #tpu.memory_space<vmem>>) target(%dma_start3A_225 : memref<64x512xf32, #tpu.memory_space<hbm>>) target_semaphore(%arg16 : memref<!tpu.dma_semaphore, #tpu.memory_space<semaphore_mem>>)
    %dma_wait3A_230 = arith.constant 0 : i32
    %dma_wait3A_231 = arith.constant 0 : i32
    %dma_wait3A_232 = arith.constant 0 : i32
    %dma_wait3A_233 = tpu.memref_slice %arg15[%dma_wait3A_230, %dma_wait3A_231, %dma_wait3A_232] : memref<2x64x512xf32, #tpu.memory_space<vmem>> -> memref<1x64x512xf32, #tpu.memory_space<vmem>>
    %dma_wait3A_234 = tpu.memref_squeeze %dma_wait3A_233 : memref<1x64x512xf32, #tpu.memory_space<vmem>> -> memref<64x512xf32, #tpu.memory_space<vmem>>
    %dma_wait3A_235 = arith.constant 0 : i32
    %dma_wait3A_236 = tpu.memref_slice %arg7[%add3A_154, %dma_wait3A_235] : memref<65536x512xf32, #tpu.memory_space<hbm>> -> memref<64x512xf32, #tpu.memory_space<hbm>>
    %dma_wait3A_237 = arith.constant 0 : i32
    %dma_wait3A_238 = tpu.memref_slice %arg7[%add3A_154, %dma_wait3A_237] : memref<65536x512xf32, #tpu.memory_space<hbm>> -> memref<64x512xf32, #tpu.memory_space<hbm>>
    %dma_wait3A_239 = arith.constant 0 : i32
    %dma_wait3A_240 = arith.constant 0 : i32
    %dma_wait3A_241 = tpu.memref_slice %arg15[%dma_wait3A_230, %dma_wait3A_239, %dma_wait3A_240] : memref<2x64x512xf32, #tpu.memory_space<vmem>> -> memref<1x64x512xf32, #tpu.memory_space<vmem>>
    %dma_wait3A_242 = tpu.memref_squeeze %dma_wait3A_241 : memref<1x64x512xf32, #tpu.memory_space<vmem>> -> memref<64x512xf32, #tpu.memory_space<vmem>>
    tpu.wait_dma2 semaphore(%arg16 : memref<!tpu.dma_semaphore, #tpu.memory_space<semaphore_mem>>) src(%dma_wait3A_242 : memref<64x512xf32, #tpu.memory_space<vmem>>) dst(%dma_wait3A_238 : memref<64x512xf32, #tpu.memory_space<hbm>>)
    %add3A_243 = arith.constant 256 : i32
    %add3A_244 = arith.addi %mul3A_2, %add3A_243 : i32
    %dma_start3A_245 = arith.constant 0 : i32
    %dma_start3A_246 = arith.constant 0 : i32
    %dma_start3A_247 = arith.constant 0 : i32
    %dma_start3A_248 = tpu.memref_slice %arg15[%dma_start3A_245, %dma_start3A_246, %dma_start3A_247] : memref<2x64x512xf32, #tpu.memory_space<vmem>> -> memref<1x64x512xf32, #tpu.memory_space<vmem>>
    %dma_start3A_249 = tpu.memref_squeeze %dma_start3A_248 : memref<1x64x512xf32, #tpu.memory_space<vmem>> -> memref<64x512xf32, #tpu.memory_space<vmem>>
    %dma_start3A_250 = arith.constant 0 : i32
    %dma_start3A_251 = tpu.memref_slice %arg2[%add3A_244, %dma_start3A_250] : memref<65536x512xf32, #tpu.memory_space<hbm>> -> memref<64x512xf32, #tpu.memory_space<hbm>>
    %dma_start3A_252 = arith.constant 0 : i32
    %dma_start3A_253 = arith.constant 0 : i32
    %dma_start3A_254 = tpu.memref_slice %arg15[%dma_start3A_245, %dma_start3A_252, %dma_start3A_253] : memref<2x64x512xf32, #tpu.memory_space<vmem>> -> memref<1x64x512xf32, #tpu.memory_space<vmem>>
    %dma_start3A_255 = tpu.memref_squeeze %dma_start3A_254 : memref<1x64x512xf32, #tpu.memory_space<vmem>> -> memref<64x512xf32, #tpu.memory_space<vmem>>
    %dma_start3A_256 = arith.constant 0 : i32
    %dma_start3A_257 = tpu.memref_slice %arg2[%add3A_244, %dma_start3A_256] : memref<65536x512xf32, #tpu.memory_space<hbm>> -> memref<64x512xf32, #tpu.memory_space<hbm>>
    tpu.enqueue_dma source(%dma_start3A_257 : memref<64x512xf32, #tpu.memory_space<hbm>>) target(%dma_start3A_255 : memref<64x512xf32, #tpu.memory_space<vmem>>) target_semaphore(%arg17 : memref<!tpu.dma_semaphore, #tpu.memory_space<semaphore_mem>>)
    %scan3A_258 = arith.constant 0 : i32
    %scan3A_259 = arith.constant 96 : i32
    %scan3A_260 = arith.constant 32 : i32
    %scan3A_261 = arith.addi %scan3A_259, %scan3A_260 : i32
    %scan3A_262 = arith.constant 1 : i32
    scf.for %scan3A_2028 = %scan3A_259 to %scan3A_261 step %scan3A_262  : i32 {
      %mul3A_2029 = arith.constant 16 : i32
      %mul3A_2030 = arith.muli %scan3A_2028, %mul3A_2029 : i32
      %get3A = arith.index_cast %mul3A_2030 : i32 to index
      %get3A_2031 = tpu.vector_load %arg8[%get3A] {strides = array<i32>} : memref<16384xi32, #tpu.memory_space<vmem>>, vector<16xi32>,
      %mul3A_2032 = arith.constant 16 : i32
      %mul3A_2033 = arith.muli %scan3A_2028, %mul3A_2032 : i32
      %add3A_2034 = vector.broadcast %mul3A_2033 : i32 to vector<16xi32>
      %add3A_2035 = arith.addi %add3A_2034, %iota3A : vector<16xi32>
      %ge3A_2036 = vector.broadcast %mul3A_2 : i32 to vector<16xi32>
      %ge3A_2037 = arith.cmpi sge, %get3A_2031, %ge3A_2036 : vector<16xi32>
      %add3A_2038 = arith.constant 2048 : i32
      %add3A_2039 = arith.addi %mul3A_2, %add3A_2038 : i32
      %lt3A = vector.broadcast %add3A_2039 : i32 to vector<16xi32>
      %lt3A_2040 = arith.cmpi slt, %get3A_2031, %lt3A : vector<16xi32>
      %and3A_2041 = arith.andi %ge3A_2037, %lt3A_2040 : vector<16xi1>
      %shift_left3A = arith.constant 14 : i32
      %shift_left3A_2042 = vector.broadcast %shift_left3A : i32 to vector<16xi32>
      %shift_left3A_2043 = arith.shli %get3A_2031, %shift_left3A_2042 : vector<16xi32>
      %add3A_2044 = arith.addi %shift_left3A_2043, %add3A_2035 : vector<16xi32>
      %select_n3A_2045 = arith.select %and3A_2041, %add3A_2044, %broadcast_in_dim3A_5 : vector<16xi1>, vector<16xi32>
      %masked_sort3A = arith.constant dense<true> : vector<16xi1>
      %masked_sort3A_2046 = arith.constant -2147483648 : i32
      %masked_sort3A_2047 = vector.broadcast %masked_sort3A_2046 : i32 to vector<16xi32>
      %masked_sort3A_2048 = arith.xori %select_n3A_2045, %masked_sort3A_2047 : vector<16xi32>
      %masked_sort3A_2049, %masked_sort3A_2050, %masked_sort3A_2051 = tpu.sort %masked_sort3A_2048, %select_n3A_2045 masked %masked_sort3A : (vector<16xi32>, vector<16xi32>, vector<16xi1>) -> (vector<16xi1>, vector<16xi32>, vector<16xi32>)
      %masked_sort3A_2052 = arith.xori %masked_sort3A_2050, %masked_sort3A_2047 : vector<16xi32>
      %shift_right_arithmetic3A = arith.constant 14 : i32
      %shift_right_arithmetic3A_2053 = vector.broadcast %shift_right_arithmetic3A : i32 to vector<16xi32>
      %shift_right_arithmetic3A_2054 = arith.shrsi %masked_sort3A_2052, %shift_right_arithmetic3A_2053 : vector<16xi32>
      %and3A_2055 = arith.constant 16383 : i32
      %and3A_2056 = vector.broadcast %and3A_2055 : i32 to vector<16xi32>
      %and3A_2057 = arith.andi %masked_sort3A_2052, %and3A_2056 : vector<16xi32>
      %ne3A_2058 = arith.cmpi ne, %masked_sort3A_2052, %broadcast_in_dim3A_5 : vector<16xi32>
      %broadcast_in_dim3A_2059 = vector.shape_cast %min3A_10 : vector<16xi32> to vector<16x1xi32>
      %gather3A = vector.shape_cast %broadcast_in_dim3A_2059 : vector<16x1xi32> to vector<16xi32>
      %gather3A_2060 = tpu.dynamic_gather %shift_right_arithmetic3A_2054[%gather3A] in [0] : vector<16xi32>, vector<16xi32> -> vector<16xi32>
      %ne3A_2061 = arith.cmpi ne, %shift_right_arithmetic3A_2054, %gather3A_2060 : vector<16xi32>
      %eq3A = arith.constant 15 : i32
      %eq3A_2062 = vector.broadcast %eq3A : i32 to vector<16xi32>
      %eq3A_2063 = arith.cmpi eq, %iota3A, %eq3A_2062 : vector<16xi32>
      %or3A = arith.ori %ne3A_2061, %eq3A_2063 : vector<16xi1>
      %sub3A_2064 = vector.broadcast %mul3A_2 : i32 to vector<16xi32>
      %sub3A_2065 = arith.subi %shift_right_arithmetic3A_2054, %sub3A_2064 : vector<16xi32>
      %and3A_2066 = arith.andi %ne3A_2058, %or3A : vector<16xi1>
      tpu.vector_store_idx %arg11[%sub3A_2065], %and3A_2057 masked %and3A_2066 : memref<2048xi32, #tpu.memory_space<vmem>>[vector<16xi32>], vector<16xi32>, vector<16xi1>
    }
    %scan3A_263 = arith.constant 32 : i32
    %dma_wait3A_264 = arith.constant 0 : i32
    %dma_wait3A_265 = arith.constant 0 : i32
    %dma_wait3A_266 = arith.constant 0 : i32
    %dma_wait3A_267 = tpu.memref_slice %arg15[%dma_wait3A_264, %dma_wait3A_265, %dma_wait3A_266] : memref<2x64x512xf32, #tpu.memory_space<vmem>> -> memref<1x64x512xf32, #tpu.memory_space<vmem>>
    %dma_wait3A_268 = tpu.memref_squeeze %dma_wait3A_267 : memref<1x64x512xf32, #tpu.memory_space<vmem>> -> memref<64x512xf32, #tpu.memory_space<vmem>>
    %dma_wait3A_269 = arith.constant 0 : i32
    %dma_wait3A_270 = tpu.memref_slice %arg2[%add3A_244, %dma_wait3A_269] : memref<65536x512xf32, #tpu.memory_space<hbm>> -> memref<64x512xf32, #tpu.memory_space<hbm>>
    %dma_wait3A_271 = arith.constant 0 : i32
    %dma_wait3A_272 = arith.constant 0 : i32
    %dma_wait3A_273 = tpu.memref_slice %arg15[%dma_wait3A_264, %dma_wait3A_271, %dma_wait3A_272] : memref<2x64x512xf32, #tpu.memory_space<vmem>> -> memref<1x64x512xf32, #tpu.memory_space<vmem>>
    %dma_wait3A_274 = tpu.memref_squeeze %dma_wait3A_273 : memref<1x64x512xf32, #tpu.memory_space<vmem>> -> memref<64x512xf32, #tpu.memory_space<vmem>>
    %dma_wait3A_275 = arith.constant 0 : i32
    %dma_wait3A_276 = tpu.memref_slice %arg2[%add3A_244, %dma_wait3A_275] : memref<65536x512xf32, #tpu.memory_space<hbm>> -> memref<64x512xf32, #tpu.memory_space<hbm>>
    tpu.wait_dma2 semaphore(%arg17 : memref<!tpu.dma_semaphore, #tpu.memory_space<semaphore_mem>>) src(%dma_wait3A_276 : memref<64x512xf32, #tpu.memory_space<hbm>>) dst(%dma_wait3A_274 : memref<64x512xf32, #tpu.memory_space<vmem>>)
    %add3A_277 = arith.constant 256 : i32
    %add3A_278 = arith.addi %mul3A_2, %add3A_277 : i32
    %dma_start3A_279 = arith.constant 0 : i32
    %dma_start3A_280 = arith.constant 0 : i32
    %dma_start3A_281 = arith.constant 0 : i32
    %dma_start3A_282 = tpu.memref_slice %arg15[%dma_start3A_279, %dma_start3A_280, %dma_start3A_281] : memref<2x64x512xf32, #tpu.memory_space<vmem>> -> memref<1x64x512xf32, #tpu.memory_space<vmem>>
    %dma_start3A_283 = tpu.memref_squeeze %dma_start3A_282 : memref<1x64x512xf32, #tpu.memory_space<vmem>> -> memref<64x512xf32, #tpu.memory_space<vmem>>
    %dma_start3A_284 = arith.constant 0 : i32
    %dma_start3A_285 = tpu.memref_slice %arg7[%add3A_278, %dma_start3A_284] : memref<65536x512xf32, #tpu.memory_space<hbm>> -> memref<64x512xf32, #tpu.memory_space<hbm>>
    %dma_start3A_286 = arith.constant 0 : i32
    %dma_start3A_287 = tpu.memref_slice %arg7[%add3A_278, %dma_start3A_286] : memref<65536x512xf32, #tpu.memory_space<hbm>> -> memref<64x512xf32, #tpu.memory_space<hbm>>
    %dma_start3A_288 = arith.constant 0 : i32
    %dma_start3A_289 = arith.constant 0 : i32
    %dma_start3A_290 = tpu.memref_slice %arg15[%dma_start3A_279, %dma_start3A_288, %dma_start3A_289] : memref<2x64x512xf32, #tpu.memory_space<vmem>> -> memref<1x64x512xf32, #tpu.memory_space<vmem>>
    %dma_start3A_291 = tpu.memref_squeeze %dma_start3A_290 : memref<1x64x512xf32, #tpu.memory_space<vmem>> -> memref<64x512xf32, #tpu.memory_space<vmem>>
    tpu.enqueue_dma source(%dma_start3A_291 : memref<64x512xf32, #tpu.memory_space<vmem>>) target(%dma_start3A_287 : memref<64x512xf32, #tpu.memory_space<hbm>>) target_semaphore(%arg16 : memref<!tpu.dma_semaphore, #tpu.memory_space<semaphore_mem>>)
    %dma_wait3A_292 = arith.constant 1 : i32
    %dma_wait3A_293 = arith.constant 0 : i32
    %dma_wait3A_294 = arith.constant 0 : i32
    %dma_wait3A_295 = tpu.memref_slice %arg15[%dma_wait3A_292, %dma_wait3A_293, %dma_wait3A_294] : memref<2x64x512xf32, #tpu.memory_space<vmem>> -> memref<1x64x512xf32, #tpu.memory_space<vmem>>
    %dma_wait3A_296 = tpu.memref_squeeze %dma_wait3A_295 : memref<1x64x512xf32, #tpu.memory_space<vmem>> -> memref<64x512xf32, #tpu.memory_space<vmem>>
    %dma_wait3A_297 = arith.constant 0 : i32
    %dma_wait3A_298 = tpu.memref_slice %arg7[%add3A_216, %dma_wait3A_297] : memref<65536x512xf32, #tpu.memory_space<hbm>> -> memref<64x512xf32, #tpu.memory_space<hbm>>
    %dma_wait3A_299 = arith.constant 0 : i32
    %dma_wait3A_300 = tpu.memref_slice %arg7[%add3A_216, %dma_wait3A_299] : memref<65536x512xf32, #tpu.memory_space<hbm>> -> memref<64x512xf32, #tpu.memory_space<hbm>>
    %dma_wait3A_301 = arith.constant 0 : i32
    %dma_wait3A_302 = arith.constant 0 : i32
    %dma_wait3A_303 = tpu.memref_slice %arg15[%dma_wait3A_292, %dma_wait3A_301, %dma_wait3A_302] : memref<2x64x512xf32, #tpu.memory_space<vmem>> -> memref<1x64x512xf32, #tpu.memory_space<vmem>>
    %dma_wait3A_304 = tpu.memref_squeeze %dma_wait3A_303 : memref<1x64x512xf32, #tpu.memory_space<vmem>> -> memref<64x512xf32, #tpu.memory_space<vmem>>
    tpu.wait_dma2 semaphore(%arg16 : memref<!tpu.dma_semaphore, #tpu.memory_space<semaphore_mem>>) src(%dma_wait3A_304 : memref<64x512xf32, #tpu.memory_space<vmem>>) dst(%dma_wait3A_300 : memref<64x512xf32, #tpu.memory_space<hbm>>)
    %add3A_305 = arith.constant 320 : i32
    %add3A_306 = arith.addi %mul3A_2, %add3A_305 : i32
    %dma_start3A_307 = arith.constant 1 : i32
    %dma_start3A_308 = arith.constant 0 : i32
    %dma_start3A_309 = arith.constant 0 : i32
    %dma_start3A_310 = tpu.memref_slice %arg15[%dma_start3A_307, %dma_start3A_308, %dma_start3A_309] : memref<2x64x512xf32, #tpu.memory_space<vmem>> -> memref<1x64x512xf32, #tpu.memory_space<vmem>>
    %dma_start3A_311 = tpu.memref_squeeze %dma_start3A_310 : memref<1x64x512xf32, #tpu.memory_space<vmem>> -> memref<64x512xf32, #tpu.memory_space<vmem>>
    %dma_start3A_312 = arith.constant 0 : i32
    %dma_start3A_313 = tpu.memref_slice %arg2[%add3A_306, %dma_start3A_312] : memref<65536x512xf32, #tpu.memory_space<hbm>> -> memref<64x512xf32, #tpu.memory_space<hbm>>
    %dma_start3A_314 = arith.constant 0 : i32
    %dma_start3A_315 = arith.constant 0 : i32
    %dma_start3A_316 = tpu.memref_slice %arg15[%dma_start3A_307, %dma_start3A_314, %dma_start3A_315] : memref<2x64x512xf32, #tpu.memory_space<vmem>> -> memref<1x64x512xf32, #tpu.memory_space<vmem>>
    %dma_start3A_317 = tpu.memref_squeeze %dma_start3A_316 : memref<1x64x512xf32, #tpu.memory_space<vmem>> -> memref<64x512xf32, #tpu.memory_space<vmem>>
    %dma_start3A_318 = arith.constant 0 : i32
    %dma_start3A_319 = tpu.memref_slice %arg2[%add3A_306, %dma_start3A_318] : memref<65536x512xf32, #tpu.memory_space<hbm>> -> memref<64x512xf32, #tpu.memory_space<hbm>>
    tpu.enqueue_dma source(%dma_start3A_319 : memref<64x512xf32, #tpu.memory_space<hbm>>) target(%dma_start3A_317 : memref<64x512xf32, #tpu.memory_space<vmem>>) target_semaphore(%arg17 : memref<!tpu.dma_semaphore, #tpu.memory_space<semaphore_mem>>)
    %scan3A_320 = arith.constant 0 : i32
    %scan3A_321 = arith.constant 128 : i32
    %scan3A_322 = arith.constant 32 : i32
    %scan3A_323 = arith.addi %scan3A_321, %scan3A_322 : i32
    %scan3A_324 = arith.constant 1 : i32
    scf.for %scan3A_2028 = %scan3A_321 to %scan3A_323 step %scan3A_324  : i32 {
      %mul3A_2029 = arith.constant 16 : i32
      %mul3A_2030 = arith.muli %scan3A_2028, %mul3A_2029 : i32
      %get3A = arith.index_cast %mul3A_2030 : i32 to index
      %get3A_2031 = tpu.vector_load %arg8[%get3A] {strides = array<i32>} : memref<16384xi32, #tpu.memory_space<vmem>>, vector<16xi32>,
      %mul3A_2032 = arith.constant 16 : i32
      %mul3A_2033 = arith.muli %scan3A_2028, %mul3A_2032 : i32
      %add3A_2034 = vector.broadcast %mul3A_2033 : i32 to vector<16xi32>
      %add3A_2035 = arith.addi %add3A_2034, %iota3A : vector<16xi32>
      %ge3A_2036 = vector.broadcast %mul3A_2 : i32 to vector<16xi32>
      %ge3A_2037 = arith.cmpi sge, %get3A_2031, %ge3A_2036 : vector<16xi32>
      %add3A_2038 = arith.constant 2048 : i32
      %add3A_2039 = arith.addi %mul3A_2, %add3A_2038 : i32
      %lt3A = vector.broadcast %add3A_2039 : i32 to vector<16xi32>
      %lt3A_2040 = arith.cmpi slt, %get3A_2031, %lt3A : vector<16xi32>
      %and3A_2041 = arith.andi %ge3A_2037, %lt3A_2040 : vector<16xi1>
      %shift_left3A = arith.constant 14 : i32
      %shift_left3A_2042 = vector.broadcast %shift_left3A : i32 to vector<16xi32>
      %shift_left3A_2043 = arith.shli %get3A_2031, %shift_left3A_2042 : vector<16xi32>
      %add3A_2044 = arith.addi %shift_left3A_2043, %add3A_2035 : vector<16xi32>
      %select_n3A_2045 = arith.select %and3A_2041, %add3A_2044, %broadcast_in_dim3A_5 : vector<16xi1>, vector<16xi32>
      %masked_sort3A = arith.constant dense<true> : vector<16xi1>
      %masked_sort3A_2046 = arith.constant -2147483648 : i32
      %masked_sort3A_2047 = vector.broadcast %masked_sort3A_2046 : i32 to vector<16xi32>
      %masked_sort3A_2048 = arith.xori %select_n3A_2045, %masked_sort3A_2047 : vector<16xi32>
      %masked_sort3A_2049, %masked_sort3A_2050, %masked_sort3A_2051 = tpu.sort %masked_sort3A_2048, %select_n3A_2045 masked %masked_sort3A : (vector<16xi32>, vector<16xi32>, vector<16xi1>) -> (vector<16xi1>, vector<16xi32>, vector<16xi32>)
      %masked_sort3A_2052 = arith.xori %masked_sort3A_2050, %masked_sort3A_2047 : vector<16xi32>
      %shift_right_arithmetic3A = arith.constant 14 : i32
      %shift_right_arithmetic3A_2053 = vector.broadcast %shift_right_arithmetic3A : i32 to vector<16xi32>
      %shift_right_arithmetic3A_2054 = arith.shrsi %masked_sort3A_2052, %shift_right_arithmetic3A_2053 : vector<16xi32>
      %and3A_2055 = arith.constant 16383 : i32
      %and3A_2056 = vector.broadcast %and3A_2055 : i32 to vector<16xi32>
      %and3A_2057 = arith.andi %masked_sort3A_2052, %and3A_2056 : vector<16xi32>
      %ne3A_2058 = arith.cmpi ne, %masked_sort3A_2052, %broadcast_in_dim3A_5 : vector<16xi32>
      %broadcast_in_dim3A_2059 = vector.shape_cast %min3A_10 : vector<16xi32> to vector<16x1xi32>
      %gather3A = vector.shape_cast %broadcast_in_dim3A_2059 : vector<16x1xi32> to vector<16xi32>
      %gather3A_2060 = tpu.dynamic_gather %shift_right_arithmetic3A_2054[%gather3A] in [0] : vector<16xi32>, vector<16xi32> -> vector<16xi32>
      %ne3A_2061 = arith.cmpi ne, %shift_right_arithmetic3A_2054, %gather3A_2060 : vector<16xi32>
      %eq3A = arith.constant 15 : i32
      %eq3A_2062 = vector.broadcast %eq3A : i32 to vector<16xi32>
      %eq3A_2063 = arith.cmpi eq, %iota3A, %eq3A_2062 : vector<16xi32>
      %or3A = arith.ori %ne3A_2061, %eq3A_2063 : vector<16xi1>
      %sub3A_2064 = vector.broadcast %mul3A_2 : i32 to vector<16xi32>
      %sub3A_2065 = arith.subi %shift_right_arithmetic3A_2054, %sub3A_2064 : vector<16xi32>
      %and3A_2066 = arith.andi %ne3A_2058, %or3A : vector<16xi1>
      tpu.vector_store_idx %arg11[%sub3A_2065], %and3A_2057 masked %and3A_2066 : memref<2048xi32, #tpu.memory_space<vmem>>[vector<16xi32>], vector<16xi32>, vector<16xi1>
    }
    %scan3A_325 = arith.constant 32 : i32
    %dma_wait3A_326 = arith.constant 1 : i32
    %dma_wait3A_327 = arith.constant 0 : i32
    %dma_wait3A_328 = arith.constant 0 : i32
    %dma_wait3A_329 = tpu.memref_slice %arg15[%dma_wait3A_326, %dma_wait3A_327, %dma_wait3A_328] : memref<2x64x512xf32, #tpu.memory_space<vmem>> -> memref<1x64x512xf32, #tpu.memory_space<vmem>>
    %dma_wait3A_330 = tpu.memref_squeeze %dma_wait3A_329 : memref<1x64x512xf32, #tpu.memory_space<vmem>> -> memref<64x512xf32, #tpu.memory_space<vmem>>
    %dma_wait3A_331 = arith.constant 0 : i32
    %dma_wait3A_332 = tpu.memref_slice %arg2[%add3A_306, %dma_wait3A_331] : memref<65536x512xf32, #tpu.memory_space<hbm>> -> memref<64x512xf32, #tpu.memory_space<hbm>>
    %dma_wait3A_333 = arith.constant 0 : i32
    %dma_wait3A_334 = arith.constant 0 : i32
    %dma_wait3A_335 = tpu.memref_slice %arg15[%dma_wait3A_326, %dma_wait3A_333, %dma_wait3A_334] : memref<2x64x512xf32, #tpu.memory_space<vmem>> -> memref<1x64x512xf32, #tpu.memory_space<vmem>>
    %dma_wait3A_336 = tpu.memref_squeeze %dma_wait3A_335 : memref<1x64x512xf32, #tpu.memory_space<vmem>> -> memref<64x512xf32, #tpu.memory_space<vmem>>
    %dma_wait3A_337 = arith.constant 0 : i32
    %dma_wait3A_338 = tpu.memref_slice %arg2[%add3A_306, %dma_wait3A_337] : memref<65536x512xf32, #tpu.memory_space<hbm>> -> memref<64x512xf32, #tpu.memory_space<hbm>>
    tpu.wait_dma2 semaphore(%arg17 : memref<!tpu.dma_semaphore, #tpu.memory_space<semaphore_mem>>) src(%dma_wait3A_338 : memref<64x512xf32, #tpu.memory_space<hbm>>) dst(%dma_wait3A_336 : memref<64x512xf32, #tpu.memory_space<vmem>>)
    %add3A_339 = arith.constant 320 : i32
    %add3A_340 = arith.addi %mul3A_2, %add3A_339 : i32
    %dma_start3A_341 = arith.constant 1 : i32
    %dma_start3A_342 = arith.constant 0 : i32
    %dma_start3A_343 = arith.constant 0 : i32
    %dma_start3A_344 = tpu.memref_slice %arg15[%dma_start3A_341, %dma_start3A_342, %dma_start3A_343] : memref<2x64x512xf32, #tpu.memory_space<vmem>> -> memref<1x64x512xf32, #tpu.memory_space<vmem>>
    %dma_start3A_345 = tpu.memref_squeeze %dma_start3A_344 : memref<1x64x512xf32, #tpu.memory_space<vmem>> -> memref<64x512xf32, #tpu.memory_space<vmem>>
    %dma_start3A_346 = arith.constant 0 : i32
    %dma_start3A_347 = tpu.memref_slice %arg7[%add3A_340, %dma_start3A_346] : memref<65536x512xf32, #tpu.memory_space<hbm>> -> memref<64x512xf32, #tpu.memory_space<hbm>>
    %dma_start3A_348 = arith.constant 0 : i32
    %dma_start3A_349 = tpu.memref_slice %arg7[%add3A_340, %dma_start3A_348] : memref<65536x512xf32, #tpu.memory_space<hbm>> -> memref<64x512xf32, #tpu.memory_space<hbm>>
    %dma_start3A_350 = arith.constant 0 : i32
    %dma_start3A_351 = arith.constant 0 : i32
    %dma_start3A_352 = tpu.memref_slice %arg15[%dma_start3A_341, %dma_start3A_350, %dma_start3A_351] : memref<2x64x512xf32, #tpu.memory_space<vmem>> -> memref<1x64x512xf32, #tpu.memory_space<vmem>>
    %dma_start3A_353 = tpu.memref_squeeze %dma_start3A_352 : memref<1x64x512xf32, #tpu.memory_space<vmem>> -> memref<64x512xf32, #tpu.memory_space<vmem>>
    tpu.enqueue_dma source(%dma_start3A_353 : memref<64x512xf32, #tpu.memory_space<vmem>>) target(%dma_start3A_349 : memref<64x512xf32, #tpu.memory_space<hbm>>) target_semaphore(%arg16 : memref<!tpu.dma_semaphore, #tpu.memory_space<semaphore_mem>>)
    %dma_wait3A_354 = arith.constant 0 : i32
    %dma_wait3A_355 = arith.constant 0 : i32
    %dma_wait3A_356 = arith.constant 0 : i32
    %dma_wait3A_357 = tpu.memref_slice %arg15[%dma_wait3A_354, %dma_wait3A_355, %dma_wait3A_356] : memref<2x64x512xf32, #tpu.memory_space<vmem>> -> memref<1x64x512xf32, #tpu.memory_space<vmem>>
    %dma_wait3A_358 = tpu.memref_squeeze %dma_wait3A_357 : memref<1x64x512xf32, #tpu.memory_space<vmem>> -> memref<64x512xf32, #tpu.memory_space<vmem>>
    %dma_wait3A_359 = arith.constant 0 : i32
    %dma_wait3A_360 = tpu.memref_slice %arg7[%add3A_278, %dma_wait3A_359] : memref<65536x512xf32, #tpu.memory_space<hbm>> -> memref<64x512xf32, #tpu.memory_space<hbm>>
    %dma_wait3A_361 = arith.constant 0 : i32
    %dma_wait3A_362 = tpu.memref_slice %arg7[%add3A_278, %dma_wait3A_361] : memref<65536x512xf32, #tpu.memory_space<hbm>> -> memref<64x512xf32, #tpu.memory_space<hbm>>
    %dma_wait3A_363 = arith.constant 0 : i32
    %dma_wait3A_364 = arith.constant 0 : i32
    %dma_wait3A_365 = tpu.memref_slice %arg15[%dma_wait3A_354, %dma_wait3A_363, %dma_wait3A_364] : memref<2x64x512xf32, #tpu.memory_space<vmem>> -> memref<1x64x512xf32, #tpu.memory_space<vmem>>
    %dma_wait3A_366 = tpu.memref_squeeze %dma_wait3A_365 : memref<1x64x512xf32, #tpu.memory_space<vmem>> -> memref<64x512xf32, #tpu.memory_space<vmem>>
    tpu.wait_dma2 semaphore(%arg16 : memref<!tpu.dma_semaphore, #tpu.memory_space<semaphore_mem>>) src(%dma_wait3A_366 : memref<64x512xf32, #tpu.memory_space<vmem>>) dst(%dma_wait3A_362 : memref<64x512xf32, #tpu.memory_space<hbm>>)
    %add3A_367 = arith.constant 384 : i32
    %add3A_368 = arith.addi %mul3A_2, %add3A_367 : i32
    %dma_start3A_369 = arith.constant 0 : i32
    %dma_start3A_370 = arith.constant 0 : i32
    %dma_start3A_371 = arith.constant 0 : i32
    %dma_start3A_372 = tpu.memref_slice %arg15[%dma_start3A_369, %dma_start3A_370, %dma_start3A_371] : memref<2x64x512xf32, #tpu.memory_space<vmem>> -> memref<1x64x512xf32, #tpu.memory_space<vmem>>
    %dma_start3A_373 = tpu.memref_squeeze %dma_start3A_372 : memref<1x64x512xf32, #tpu.memory_space<vmem>> -> memref<64x512xf32, #tpu.memory_space<vmem>>
    %dma_start3A_374 = arith.constant 0 : i32
    %dma_start3A_375 = tpu.memref_slice %arg2[%add3A_368, %dma_start3A_374] : memref<65536x512xf32, #tpu.memory_space<hbm>> -> memref<64x512xf32, #tpu.memory_space<hbm>>
    %dma_start3A_376 = arith.constant 0 : i32
    %dma_start3A_377 = arith.constant 0 : i32
    %dma_start3A_378 = tpu.memref_slice %arg15[%dma_start3A_369, %dma_start3A_376, %dma_start3A_377] : memref<2x64x512xf32, #tpu.memory_space<vmem>> -> memref<1x64x512xf32, #tpu.memory_space<vmem>>
    %dma_start3A_379 = tpu.memref_squeeze %dma_start3A_378 : memref<1x64x512xf32, #tpu.memory_space<vmem>> -> memref<64x512xf32, #tpu.memory_space<vmem>>
    %dma_start3A_380 = arith.constant 0 : i32
    %dma_start3A_381 = tpu.memref_slice %arg2[%add3A_368, %dma_start3A_380] : memref<65536x512xf32, #tpu.memory_space<hbm>> -> memref<64x512xf32, #tpu.memory_space<hbm>>
    tpu.enqueue_dma source(%dma_start3A_381 : memref<64x512xf32, #tpu.memory_space<hbm>>) target(%dma_start3A_379 : memref<64x512xf32, #tpu.memory_space<vmem>>) target_semaphore(%arg17 : memref<!tpu.dma_semaphore, #tpu.memory_space<semaphore_mem>>)
    %scan3A_382 = arith.constant 0 : i32
    %scan3A_383 = arith.constant 160 : i32
    %scan3A_384 = arith.constant 32 : i32
    %scan3A_385 = arith.addi %scan3A_383, %scan3A_384 : i32
    %scan3A_386 = arith.constant 1 : i32
    scf.for %scan3A_2028 = %scan3A_383 to %scan3A_385 step %scan3A_386  : i32 {
      %mul3A_2029 = arith.constant 16 : i32
      %mul3A_2030 = arith.muli %scan3A_2028, %mul3A_2029 : i32
      %get3A = arith.index_cast %mul3A_2030 : i32 to index
      %get3A_2031 = tpu.vector_load %arg8[%get3A] {strides = array<i32>} : memref<16384xi32, #tpu.memory_space<vmem>>, vector<16xi32>,
      %mul3A_2032 = arith.constant 16 : i32
      %mul3A_2033 = arith.muli %scan3A_2028, %mul3A_2032 : i32
      %add3A_2034 = vector.broadcast %mul3A_2033 : i32 to vector<16xi32>
      %add3A_2035 = arith.addi %add3A_2034, %iota3A : vector<16xi32>
      %ge3A_2036 = vector.broadcast %mul3A_2 : i32 to vector<16xi32>
      %ge3A_2037 = arith.cmpi sge, %get3A_2031, %ge3A_2036 : vector<16xi32>
      %add3A_2038 = arith.constant 2048 : i32
      %add3A_2039 = arith.addi %mul3A_2, %add3A_2038 : i32
      %lt3A = vector.broadcast %add3A_2039 : i32 to vector<16xi32>
      %lt3A_2040 = arith.cmpi slt, %get3A_2031, %lt3A : vector<16xi32>
      %and3A_2041 = arith.andi %ge3A_2037, %lt3A_2040 : vector<16xi1>
      %shift_left3A = arith.constant 14 : i32
      %shift_left3A_2042 = vector.broadcast %shift_left3A : i32 to vector<16xi32>
      %shift_left3A_2043 = arith.shli %get3A_2031, %shift_left3A_2042 : vector<16xi32>
      %add3A_2044 = arith.addi %shift_left3A_2043, %add3A_2035 : vector<16xi32>
      %select_n3A_2045 = arith.select %and3A_2041, %add3A_2044, %broadcast_in_dim3A_5 : vector<16xi1>, vector<16xi32>
      %masked_sort3A = arith.constant dense<true> : vector<16xi1>
      %masked_sort3A_2046 = arith.constant -2147483648 : i32
      %masked_sort3A_2047 = vector.broadcast %masked_sort3A_2046 : i32 to vector<16xi32>
      %masked_sort3A_2048 = arith.xori %select_n3A_2045, %masked_sort3A_2047 : vector<16xi32>
      %masked_sort3A_2049, %masked_sort3A_2050, %masked_sort3A_2051 = tpu.sort %masked_sort3A_2048, %select_n3A_2045 masked %masked_sort3A : (vector<16xi32>, vector<16xi32>, vector<16xi1>) -> (vector<16xi1>, vector<16xi32>, vector<16xi32>)
      %masked_sort3A_2052 = arith.xori %masked_sort3A_2050, %masked_sort3A_2047 : vector<16xi32>
      %shift_right_arithmetic3A = arith.constant 14 : i32
      %shift_right_arithmetic3A_2053 = vector.broadcast %shift_right_arithmetic3A : i32 to vector<16xi32>
      %shift_right_arithmetic3A_2054 = arith.shrsi %masked_sort3A_2052, %shift_right_arithmetic3A_2053 : vector<16xi32>
      %and3A_2055 = arith.constant 16383 : i32
      %and3A_2056 = vector.broadcast %and3A_2055 : i32 to vector<16xi32>
      %and3A_2057 = arith.andi %masked_sort3A_2052, %and3A_2056 : vector<16xi32>
      %ne3A_2058 = arith.cmpi ne, %masked_sort3A_2052, %broadcast_in_dim3A_5 : vector<16xi32>
      %broadcast_in_dim3A_2059 = vector.shape_cast %min3A_10 : vector<16xi32> to vector<16x1xi32>
      %gather3A = vector.shape_cast %broadcast_in_dim3A_2059 : vector<16x1xi32> to vector<16xi32>
      %gather3A_2060 = tpu.dynamic_gather %shift_right_arithmetic3A_2054[%gather3A] in [0] : vector<16xi32>, vector<16xi32> -> vector<16xi32>
      %ne3A_2061 = arith.cmpi ne, %shift_right_arithmetic3A_2054, %gather3A_2060 : vector<16xi32>
      %eq3A = arith.constant 15 : i32
      %eq3A_2062 = vector.broadcast %eq3A : i32 to vector<16xi32>
      %eq3A_2063 = arith.cmpi eq, %iota3A, %eq3A_2062 : vector<16xi32>
      %or3A = arith.ori %ne3A_2061, %eq3A_2063 : vector<16xi1>
      %sub3A_2064 = vector.broadcast %mul3A_2 : i32 to vector<16xi32>
      %sub3A_2065 = arith.subi %shift_right_arithmetic3A_2054, %sub3A_2064 : vector<16xi32>
      %and3A_2066 = arith.andi %ne3A_2058, %or3A : vector<16xi1>
      tpu.vector_store_idx %arg11[%sub3A_2065], %and3A_2057 masked %and3A_2066 : memref<2048xi32, #tpu.memory_space<vmem>>[vector<16xi32>], vector<16xi32>, vector<16xi1>
    }
    %scan3A_387 = arith.constant 32 : i32
    %dma_wait3A_388 = arith.constant 0 : i32
    %dma_wait3A_389 = arith.constant 0 : i32
    %dma_wait3A_390 = arith.constant 0 : i32
    %dma_wait3A_391 = tpu.memref_slice %arg15[%dma_wait3A_388, %dma_wait3A_389, %dma_wait3A_390] : memref<2x64x512xf32, #tpu.memory_space<vmem>> -> memref<1x64x512xf32, #tpu.memory_space<vmem>>
    %dma_wait3A_392 = tpu.memref_squeeze %dma_wait3A_391 : memref<1x64x512xf32, #tpu.memory_space<vmem>> -> memref<64x512xf32, #tpu.memory_space<vmem>>
    %dma_wait3A_393 = arith.constant 0 : i32
    %dma_wait3A_394 = tpu.memref_slice %arg2[%add3A_368, %dma_wait3A_393] : memref<65536x512xf32, #tpu.memory_space<hbm>> -> memref<64x512xf32, #tpu.memory_space<hbm>>
    %dma_wait3A_395 = arith.constant 0 : i32
    %dma_wait3A_396 = arith.constant 0 : i32
    %dma_wait3A_397 = tpu.memref_slice %arg15[%dma_wait3A_388, %dma_wait3A_395, %dma_wait3A_396] : memref<2x64x512xf32, #tpu.memory_space<vmem>> -> memref<1x64x512xf32, #tpu.memory_space<vmem>>
    %dma_wait3A_398 = tpu.memref_squeeze %dma_wait3A_397 : memref<1x64x512xf32, #tpu.memory_space<vmem>> -> memref<64x512xf32, #tpu.memory_space<vmem>>
    %dma_wait3A_399 = arith.constant 0 : i32
    %dma_wait3A_400 = tpu.memref_slice %arg2[%add3A_368, %dma_wait3A_399] : memref<65536x512xf32, #tpu.memory_space<hbm>> -> memref<64x512xf32, #tpu.memory_space<hbm>>
    tpu.wait_dma2 semaphore(%arg17 : memref<!tpu.dma_semaphore, #tpu.memory_space<semaphore_mem>>) src(%dma_wait3A_400 : memref<64x512xf32, #tpu.memory_space<hbm>>) dst(%dma_wait3A_398 : memref<64x512xf32, #tpu.memory_space<vmem>>)
    %add3A_401 = arith.constant 384 : i32
    %add3A_402 = arith.addi %mul3A_2, %add3A_401 : i32
    %dma_start3A_403 = arith.constant 0 : i32
    %dma_start3A_404 = arith.constant 0 : i32
    %dma_start3A_405 = arith.constant 0 : i32
    %dma_start3A_406 = tpu.memref_slice %arg15[%dma_start3A_403, %dma_start3A_404, %dma_start3A_405] : memref<2x64x512xf32, #tpu.memory_space<vmem>> -> memref<1x64x512xf32, #tpu.memory_space<vmem>>
    %dma_start3A_407 = tpu.memref_squeeze %dma_start3A_406 : memref<1x64x512xf32, #tpu.memory_space<vmem>> -> memref<64x512xf32, #tpu.memory_space<vmem>>
    %dma_start3A_408 = arith.constant 0 : i32
    %dma_start3A_409 = tpu.memref_slice %arg7[%add3A_402, %dma_start3A_408] : memref<65536x512xf32, #tpu.memory_space<hbm>> -> memref<64x512xf32, #tpu.memory_space<hbm>>
    %dma_start3A_410 = arith.constant 0 : i32
    %dma_start3A_411 = tpu.memref_slice %arg7[%add3A_402, %dma_start3A_410] : memref<65536x512xf32, #tpu.memory_space<hbm>> -> memref<64x512xf32, #tpu.memory_space<hbm>>
    %dma_start3A_412 = arith.constant 0 : i32
    %dma_start3A_413 = arith.constant 0 : i32
    %dma_start3A_414 = tpu.memref_slice %arg15[%dma_start3A_403, %dma_start3A_412, %dma_start3A_413] : memref<2x64x512xf32, #tpu.memory_space<vmem>> -> memref<1x64x512xf32, #tpu.memory_space<vmem>>
    %dma_start3A_415 = tpu.memref_squeeze %dma_start3A_414 : memref<1x64x512xf32, #tpu.memory_space<vmem>> -> memref<64x512xf32, #tpu.memory_space<vmem>>
    tpu.enqueue_dma source(%dma_start3A_415 : memref<64x512xf32, #tpu.memory_space<vmem>>) target(%dma_start3A_411 : memref<64x512xf32, #tpu.memory_space<hbm>>) target_semaphore(%arg16 : memref<!tpu.dma_semaphore, #tpu.memory_space<semaphore_mem>>)
    %dma_wait3A_416 = arith.constant 1 : i32
    %dma_wait3A_417 = arith.constant 0 : i32
    %dma_wait3A_418 = arith.constant 0 : i32
    %dma_wait3A_419 = tpu.memref_slice %arg15[%dma_wait3A_416, %dma_wait3A_417, %dma_wait3A_418] : memref<2x64x512xf32, #tpu.memory_space<vmem>> -> memref<1x64x512xf32, #tpu.memory_space<vmem>>
    %dma_wait3A_420 = tpu.memref_squeeze %dma_wait3A_419 : memref<1x64x512xf32, #tpu.memory_space<vmem>> -> memref<64x512xf32, #tpu.memory_space<vmem>>
    %dma_wait3A_421 = arith.constant 0 : i32
    %dma_wait3A_422 = tpu.memref_slice %arg7[%add3A_340, %dma_wait3A_421] : memref<65536x512xf32, #tpu.memory_space<hbm>> -> memref<64x512xf32, #tpu.memory_space<hbm>>
    %dma_wait3A_423 = arith.constant 0 : i32
    %dma_wait3A_424 = tpu.memref_slice %arg7[%add3A_340, %dma_wait3A_423] : memref<65536x512xf32, #tpu.memory_space<hbm>> -> memref<64x512xf32, #tpu.memory_space<hbm>>
    %dma_wait3A_425 = arith.constant 0 : i32
    %dma_wait3A_426 = arith.constant 0 : i32
    %dma_wait3A_427 = tpu.memref_slice %arg15[%dma_wait3A_416, %dma_wait3A_425, %dma_wait3A_426] : memref<2x64x512xf32, #tpu.memory_space<vmem>> -> memref<1x64x512xf32, #tpu.memory_space<vmem>>
    %dma_wait3A_428 = tpu.memref_squeeze %dma_wait3A_427 : memref<1x64x512xf32, #tpu.memory_space<vmem>> -> memref<64x512xf32, #tpu.memory_space<vmem>>
    tpu.wait_dma2 semaphore(%arg16 : memref<!tpu.dma_semaphore, #tpu.memory_space<semaphore_mem>>) src(%dma_wait3A_428 : memref<64x512xf32, #tpu.memory_space<vmem>>) dst(%dma_wait3A_424 : memref<64x512xf32, #tpu.memory_space<hbm>>)
    %add3A_429 = arith.constant 448 : i32
    %add3A_430 = arith.addi %mul3A_2, %add3A_429 : i32
    %dma_start3A_431 = arith.constant 1 : i32
    %dma_start3A_432 = arith.constant 0 : i32
    %dma_start3A_433 = arith.constant 0 : i32
    %dma_start3A_434 = tpu.memref_slice %arg15[%dma_start3A_431, %dma_start3A_432, %dma_start3A_433] : memref<2x64x512xf32, #tpu.memory_space<vmem>> -> memref<1x64x512xf32, #tpu.memory_space<vmem>>
    %dma_start3A_435 = tpu.memref_squeeze %dma_start3A_434 : memref<1x64x512xf32, #tpu.memory_space<vmem>> -> memref<64x512xf32, #tpu.memory_space<vmem>>
    %dma_start3A_436 = arith.constant 0 : i32
    %dma_start3A_437 = tpu.memref_slice %arg2[%add3A_430, %dma_start3A_436] : memref<65536x512xf32, #tpu.memory_space<hbm>> -> memref<64x512xf32, #tpu.memory_space<hbm>>
    %dma_start3A_438 = arith.constant 0 : i32
    %dma_start3A_439 = arith.constant 0 : i32
    %dma_start3A_440 = tpu.memref_slice %arg15[%dma_start3A_431, %dma_start3A_438, %dma_start3A_439] : memref<2x64x512xf32, #tpu.memory_space<vmem>> -> memref<1x64x512xf32, #tpu.memory_space<vmem>>
    %dma_start3A_441 = tpu.memref_squeeze %dma_start3A_440 : memref<1x64x512xf32, #tpu.memory_space<vmem>> -> memref<64x512xf32, #tpu.memory_space<vmem>>
    %dma_start3A_442 = arith.constant 0 : i32
    %dma_start3A_443 = tpu.memref_slice %arg2[%add3A_430, %dma_start3A_442] : memref<65536x512xf32, #tpu.memory_space<hbm>> -> memref<64x512xf32, #tpu.memory_space<hbm>>
    tpu.enqueue_dma source(%dma_start3A_443 : memref<64x512xf32, #tpu.memory_space<hbm>>) target(%dma_start3A_441 : memref<64x512xf32, #tpu.memory_space<vmem>>) target_semaphore(%arg17 : memref<!tpu.dma_semaphore, #tpu.memory_space<semaphore_mem>>)
    %scan3A_444 = arith.constant 0 : i32
    %scan3A_445 = arith.constant 192 : i32
    %scan3A_446 = arith.constant 32 : i32
    %scan3A_447 = arith.addi %scan3A_445, %scan3A_446 : i32
    %scan3A_448 = arith.constant 1 : i32
    scf.for %scan3A_2028 = %scan3A_445 to %scan3A_447 step %scan3A_448  : i32 {
      %mul3A_2029 = arith.constant 16 : i32
      %mul3A_2030 = arith.muli %scan3A_2028, %mul3A_2029 : i32
      %get3A = arith.index_cast %mul3A_2030 : i32 to index
      %get3A_2031 = tpu.vector_load %arg8[%get3A] {strides = array<i32>} : memref<16384xi32, #tpu.memory_space<vmem>>, vector<16xi32>,
      %mul3A_2032 = arith.constant 16 : i32
      %mul3A_2033 = arith.muli %scan3A_2028, %mul3A_2032 : i32
      %add3A_2034 = vector.broadcast %mul3A_2033 : i32 to vector<16xi32>
      %add3A_2035 = arith.addi %add3A_2034, %iota3A : vector<16xi32>
      %ge3A_2036 = vector.broadcast %mul3A_2 : i32 to vector<16xi32>
      %ge3A_2037 = arith.cmpi sge, %get3A_2031, %ge3A_2036 : vector<16xi32>
      %add3A_2038 = arith.constant 2048 : i32
      %add3A_2039 = arith.addi %mul3A_2, %add3A_2038 : i32
      %lt3A = vector.broadcast %add3A_2039 : i32 to vector<16xi32>
      %lt3A_2040 = arith.cmpi slt, %get3A_2031, %lt3A : vector<16xi32>
      %and3A_2041 = arith.andi %ge3A_2037, %lt3A_2040 : vector<16xi1>
      %shift_left3A = arith.constant 14 : i32
      %shift_left3A_2042 = vector.broadcast %shift_left3A : i32 to vector<16xi32>
      %shift_left3A_2043 = arith.shli %get3A_2031, %shift_left3A_2042 : vector<16xi32>
      %add3A_2044 = arith.addi %shift_left3A_2043, %add3A_2035 : vector<16xi32>
      %select_n3A_2045 = arith.select %and3A_2041, %add3A_2044, %broadcast_in_dim3A_5 : vector<16xi1>, vector<16xi32>
      %masked_sort3A = arith.constant dense<true> : vector<16xi1>
      %masked_sort3A_2046 = arith.constant -2147483648 : i32
      %masked_sort3A_2047 = vector.broadcast %masked_sort3A_2046 : i32 to vector<16xi32>
      %masked_sort3A_2048 = arith.xori %select_n3A_2045, %masked_sort3A_2047 : vector<16xi32>
      %masked_sort3A_2049, %masked_sort3A_2050, %masked_sort3A_2051 = tpu.sort %masked_sort3A_2048, %select_n3A_2045 masked %masked_sort3A : (vector<16xi32>, vector<16xi32>, vector<16xi1>) -> (vector<16xi1>, vector<16xi32>, vector<16xi32>)
      %masked_sort3A_2052 = arith.xori %masked_sort3A_2050, %masked_sort3A_2047 : vector<16xi32>
      %shift_right_arithmetic3A = arith.constant 14 : i32
      %shift_right_arithmetic3A_2053 = vector.broadcast %shift_right_arithmetic3A : i32 to vector<16xi32>
      %shift_right_arithmetic3A_2054 = arith.shrsi %masked_sort3A_2052, %shift_right_arithmetic3A_2053 : vector<16xi32>
      %and3A_2055 = arith.constant 16383 : i32
      %and3A_2056 = vector.broadcast %and3A_2055 : i32 to vector<16xi32>
      %and3A_2057 = arith.andi %masked_sort3A_2052, %and3A_2056 : vector<16xi32>
      %ne3A_2058 = arith.cmpi ne, %masked_sort3A_2052, %broadcast_in_dim3A_5 : vector<16xi32>
      %broadcast_in_dim3A_2059 = vector.shape_cast %min3A_10 : vector<16xi32> to vector<16x1xi32>
      %gather3A = vector.shape_cast %broadcast_in_dim3A_2059 : vector<16x1xi32> to vector<16xi32>
      %gather3A_2060 = tpu.dynamic_gather %shift_right_arithmetic3A_2054[%gather3A] in [0] : vector<16xi32>, vector<16xi32> -> vector<16xi32>
      %ne3A_2061 = arith.cmpi ne, %shift_right_arithmetic3A_2054, %gather3A_2060 : vector<16xi32>
      %eq3A = arith.constant 15 : i32
      %eq3A_2062 = vector.broadcast %eq3A : i32 to vector<16xi32>
      %eq3A_2063 = arith.cmpi eq, %iota3A, %eq3A_2062 : vector<16xi32>
      %or3A = arith.ori %ne3A_2061, %eq3A_2063 : vector<16xi1>
      %sub3A_2064 = vector.broadcast %mul3A_2 : i32 to vector<16xi32>
      %sub3A_2065 = arith.subi %shift_right_arithmetic3A_2054, %sub3A_2064 : vector<16xi32>
      %and3A_2066 = arith.andi %ne3A_2058, %or3A : vector<16xi1>
      tpu.vector_store_idx %arg11[%sub3A_2065], %and3A_2057 masked %and3A_2066 : memref<2048xi32, #tpu.memory_space<vmem>>[vector<16xi32>], vector<16xi32>, vector<16xi1>
    }
    %scan3A_449 = arith.constant 32 : i32
    %dma_wait3A_450 = arith.constant 1 : i32
    %dma_wait3A_451 = arith.constant 0 : i32
    %dma_wait3A_452 = arith.constant 0 : i32
    %dma_wait3A_453 = tpu.memref_slice %arg15[%dma_wait3A_450, %dma_wait3A_451, %dma_wait3A_452] : memref<2x64x512xf32, #tpu.memory_space<vmem>> -> memref<1x64x512xf32, #tpu.memory_space<vmem>>
    %dma_wait3A_454 = tpu.memref_squeeze %dma_wait3A_453 : memref<1x64x512xf32, #tpu.memory_space<vmem>> -> memref<64x512xf32, #tpu.memory_space<vmem>>
    %dma_wait3A_455 = arith.constant 0 : i32
    %dma_wait3A_456 = tpu.memref_slice %arg2[%add3A_430, %dma_wait3A_455] : memref<65536x512xf32, #tpu.memory_space<hbm>> -> memref<64x512xf32, #tpu.memory_space<hbm>>
    %dma_wait3A_457 = arith.constant 0 : i32
    %dma_wait3A_458 = arith.constant 0 : i32
    %dma_wait3A_459 = tpu.memref_slice %arg15[%dma_wait3A_450, %dma_wait3A_457, %dma_wait3A_458] : memref<2x64x512xf32, #tpu.memory_space<vmem>> -> memref<1x64x512xf32, #tpu.memory_space<vmem>>
    %dma_wait3A_460 = tpu.memref_squeeze %dma_wait3A_459 : memref<1x64x512xf32, #tpu.memory_space<vmem>> -> memref<64x512xf32, #tpu.memory_space<vmem>>
    %dma_wait3A_461 = arith.constant 0 : i32
    %dma_wait3A_462 = tpu.memref_slice %arg2[%add3A_430, %dma_wait3A_461] : memref<65536x512xf32, #tpu.memory_space<hbm>> -> memref<64x512xf32, #tpu.memory_space<hbm>>
    tpu.wait_dma2 semaphore(%arg17 : memref<!tpu.dma_semaphore, #tpu.memory_space<semaphore_mem>>) src(%dma_wait3A_462 : memref<64x512xf32, #tpu.memory_space<hbm>>) dst(%dma_wait3A_460 : memref<64x512xf32, #tpu.memory_space<vmem>>)
    %add3A_463 = arith.constant 448 : i32
    %add3A_464 = arith.addi %mul3A_2, %add3A_463 : i32
    %dma_start3A_465 = arith.constant 1 : i32
    %dma_start3A_466 = arith.constant 0 : i32
    %dma_start3A_467 = arith.constant 0 : i32
    %dma_start3A_468 = tpu.memref_slice %arg15[%dma_start3A_465, %dma_start3A_466, %dma_start3A_467] : memref<2x64x512xf32, #tpu.memory_space<vmem>> -> memref<1x64x512xf32, #tpu.memory_space<vmem>>
    %dma_start3A_469 = tpu.memref_squeeze %dma_start3A_468 : memref<1x64x512xf32, #tpu.memory_space<vmem>> -> memref<64x512xf32, #tpu.memory_space<vmem>>
    %dma_start3A_470 = arith.constant 0 : i32
    %dma_start3A_471 = tpu.memref_slice %arg7[%add3A_464, %dma_start3A_470] : memref<65536x512xf32, #tpu.memory_space<hbm>> -> memref<64x512xf32, #tpu.memory_space<hbm>>
    %dma_start3A_472 = arith.constant 0 : i32
    %dma_start3A_473 = tpu.memref_slice %arg7[%add3A_464, %dma_start3A_472] : memref<65536x512xf32, #tpu.memory_space<hbm>> -> memref<64x512xf32, #tpu.memory_space<hbm>>
    %dma_start3A_474 = arith.constant 0 : i32
    %dma_start3A_475 = arith.constant 0 : i32
    %dma_start3A_476 = tpu.memref_slice %arg15[%dma_start3A_465, %dma_start3A_474, %dma_start3A_475] : memref<2x64x512xf32, #tpu.memory_space<vmem>> -> memref<1x64x512xf32, #tpu.memory_space<vmem>>
    %dma_start3A_477 = tpu.memref_squeeze %dma_start3A_476 : memref<1x64x512xf32, #tpu.memory_space<vmem>> -> memref<64x512xf32, #tpu.memory_space<vmem>>
    tpu.enqueue_dma source(%dma_start3A_477 : memref<64x512xf32, #tpu.memory_space<vmem>>) target(%dma_start3A_473 : memref<64x512xf32, #tpu.memory_space<hbm>>) target_semaphore(%arg16 : memref<!tpu.dma_semaphore, #tpu.memory_space<semaphore_mem>>)
    %dma_wait3A_478 = arith.constant 0 : i32
    %dma_wait3A_479 = arith.constant 0 : i32
    %dma_wait3A_480 = arith.constant 0 : i32
    %dma_wait3A_481 = tpu.memref_slice %arg15[%dma_wait3A_478, %dma_wait3A_479, %dma_wait3A_480] : memref<2x64x512xf32, #tpu.memory_space<vmem>> -> memref<1x64x512xf32, #tpu.memory_space<vmem>>
    %dma_wait3A_482 = tpu.memref_squeeze %dma_wait3A_481 : memref<1x64x512xf32, #tpu.memory_space<vmem>> -> memref<64x512xf32, #tpu.memory_space<vmem>>
    %dma_wait3A_483 = arith.constant 0 : i32
    %dma_wait3A_484 = tpu.memref_slice %arg7[%add3A_402, %dma_wait3A_483] : memref<65536x512xf32, #tpu.memory_space<hbm>> -> memref<64x512xf32, #tpu.memory_space<hbm>>
    %dma_wait3A_485 = arith.constant 0 : i32
    %dma_wait3A_486 = tpu.memref_slice %arg7[%add3A_402, %dma_wait3A_485] : memref<65536x512xf32, #tpu.memory_space<hbm>> -> memref<64x512xf32, #tpu.memory_space<hbm>>
    %dma_wait3A_487 = arith.constant 0 : i32
    %dma_wait3A_488 = arith.constant 0 : i32
    %dma_wait3A_489 = tpu.memref_slice %arg15[%dma_wait3A_478, %dma_wait3A_487, %dma_wait3A_488] : memref<2x64x512xf32, #tpu.memory_space<vmem>> -> memref<1x64x512xf32, #tpu.memory_space<vmem>>
    %dma_wait3A_490 = tpu.memref_squeeze %dma_wait3A_489 : memref<1x64x512xf32, #tpu.memory_space<vmem>> -> memref<64x512xf32, #tpu.memory_space<vmem>>
    tpu.wait_dma2 semaphore(%arg16 : memref<!tpu.dma_semaphore, #tpu.memory_space<semaphore_mem>>) src(%dma_wait3A_490 : memref<64x512xf32, #tpu.memory_space<vmem>>) dst(%dma_wait3A_486 : memref<64x512xf32, #tpu.memory_space<hbm>>)
    %add3A_491 = arith.constant 512 : i32
    %add3A_492 = arith.addi %mul3A_2, %add3A_491 : i32
    %dma_start3A_493 = arith.constant 0 : i32
    %dma_start3A_494 = arith.constant 0 : i32
    %dma_start3A_495 = arith.constant 0 : i32
    %dma_start3A_496 = tpu.memref_slice %arg15[%dma_start3A_493, %dma_start3A_494, %dma_start3A_495] : memref<2x64x512xf32, #tpu.memory_space<vmem>> -> memref<1x64x512xf32, #tpu.memory_space<vmem>>
    %dma_start3A_497 = tpu.memref_squeeze %dma_start3A_496 : memref<1x64x512xf32, #tpu.memory_space<vmem>> -> memref<64x512xf32, #tpu.memory_space<vmem>>
    %dma_start3A_498 = arith.constant 0 : i32
    %dma_start3A_499 = tpu.memref_slice %arg2[%add3A_492, %dma_start3A_498] : memref<65536x512xf32, #tpu.memory_space<hbm>> -> memref<64x512xf32, #tpu.memory_space<hbm>>
    %dma_start3A_500 = arith.constant 0 : i32
    %dma_start3A_501 = arith.constant 0 : i32
    %dma_start3A_502 = tpu.memref_slice %arg15[%dma_start3A_493, %dma_start3A_500, %dma_start3A_501] : memref<2x64x512xf32, #tpu.memory_space<vmem>> -> memref<1x64x512xf32, #tpu.memory_space<vmem>>
    %dma_start3A_503 = tpu.memref_squeeze %dma_start3A_502 : memref<1x64x512xf32, #tpu.memory_space<vmem>> -> memref<64x512xf32, #tpu.memory_space<vmem>>
    %dma_start3A_504 = arith.constant 0 : i32
    %dma_start3A_505 = tpu.memref_slice %arg2[%add3A_492, %dma_start3A_504] : memref<65536x512xf32, #tpu.memory_space<hbm>> -> memref<64x512xf32, #tpu.memory_space<hbm>>
    tpu.enqueue_dma source(%dma_start3A_505 : memref<64x512xf32, #tpu.memory_space<hbm>>) target(%dma_start3A_503 : memref<64x512xf32, #tpu.memory_space<vmem>>) target_semaphore(%arg17 : memref<!tpu.dma_semaphore, #tpu.memory_space<semaphore_mem>>)
    %scan3A_506 = arith.constant 0 : i32
    %scan3A_507 = arith.constant 224 : i32
    %scan3A_508 = arith.constant 32 : i32
    %scan3A_509 = arith.addi %scan3A_507, %scan3A_508 : i32
    %scan3A_510 = arith.constant 1 : i32
    scf.for %scan3A_2028 = %scan3A_507 to %scan3A_509 step %scan3A_510  : i32 {
      %mul3A_2029 = arith.constant 16 : i32
      %mul3A_2030 = arith.muli %scan3A_2028, %mul3A_2029 : i32
      %get3A = arith.index_cast %mul3A_2030 : i32 to index
      %get3A_2031 = tpu.vector_load %arg8[%get3A] {strides = array<i32>} : memref<16384xi32, #tpu.memory_space<vmem>>, vector<16xi32>,
      %mul3A_2032 = arith.constant 16 : i32
      %mul3A_2033 = arith.muli %scan3A_2028, %mul3A_2032 : i32
      %add3A_2034 = vector.broadcast %mul3A_2033 : i32 to vector<16xi32>
      %add3A_2035 = arith.addi %add3A_2034, %iota3A : vector<16xi32>
      %ge3A_2036 = vector.broadcast %mul3A_2 : i32 to vector<16xi32>
      %ge3A_2037 = arith.cmpi sge, %get3A_2031, %ge3A_2036 : vector<16xi32>
      %add3A_2038 = arith.constant 2048 : i32
      %add3A_2039 = arith.addi %mul3A_2, %add3A_2038 : i32
      %lt3A = vector.broadcast %add3A_2039 : i32 to vector<16xi32>
      %lt3A_2040 = arith.cmpi slt, %get3A_2031, %lt3A : vector<16xi32>
      %and3A_2041 = arith.andi %ge3A_2037, %lt3A_2040 : vector<16xi1>
      %shift_left3A = arith.constant 14 : i32
      %shift_left3A_2042 = vector.broadcast %shift_left3A : i32 to vector<16xi32>
      %shift_left3A_2043 = arith.shli %get3A_2031, %shift_left3A_2042 : vector<16xi32>
      %add3A_2044 = arith.addi %shift_left3A_2043, %add3A_2035 : vector<16xi32>
      %select_n3A_2045 = arith.select %and3A_2041, %add3A_2044, %broadcast_in_dim3A_5 : vector<16xi1>, vector<16xi32>
      %masked_sort3A = arith.constant dense<true> : vector<16xi1>
      %masked_sort3A_2046 = arith.constant -2147483648 : i32
      %masked_sort3A_2047 = vector.broadcast %masked_sort3A_2046 : i32 to vector<16xi32>
      %masked_sort3A_2048 = arith.xori %select_n3A_2045, %masked_sort3A_2047 : vector<16xi32>
      %masked_sort3A_2049, %masked_sort3A_2050, %masked_sort3A_2051 = tpu.sort %masked_sort3A_2048, %select_n3A_2045 masked %masked_sort3A : (vector<16xi32>, vector<16xi32>, vector<16xi1>) -> (vector<16xi1>, vector<16xi32>, vector<16xi32>)
      %masked_sort3A_2052 = arith.xori %masked_sort3A_2050, %masked_sort3A_2047 : vector<16xi32>
      %shift_right_arithmetic3A = arith.constant 14 : i32
      %shift_right_arithmetic3A_2053 = vector.broadcast %shift_right_arithmetic3A : i32 to vector<16xi32>
      %shift_right_arithmetic3A_2054 = arith.shrsi %masked_sort3A_2052, %shift_right_arithmetic3A_2053 : vector<16xi32>
      %and3A_2055 = arith.constant 16383 : i32
      %and3A_2056 = vector.broadcast %and3A_2055 : i32 to vector<16xi32>
      %and3A_2057 = arith.andi %masked_sort3A_2052, %and3A_2056 : vector<16xi32>
      %ne3A_2058 = arith.cmpi ne, %masked_sort3A_2052, %broadcast_in_dim3A_5 : vector<16xi32>
      %broadcast_in_dim3A_2059 = vector.shape_cast %min3A_10 : vector<16xi32> to vector<16x1xi32>
      %gather3A = vector.shape_cast %broadcast_in_dim3A_2059 : vector<16x1xi32> to vector<16xi32>
      %gather3A_2060 = tpu.dynamic_gather %shift_right_arithmetic3A_2054[%gather3A] in [0] : vector<16xi32>, vector<16xi32> -> vector<16xi32>
      %ne3A_2061 = arith.cmpi ne, %shift_right_arithmetic3A_2054, %gather3A_2060 : vector<16xi32>
      %eq3A = arith.constant 15 : i32
      %eq3A_2062 = vector.broadcast %eq3A : i32 to vector<16xi32>
      %eq3A_2063 = arith.cmpi eq, %iota3A, %eq3A_2062 : vector<16xi32>
      %or3A = arith.ori %ne3A_2061, %eq3A_2063 : vector<16xi1>
      %sub3A_2064 = vector.broadcast %mul3A_2 : i32 to vector<16xi32>
      %sub3A_2065 = arith.subi %shift_right_arithmetic3A_2054, %sub3A_2064 : vector<16xi32>
      %and3A_2066 = arith.andi %ne3A_2058, %or3A : vector<16xi1>
      tpu.vector_store_idx %arg11[%sub3A_2065], %and3A_2057 masked %and3A_2066 : memref<2048xi32, #tpu.memory_space<vmem>>[vector<16xi32>], vector<16xi32>, vector<16xi1>
    }
    %scan3A_511 = arith.constant 32 : i32
    %dma_wait3A_512 = arith.constant 0 : i32
    %dma_wait3A_513 = arith.constant 0 : i32
    %dma_wait3A_514 = arith.constant 0 : i32
    %dma_wait3A_515 = tpu.memref_slice %arg15[%dma_wait3A_512, %dma_wait3A_513, %dma_wait3A_514] : memref<2x64x512xf32, #tpu.memory_space<vmem>> -> memref<1x64x512xf32, #tpu.memory_space<vmem>>
    %dma_wait3A_516 = tpu.memref_squeeze %dma_wait3A_515 : memref<1x64x512xf32, #tpu.memory_space<vmem>> -> memref<64x512xf32, #tpu.memory_space<vmem>>
    %dma_wait3A_517 = arith.constant 0 : i32
    %dma_wait3A_518 = tpu.memref_slice %arg2[%add3A_492, %dma_wait3A_517] : memref<65536x512xf32, #tpu.memory_space<hbm>> -> memref<64x512xf32, #tpu.memory_space<hbm>>
    %dma_wait3A_519 = arith.constant 0 : i32
    %dma_wait3A_520 = arith.constant 0 : i32
    %dma_wait3A_521 = tpu.memref_slice %arg15[%dma_wait3A_512, %dma_wait3A_519, %dma_wait3A_520] : memref<2x64x512xf32, #tpu.memory_space<vmem>> -> memref<1x64x512xf32, #tpu.memory_space<vmem>>
    %dma_wait3A_522 = tpu.memref_squeeze %dma_wait3A_521 : memref<1x64x512xf32, #tpu.memory_space<vmem>> -> memref<64x512xf32, #tpu.memory_space<vmem>>
    %dma_wait3A_523 = arith.constant 0 : i32
    %dma_wait3A_524 = tpu.memref_slice %arg2[%add3A_492, %dma_wait3A_523] : memref<65536x512xf32, #tpu.memory_space<hbm>> -> memref<64x512xf32, #tpu.memory_space<hbm>>
    tpu.wait_dma2 semaphore(%arg17 : memref<!tpu.dma_semaphore, #tpu.memory_space<semaphore_mem>>) src(%dma_wait3A_524 : memref<64x512xf32, #tpu.memory_space<hbm>>) dst(%dma_wait3A_522 : memref<64x512xf32, #tpu.memory_space<vmem>>)
    %add3A_525 = arith.constant 512 : i32
    %add3A_526 = arith.addi %mul3A_2, %add3A_525 : i32
    %dma_start3A_527 = arith.constant 0 : i32
    %dma_start3A_528 = arith.constant 0 : i32
    %dma_start3A_529 = arith.constant 0 : i32
    %dma_start3A_530 = tpu.memref_slice %arg15[%dma_start3A_527, %dma_start3A_528, %dma_start3A_529] : memref<2x64x512xf32, #tpu.memory_space<vmem>> -> memref<1x64x512xf32, #tpu.memory_space<vmem>>
    %dma_start3A_531 = tpu.memref_squeeze %dma_start3A_530 : memref<1x64x512xf32, #tpu.memory_space<vmem>> -> memref<64x512xf32, #tpu.memory_space<vmem>>
    %dma_start3A_532 = arith.constant 0 : i32
    %dma_start3A_533 = tpu.memref_slice %arg7[%add3A_526, %dma_start3A_532] : memref<65536x512xf32, #tpu.memory_space<hbm>> -> memref<64x512xf32, #tpu.memory_space<hbm>>
    %dma_start3A_534 = arith.constant 0 : i32
    %dma_start3A_535 = tpu.memref_slice %arg7[%add3A_526, %dma_start3A_534] : memref<65536x512xf32, #tpu.memory_space<hbm>> -> memref<64x512xf32, #tpu.memory_space<hbm>>
    %dma_start3A_536 = arith.constant 0 : i32
    %dma_start3A_537 = arith.constant 0 : i32
    %dma_start3A_538 = tpu.memref_slice %arg15[%dma_start3A_527, %dma_start3A_536, %dma_start3A_537] : memref<2x64x512xf32, #tpu.memory_space<vmem>> -> memref<1x64x512xf32, #tpu.memory_space<vmem>>
    %dma_start3A_539 = tpu.memref_squeeze %dma_start3A_538 : memref<1x64x512xf32, #tpu.memory_space<vmem>> -> memref<64x512xf32, #tpu.memory_space<vmem>>
    tpu.enqueue_dma source(%dma_start3A_539 : memref<64x512xf32, #tpu.memory_space<vmem>>) target(%dma_start3A_535 : memref<64x512xf32, #tpu.memory_space<hbm>>) target_semaphore(%arg16 : memref<!tpu.dma_semaphore, #tpu.memory_space<semaphore_mem>>)
    %dma_wait3A_540 = arith.constant 1 : i32
    %dma_wait3A_541 = arith.constant 0 : i32
    %dma_wait3A_542 = arith.constant 0 : i32
    %dma_wait3A_543 = tpu.memref_slice %arg15[%dma_wait3A_540, %dma_wait3A_541, %dma_wait3A_542] : memref<2x64x512xf32, #tpu.memory_space<vmem>> -> memref<1x64x512xf32, #tpu.memory_space<vmem>>
    %dma_wait3A_544 = tpu.memref_squeeze %dma_wait3A_543 : memref<1x64x512xf32, #tpu.memory_space<vmem>> -> memref<64x512xf32, #tpu.memory_space<vmem>>
    %dma_wait3A_545 = arith.constant 0 : i32
    %dma_wait3A_546 = tpu.memref_slice %arg7[%add3A_464, %dma_wait3A_545] : memref<65536x512xf32, #tpu.memory_space<hbm>> -> memref<64x512xf32, #tpu.memory_space<hbm>>
    %dma_wait3A_547 = arith.constant 0 : i32
    %dma_wait3A_548 = tpu.memref_slice %arg7[%add3A_464, %dma_wait3A_547] : memref<65536x512xf32, #tpu.memory_space<hbm>> -> memref<64x512xf32, #tpu.memory_space<hbm>>
    %dma_wait3A_549 = arith.constant 0 : i32
    %dma_wait3A_550 = arith.constant 0 : i32
    %dma_wait3A_551 = tpu.memref_slice %arg15[%dma_wait3A_540, %dma_wait3A_549, %dma_wait3A_550] : memref<2x64x512xf32, #tpu.memory_space<vmem>> -> memref<1x64x512xf32, #tpu.memory_space<vmem>>
    %dma_wait3A_552 = tpu.memref_squeeze %dma_wait3A_551 : memref<1x64x512xf32, #tpu.memory_space<vmem>> -> memref<64x512xf32, #tpu.memory_space<vmem>>
    tpu.wait_dma2 semaphore(%arg16 : memref<!tpu.dma_semaphore, #tpu.memory_space<semaphore_mem>>) src(%dma_wait3A_552 : memref<64x512xf32, #tpu.memory_space<vmem>>) dst(%dma_wait3A_548 : memref<64x512xf32, #tpu.memory_space<hbm>>)
    %add3A_553 = arith.constant 576 : i32
    %add3A_554 = arith.addi %mul3A_2, %add3A_553 : i32
    %dma_start3A_555 = arith.constant 1 : i32
    %dma_start3A_556 = arith.constant 0 : i32
    %dma_start3A_557 = arith.constant 0 : i32
    %dma_start3A_558 = tpu.memref_slice %arg15[%dma_start3A_555, %dma_start3A_556, %dma_start3A_557] : memref<2x64x512xf32, #tpu.memory_space<vmem>> -> memref<1x64x512xf32, #tpu.memory_space<vmem>>
    %dma_start3A_559 = tpu.memref_squeeze %dma_start3A_558 : memref<1x64x512xf32, #tpu.memory_space<vmem>> -> memref<64x512xf32, #tpu.memory_space<vmem>>
    %dma_start3A_560 = arith.constant 0 : i32
    %dma_start3A_561 = tpu.memref_slice %arg2[%add3A_554, %dma_start3A_560] : memref<65536x512xf32, #tpu.memory_space<hbm>> -> memref<64x512xf32, #tpu.memory_space<hbm>>
    %dma_start3A_562 = arith.constant 0 : i32
    %dma_start3A_563 = arith.constant 0 : i32
    %dma_start3A_564 = tpu.memref_slice %arg15[%dma_start3A_555, %dma_start3A_562, %dma_start3A_563] : memref<2x64x512xf32, #tpu.memory_space<vmem>> -> memref<1x64x512xf32, #tpu.memory_space<vmem>>
    %dma_start3A_565 = tpu.memref_squeeze %dma_start3A_564 : memref<1x64x512xf32, #tpu.memory_space<vmem>> -> memref<64x512xf32, #tpu.memory_space<vmem>>
    %dma_start3A_566 = arith.constant 0 : i32
    %dma_start3A_567 = tpu.memref_slice %arg2[%add3A_554, %dma_start3A_566] : memref<65536x512xf32, #tpu.memory_space<hbm>> -> memref<64x512xf32, #tpu.memory_space<hbm>>
    tpu.enqueue_dma source(%dma_start3A_567 : memref<64x512xf32, #tpu.memory_space<hbm>>) target(%dma_start3A_565 : memref<64x512xf32, #tpu.memory_space<vmem>>) target_semaphore(%arg17 : memref<!tpu.dma_semaphore, #tpu.memory_space<semaphore_mem>>)
    %scan3A_568 = arith.constant 0 : i32
    %scan3A_569 = arith.constant 256 : i32
    %scan3A_570 = arith.constant 32 : i32
    %scan3A_571 = arith.addi %scan3A_569, %scan3A_570 : i32
    %scan3A_572 = arith.constant 1 : i32
    scf.for %scan3A_2028 = %scan3A_569 to %scan3A_571 step %scan3A_572  : i32 {
      %mul3A_2029 = arith.constant 16 : i32
      %mul3A_2030 = arith.muli %scan3A_2028, %mul3A_2029 : i32
      %get3A = arith.index_cast %mul3A_2030 : i32 to index
      %get3A_2031 = tpu.vector_load %arg8[%get3A] {strides = array<i32>} : memref<16384xi32, #tpu.memory_space<vmem>>, vector<16xi32>,
      %mul3A_2032 = arith.constant 16 : i32
      %mul3A_2033 = arith.muli %scan3A_2028, %mul3A_2032 : i32
      %add3A_2034 = vector.broadcast %mul3A_2033 : i32 to vector<16xi32>
      %add3A_2035 = arith.addi %add3A_2034, %iota3A : vector<16xi32>
      %ge3A_2036 = vector.broadcast %mul3A_2 : i32 to vector<16xi32>
      %ge3A_2037 = arith.cmpi sge, %get3A_2031, %ge3A_2036 : vector<16xi32>
      %add3A_2038 = arith.constant 2048 : i32
      %add3A_2039 = arith.addi %mul3A_2, %add3A_2038 : i32
      %lt3A = vector.broadcast %add3A_2039 : i32 to vector<16xi32>
      %lt3A_2040 = arith.cmpi slt, %get3A_2031, %lt3A : vector<16xi32>
      %and3A_2041 = arith.andi %ge3A_2037, %lt3A_2040 : vector<16xi1>
      %shift_left3A = arith.constant 14 : i32
      %shift_left3A_2042 = vector.broadcast %shift_left3A : i32 to vector<16xi32>
      %shift_left3A_2043 = arith.shli %get3A_2031, %shift_left3A_2042 : vector<16xi32>
      %add3A_2044 = arith.addi %shift_left3A_2043, %add3A_2035 : vector<16xi32>
      %select_n3A_2045 = arith.select %and3A_2041, %add3A_2044, %broadcast_in_dim3A_5 : vector<16xi1>, vector<16xi32>
      %masked_sort3A = arith.constant dense<true> : vector<16xi1>
      %masked_sort3A_2046 = arith.constant -2147483648 : i32
      %masked_sort3A_2047 = vector.broadcast %masked_sort3A_2046 : i32 to vector<16xi32>
      %masked_sort3A_2048 = arith.xori %select_n3A_2045, %masked_sort3A_2047 : vector<16xi32>
      %masked_sort3A_2049, %masked_sort3A_2050, %masked_sort3A_2051 = tpu.sort %masked_sort3A_2048, %select_n3A_2045 masked %masked_sort3A : (vector<16xi32>, vector<16xi32>, vector<16xi1>) -> (vector<16xi1>, vector<16xi32>, vector<16xi32>)
      %masked_sort3A_2052 = arith.xori %masked_sort3A_2050, %masked_sort3A_2047 : vector<16xi32>
      %shift_right_arithmetic3A = arith.constant 14 : i32
      %shift_right_arithmetic3A_2053 = vector.broadcast %shift_right_arithmetic3A : i32 to vector<16xi32>
      %shift_right_arithmetic3A_2054 = arith.shrsi %masked_sort3A_2052, %shift_right_arithmetic3A_2053 : vector<16xi32>
      %and3A_2055 = arith.constant 16383 : i32
      %and3A_2056 = vector.broadcast %and3A_2055 : i32 to vector<16xi32>
      %and3A_2057 = arith.andi %masked_sort3A_2052, %and3A_2056 : vector<16xi32>
      %ne3A_2058 = arith.cmpi ne, %masked_sort3A_2052, %broadcast_in_dim3A_5 : vector<16xi32>
      %broadcast_in_dim3A_2059 = vector.shape_cast %min3A_10 : vector<16xi32> to vector<16x1xi32>
      %gather3A = vector.shape_cast %broadcast_in_dim3A_2059 : vector<16x1xi32> to vector<16xi32>
      %gather3A_2060 = tpu.dynamic_gather %shift_right_arithmetic3A_2054[%gather3A] in [0] : vector<16xi32>, vector<16xi32> -> vector<16xi32>
      %ne3A_2061 = arith.cmpi ne, %shift_right_arithmetic3A_2054, %gather3A_2060 : vector<16xi32>
      %eq3A = arith.constant 15 : i32
      %eq3A_2062 = vector.broadcast %eq3A : i32 to vector<16xi32>
      %eq3A_2063 = arith.cmpi eq, %iota3A, %eq3A_2062 : vector<16xi32>
      %or3A = arith.ori %ne3A_2061, %eq3A_2063 : vector<16xi1>
      %sub3A_2064 = vector.broadcast %mul3A_2 : i32 to vector<16xi32>
      %sub3A_2065 = arith.subi %shift_right_arithmetic3A_2054, %sub3A_2064 : vector<16xi32>
      %and3A_2066 = arith.andi %ne3A_2058, %or3A : vector<16xi1>
      tpu.vector_store_idx %arg11[%sub3A_2065], %and3A_2057 masked %and3A_2066 : memref<2048xi32, #tpu.memory_space<vmem>>[vector<16xi32>], vector<16xi32>, vector<16xi1>
    }
    %scan3A_573 = arith.constant 32 : i32
    %dma_wait3A_574 = arith.constant 1 : i32
    %dma_wait3A_575 = arith.constant 0 : i32
    %dma_wait3A_576 = arith.constant 0 : i32
    %dma_wait3A_577 = tpu.memref_slice %arg15[%dma_wait3A_574, %dma_wait3A_575, %dma_wait3A_576] : memref<2x64x512xf32, #tpu.memory_space<vmem>> -> memref<1x64x512xf32, #tpu.memory_space<vmem>>
    %dma_wait3A_578 = tpu.memref_squeeze %dma_wait3A_577 : memref<1x64x512xf32, #tpu.memory_space<vmem>> -> memref<64x512xf32, #tpu.memory_space<vmem>>
    %dma_wait3A_579 = arith.constant 0 : i32
    %dma_wait3A_580 = tpu.memref_slice %arg2[%add3A_554, %dma_wait3A_579] : memref<65536x512xf32, #tpu.memory_space<hbm>> -> memref<64x512xf32, #tpu.memory_space<hbm>>
    %dma_wait3A_581 = arith.constant 0 : i32
    %dma_wait3A_582 = arith.constant 0 : i32
    %dma_wait3A_583 = tpu.memref_slice %arg15[%dma_wait3A_574, %dma_wait3A_581, %dma_wait3A_582] : memref<2x64x512xf32, #tpu.memory_space<vmem>> -> memref<1x64x512xf32, #tpu.memory_space<vmem>>
    %dma_wait3A_584 = tpu.memref_squeeze %dma_wait3A_583 : memref<1x64x512xf32, #tpu.memory_space<vmem>> -> memref<64x512xf32, #tpu.memory_space<vmem>>
    %dma_wait3A_585 = arith.constant 0 : i32
    %dma_wait3A_586 = tpu.memref_slice %arg2[%add3A_554, %dma_wait3A_585] : memref<65536x512xf32, #tpu.memory_space<hbm>> -> memref<64x512xf32, #tpu.memory_space<hbm>>
    tpu.wait_dma2 semaphore(%arg17 : memref<!tpu.dma_semaphore, #tpu.memory_space<semaphore_mem>>) src(%dma_wait3A_586 : memref<64x512xf32, #tpu.memory_space<hbm>>) dst(%dma_wait3A_584 : memref<64x512xf32, #tpu.memory_space<vmem>>)
    %add3A_587 = arith.constant 576 : i32
    %add3A_588 = arith.addi %mul3A_2, %add3A_587 : i32
    %dma_start3A_589 = arith.constant 1 : i32
    %dma_start3A_590 = arith.constant 0 : i32
    %dma_start3A_591 = arith.constant 0 : i32
    %dma_start3A_592 = tpu.memref_slice %arg15[%dma_start3A_589, %dma_start3A_590, %dma_start3A_591] : memref<2x64x512xf32, #tpu.memory_space<vmem>> -> memref<1x64x512xf32, #tpu.memory_space<vmem>>
    %dma_start3A_593 = tpu.memref_squeeze %dma_start3A_592 : memref<1x64x512xf32, #tpu.memory_space<vmem>> -> memref<64x512xf32, #tpu.memory_space<vmem>>
    %dma_start3A_594 = arith.constant 0 : i32
    %dma_start3A_595 = tpu.memref_slice %arg7[%add3A_588, %dma_start3A_594] : memref<65536x512xf32, #tpu.memory_space<hbm>> -> memref<64x512xf32, #tpu.memory_space<hbm>>
    %dma_start3A_596 = arith.constant 0 : i32
    %dma_start3A_597 = tpu.memref_slice %arg7[%add3A_588, %dma_start3A_596] : memref<65536x512xf32, #tpu.memory_space<hbm>> -> memref<64x512xf32, #tpu.memory_space<hbm>>
    %dma_start3A_598 = arith.constant 0 : i32
    %dma_start3A_599 = arith.constant 0 : i32
    %dma_start3A_600 = tpu.memref_slice %arg15[%dma_start3A_589, %dma_start3A_598, %dma_start3A_599] : memref<2x64x512xf32, #tpu.memory_space<vmem>> -> memref<1x64x512xf32, #tpu.memory_space<vmem>>
    %dma_start3A_601 = tpu.memref_squeeze %dma_start3A_600 : memref<1x64x512xf32, #tpu.memory_space<vmem>> -> memref<64x512xf32, #tpu.memory_space<vmem>>
    tpu.enqueue_dma source(%dma_start3A_601 : memref<64x512xf32, #tpu.memory_space<vmem>>) target(%dma_start3A_597 : memref<64x512xf32, #tpu.memory_space<hbm>>) target_semaphore(%arg16 : memref<!tpu.dma_semaphore, #tpu.memory_space<semaphore_mem>>)
    %dma_wait3A_602 = arith.constant 0 : i32
    %dma_wait3A_603 = arith.constant 0 : i32
    %dma_wait3A_604 = arith.constant 0 : i32
    %dma_wait3A_605 = tpu.memref_slice %arg15[%dma_wait3A_602, %dma_wait3A_603, %dma_wait3A_604] : memref<2x64x512xf32, #tpu.memory_space<vmem>> -> memref<1x64x512xf32, #tpu.memory_space<vmem>>
    %dma_wait3A_606 = tpu.memref_squeeze %dma_wait3A_605 : memref<1x64x512xf32, #tpu.memory_space<vmem>> -> memref<64x512xf32, #tpu.memory_space<vmem>>
    %dma_wait3A_607 = arith.constant 0 : i32
    %dma_wait3A_608 = tpu.memref_slice %arg7[%add3A_526, %dma_wait3A_607] : memref<65536x512xf32, #tpu.memory_space<hbm>> -> memref<64x512xf32, #tpu.memory_space<hbm>>
    %dma_wait3A_609 = arith.constant 0 : i32
    %dma_wait3A_610 = tpu.memref_slice %arg7[%add3A_526, %dma_wait3A_609] : memref<65536x512xf32, #tpu.memory_space<hbm>> -> memref<64x512xf32, #tpu.memory_space<hbm>>
    %dma_wait3A_611 = arith.constant 0 : i32
    %dma_wait3A_612 = arith.constant 0 : i32
    %dma_wait3A_613 = tpu.memref_slice %arg15[%dma_wait3A_602, %dma_wait3A_611, %dma_wait3A_612] : memref<2x64x512xf32, #tpu.memory_space<vmem>> -> memref<1x64x512xf32, #tpu.memory_space<vmem>>
    %dma_wait3A_614 = tpu.memref_squeeze %dma_wait3A_613 : memref<1x64x512xf32, #tpu.memory_space<vmem>> -> memref<64x512xf32, #tpu.memory_space<vmem>>
    tpu.wait_dma2 semaphore(%arg16 : memref<!tpu.dma_semaphore, #tpu.memory_space<semaphore_mem>>) src(%dma_wait3A_614 : memref<64x512xf32, #tpu.memory_space<vmem>>) dst(%dma_wait3A_610 : memref<64x512xf32, #tpu.memory_space<hbm>>)
    %add3A_615 = arith.constant 640 : i32
    %add3A_616 = arith.addi %mul3A_2, %add3A_615 : i32
    %dma_start3A_617 = arith.constant 0 : i32
    %dma_start3A_618 = arith.constant 0 : i32
    %dma_start3A_619 = arith.constant 0 : i32
    %dma_start3A_620 = tpu.memref_slice %arg15[%dma_start3A_617, %dma_start3A_618, %dma_start3A_619] : memref<2x64x512xf32, #tpu.memory_space<vmem>> -> memref<1x64x512xf32, #tpu.memory_space<vmem>>
    %dma_start3A_621 = tpu.memref_squeeze %dma_start3A_620 : memref<1x64x512xf32, #tpu.memory_space<vmem>> -> memref<64x512xf32, #tpu.memory_space<vmem>>
    %dma_start3A_622 = arith.constant 0 : i32
    %dma_start3A_623 = tpu.memref_slice %arg2[%add3A_616, %dma_start3A_622] : memref<65536x512xf32, #tpu.memory_space<hbm>> -> memref<64x512xf32, #tpu.memory_space<hbm>>
    %dma_start3A_624 = arith.constant 0 : i32
    %dma_start3A_625 = arith.constant 0 : i32
    %dma_start3A_626 = tpu.memref_slice %arg15[%dma_start3A_617, %dma_start3A_624, %dma_start3A_625] : memref<2x64x512xf32, #tpu.memory_space<vmem>> -> memref<1x64x512xf32, #tpu.memory_space<vmem>>
    %dma_start3A_627 = tpu.memref_squeeze %dma_start3A_626 : memref<1x64x512xf32, #tpu.memory_space<vmem>> -> memref<64x512xf32, #tpu.memory_space<vmem>>
    %dma_start3A_628 = arith.constant 0 : i32
    %dma_start3A_629 = tpu.memref_slice %arg2[%add3A_616, %dma_start3A_628] : memref<65536x512xf32, #tpu.memory_space<hbm>> -> memref<64x512xf32, #tpu.memory_space<hbm>>
    tpu.enqueue_dma source(%dma_start3A_629 : memref<64x512xf32, #tpu.memory_space<hbm>>) target(%dma_start3A_627 : memref<64x512xf32, #tpu.memory_space<vmem>>) target_semaphore(%arg17 : memref<!tpu.dma_semaphore, #tpu.memory_space<semaphore_mem>>)
    %scan3A_630 = arith.constant 0 : i32
    %scan3A_631 = arith.constant 288 : i32
    %scan3A_632 = arith.constant 32 : i32
    %scan3A_633 = arith.addi %scan3A_631, %scan3A_632 : i32
    %scan3A_634 = arith.constant 1 : i32
    scf.for %scan3A_2028 = %scan3A_631 to %scan3A_633 step %scan3A_634  : i32 {
      %mul3A_2029 = arith.constant 16 : i32
      %mul3A_2030 = arith.muli %scan3A_2028, %mul3A_2029 : i32
      %get3A = arith.index_cast %mul3A_2030 : i32 to index
      %get3A_2031 = tpu.vector_load %arg8[%get3A] {strides = array<i32>} : memref<16384xi32, #tpu.memory_space<vmem>>, vector<16xi32>,
      %mul3A_2032 = arith.constant 16 : i32
      %mul3A_2033 = arith.muli %scan3A_2028, %mul3A_2032 : i32
      %add3A_2034 = vector.broadcast %mul3A_2033 : i32 to vector<16xi32>
      %add3A_2035 = arith.addi %add3A_2034, %iota3A : vector<16xi32>
      %ge3A_2036 = vector.broadcast %mul3A_2 : i32 to vector<16xi32>
      %ge3A_2037 = arith.cmpi sge, %get3A_2031, %ge3A_2036 : vector<16xi32>
      %add3A_2038 = arith.constant 2048 : i32
      %add3A_2039 = arith.addi %mul3A_2, %add3A_2038 : i32
      %lt3A = vector.broadcast %add3A_2039 : i32 to vector<16xi32>
      %lt3A_2040 = arith.cmpi slt, %get3A_2031, %lt3A : vector<16xi32>
      %and3A_2041 = arith.andi %ge3A_2037, %lt3A_2040 : vector<16xi1>
      %shift_left3A = arith.constant 14 : i32
      %shift_left3A_2042 = vector.broadcast %shift_left3A : i32 to vector<16xi32>
      %shift_left3A_2043 = arith.shli %get3A_2031, %shift_left3A_2042 : vector<16xi32>
      %add3A_2044 = arith.addi %shift_left3A_2043, %add3A_2035 : vector<16xi32>
      %select_n3A_2045 = arith.select %and3A_2041, %add3A_2044, %broadcast_in_dim3A_5 : vector<16xi1>, vector<16xi32>
      %masked_sort3A = arith.constant dense<true> : vector<16xi1>
      %masked_sort3A_2046 = arith.constant -2147483648 : i32
      %masked_sort3A_2047 = vector.broadcast %masked_sort3A_2046 : i32 to vector<16xi32>
      %masked_sort3A_2048 = arith.xori %select_n3A_2045, %masked_sort3A_2047 : vector<16xi32>
      %masked_sort3A_2049, %masked_sort3A_2050, %masked_sort3A_2051 = tpu.sort %masked_sort3A_2048, %select_n3A_2045 masked %masked_sort3A : (vector<16xi32>, vector<16xi32>, vector<16xi1>) -> (vector<16xi1>, vector<16xi32>, vector<16xi32>)
      %masked_sort3A_2052 = arith.xori %masked_sort3A_2050, %masked_sort3A_2047 : vector<16xi32>
      %shift_right_arithmetic3A = arith.constant 14 : i32
      %shift_right_arithmetic3A_2053 = vector.broadcast %shift_right_arithmetic3A : i32 to vector<16xi32>
      %shift_right_arithmetic3A_2054 = arith.shrsi %masked_sort3A_2052, %shift_right_arithmetic3A_2053 : vector<16xi32>
      %and3A_2055 = arith.constant 16383 : i32
      %and3A_2056 = vector.broadcast %and3A_2055 : i32 to vector<16xi32>
      %and3A_2057 = arith.andi %masked_sort3A_2052, %and3A_2056 : vector<16xi32>
      %ne3A_2058 = arith.cmpi ne, %masked_sort3A_2052, %broadcast_in_dim3A_5 : vector<16xi32>
      %broadcast_in_dim3A_2059 = vector.shape_cast %min3A_10 : vector<16xi32> to vector<16x1xi32>
      %gather3A = vector.shape_cast %broadcast_in_dim3A_2059 : vector<16x1xi32> to vector<16xi32>
      %gather3A_2060 = tpu.dynamic_gather %shift_right_arithmetic3A_2054[%gather3A] in [0] : vector<16xi32>, vector<16xi32> -> vector<16xi32>
      %ne3A_2061 = arith.cmpi ne, %shift_right_arithmetic3A_2054, %gather3A_2060 : vector<16xi32>
      %eq3A = arith.constant 15 : i32
      %eq3A_2062 = vector.broadcast %eq3A : i32 to vector<16xi32>
      %eq3A_2063 = arith.cmpi eq, %iota3A, %eq3A_2062 : vector<16xi32>
      %or3A = arith.ori %ne3A_2061, %eq3A_2063 : vector<16xi1>
      %sub3A_2064 = vector.broadcast %mul3A_2 : i32 to vector<16xi32>
      %sub3A_2065 = arith.subi %shift_right_arithmetic3A_2054, %sub3A_2064 : vector<16xi32>
      %and3A_2066 = arith.andi %ne3A_2058, %or3A : vector<16xi1>
      tpu.vector_store_idx %arg11[%sub3A_2065], %and3A_2057 masked %and3A_2066 : memref<2048xi32, #tpu.memory_space<vmem>>[vector<16xi32>], vector<16xi32>, vector<16xi1>
    }
    %scan3A_635 = arith.constant 32 : i32
    %dma_wait3A_636 = arith.constant 0 : i32
    %dma_wait3A_637 = arith.constant 0 : i32
    %dma_wait3A_638 = arith.constant 0 : i32
    %dma_wait3A_639 = tpu.memref_slice %arg15[%dma_wait3A_636, %dma_wait3A_637, %dma_wait3A_638] : memref<2x64x512xf32, #tpu.memory_space<vmem>> -> memref<1x64x512xf32, #tpu.memory_space<vmem>>
    %dma_wait3A_640 = tpu.memref_squeeze %dma_wait3A_639 : memref<1x64x512xf32, #tpu.memory_space<vmem>> -> memref<64x512xf32, #tpu.memory_space<vmem>>
    %dma_wait3A_641 = arith.constant 0 : i32
    %dma_wait3A_642 = tpu.memref_slice %arg2[%add3A_616, %dma_wait3A_641] : memref<65536x512xf32, #tpu.memory_space<hbm>> -> memref<64x512xf32, #tpu.memory_space<hbm>>
    %dma_wait3A_643 = arith.constant 0 : i32
    %dma_wait3A_644 = arith.constant 0 : i32
    %dma_wait3A_645 = tpu.memref_slice %arg15[%dma_wait3A_636, %dma_wait3A_643, %dma_wait3A_644] : memref<2x64x512xf32, #tpu.memory_space<vmem>> -> memref<1x64x512xf32, #tpu.memory_space<vmem>>
    %dma_wait3A_646 = tpu.memref_squeeze %dma_wait3A_645 : memref<1x64x512xf32, #tpu.memory_space<vmem>> -> memref<64x512xf32, #tpu.memory_space<vmem>>
    %dma_wait3A_647 = arith.constant 0 : i32
    %dma_wait3A_648 = tpu.memref_slice %arg2[%add3A_616, %dma_wait3A_647] : memref<65536x512xf32, #tpu.memory_space<hbm>> -> memref<64x512xf32, #tpu.memory_space<hbm>>
    tpu.wait_dma2 semaphore(%arg17 : memref<!tpu.dma_semaphore, #tpu.memory_space<semaphore_mem>>) src(%dma_wait3A_648 : memref<64x512xf32, #tpu.memory_space<hbm>>) dst(%dma_wait3A_646 : memref<64x512xf32, #tpu.memory_space<vmem>>)
    %add3A_649 = arith.constant 640 : i32
    %add3A_650 = arith.addi %mul3A_2, %add3A_649 : i32
    %dma_start3A_651 = arith.constant 0 : i32
    %dma_start3A_652 = arith.constant 0 : i32
    %dma_start3A_653 = arith.constant 0 : i32
    %dma_start3A_654 = tpu.memref_slice %arg15[%dma_start3A_651, %dma_start3A_652, %dma_start3A_653] : memref<2x64x512xf32, #tpu.memory_space<vmem>> -> memref<1x64x512xf32, #tpu.memory_space<vmem>>
    %dma_start3A_655 = tpu.memref_squeeze %dma_start3A_654 : memref<1x64x512xf32, #tpu.memory_space<vmem>> -> memref<64x512xf32, #tpu.memory_space<vmem>>
    %dma_start3A_656 = arith.constant 0 : i32
    %dma_start3A_657 = tpu.memref_slice %arg7[%add3A_650, %dma_start3A_656] : memref<65536x512xf32, #tpu.memory_space<hbm>> -> memref<64x512xf32, #tpu.memory_space<hbm>>
    %dma_start3A_658 = arith.constant 0 : i32
    %dma_start3A_659 = tpu.memref_slice %arg7[%add3A_650, %dma_start3A_658] : memref<65536x512xf32, #tpu.memory_space<hbm>> -> memref<64x512xf32, #tpu.memory_space<hbm>>
    %dma_start3A_660 = arith.constant 0 : i32
    %dma_start3A_661 = arith.constant 0 : i32
    %dma_start3A_662 = tpu.memref_slice %arg15[%dma_start3A_651, %dma_start3A_660, %dma_start3A_661] : memref<2x64x512xf32, #tpu.memory_space<vmem>> -> memref<1x64x512xf32, #tpu.memory_space<vmem>>
    %dma_start3A_663 = tpu.memref_squeeze %dma_start3A_662 : memref<1x64x512xf32, #tpu.memory_space<vmem>> -> memref<64x512xf32, #tpu.memory_space<vmem>>
    tpu.enqueue_dma source(%dma_start3A_663 : memref<64x512xf32, #tpu.memory_space<vmem>>) target(%dma_start3A_659 : memref<64x512xf32, #tpu.memory_space<hbm>>) target_semaphore(%arg16 : memref<!tpu.dma_semaphore, #tpu.memory_space<semaphore_mem>>)
    %dma_wait3A_664 = arith.constant 1 : i32
    %dma_wait3A_665 = arith.constant 0 : i32
    %dma_wait3A_666 = arith.constant 0 : i32
    %dma_wait3A_667 = tpu.memref_slice %arg15[%dma_wait3A_664, %dma_wait3A_665, %dma_wait3A_666] : memref<2x64x512xf32, #tpu.memory_space<vmem>> -> memref<1x64x512xf32, #tpu.memory_space<vmem>>
    %dma_wait3A_668 = tpu.memref_squeeze %dma_wait3A_667 : memref<1x64x512xf32, #tpu.memory_space<vmem>> -> memref<64x512xf32, #tpu.memory_space<vmem>>
    %dma_wait3A_669 = arith.constant 0 : i32
    %dma_wait3A_670 = tpu.memref_slice %arg7[%add3A_588, %dma_wait3A_669] : memref<65536x512xf32, #tpu.memory_space<hbm>> -> memref<64x512xf32, #tpu.memory_space<hbm>>
    %dma_wait3A_671 = arith.constant 0 : i32
    %dma_wait3A_672 = tpu.memref_slice %arg7[%add3A_588, %dma_wait3A_671] : memref<65536x512xf32, #tpu.memory_space<hbm>> -> memref<64x512xf32, #tpu.memory_space<hbm>>
    %dma_wait3A_673 = arith.constant 0 : i32
    %dma_wait3A_674 = arith.constant 0 : i32
    %dma_wait3A_675 = tpu.memref_slice %arg15[%dma_wait3A_664, %dma_wait3A_673, %dma_wait3A_674] : memref<2x64x512xf32, #tpu.memory_space<vmem>> -> memref<1x64x512xf32, #tpu.memory_space<vmem>>
    %dma_wait3A_676 = tpu.memref_squeeze %dma_wait3A_675 : memref<1x64x512xf32, #tpu.memory_space<vmem>> -> memref<64x512xf32, #tpu.memory_space<vmem>>
    tpu.wait_dma2 semaphore(%arg16 : memref<!tpu.dma_semaphore, #tpu.memory_space<semaphore_mem>>) src(%dma_wait3A_676 : memref<64x512xf32, #tpu.memory_space<vmem>>) dst(%dma_wait3A_672 : memref<64x512xf32, #tpu.memory_space<hbm>>)
    %add3A_677 = arith.constant 704 : i32
    %add3A_678 = arith.addi %mul3A_2, %add3A_677 : i32
    %dma_start3A_679 = arith.constant 1 : i32
    %dma_start3A_680 = arith.constant 0 : i32
    %dma_start3A_681 = arith.constant 0 : i32
    %dma_start3A_682 = tpu.memref_slice %arg15[%dma_start3A_679, %dma_start3A_680, %dma_start3A_681] : memref<2x64x512xf32, #tpu.memory_space<vmem>> -> memref<1x64x512xf32, #tpu.memory_space<vmem>>
    %dma_start3A_683 = tpu.memref_squeeze %dma_start3A_682 : memref<1x64x512xf32, #tpu.memory_space<vmem>> -> memref<64x512xf32, #tpu.memory_space<vmem>>
    %dma_start3A_684 = arith.constant 0 : i32
    %dma_start3A_685 = tpu.memref_slice %arg2[%add3A_678, %dma_start3A_684] : memref<65536x512xf32, #tpu.memory_space<hbm>> -> memref<64x512xf32, #tpu.memory_space<hbm>>
    %dma_start3A_686 = arith.constant 0 : i32
    %dma_start3A_687 = arith.constant 0 : i32
    %dma_start3A_688 = tpu.memref_slice %arg15[%dma_start3A_679, %dma_start3A_686, %dma_start3A_687] : memref<2x64x512xf32, #tpu.memory_space<vmem>> -> memref<1x64x512xf32, #tpu.memory_space<vmem>>
    %dma_start3A_689 = tpu.memref_squeeze %dma_start3A_688 : memref<1x64x512xf32, #tpu.memory_space<vmem>> -> memref<64x512xf32, #tpu.memory_space<vmem>>
    %dma_start3A_690 = arith.constant 0 : i32
    %dma_start3A_691 = tpu.memref_slice %arg2[%add3A_678, %dma_start3A_690] : memref<65536x512xf32, #tpu.memory_space<hbm>> -> memref<64x512xf32, #tpu.memory_space<hbm>>
    tpu.enqueue_dma source(%dma_start3A_691 : memref<64x512xf32, #tpu.memory_space<hbm>>) target(%dma_start3A_689 : memref<64x512xf32, #tpu.memory_space<vmem>>) target_semaphore(%arg17 : memref<!tpu.dma_semaphore, #tpu.memory_space<semaphore_mem>>)
    %scan3A_692 = arith.constant 0 : i32
    %scan3A_693 = arith.constant 320 : i32
    %scan3A_694 = arith.constant 32 : i32
    %scan3A_695 = arith.addi %scan3A_693, %scan3A_694 : i32
    %scan3A_696 = arith.constant 1 : i32
    scf.for %scan3A_2028 = %scan3A_693 to %scan3A_695 step %scan3A_696  : i32 {
      %mul3A_2029 = arith.constant 16 : i32
      %mul3A_2030 = arith.muli %scan3A_2028, %mul3A_2029 : i32
      %get3A = arith.index_cast %mul3A_2030 : i32 to index
      %get3A_2031 = tpu.vector_load %arg8[%get3A] {strides = array<i32>} : memref<16384xi32, #tpu.memory_space<vmem>>, vector<16xi32>,
      %mul3A_2032 = arith.constant 16 : i32
      %mul3A_2033 = arith.muli %scan3A_2028, %mul3A_2032 : i32
      %add3A_2034 = vector.broadcast %mul3A_2033 : i32 to vector<16xi32>
      %add3A_2035 = arith.addi %add3A_2034, %iota3A : vector<16xi32>
      %ge3A_2036 = vector.broadcast %mul3A_2 : i32 to vector<16xi32>
      %ge3A_2037 = arith.cmpi sge, %get3A_2031, %ge3A_2036 : vector<16xi32>
      %add3A_2038 = arith.constant 2048 : i32
      %add3A_2039 = arith.addi %mul3A_2, %add3A_2038 : i32
      %lt3A = vector.broadcast %add3A_2039 : i32 to vector<16xi32>
      %lt3A_2040 = arith.cmpi slt, %get3A_2031, %lt3A : vector<16xi32>
      %and3A_2041 = arith.andi %ge3A_2037, %lt3A_2040 : vector<16xi1>
      %shift_left3A = arith.constant 14 : i32
      %shift_left3A_2042 = vector.broadcast %shift_left3A : i32 to vector<16xi32>
      %shift_left3A_2043 = arith.shli %get3A_2031, %shift_left3A_2042 : vector<16xi32>
      %add3A_2044 = arith.addi %shift_left3A_2043, %add3A_2035 : vector<16xi32>
      %select_n3A_2045 = arith.select %and3A_2041, %add3A_2044, %broadcast_in_dim3A_5 : vector<16xi1>, vector<16xi32>
      %masked_sort3A = arith.constant dense<true> : vector<16xi1>
      %masked_sort3A_2046 = arith.constant -2147483648 : i32
      %masked_sort3A_2047 = vector.broadcast %masked_sort3A_2046 : i32 to vector<16xi32>
      %masked_sort3A_2048 = arith.xori %select_n3A_2045, %masked_sort3A_2047 : vector<16xi32>
      %masked_sort3A_2049, %masked_sort3A_2050, %masked_sort3A_2051 = tpu.sort %masked_sort3A_2048, %select_n3A_2045 masked %masked_sort3A : (vector<16xi32>, vector<16xi32>, vector<16xi1>) -> (vector<16xi1>, vector<16xi32>, vector<16xi32>)
      %masked_sort3A_2052 = arith.xori %masked_sort3A_2050, %masked_sort3A_2047 : vector<16xi32>
      %shift_right_arithmetic3A = arith.constant 14 : i32
      %shift_right_arithmetic3A_2053 = vector.broadcast %shift_right_arithmetic3A : i32 to vector<16xi32>
      %shift_right_arithmetic3A_2054 = arith.shrsi %masked_sort3A_2052, %shift_right_arithmetic3A_2053 : vector<16xi32>
      %and3A_2055 = arith.constant 16383 : i32
      %and3A_2056 = vector.broadcast %and3A_2055 : i32 to vector<16xi32>
      %and3A_2057 = arith.andi %masked_sort3A_2052, %and3A_2056 : vector<16xi32>
      %ne3A_2058 = arith.cmpi ne, %masked_sort3A_2052, %broadcast_in_dim3A_5 : vector<16xi32>
      %broadcast_in_dim3A_2059 = vector.shape_cast %min3A_10 : vector<16xi32> to vector<16x1xi32>
      %gather3A = vector.shape_cast %broadcast_in_dim3A_2059 : vector<16x1xi32> to vector<16xi32>
      %gather3A_2060 = tpu.dynamic_gather %shift_right_arithmetic3A_2054[%gather3A] in [0] : vector<16xi32>, vector<16xi32> -> vector<16xi32>
      %ne3A_2061 = arith.cmpi ne, %shift_right_arithmetic3A_2054, %gather3A_2060 : vector<16xi32>
      %eq3A = arith.constant 15 : i32
      %eq3A_2062 = vector.broadcast %eq3A : i32 to vector<16xi32>
      %eq3A_2063 = arith.cmpi eq, %iota3A, %eq3A_2062 : vector<16xi32>
      %or3A = arith.ori %ne3A_2061, %eq3A_2063 : vector<16xi1>
      %sub3A_2064 = vector.broadcast %mul3A_2 : i32 to vector<16xi32>
      %sub3A_2065 = arith.subi %shift_right_arithmetic3A_2054, %sub3A_2064 : vector<16xi32>
      %and3A_2066 = arith.andi %ne3A_2058, %or3A : vector<16xi1>
      tpu.vector_store_idx %arg11[%sub3A_2065], %and3A_2057 masked %and3A_2066 : memref<2048xi32, #tpu.memory_space<vmem>>[vector<16xi32>], vector<16xi32>, vector<16xi1>
    }
    %scan3A_697 = arith.constant 32 : i32
    %dma_wait3A_698 = arith.constant 1 : i32
    %dma_wait3A_699 = arith.constant 0 : i32
    %dma_wait3A_700 = arith.constant 0 : i32
    %dma_wait3A_701 = tpu.memref_slice %arg15[%dma_wait3A_698, %dma_wait3A_699, %dma_wait3A_700] : memref<2x64x512xf32, #tpu.memory_space<vmem>> -> memref<1x64x512xf32, #tpu.memory_space<vmem>>
    %dma_wait3A_702 = tpu.memref_squeeze %dma_wait3A_701 : memref<1x64x512xf32, #tpu.memory_space<vmem>> -> memref<64x512xf32, #tpu.memory_space<vmem>>
    %dma_wait3A_703 = arith.constant 0 : i32
    %dma_wait3A_704 = tpu.memref_slice %arg2[%add3A_678, %dma_wait3A_703] : memref<65536x512xf32, #tpu.memory_space<hbm>> -> memref<64x512xf32, #tpu.memory_space<hbm>>
    %dma_wait3A_705 = arith.constant 0 : i32
    %dma_wait3A_706 = arith.constant 0 : i32
    %dma_wait3A_707 = tpu.memref_slice %arg15[%dma_wait3A_698, %dma_wait3A_705, %dma_wait3A_706] : memref<2x64x512xf32, #tpu.memory_space<vmem>> -> memref<1x64x512xf32, #tpu.memory_space<vmem>>
    %dma_wait3A_708 = tpu.memref_squeeze %dma_wait3A_707 : memref<1x64x512xf32, #tpu.memory_space<vmem>> -> memref<64x512xf32, #tpu.memory_space<vmem>>
    %dma_wait3A_709 = arith.constant 0 : i32
    %dma_wait3A_710 = tpu.memref_slice %arg2[%add3A_678, %dma_wait3A_709] : memref<65536x512xf32, #tpu.memory_space<hbm>> -> memref<64x512xf32, #tpu.memory_space<hbm>>
    tpu.wait_dma2 semaphore(%arg17 : memref<!tpu.dma_semaphore, #tpu.memory_space<semaphore_mem>>) src(%dma_wait3A_710 : memref<64x512xf32, #tpu.memory_space<hbm>>) dst(%dma_wait3A_708 : memref<64x512xf32, #tpu.memory_space<vmem>>)
    %add3A_711 = arith.constant 704 : i32
    %add3A_712 = arith.addi %mul3A_2, %add3A_711 : i32
    %dma_start3A_713 = arith.constant 1 : i32
    %dma_start3A_714 = arith.constant 0 : i32
    %dma_start3A_715 = arith.constant 0 : i32
    %dma_start3A_716 = tpu.memref_slice %arg15[%dma_start3A_713, %dma_start3A_714, %dma_start3A_715] : memref<2x64x512xf32, #tpu.memory_space<vmem>> -> memref<1x64x512xf32, #tpu.memory_space<vmem>>
    %dma_start3A_717 = tpu.memref_squeeze %dma_start3A_716 : memref<1x64x512xf32, #tpu.memory_space<vmem>> -> memref<64x512xf32, #tpu.memory_space<vmem>>
    %dma_start3A_718 = arith.constant 0 : i32
    %dma_start3A_719 = tpu.memref_slice %arg7[%add3A_712, %dma_start3A_718] : memref<65536x512xf32, #tpu.memory_space<hbm>> -> memref<64x512xf32, #tpu.memory_space<hbm>>
    %dma_start3A_720 = arith.constant 0 : i32
    %dma_start3A_721 = tpu.memref_slice %arg7[%add3A_712, %dma_start3A_720] : memref<65536x512xf32, #tpu.memory_space<hbm>> -> memref<64x512xf32, #tpu.memory_space<hbm>>
    %dma_start3A_722 = arith.constant 0 : i32
    %dma_start3A_723 = arith.constant 0 : i32
    %dma_start3A_724 = tpu.memref_slice %arg15[%dma_start3A_713, %dma_start3A_722, %dma_start3A_723] : memref<2x64x512xf32, #tpu.memory_space<vmem>> -> memref<1x64x512xf32, #tpu.memory_space<vmem>>
    %dma_start3A_725 = tpu.memref_squeeze %dma_start3A_724 : memref<1x64x512xf32, #tpu.memory_space<vmem>> -> memref<64x512xf32, #tpu.memory_space<vmem>>
    tpu.enqueue_dma source(%dma_start3A_725 : memref<64x512xf32, #tpu.memory_space<vmem>>) target(%dma_start3A_721 : memref<64x512xf32, #tpu.memory_space<hbm>>) target_semaphore(%arg16 : memref<!tpu.dma_semaphore, #tpu.memory_space<semaphore_mem>>)
    %dma_wait3A_726 = arith.constant 0 : i32
    %dma_wait3A_727 = arith.constant 0 : i32
    %dma_wait3A_728 = arith.constant 0 : i32
    %dma_wait3A_729 = tpu.memref_slice %arg15[%dma_wait3A_726, %dma_wait3A_727, %dma_wait3A_728] : memref<2x64x512xf32, #tpu.memory_space<vmem>> -> memref<1x64x512xf32, #tpu.memory_space<vmem>>
    %dma_wait3A_730 = tpu.memref_squeeze %dma_wait3A_729 : memref<1x64x512xf32, #tpu.memory_space<vmem>> -> memref<64x512xf32, #tpu.memory_space<vmem>>
    %dma_wait3A_731 = arith.constant 0 : i32
    %dma_wait3A_732 = tpu.memref_slice %arg7[%add3A_650, %dma_wait3A_731] : memref<65536x512xf32, #tpu.memory_space<hbm>> -> memref<64x512xf32, #tpu.memory_space<hbm>>
    %dma_wait3A_733 = arith.constant 0 : i32
    %dma_wait3A_734 = tpu.memref_slice %arg7[%add3A_650, %dma_wait3A_733] : memref<65536x512xf32, #tpu.memory_space<hbm>> -> memref<64x512xf32, #tpu.memory_space<hbm>>
    %dma_wait3A_735 = arith.constant 0 : i32
    %dma_wait3A_736 = arith.constant 0 : i32
    %dma_wait3A_737 = tpu.memref_slice %arg15[%dma_wait3A_726, %dma_wait3A_735, %dma_wait3A_736] : memref<2x64x512xf32, #tpu.memory_space<vmem>> -> memref<1x64x512xf32, #tpu.memory_space<vmem>>
    %dma_wait3A_738 = tpu.memref_squeeze %dma_wait3A_737 : memref<1x64x512xf32, #tpu.memory_space<vmem>> -> memref<64x512xf32, #tpu.memory_space<vmem>>
    tpu.wait_dma2 semaphore(%arg16 : memref<!tpu.dma_semaphore, #tpu.memory_space<semaphore_mem>>) src(%dma_wait3A_738 : memref<64x512xf32, #tpu.memory_space<vmem>>) dst(%dma_wait3A_734 : memref<64x512xf32, #tpu.memory_space<hbm>>)
    %add3A_739 = arith.constant 768 : i32
    %add3A_740 = arith.addi %mul3A_2, %add3A_739 : i32
    %dma_start3A_741 = arith.constant 0 : i32
    %dma_start3A_742 = arith.constant 0 : i32
    %dma_start3A_743 = arith.constant 0 : i32
    %dma_start3A_744 = tpu.memref_slice %arg15[%dma_start3A_741, %dma_start3A_742, %dma_start3A_743] : memref<2x64x512xf32, #tpu.memory_space<vmem>> -> memref<1x64x512xf32, #tpu.memory_space<vmem>>
    %dma_start3A_745 = tpu.memref_squeeze %dma_start3A_744 : memref<1x64x512xf32, #tpu.memory_space<vmem>> -> memref<64x512xf32, #tpu.memory_space<vmem>>
    %dma_start3A_746 = arith.constant 0 : i32
    %dma_start3A_747 = tpu.memref_slice %arg2[%add3A_740, %dma_start3A_746] : memref<65536x512xf32, #tpu.memory_space<hbm>> -> memref<64x512xf32, #tpu.memory_space<hbm>>
    %dma_start3A_748 = arith.constant 0 : i32
    %dma_start3A_749 = arith.constant 0 : i32
    %dma_start3A_750 = tpu.memref_slice %arg15[%dma_start3A_741, %dma_start3A_748, %dma_start3A_749] : memref<2x64x512xf32, #tpu.memory_space<vmem>> -> memref<1x64x512xf32, #tpu.memory_space<vmem>>
    %dma_start3A_751 = tpu.memref_squeeze %dma_start3A_750 : memref<1x64x512xf32, #tpu.memory_space<vmem>> -> memref<64x512xf32, #tpu.memory_space<vmem>>
    %dma_start3A_752 = arith.constant 0 : i32
    %dma_start3A_753 = tpu.memref_slice %arg2[%add3A_740, %dma_start3A_752] : memref<65536x512xf32, #tpu.memory_space<hbm>> -> memref<64x512xf32, #tpu.memory_space<hbm>>
    tpu.enqueue_dma source(%dma_start3A_753 : memref<64x512xf32, #tpu.memory_space<hbm>>) target(%dma_start3A_751 : memref<64x512xf32, #tpu.memory_space<vmem>>) target_semaphore(%arg17 : memref<!tpu.dma_semaphore, #tpu.memory_space<semaphore_mem>>)
    %scan3A_754 = arith.constant 0 : i32
    %scan3A_755 = arith.constant 352 : i32
    %scan3A_756 = arith.constant 32 : i32
    %scan3A_757 = arith.addi %scan3A_755, %scan3A_756 : i32
    %scan3A_758 = arith.constant 1 : i32
    scf.for %scan3A_2028 = %scan3A_755 to %scan3A_757 step %scan3A_758  : i32 {
      %mul3A_2029 = arith.constant 16 : i32
      %mul3A_2030 = arith.muli %scan3A_2028, %mul3A_2029 : i32
      %get3A = arith.index_cast %mul3A_2030 : i32 to index
      %get3A_2031 = tpu.vector_load %arg8[%get3A] {strides = array<i32>} : memref<16384xi32, #tpu.memory_space<vmem>>, vector<16xi32>,
      %mul3A_2032 = arith.constant 16 : i32
      %mul3A_2033 = arith.muli %scan3A_2028, %mul3A_2032 : i32
      %add3A_2034 = vector.broadcast %mul3A_2033 : i32 to vector<16xi32>
      %add3A_2035 = arith.addi %add3A_2034, %iota3A : vector<16xi32>
      %ge3A_2036 = vector.broadcast %mul3A_2 : i32 to vector<16xi32>
      %ge3A_2037 = arith.cmpi sge, %get3A_2031, %ge3A_2036 : vector<16xi32>
      %add3A_2038 = arith.constant 2048 : i32
      %add3A_2039 = arith.addi %mul3A_2, %add3A_2038 : i32
      %lt3A = vector.broadcast %add3A_2039 : i32 to vector<16xi32>
      %lt3A_2040 = arith.cmpi slt, %get3A_2031, %lt3A : vector<16xi32>
      %and3A_2041 = arith.andi %ge3A_2037, %lt3A_2040 : vector<16xi1>
      %shift_left3A = arith.constant 14 : i32
      %shift_left3A_2042 = vector.broadcast %shift_left3A : i32 to vector<16xi32>
      %shift_left3A_2043 = arith.shli %get3A_2031, %shift_left3A_2042 : vector<16xi32>
      %add3A_2044 = arith.addi %shift_left3A_2043, %add3A_2035 : vector<16xi32>
      %select_n3A_2045 = arith.select %and3A_2041, %add3A_2044, %broadcast_in_dim3A_5 : vector<16xi1>, vector<16xi32>
      %masked_sort3A = arith.constant dense<true> : vector<16xi1>
      %masked_sort3A_2046 = arith.constant -2147483648 : i32
      %masked_sort3A_2047 = vector.broadcast %masked_sort3A_2046 : i32 to vector<16xi32>
      %masked_sort3A_2048 = arith.xori %select_n3A_2045, %masked_sort3A_2047 : vector<16xi32>
      %masked_sort3A_2049, %masked_sort3A_2050, %masked_sort3A_2051 = tpu.sort %masked_sort3A_2048, %select_n3A_2045 masked %masked_sort3A : (vector<16xi32>, vector<16xi32>, vector<16xi1>) -> (vector<16xi1>, vector<16xi32>, vector<16xi32>)
      %masked_sort3A_2052 = arith.xori %masked_sort3A_2050, %masked_sort3A_2047 : vector<16xi32>
      %shift_right_arithmetic3A = arith.constant 14 : i32
      %shift_right_arithmetic3A_2053 = vector.broadcast %shift_right_arithmetic3A : i32 to vector<16xi32>
      %shift_right_arithmetic3A_2054 = arith.shrsi %masked_sort3A_2052, %shift_right_arithmetic3A_2053 : vector<16xi32>
      %and3A_2055 = arith.constant 16383 : i32
      %and3A_2056 = vector.broadcast %and3A_2055 : i32 to vector<16xi32>
      %and3A_2057 = arith.andi %masked_sort3A_2052, %and3A_2056 : vector<16xi32>
      %ne3A_2058 = arith.cmpi ne, %masked_sort3A_2052, %broadcast_in_dim3A_5 : vector<16xi32>
      %broadcast_in_dim3A_2059 = vector.shape_cast %min3A_10 : vector<16xi32> to vector<16x1xi32>
      %gather3A = vector.shape_cast %broadcast_in_dim3A_2059 : vector<16x1xi32> to vector<16xi32>
      %gather3A_2060 = tpu.dynamic_gather %shift_right_arithmetic3A_2054[%gather3A] in [0] : vector<16xi32>, vector<16xi32> -> vector<16xi32>
      %ne3A_2061 = arith.cmpi ne, %shift_right_arithmetic3A_2054, %gather3A_2060 : vector<16xi32>
      %eq3A = arith.constant 15 : i32
      %eq3A_2062 = vector.broadcast %eq3A : i32 to vector<16xi32>
      %eq3A_2063 = arith.cmpi eq, %iota3A, %eq3A_2062 : vector<16xi32>
      %or3A = arith.ori %ne3A_2061, %eq3A_2063 : vector<16xi1>
      %sub3A_2064 = vector.broadcast %mul3A_2 : i32 to vector<16xi32>
      %sub3A_2065 = arith.subi %shift_right_arithmetic3A_2054, %sub3A_2064 : vector<16xi32>
      %and3A_2066 = arith.andi %ne3A_2058, %or3A : vector<16xi1>
      tpu.vector_store_idx %arg11[%sub3A_2065], %and3A_2057 masked %and3A_2066 : memref<2048xi32, #tpu.memory_space<vmem>>[vector<16xi32>], vector<16xi32>, vector<16xi1>
    }
    %scan3A_759 = arith.constant 32 : i32
    %dma_wait3A_760 = arith.constant 0 : i32
    %dma_wait3A_761 = arith.constant 0 : i32
    %dma_wait3A_762 = arith.constant 0 : i32
    %dma_wait3A_763 = tpu.memref_slice %arg15[%dma_wait3A_760, %dma_wait3A_761, %dma_wait3A_762] : memref<2x64x512xf32, #tpu.memory_space<vmem>> -> memref<1x64x512xf32, #tpu.memory_space<vmem>>
    %dma_wait3A_764 = tpu.memref_squeeze %dma_wait3A_763 : memref<1x64x512xf32, #tpu.memory_space<vmem>> -> memref<64x512xf32, #tpu.memory_space<vmem>>
    %dma_wait3A_765 = arith.constant 0 : i32
    %dma_wait3A_766 = tpu.memref_slice %arg2[%add3A_740, %dma_wait3A_765] : memref<65536x512xf32, #tpu.memory_space<hbm>> -> memref<64x512xf32, #tpu.memory_space<hbm>>
    %dma_wait3A_767 = arith.constant 0 : i32
    %dma_wait3A_768 = arith.constant 0 : i32
    %dma_wait3A_769 = tpu.memref_slice %arg15[%dma_wait3A_760, %dma_wait3A_767, %dma_wait3A_768] : memref<2x64x512xf32, #tpu.memory_space<vmem>> -> memref<1x64x512xf32, #tpu.memory_space<vmem>>
    %dma_wait3A_770 = tpu.memref_squeeze %dma_wait3A_769 : memref<1x64x512xf32, #tpu.memory_space<vmem>> -> memref<64x512xf32, #tpu.memory_space<vmem>>
    %dma_wait3A_771 = arith.constant 0 : i32
    %dma_wait3A_772 = tpu.memref_slice %arg2[%add3A_740, %dma_wait3A_771] : memref<65536x512xf32, #tpu.memory_space<hbm>> -> memref<64x512xf32, #tpu.memory_space<hbm>>
    tpu.wait_dma2 semaphore(%arg17 : memref<!tpu.dma_semaphore, #tpu.memory_space<semaphore_mem>>) src(%dma_wait3A_772 : memref<64x512xf32, #tpu.memory_space<hbm>>) dst(%dma_wait3A_770 : memref<64x512xf32, #tpu.memory_space<vmem>>)
    %add3A_773 = arith.constant 768 : i32
    %add3A_774 = arith.addi %mul3A_2, %add3A_773 : i32
    %dma_start3A_775 = arith.constant 0 : i32
    %dma_start3A_776 = arith.constant 0 : i32
    %dma_start3A_777 = arith.constant 0 : i32
    %dma_start3A_778 = tpu.memref_slice %arg15[%dma_start3A_775, %dma_start3A_776, %dma_start3A_777] : memref<2x64x512xf32, #tpu.memory_space<vmem>> -> memref<1x64x512xf32, #tpu.memory_space<vmem>>
    %dma_start3A_779 = tpu.memref_squeeze %dma_start3A_778 : memref<1x64x512xf32, #tpu.memory_space<vmem>> -> memref<64x512xf32, #tpu.memory_space<vmem>>
    %dma_start3A_780 = arith.constant 0 : i32
    %dma_start3A_781 = tpu.memref_slice %arg7[%add3A_774, %dma_start3A_780] : memref<65536x512xf32, #tpu.memory_space<hbm>> -> memref<64x512xf32, #tpu.memory_space<hbm>>
    %dma_start3A_782 = arith.constant 0 : i32
    %dma_start3A_783 = tpu.memref_slice %arg7[%add3A_774, %dma_start3A_782] : memref<65536x512xf32, #tpu.memory_space<hbm>> -> memref<64x512xf32, #tpu.memory_space<hbm>>
    %dma_start3A_784 = arith.constant 0 : i32
    %dma_start3A_785 = arith.constant 0 : i32
    %dma_start3A_786 = tpu.memref_slice %arg15[%dma_start3A_775, %dma_start3A_784, %dma_start3A_785] : memref<2x64x512xf32, #tpu.memory_space<vmem>> -> memref<1x64x512xf32, #tpu.memory_space<vmem>>
    %dma_start3A_787 = tpu.memref_squeeze %dma_start3A_786 : memref<1x64x512xf32, #tpu.memory_space<vmem>> -> memref<64x512xf32, #tpu.memory_space<vmem>>
    tpu.enqueue_dma source(%dma_start3A_787 : memref<64x512xf32, #tpu.memory_space<vmem>>) target(%dma_start3A_783 : memref<64x512xf32, #tpu.memory_space<hbm>>) target_semaphore(%arg16 : memref<!tpu.dma_semaphore, #tpu.memory_space<semaphore_mem>>)
    %dma_wait3A_788 = arith.constant 1 : i32
    %dma_wait3A_789 = arith.constant 0 : i32
    %dma_wait3A_790 = arith.constant 0 : i32
    %dma_wait3A_791 = tpu.memref_slice %arg15[%dma_wait3A_788, %dma_wait3A_789, %dma_wait3A_790] : memref<2x64x512xf32, #tpu.memory_space<vmem>> -> memref<1x64x512xf32, #tpu.memory_space<vmem>>
    %dma_wait3A_792 = tpu.memref_squeeze %dma_wait3A_791 : memref<1x64x512xf32, #tpu.memory_space<vmem>> -> memref<64x512xf32, #tpu.memory_space<vmem>>
    %dma_wait3A_793 = arith.constant 0 : i32
    %dma_wait3A_794 = tpu.memref_slice %arg7[%add3A_712, %dma_wait3A_793] : memref<65536x512xf32, #tpu.memory_space<hbm>> -> memref<64x512xf32, #tpu.memory_space<hbm>>
    %dma_wait3A_795 = arith.constant 0 : i32
    %dma_wait3A_796 = tpu.memref_slice %arg7[%add3A_712, %dma_wait3A_795] : memref<65536x512xf32, #tpu.memory_space<hbm>> -> memref<64x512xf32, #tpu.memory_space<hbm>>
    %dma_wait3A_797 = arith.constant 0 : i32
    %dma_wait3A_798 = arith.constant 0 : i32
    %dma_wait3A_799 = tpu.memref_slice %arg15[%dma_wait3A_788, %dma_wait3A_797, %dma_wait3A_798] : memref<2x64x512xf32, #tpu.memory_space<vmem>> -> memref<1x64x512xf32, #tpu.memory_space<vmem>>
    %dma_wait3A_800 = tpu.memref_squeeze %dma_wait3A_799 : memref<1x64x512xf32, #tpu.memory_space<vmem>> -> memref<64x512xf32, #tpu.memory_space<vmem>>
    tpu.wait_dma2 semaphore(%arg16 : memref<!tpu.dma_semaphore, #tpu.memory_space<semaphore_mem>>) src(%dma_wait3A_800 : memref<64x512xf32, #tpu.memory_space<vmem>>) dst(%dma_wait3A_796 : memref<64x512xf32, #tpu.memory_space<hbm>>)
    %add3A_801 = arith.constant 832 : i32
    %add3A_802 = arith.addi %mul3A_2, %add3A_801 : i32
    %dma_start3A_803 = arith.constant 1 : i32
    %dma_start3A_804 = arith.constant 0 : i32
    %dma_start3A_805 = arith.constant 0 : i32
    %dma_start3A_806 = tpu.memref_slice %arg15[%dma_start3A_803, %dma_start3A_804, %dma_start3A_805] : memref<2x64x512xf32, #tpu.memory_space<vmem>> -> memref<1x64x512xf32, #tpu.memory_space<vmem>>
    %dma_start3A_807 = tpu.memref_squeeze %dma_start3A_806 : memref<1x64x512xf32, #tpu.memory_space<vmem>> -> memref<64x512xf32, #tpu.memory_space<vmem>>
    %dma_start3A_808 = arith.constant 0 : i32
    %dma_start3A_809 = tpu.memref_slice %arg2[%add3A_802, %dma_start3A_808] : memref<65536x512xf32, #tpu.memory_space<hbm>> -> memref<64x512xf32, #tpu.memory_space<hbm>>
    %dma_start3A_810 = arith.constant 0 : i32
    %dma_start3A_811 = arith.constant 0 : i32
    %dma_start3A_812 = tpu.memref_slice %arg15[%dma_start3A_803, %dma_start3A_810, %dma_start3A_811] : memref<2x64x512xf32, #tpu.memory_space<vmem>> -> memref<1x64x512xf32, #tpu.memory_space<vmem>>
    %dma_start3A_813 = tpu.memref_squeeze %dma_start3A_812 : memref<1x64x512xf32, #tpu.memory_space<vmem>> -> memref<64x512xf32, #tpu.memory_space<vmem>>
    %dma_start3A_814 = arith.constant 0 : i32
    %dma_start3A_815 = tpu.memref_slice %arg2[%add3A_802, %dma_start3A_814] : memref<65536x512xf32, #tpu.memory_space<hbm>> -> memref<64x512xf32, #tpu.memory_space<hbm>>
    tpu.enqueue_dma source(%dma_start3A_815 : memref<64x512xf32, #tpu.memory_space<hbm>>) target(%dma_start3A_813 : memref<64x512xf32, #tpu.memory_space<vmem>>) target_semaphore(%arg17 : memref<!tpu.dma_semaphore, #tpu.memory_space<semaphore_mem>>)
    %scan3A_816 = arith.constant 0 : i32
    %scan3A_817 = arith.constant 384 : i32
    %scan3A_818 = arith.constant 32 : i32
    %scan3A_819 = arith.addi %scan3A_817, %scan3A_818 : i32
    %scan3A_820 = arith.constant 1 : i32
    scf.for %scan3A_2028 = %scan3A_817 to %scan3A_819 step %scan3A_820  : i32 {
      %mul3A_2029 = arith.constant 16 : i32
      %mul3A_2030 = arith.muli %scan3A_2028, %mul3A_2029 : i32
      %get3A = arith.index_cast %mul3A_2030 : i32 to index
      %get3A_2031 = tpu.vector_load %arg8[%get3A] {strides = array<i32>} : memref<16384xi32, #tpu.memory_space<vmem>>, vector<16xi32>,
      %mul3A_2032 = arith.constant 16 : i32
      %mul3A_2033 = arith.muli %scan3A_2028, %mul3A_2032 : i32
      %add3A_2034 = vector.broadcast %mul3A_2033 : i32 to vector<16xi32>
      %add3A_2035 = arith.addi %add3A_2034, %iota3A : vector<16xi32>
      %ge3A_2036 = vector.broadcast %mul3A_2 : i32 to vector<16xi32>
      %ge3A_2037 = arith.cmpi sge, %get3A_2031, %ge3A_2036 : vector<16xi32>
      %add3A_2038 = arith.constant 2048 : i32
      %add3A_2039 = arith.addi %mul3A_2, %add3A_2038 : i32
      %lt3A = vector.broadcast %add3A_2039 : i32 to vector<16xi32>
      %lt3A_2040 = arith.cmpi slt, %get3A_2031, %lt3A : vector<16xi32>
      %and3A_2041 = arith.andi %ge3A_2037, %lt3A_2040 : vector<16xi1>
      %shift_left3A = arith.constant 14 : i32
      %shift_left3A_2042 = vector.broadcast %shift_left3A : i32 to vector<16xi32>
      %shift_left3A_2043 = arith.shli %get3A_2031, %shift_left3A_2042 : vector<16xi32>
      %add3A_2044 = arith.addi %shift_left3A_2043, %add3A_2035 : vector<16xi32>
      %select_n3A_2045 = arith.select %and3A_2041, %add3A_2044, %broadcast_in_dim3A_5 : vector<16xi1>, vector<16xi32>
      %masked_sort3A = arith.constant dense<true> : vector<16xi1>
      %masked_sort3A_2046 = arith.constant -2147483648 : i32
      %masked_sort3A_2047 = vector.broadcast %masked_sort3A_2046 : i32 to vector<16xi32>
      %masked_sort3A_2048 = arith.xori %select_n3A_2045, %masked_sort3A_2047 : vector<16xi32>
      %masked_sort3A_2049, %masked_sort3A_2050, %masked_sort3A_2051 = tpu.sort %masked_sort3A_2048, %select_n3A_2045 masked %masked_sort3A : (vector<16xi32>, vector<16xi32>, vector<16xi1>) -> (vector<16xi1>, vector<16xi32>, vector<16xi32>)
      %masked_sort3A_2052 = arith.xori %masked_sort3A_2050, %masked_sort3A_2047 : vector<16xi32>
      %shift_right_arithmetic3A = arith.constant 14 : i32
      %shift_right_arithmetic3A_2053 = vector.broadcast %shift_right_arithmetic3A : i32 to vector<16xi32>
      %shift_right_arithmetic3A_2054 = arith.shrsi %masked_sort3A_2052, %shift_right_arithmetic3A_2053 : vector<16xi32>
      %and3A_2055 = arith.constant 16383 : i32
      %and3A_2056 = vector.broadcast %and3A_2055 : i32 to vector<16xi32>
      %and3A_2057 = arith.andi %masked_sort3A_2052, %and3A_2056 : vector<16xi32>
      %ne3A_2058 = arith.cmpi ne, %masked_sort3A_2052, %broadcast_in_dim3A_5 : vector<16xi32>
      %broadcast_in_dim3A_2059 = vector.shape_cast %min3A_10 : vector<16xi32> to vector<16x1xi32>
      %gather3A = vector.shape_cast %broadcast_in_dim3A_2059 : vector<16x1xi32> to vector<16xi32>
      %gather3A_2060 = tpu.dynamic_gather %shift_right_arithmetic3A_2054[%gather3A] in [0] : vector<16xi32>, vector<16xi32> -> vector<16xi32>
      %ne3A_2061 = arith.cmpi ne, %shift_right_arithmetic3A_2054, %gather3A_2060 : vector<16xi32>
      %eq3A = arith.constant 15 : i32
      %eq3A_2062 = vector.broadcast %eq3A : i32 to vector<16xi32>
      %eq3A_2063 = arith.cmpi eq, %iota3A, %eq3A_2062 : vector<16xi32>
      %or3A = arith.ori %ne3A_2061, %eq3A_2063 : vector<16xi1>
      %sub3A_2064 = vector.broadcast %mul3A_2 : i32 to vector<16xi32>
      %sub3A_2065 = arith.subi %shift_right_arithmetic3A_2054, %sub3A_2064 : vector<16xi32>
      %and3A_2066 = arith.andi %ne3A_2058, %or3A : vector<16xi1>
      tpu.vector_store_idx %arg11[%sub3A_2065], %and3A_2057 masked %and3A_2066 : memref<2048xi32, #tpu.memory_space<vmem>>[vector<16xi32>], vector<16xi32>, vector<16xi1>
    }
    %scan3A_821 = arith.constant 32 : i32
    %dma_wait3A_822 = arith.constant 1 : i32
    %dma_wait3A_823 = arith.constant 0 : i32
    %dma_wait3A_824 = arith.constant 0 : i32
    %dma_wait3A_825 = tpu.memref_slice %arg15[%dma_wait3A_822, %dma_wait3A_823, %dma_wait3A_824] : memref<2x64x512xf32, #tpu.memory_space<vmem>> -> memref<1x64x512xf32, #tpu.memory_space<vmem>>
    %dma_wait3A_826 = tpu.memref_squeeze %dma_wait3A_825 : memref<1x64x512xf32, #tpu.memory_space<vmem>> -> memref<64x512xf32, #tpu.memory_space<vmem>>
    %dma_wait3A_827 = arith.constant 0 : i32
    %dma_wait3A_828 = tpu.memref_slice %arg2[%add3A_802, %dma_wait3A_827] : memref<65536x512xf32, #tpu.memory_space<hbm>> -> memref<64x512xf32, #tpu.memory_space<hbm>>
    %dma_wait3A_829 = arith.constant 0 : i32
    %dma_wait3A_830 = arith.constant 0 : i32
    %dma_wait3A_831 = tpu.memref_slice %arg15[%dma_wait3A_822, %dma_wait3A_829, %dma_wait3A_830] : memref<2x64x512xf32, #tpu.memory_space<vmem>> -> memref<1x64x512xf32, #tpu.memory_space<vmem>>
    %dma_wait3A_832 = tpu.memref_squeeze %dma_wait3A_831 : memref<1x64x512xf32, #tpu.memory_space<vmem>> -> memref<64x512xf32, #tpu.memory_space<vmem>>
    %dma_wait3A_833 = arith.constant 0 : i32
    %dma_wait3A_834 = tpu.memref_slice %arg2[%add3A_802, %dma_wait3A_833] : memref<65536x512xf32, #tpu.memory_space<hbm>> -> memref<64x512xf32, #tpu.memory_space<hbm>>
    tpu.wait_dma2 semaphore(%arg17 : memref<!tpu.dma_semaphore, #tpu.memory_space<semaphore_mem>>) src(%dma_wait3A_834 : memref<64x512xf32, #tpu.memory_space<hbm>>) dst(%dma_wait3A_832 : memref<64x512xf32, #tpu.memory_space<vmem>>)
    %add3A_835 = arith.constant 832 : i32
    %add3A_836 = arith.addi %mul3A_2, %add3A_835 : i32
    %dma_start3A_837 = arith.constant 1 : i32
    %dma_start3A_838 = arith.constant 0 : i32
    %dma_start3A_839 = arith.constant 0 : i32
    %dma_start3A_840 = tpu.memref_slice %arg15[%dma_start3A_837, %dma_start3A_838, %dma_start3A_839] : memref<2x64x512xf32, #tpu.memory_space<vmem>> -> memref<1x64x512xf32, #tpu.memory_space<vmem>>
    %dma_start3A_841 = tpu.memref_squeeze %dma_start3A_840 : memref<1x64x512xf32, #tpu.memory_space<vmem>> -> memref<64x512xf32, #tpu.memory_space<vmem>>
    %dma_start3A_842 = arith.constant 0 : i32
    %dma_start3A_843 = tpu.memref_slice %arg7[%add3A_836, %dma_start3A_842] : memref<65536x512xf32, #tpu.memory_space<hbm>> -> memref<64x512xf32, #tpu.memory_space<hbm>>
    %dma_start3A_844 = arith.constant 0 : i32
    %dma_start3A_845 = tpu.memref_slice %arg7[%add3A_836, %dma_start3A_844] : memref<65536x512xf32, #tpu.memory_space<hbm>> -> memref<64x512xf32, #tpu.memory_space<hbm>>
    %dma_start3A_846 = arith.constant 0 : i32
    %dma_start3A_847 = arith.constant 0 : i32
    %dma_start3A_848 = tpu.memref_slice %arg15[%dma_start3A_837, %dma_start3A_846, %dma_start3A_847] : memref<2x64x512xf32, #tpu.memory_space<vmem>> -> memref<1x64x512xf32, #tpu.memory_space<vmem>>
    %dma_start3A_849 = tpu.memref_squeeze %dma_start3A_848 : memref<1x64x512xf32, #tpu.memory_space<vmem>> -> memref<64x512xf32, #tpu.memory_space<vmem>>
    tpu.enqueue_dma source(%dma_start3A_849 : memref<64x512xf32, #tpu.memory_space<vmem>>) target(%dma_start3A_845 : memref<64x512xf32, #tpu.memory_space<hbm>>) target_semaphore(%arg16 : memref<!tpu.dma_semaphore, #tpu.memory_space<semaphore_mem>>)
    %dma_wait3A_850 = arith.constant 0 : i32
    %dma_wait3A_851 = arith.constant 0 : i32
    %dma_wait3A_852 = arith.constant 0 : i32
    %dma_wait3A_853 = tpu.memref_slice %arg15[%dma_wait3A_850, %dma_wait3A_851, %dma_wait3A_852] : memref<2x64x512xf32, #tpu.memory_space<vmem>> -> memref<1x64x512xf32, #tpu.memory_space<vmem>>
    %dma_wait3A_854 = tpu.memref_squeeze %dma_wait3A_853 : memref<1x64x512xf32, #tpu.memory_space<vmem>> -> memref<64x512xf32, #tpu.memory_space<vmem>>
    %dma_wait3A_855 = arith.constant 0 : i32
    %dma_wait3A_856 = tpu.memref_slice %arg7[%add3A_774, %dma_wait3A_855] : memref<65536x512xf32, #tpu.memory_space<hbm>> -> memref<64x512xf32, #tpu.memory_space<hbm>>
    %dma_wait3A_857 = arith.constant 0 : i32
    %dma_wait3A_858 = tpu.memref_slice %arg7[%add3A_774, %dma_wait3A_857] : memref<65536x512xf32, #tpu.memory_space<hbm>> -> memref<64x512xf32, #tpu.memory_space<hbm>>
    %dma_wait3A_859 = arith.constant 0 : i32
    %dma_wait3A_860 = arith.constant 0 : i32
    %dma_wait3A_861 = tpu.memref_slice %arg15[%dma_wait3A_850, %dma_wait3A_859, %dma_wait3A_860] : memref<2x64x512xf32, #tpu.memory_space<vmem>> -> memref<1x64x512xf32, #tpu.memory_space<vmem>>
    %dma_wait3A_862 = tpu.memref_squeeze %dma_wait3A_861 : memref<1x64x512xf32, #tpu.memory_space<vmem>> -> memref<64x512xf32, #tpu.memory_space<vmem>>
    tpu.wait_dma2 semaphore(%arg16 : memref<!tpu.dma_semaphore, #tpu.memory_space<semaphore_mem>>) src(%dma_wait3A_862 : memref<64x512xf32, #tpu.memory_space<vmem>>) dst(%dma_wait3A_858 : memref<64x512xf32, #tpu.memory_space<hbm>>)
    %add3A_863 = arith.constant 896 : i32
    %add3A_864 = arith.addi %mul3A_2, %add3A_863 : i32
    %dma_start3A_865 = arith.constant 0 : i32
    %dma_start3A_866 = arith.constant 0 : i32
    %dma_start3A_867 = arith.constant 0 : i32
    %dma_start3A_868 = tpu.memref_slice %arg15[%dma_start3A_865, %dma_start3A_866, %dma_start3A_867] : memref<2x64x512xf32, #tpu.memory_space<vmem>> -> memref<1x64x512xf32, #tpu.memory_space<vmem>>
    %dma_start3A_869 = tpu.memref_squeeze %dma_start3A_868 : memref<1x64x512xf32, #tpu.memory_space<vmem>> -> memref<64x512xf32, #tpu.memory_space<vmem>>
    %dma_start3A_870 = arith.constant 0 : i32
    %dma_start3A_871 = tpu.memref_slice %arg2[%add3A_864, %dma_start3A_870] : memref<65536x512xf32, #tpu.memory_space<hbm>> -> memref<64x512xf32, #tpu.memory_space<hbm>>
    %dma_start3A_872 = arith.constant 0 : i32
    %dma_start3A_873 = arith.constant 0 : i32
    %dma_start3A_874 = tpu.memref_slice %arg15[%dma_start3A_865, %dma_start3A_872, %dma_start3A_873] : memref<2x64x512xf32, #tpu.memory_space<vmem>> -> memref<1x64x512xf32, #tpu.memory_space<vmem>>
    %dma_start3A_875 = tpu.memref_squeeze %dma_start3A_874 : memref<1x64x512xf32, #tpu.memory_space<vmem>> -> memref<64x512xf32, #tpu.memory_space<vmem>>
    %dma_start3A_876 = arith.constant 0 : i32
    %dma_start3A_877 = tpu.memref_slice %arg2[%add3A_864, %dma_start3A_876] : memref<65536x512xf32, #tpu.memory_space<hbm>> -> memref<64x512xf32, #tpu.memory_space<hbm>>
    tpu.enqueue_dma source(%dma_start3A_877 : memref<64x512xf32, #tpu.memory_space<hbm>>) target(%dma_start3A_875 : memref<64x512xf32, #tpu.memory_space<vmem>>) target_semaphore(%arg17 : memref<!tpu.dma_semaphore, #tpu.memory_space<semaphore_mem>>)
    %scan3A_878 = arith.constant 0 : i32
    %scan3A_879 = arith.constant 416 : i32
    %scan3A_880 = arith.constant 32 : i32
    %scan3A_881 = arith.addi %scan3A_879, %scan3A_880 : i32
    %scan3A_882 = arith.constant 1 : i32
    scf.for %scan3A_2028 = %scan3A_879 to %scan3A_881 step %scan3A_882  : i32 {
      %mul3A_2029 = arith.constant 16 : i32
      %mul3A_2030 = arith.muli %scan3A_2028, %mul3A_2029 : i32
      %get3A = arith.index_cast %mul3A_2030 : i32 to index
      %get3A_2031 = tpu.vector_load %arg8[%get3A] {strides = array<i32>} : memref<16384xi32, #tpu.memory_space<vmem>>, vector<16xi32>,
      %mul3A_2032 = arith.constant 16 : i32
      %mul3A_2033 = arith.muli %scan3A_2028, %mul3A_2032 : i32
      %add3A_2034 = vector.broadcast %mul3A_2033 : i32 to vector<16xi32>
      %add3A_2035 = arith.addi %add3A_2034, %iota3A : vector<16xi32>
      %ge3A_2036 = vector.broadcast %mul3A_2 : i32 to vector<16xi32>
      %ge3A_2037 = arith.cmpi sge, %get3A_2031, %ge3A_2036 : vector<16xi32>
      %add3A_2038 = arith.constant 2048 : i32
      %add3A_2039 = arith.addi %mul3A_2, %add3A_2038 : i32
      %lt3A = vector.broadcast %add3A_2039 : i32 to vector<16xi32>
      %lt3A_2040 = arith.cmpi slt, %get3A_2031, %lt3A : vector<16xi32>
      %and3A_2041 = arith.andi %ge3A_2037, %lt3A_2040 : vector<16xi1>
      %shift_left3A = arith.constant 14 : i32
      %shift_left3A_2042 = vector.broadcast %shift_left3A : i32 to vector<16xi32>
      %shift_left3A_2043 = arith.shli %get3A_2031, %shift_left3A_2042 : vector<16xi32>
      %add3A_2044 = arith.addi %shift_left3A_2043, %add3A_2035 : vector<16xi32>
      %select_n3A_2045 = arith.select %and3A_2041, %add3A_2044, %broadcast_in_dim3A_5 : vector<16xi1>, vector<16xi32>
      %masked_sort3A = arith.constant dense<true> : vector<16xi1>
      %masked_sort3A_2046 = arith.constant -2147483648 : i32
      %masked_sort3A_2047 = vector.broadcast %masked_sort3A_2046 : i32 to vector<16xi32>
      %masked_sort3A_2048 = arith.xori %select_n3A_2045, %masked_sort3A_2047 : vector<16xi32>
      %masked_sort3A_2049, %masked_sort3A_2050, %masked_sort3A_2051 = tpu.sort %masked_sort3A_2048, %select_n3A_2045 masked %masked_sort3A : (vector<16xi32>, vector<16xi32>, vector<16xi1>) -> (vector<16xi1>, vector<16xi32>, vector<16xi32>)
      %masked_sort3A_2052 = arith.xori %masked_sort3A_2050, %masked_sort3A_2047 : vector<16xi32>
      %shift_right_arithmetic3A = arith.constant 14 : i32
      %shift_right_arithmetic3A_2053 = vector.broadcast %shift_right_arithmetic3A : i32 to vector<16xi32>
      %shift_right_arithmetic3A_2054 = arith.shrsi %masked_sort3A_2052, %shift_right_arithmetic3A_2053 : vector<16xi32>
      %and3A_2055 = arith.constant 16383 : i32
      %and3A_2056 = vector.broadcast %and3A_2055 : i32 to vector<16xi32>
      %and3A_2057 = arith.andi %masked_sort3A_2052, %and3A_2056 : vector<16xi32>
      %ne3A_2058 = arith.cmpi ne, %masked_sort3A_2052, %broadcast_in_dim3A_5 : vector<16xi32>
      %broadcast_in_dim3A_2059 = vector.shape_cast %min3A_10 : vector<16xi32> to vector<16x1xi32>
      %gather3A = vector.shape_cast %broadcast_in_dim3A_2059 : vector<16x1xi32> to vector<16xi32>
      %gather3A_2060 = tpu.dynamic_gather %shift_right_arithmetic3A_2054[%gather3A] in [0] : vector<16xi32>, vector<16xi32> -> vector<16xi32>
      %ne3A_2061 = arith.cmpi ne, %shift_right_arithmetic3A_2054, %gather3A_2060 : vector<16xi32>
      %eq3A = arith.constant 15 : i32
      %eq3A_2062 = vector.broadcast %eq3A : i32 to vector<16xi32>
      %eq3A_2063 = arith.cmpi eq, %iota3A, %eq3A_2062 : vector<16xi32>
      %or3A = arith.ori %ne3A_2061, %eq3A_2063 : vector<16xi1>
      %sub3A_2064 = vector.broadcast %mul3A_2 : i32 to vector<16xi32>
      %sub3A_2065 = arith.subi %shift_right_arithmetic3A_2054, %sub3A_2064 : vector<16xi32>
      %and3A_2066 = arith.andi %ne3A_2058, %or3A : vector<16xi1>
      tpu.vector_store_idx %arg11[%sub3A_2065], %and3A_2057 masked %and3A_2066 : memref<2048xi32, #tpu.memory_space<vmem>>[vector<16xi32>], vector<16xi32>, vector<16xi1>
    }
    %scan3A_883 = arith.constant 32 : i32
    %dma_wait3A_884 = arith.constant 0 : i32
    %dma_wait3A_885 = arith.constant 0 : i32
    %dma_wait3A_886 = arith.constant 0 : i32
    %dma_wait3A_887 = tpu.memref_slice %arg15[%dma_wait3A_884, %dma_wait3A_885, %dma_wait3A_886] : memref<2x64x512xf32, #tpu.memory_space<vmem>> -> memref<1x64x512xf32, #tpu.memory_space<vmem>>
    %dma_wait3A_888 = tpu.memref_squeeze %dma_wait3A_887 : memref<1x64x512xf32, #tpu.memory_space<vmem>> -> memref<64x512xf32, #tpu.memory_space<vmem>>
    %dma_wait3A_889 = arith.constant 0 : i32
    %dma_wait3A_890 = tpu.memref_slice %arg2[%add3A_864, %dma_wait3A_889] : memref<65536x512xf32, #tpu.memory_space<hbm>> -> memref<64x512xf32, #tpu.memory_space<hbm>>
    %dma_wait3A_891 = arith.constant 0 : i32
    %dma_wait3A_892 = arith.constant 0 : i32
    %dma_wait3A_893 = tpu.memref_slice %arg15[%dma_wait3A_884, %dma_wait3A_891, %dma_wait3A_892] : memref<2x64x512xf32, #tpu.memory_space<vmem>> -> memref<1x64x512xf32, #tpu.memory_space<vmem>>
    %dma_wait3A_894 = tpu.memref_squeeze %dma_wait3A_893 : memref<1x64x512xf32, #tpu.memory_space<vmem>> -> memref<64x512xf32, #tpu.memory_space<vmem>>
    %dma_wait3A_895 = arith.constant 0 : i32
    %dma_wait3A_896 = tpu.memref_slice %arg2[%add3A_864, %dma_wait3A_895] : memref<65536x512xf32, #tpu.memory_space<hbm>> -> memref<64x512xf32, #tpu.memory_space<hbm>>
    tpu.wait_dma2 semaphore(%arg17 : memref<!tpu.dma_semaphore, #tpu.memory_space<semaphore_mem>>) src(%dma_wait3A_896 : memref<64x512xf32, #tpu.memory_space<hbm>>) dst(%dma_wait3A_894 : memref<64x512xf32, #tpu.memory_space<vmem>>)
    %add3A_897 = arith.constant 896 : i32
    %add3A_898 = arith.addi %mul3A_2, %add3A_897 : i32
    %dma_start3A_899 = arith.constant 0 : i32
    %dma_start3A_900 = arith.constant 0 : i32
    %dma_start3A_901 = arith.constant 0 : i32
    %dma_start3A_902 = tpu.memref_slice %arg15[%dma_start3A_899, %dma_start3A_900, %dma_start3A_901] : memref<2x64x512xf32, #tpu.memory_space<vmem>> -> memref<1x64x512xf32, #tpu.memory_space<vmem>>
    %dma_start3A_903 = tpu.memref_squeeze %dma_start3A_902 : memref<1x64x512xf32, #tpu.memory_space<vmem>> -> memref<64x512xf32, #tpu.memory_space<vmem>>
    %dma_start3A_904 = arith.constant 0 : i32
    %dma_start3A_905 = tpu.memref_slice %arg7[%add3A_898, %dma_start3A_904] : memref<65536x512xf32, #tpu.memory_space<hbm>> -> memref<64x512xf32, #tpu.memory_space<hbm>>
    %dma_start3A_906 = arith.constant 0 : i32
    %dma_start3A_907 = tpu.memref_slice %arg7[%add3A_898, %dma_start3A_906] : memref<65536x512xf32, #tpu.memory_space<hbm>> -> memref<64x512xf32, #tpu.memory_space<hbm>>
    %dma_start3A_908 = arith.constant 0 : i32
    %dma_start3A_909 = arith.constant 0 : i32
    %dma_start3A_910 = tpu.memref_slice %arg15[%dma_start3A_899, %dma_start3A_908, %dma_start3A_909] : memref<2x64x512xf32, #tpu.memory_space<vmem>> -> memref<1x64x512xf32, #tpu.memory_space<vmem>>
    %dma_start3A_911 = tpu.memref_squeeze %dma_start3A_910 : memref<1x64x512xf32, #tpu.memory_space<vmem>> -> memref<64x512xf32, #tpu.memory_space<vmem>>
    tpu.enqueue_dma source(%dma_start3A_911 : memref<64x512xf32, #tpu.memory_space<vmem>>) target(%dma_start3A_907 : memref<64x512xf32, #tpu.memory_space<hbm>>) target_semaphore(%arg16 : memref<!tpu.dma_semaphore, #tpu.memory_space<semaphore_mem>>)
    %dma_wait3A_912 = arith.constant 1 : i32
    %dma_wait3A_913 = arith.constant 0 : i32
    %dma_wait3A_914 = arith.constant 0 : i32
    %dma_wait3A_915 = tpu.memref_slice %arg15[%dma_wait3A_912, %dma_wait3A_913, %dma_wait3A_914] : memref<2x64x512xf32, #tpu.memory_space<vmem>> -> memref<1x64x512xf32, #tpu.memory_space<vmem>>
    %dma_wait3A_916 = tpu.memref_squeeze %dma_wait3A_915 : memref<1x64x512xf32, #tpu.memory_space<vmem>> -> memref<64x512xf32, #tpu.memory_space<vmem>>
    %dma_wait3A_917 = arith.constant 0 : i32
    %dma_wait3A_918 = tpu.memref_slice %arg7[%add3A_836, %dma_wait3A_917] : memref<65536x512xf32, #tpu.memory_space<hbm>> -> memref<64x512xf32, #tpu.memory_space<hbm>>
    %dma_wait3A_919 = arith.constant 0 : i32
    %dma_wait3A_920 = tpu.memref_slice %arg7[%add3A_836, %dma_wait3A_919] : memref<65536x512xf32, #tpu.memory_space<hbm>> -> memref<64x512xf32, #tpu.memory_space<hbm>>
    %dma_wait3A_921 = arith.constant 0 : i32
    %dma_wait3A_922 = arith.constant 0 : i32
    %dma_wait3A_923 = tpu.memref_slice %arg15[%dma_wait3A_912, %dma_wait3A_921, %dma_wait3A_922] : memref<2x64x512xf32, #tpu.memory_space<vmem>> -> memref<1x64x512xf32, #tpu.memory_space<vmem>>
    %dma_wait3A_924 = tpu.memref_squeeze %dma_wait3A_923 : memref<1x64x512xf32, #tpu.memory_space<vmem>> -> memref<64x512xf32, #tpu.memory_space<vmem>>
    tpu.wait_dma2 semaphore(%arg16 : memref<!tpu.dma_semaphore, #tpu.memory_space<semaphore_mem>>) src(%dma_wait3A_924 : memref<64x512xf32, #tpu.memory_space<vmem>>) dst(%dma_wait3A_920 : memref<64x512xf32, #tpu.memory_space<hbm>>)
    %add3A_925 = arith.constant 960 : i32
    %add3A_926 = arith.addi %mul3A_2, %add3A_925 : i32
    %dma_start3A_927 = arith.constant 1 : i32
    %dma_start3A_928 = arith.constant 0 : i32
    %dma_start3A_929 = arith.constant 0 : i32
    %dma_start3A_930 = tpu.memref_slice %arg15[%dma_start3A_927, %dma_start3A_928, %dma_start3A_929] : memref<2x64x512xf32, #tpu.memory_space<vmem>> -> memref<1x64x512xf32, #tpu.memory_space<vmem>>
    %dma_start3A_931 = tpu.memref_squeeze %dma_start3A_930 : memref<1x64x512xf32, #tpu.memory_space<vmem>> -> memref<64x512xf32, #tpu.memory_space<vmem>>
    %dma_start3A_932 = arith.constant 0 : i32
    %dma_start3A_933 = tpu.memref_slice %arg2[%add3A_926, %dma_start3A_932] : memref<65536x512xf32, #tpu.memory_space<hbm>> -> memref<64x512xf32, #tpu.memory_space<hbm>>
    %dma_start3A_934 = arith.constant 0 : i32
    %dma_start3A_935 = arith.constant 0 : i32
    %dma_start3A_936 = tpu.memref_slice %arg15[%dma_start3A_927, %dma_start3A_934, %dma_start3A_935] : memref<2x64x512xf32, #tpu.memory_space<vmem>> -> memref<1x64x512xf32, #tpu.memory_space<vmem>>
    %dma_start3A_937 = tpu.memref_squeeze %dma_start3A_936 : memref<1x64x512xf32, #tpu.memory_space<vmem>> -> memref<64x512xf32, #tpu.memory_space<vmem>>
    %dma_start3A_938 = arith.constant 0 : i32
    %dma_start3A_939 = tpu.memref_slice %arg2[%add3A_926, %dma_start3A_938] : memref<65536x512xf32, #tpu.memory_space<hbm>> -> memref<64x512xf32, #tpu.memory_space<hbm>>
    tpu.enqueue_dma source(%dma_start3A_939 : memref<64x512xf32, #tpu.memory_space<hbm>>) target(%dma_start3A_937 : memref<64x512xf32, #tpu.memory_space<vmem>>) target_semaphore(%arg17 : memref<!tpu.dma_semaphore, #tpu.memory_space<semaphore_mem>>)
    %scan3A_940 = arith.constant 0 : i32
    %scan3A_941 = arith.constant 448 : i32
    %scan3A_942 = arith.constant 32 : i32
    %scan3A_943 = arith.addi %scan3A_941, %scan3A_942 : i32
    %scan3A_944 = arith.constant 1 : i32
    scf.for %scan3A_2028 = %scan3A_941 to %scan3A_943 step %scan3A_944  : i32 {
      %mul3A_2029 = arith.constant 16 : i32
      %mul3A_2030 = arith.muli %scan3A_2028, %mul3A_2029 : i32
      %get3A = arith.index_cast %mul3A_2030 : i32 to index
      %get3A_2031 = tpu.vector_load %arg8[%get3A] {strides = array<i32>} : memref<16384xi32, #tpu.memory_space<vmem>>, vector<16xi32>,
      %mul3A_2032 = arith.constant 16 : i32
      %mul3A_2033 = arith.muli %scan3A_2028, %mul3A_2032 : i32
      %add3A_2034 = vector.broadcast %mul3A_2033 : i32 to vector<16xi32>
      %add3A_2035 = arith.addi %add3A_2034, %iota3A : vector<16xi32>
      %ge3A_2036 = vector.broadcast %mul3A_2 : i32 to vector<16xi32>
      %ge3A_2037 = arith.cmpi sge, %get3A_2031, %ge3A_2036 : vector<16xi32>
      %add3A_2038 = arith.constant 2048 : i32
      %add3A_2039 = arith.addi %mul3A_2, %add3A_2038 : i32
      %lt3A = vector.broadcast %add3A_2039 : i32 to vector<16xi32>
      %lt3A_2040 = arith.cmpi slt, %get3A_2031, %lt3A : vector<16xi32>
      %and3A_2041 = arith.andi %ge3A_2037, %lt3A_2040 : vector<16xi1>
      %shift_left3A = arith.constant 14 : i32
      %shift_left3A_2042 = vector.broadcast %shift_left3A : i32 to vector<16xi32>
      %shift_left3A_2043 = arith.shli %get3A_2031, %shift_left3A_2042 : vector<16xi32>
      %add3A_2044 = arith.addi %shift_left3A_2043, %add3A_2035 : vector<16xi32>
      %select_n3A_2045 = arith.select %and3A_2041, %add3A_2044, %broadcast_in_dim3A_5 : vector<16xi1>, vector<16xi32>
      %masked_sort3A = arith.constant dense<true> : vector<16xi1>
      %masked_sort3A_2046 = arith.constant -2147483648 : i32
      %masked_sort3A_2047 = vector.broadcast %masked_sort3A_2046 : i32 to vector<16xi32>
      %masked_sort3A_2048 = arith.xori %select_n3A_2045, %masked_sort3A_2047 : vector<16xi32>
      %masked_sort3A_2049, %masked_sort3A_2050, %masked_sort3A_2051 = tpu.sort %masked_sort3A_2048, %select_n3A_2045 masked %masked_sort3A : (vector<16xi32>, vector<16xi32>, vector<16xi1>) -> (vector<16xi1>, vector<16xi32>, vector<16xi32>)
      %masked_sort3A_2052 = arith.xori %masked_sort3A_2050, %masked_sort3A_2047 : vector<16xi32>
      %shift_right_arithmetic3A = arith.constant 14 : i32
      %shift_right_arithmetic3A_2053 = vector.broadcast %shift_right_arithmetic3A : i32 to vector<16xi32>
      %shift_right_arithmetic3A_2054 = arith.shrsi %masked_sort3A_2052, %shift_right_arithmetic3A_2053 : vector<16xi32>
      %and3A_2055 = arith.constant 16383 : i32
      %and3A_2056 = vector.broadcast %and3A_2055 : i32 to vector<16xi32>
      %and3A_2057 = arith.andi %masked_sort3A_2052, %and3A_2056 : vector<16xi32>
      %ne3A_2058 = arith.cmpi ne, %masked_sort3A_2052, %broadcast_in_dim3A_5 : vector<16xi32>
      %broadcast_in_dim3A_2059 = vector.shape_cast %min3A_10 : vector<16xi32> to vector<16x1xi32>
      %gather3A = vector.shape_cast %broadcast_in_dim3A_2059 : vector<16x1xi32> to vector<16xi32>
      %gather3A_2060 = tpu.dynamic_gather %shift_right_arithmetic3A_2054[%gather3A] in [0] : vector<16xi32>, vector<16xi32> -> vector<16xi32>
      %ne3A_2061 = arith.cmpi ne, %shift_right_arithmetic3A_2054, %gather3A_2060 : vector<16xi32>
      %eq3A = arith.constant 15 : i32
      %eq3A_2062 = vector.broadcast %eq3A : i32 to vector<16xi32>
      %eq3A_2063 = arith.cmpi eq, %iota3A, %eq3A_2062 : vector<16xi32>
      %or3A = arith.ori %ne3A_2061, %eq3A_2063 : vector<16xi1>
      %sub3A_2064 = vector.broadcast %mul3A_2 : i32 to vector<16xi32>
      %sub3A_2065 = arith.subi %shift_right_arithmetic3A_2054, %sub3A_2064 : vector<16xi32>
      %and3A_2066 = arith.andi %ne3A_2058, %or3A : vector<16xi1>
      tpu.vector_store_idx %arg11[%sub3A_2065], %and3A_2057 masked %and3A_2066 : memref<2048xi32, #tpu.memory_space<vmem>>[vector<16xi32>], vector<16xi32>, vector<16xi1>
    }
    %scan3A_945 = arith.constant 32 : i32
    %dma_wait3A_946 = arith.constant 1 : i32
    %dma_wait3A_947 = arith.constant 0 : i32
    %dma_wait3A_948 = arith.constant 0 : i32
    %dma_wait3A_949 = tpu.memref_slice %arg15[%dma_wait3A_946, %dma_wait3A_947, %dma_wait3A_948] : memref<2x64x512xf32, #tpu.memory_space<vmem>> -> memref<1x64x512xf32, #tpu.memory_space<vmem>>
    %dma_wait3A_950 = tpu.memref_squeeze %dma_wait3A_949 : memref<1x64x512xf32, #tpu.memory_space<vmem>> -> memref<64x512xf32, #tpu.memory_space<vmem>>
    %dma_wait3A_951 = arith.constant 0 : i32
    %dma_wait3A_952 = tpu.memref_slice %arg2[%add3A_926, %dma_wait3A_951] : memref<65536x512xf32, #tpu.memory_space<hbm>> -> memref<64x512xf32, #tpu.memory_space<hbm>>
    %dma_wait3A_953 = arith.constant 0 : i32
    %dma_wait3A_954 = arith.constant 0 : i32
    %dma_wait3A_955 = tpu.memref_slice %arg15[%dma_wait3A_946, %dma_wait3A_953, %dma_wait3A_954] : memref<2x64x512xf32, #tpu.memory_space<vmem>> -> memref<1x64x512xf32, #tpu.memory_space<vmem>>
    %dma_wait3A_956 = tpu.memref_squeeze %dma_wait3A_955 : memref<1x64x512xf32, #tpu.memory_space<vmem>> -> memref<64x512xf32, #tpu.memory_space<vmem>>
    %dma_wait3A_957 = arith.constant 0 : i32
    %dma_wait3A_958 = tpu.memref_slice %arg2[%add3A_926, %dma_wait3A_957] : memref<65536x512xf32, #tpu.memory_space<hbm>> -> memref<64x512xf32, #tpu.memory_space<hbm>>
    tpu.wait_dma2 semaphore(%arg17 : memref<!tpu.dma_semaphore, #tpu.memory_space<semaphore_mem>>) src(%dma_wait3A_958 : memref<64x512xf32, #tpu.memory_space<hbm>>) dst(%dma_wait3A_956 : memref<64x512xf32, #tpu.memory_space<vmem>>)
    %add3A_959 = arith.constant 960 : i32
    %add3A_960 = arith.addi %mul3A_2, %add3A_959 : i32
    %dma_start3A_961 = arith.constant 1 : i32
    %dma_start3A_962 = arith.constant 0 : i32
    %dma_start3A_963 = arith.constant 0 : i32
    %dma_start3A_964 = tpu.memref_slice %arg15[%dma_start3A_961, %dma_start3A_962, %dma_start3A_963] : memref<2x64x512xf32, #tpu.memory_space<vmem>> -> memref<1x64x512xf32, #tpu.memory_space<vmem>>
    %dma_start3A_965 = tpu.memref_squeeze %dma_start3A_964 : memref<1x64x512xf32, #tpu.memory_space<vmem>> -> memref<64x512xf32, #tpu.memory_space<vmem>>
    %dma_start3A_966 = arith.constant 0 : i32
    %dma_start3A_967 = tpu.memref_slice %arg7[%add3A_960, %dma_start3A_966] : memref<65536x512xf32, #tpu.memory_space<hbm>> -> memref<64x512xf32, #tpu.memory_space<hbm>>
    %dma_start3A_968 = arith.constant 0 : i32
    %dma_start3A_969 = tpu.memref_slice %arg7[%add3A_960, %dma_start3A_968] : memref<65536x512xf32, #tpu.memory_space<hbm>> -> memref<64x512xf32, #tpu.memory_space<hbm>>
    %dma_start3A_970 = arith.constant 0 : i32
    %dma_start3A_971 = arith.constant 0 : i32
    %dma_start3A_972 = tpu.memref_slice %arg15[%dma_start3A_961, %dma_start3A_970, %dma_start3A_971] : memref<2x64x512xf32, #tpu.memory_space<vmem>> -> memref<1x64x512xf32, #tpu.memory_space<vmem>>
    %dma_start3A_973 = tpu.memref_squeeze %dma_start3A_972 : memref<1x64x512xf32, #tpu.memory_space<vmem>> -> memref<64x512xf32, #tpu.memory_space<vmem>>
    tpu.enqueue_dma source(%dma_start3A_973 : memref<64x512xf32, #tpu.memory_space<vmem>>) target(%dma_start3A_969 : memref<64x512xf32, #tpu.memory_space<hbm>>) target_semaphore(%arg16 : memref<!tpu.dma_semaphore, #tpu.memory_space<semaphore_mem>>)
    %dma_wait3A_974 = arith.constant 0 : i32
    %dma_wait3A_975 = arith.constant 0 : i32
    %dma_wait3A_976 = arith.constant 0 : i32
    %dma_wait3A_977 = tpu.memref_slice %arg15[%dma_wait3A_974, %dma_wait3A_975, %dma_wait3A_976] : memref<2x64x512xf32, #tpu.memory_space<vmem>> -> memref<1x64x512xf32, #tpu.memory_space<vmem>>
    %dma_wait3A_978 = tpu.memref_squeeze %dma_wait3A_977 : memref<1x64x512xf32, #tpu.memory_space<vmem>> -> memref<64x512xf32, #tpu.memory_space<vmem>>
    %dma_wait3A_979 = arith.constant 0 : i32
    %dma_wait3A_980 = tpu.memref_slice %arg7[%add3A_898, %dma_wait3A_979] : memref<65536x512xf32, #tpu.memory_space<hbm>> -> memref<64x512xf32, #tpu.memory_space<hbm>>
    %dma_wait3A_981 = arith.constant 0 : i32
    %dma_wait3A_982 = tpu.memref_slice %arg7[%add3A_898, %dma_wait3A_981] : memref<65536x512xf32, #tpu.memory_space<hbm>> -> memref<64x512xf32, #tpu.memory_space<hbm>>
    %dma_wait3A_983 = arith.constant 0 : i32
    %dma_wait3A_984 = arith.constant 0 : i32
    %dma_wait3A_985 = tpu.memref_slice %arg15[%dma_wait3A_974, %dma_wait3A_983, %dma_wait3A_984] : memref<2x64x512xf32, #tpu.memory_space<vmem>> -> memref<1x64x512xf32, #tpu.memory_space<vmem>>
    %dma_wait3A_986 = tpu.memref_squeeze %dma_wait3A_985 : memref<1x64x512xf32, #tpu.memory_space<vmem>> -> memref<64x512xf32, #tpu.memory_space<vmem>>
    tpu.wait_dma2 semaphore(%arg16 : memref<!tpu.dma_semaphore, #tpu.memory_space<semaphore_mem>>) src(%dma_wait3A_986 : memref<64x512xf32, #tpu.memory_space<vmem>>) dst(%dma_wait3A_982 : memref<64x512xf32, #tpu.memory_space<hbm>>)
    %add3A_987 = arith.constant 1024 : i32
    %add3A_988 = arith.addi %mul3A_2, %add3A_987 : i32
    %dma_start3A_989 = arith.constant 0 : i32
    %dma_start3A_990 = arith.constant 0 : i32
    %dma_start3A_991 = arith.constant 0 : i32
    %dma_start3A_992 = tpu.memref_slice %arg15[%dma_start3A_989, %dma_start3A_990, %dma_start3A_991] : memref<2x64x512xf32, #tpu.memory_space<vmem>> -> memref<1x64x512xf32, #tpu.memory_space<vmem>>
    %dma_start3A_993 = tpu.memref_squeeze %dma_start3A_992 : memref<1x64x512xf32, #tpu.memory_space<vmem>> -> memref<64x512xf32, #tpu.memory_space<vmem>>
    %dma_start3A_994 = arith.constant 0 : i32
    %dma_start3A_995 = tpu.memref_slice %arg2[%add3A_988, %dma_start3A_994] : memref<65536x512xf32, #tpu.memory_space<hbm>> -> memref<64x512xf32, #tpu.memory_space<hbm>>
    %dma_start3A_996 = arith.constant 0 : i32
    %dma_start3A_997 = arith.constant 0 : i32
    %dma_start3A_998 = tpu.memref_slice %arg15[%dma_start3A_989, %dma_start3A_996, %dma_start3A_997] : memref<2x64x512xf32, #tpu.memory_space<vmem>> -> memref<1x64x512xf32, #tpu.memory_space<vmem>>
    %dma_start3A_999 = tpu.memref_squeeze %dma_start3A_998 : memref<1x64x512xf32, #tpu.memory_space<vmem>> -> memref<64x512xf32, #tpu.memory_space<vmem>>
    %dma_start3A_1000 = arith.constant 0 : i32
    %dma_start3A_1001 = tpu.memref_slice %arg2[%add3A_988, %dma_start3A_1000] : memref<65536x512xf32, #tpu.memory_space<hbm>> -> memref<64x512xf32, #tpu.memory_space<hbm>>
    tpu.enqueue_dma source(%dma_start3A_1001 : memref<64x512xf32, #tpu.memory_space<hbm>>) target(%dma_start3A_999 : memref<64x512xf32, #tpu.memory_space<vmem>>) target_semaphore(%arg17 : memref<!tpu.dma_semaphore, #tpu.memory_space<semaphore_mem>>)
    %scan3A_1002 = arith.constant 0 : i32
    %scan3A_1003 = arith.constant 480 : i32
    %scan3A_1004 = arith.constant 32 : i32
    %scan3A_1005 = arith.addi %scan3A_1003, %scan3A_1004 : i32
    %scan3A_1006 = arith.constant 1 : i32
    scf.for %scan3A_2028 = %scan3A_1003 to %scan3A_1005 step %scan3A_1006  : i32 {
      %mul3A_2029 = arith.constant 16 : i32
      %mul3A_2030 = arith.muli %scan3A_2028, %mul3A_2029 : i32
      %get3A = arith.index_cast %mul3A_2030 : i32 to index
      %get3A_2031 = tpu.vector_load %arg8[%get3A] {strides = array<i32>} : memref<16384xi32, #tpu.memory_space<vmem>>, vector<16xi32>,
      %mul3A_2032 = arith.constant 16 : i32
      %mul3A_2033 = arith.muli %scan3A_2028, %mul3A_2032 : i32
      %add3A_2034 = vector.broadcast %mul3A_2033 : i32 to vector<16xi32>
      %add3A_2035 = arith.addi %add3A_2034, %iota3A : vector<16xi32>
      %ge3A_2036 = vector.broadcast %mul3A_2 : i32 to vector<16xi32>
      %ge3A_2037 = arith.cmpi sge, %get3A_2031, %ge3A_2036 : vector<16xi32>
      %add3A_2038 = arith.constant 2048 : i32
      %add3A_2039 = arith.addi %mul3A_2, %add3A_2038 : i32
      %lt3A = vector.broadcast %add3A_2039 : i32 to vector<16xi32>
      %lt3A_2040 = arith.cmpi slt, %get3A_2031, %lt3A : vector<16xi32>
      %and3A_2041 = arith.andi %ge3A_2037, %lt3A_2040 : vector<16xi1>
      %shift_left3A = arith.constant 14 : i32
      %shift_left3A_2042 = vector.broadcast %shift_left3A : i32 to vector<16xi32>
      %shift_left3A_2043 = arith.shli %get3A_2031, %shift_left3A_2042 : vector<16xi32>
      %add3A_2044 = arith.addi %shift_left3A_2043, %add3A_2035 : vector<16xi32>
      %select_n3A_2045 = arith.select %and3A_2041, %add3A_2044, %broadcast_in_dim3A_5 : vector<16xi1>, vector<16xi32>
      %masked_sort3A = arith.constant dense<true> : vector<16xi1>
      %masked_sort3A_2046 = arith.constant -2147483648 : i32
      %masked_sort3A_2047 = vector.broadcast %masked_sort3A_2046 : i32 to vector<16xi32>
      %masked_sort3A_2048 = arith.xori %select_n3A_2045, %masked_sort3A_2047 : vector<16xi32>
      %masked_sort3A_2049, %masked_sort3A_2050, %masked_sort3A_2051 = tpu.sort %masked_sort3A_2048, %select_n3A_2045 masked %masked_sort3A : (vector<16xi32>, vector<16xi32>, vector<16xi1>) -> (vector<16xi1>, vector<16xi32>, vector<16xi32>)
      %masked_sort3A_2052 = arith.xori %masked_sort3A_2050, %masked_sort3A_2047 : vector<16xi32>
      %shift_right_arithmetic3A = arith.constant 14 : i32
      %shift_right_arithmetic3A_2053 = vector.broadcast %shift_right_arithmetic3A : i32 to vector<16xi32>
      %shift_right_arithmetic3A_2054 = arith.shrsi %masked_sort3A_2052, %shift_right_arithmetic3A_2053 : vector<16xi32>
      %and3A_2055 = arith.constant 16383 : i32
      %and3A_2056 = vector.broadcast %and3A_2055 : i32 to vector<16xi32>
      %and3A_2057 = arith.andi %masked_sort3A_2052, %and3A_2056 : vector<16xi32>
      %ne3A_2058 = arith.cmpi ne, %masked_sort3A_2052, %broadcast_in_dim3A_5 : vector<16xi32>
      %broadcast_in_dim3A_2059 = vector.shape_cast %min3A_10 : vector<16xi32> to vector<16x1xi32>
      %gather3A = vector.shape_cast %broadcast_in_dim3A_2059 : vector<16x1xi32> to vector<16xi32>
      %gather3A_2060 = tpu.dynamic_gather %shift_right_arithmetic3A_2054[%gather3A] in [0] : vector<16xi32>, vector<16xi32> -> vector<16xi32>
      %ne3A_2061 = arith.cmpi ne, %shift_right_arithmetic3A_2054, %gather3A_2060 : vector<16xi32>
      %eq3A = arith.constant 15 : i32
      %eq3A_2062 = vector.broadcast %eq3A : i32 to vector<16xi32>
      %eq3A_2063 = arith.cmpi eq, %iota3A, %eq3A_2062 : vector<16xi32>
      %or3A = arith.ori %ne3A_2061, %eq3A_2063 : vector<16xi1>
      %sub3A_2064 = vector.broadcast %mul3A_2 : i32 to vector<16xi32>
      %sub3A_2065 = arith.subi %shift_right_arithmetic3A_2054, %sub3A_2064 : vector<16xi32>
      %and3A_2066 = arith.andi %ne3A_2058, %or3A : vector<16xi1>
      tpu.vector_store_idx %arg11[%sub3A_2065], %and3A_2057 masked %and3A_2066 : memref<2048xi32, #tpu.memory_space<vmem>>[vector<16xi32>], vector<16xi32>, vector<16xi1>
    }
    %scan3A_1007 = arith.constant 32 : i32
    %dma_wait3A_1008 = arith.constant 0 : i32
    %dma_wait3A_1009 = arith.constant 0 : i32
    %dma_wait3A_1010 = arith.constant 0 : i32
    %dma_wait3A_1011 = tpu.memref_slice %arg15[%dma_wait3A_1008, %dma_wait3A_1009, %dma_wait3A_1010] : memref<2x64x512xf32, #tpu.memory_space<vmem>> -> memref<1x64x512xf32, #tpu.memory_space<vmem>>
    %dma_wait3A_1012 = tpu.memref_squeeze %dma_wait3A_1011 : memref<1x64x512xf32, #tpu.memory_space<vmem>> -> memref<64x512xf32, #tpu.memory_space<vmem>>
    %dma_wait3A_1013 = arith.constant 0 : i32
    %dma_wait3A_1014 = tpu.memref_slice %arg2[%add3A_988, %dma_wait3A_1013] : memref<65536x512xf32, #tpu.memory_space<hbm>> -> memref<64x512xf32, #tpu.memory_space<hbm>>
    %dma_wait3A_1015 = arith.constant 0 : i32
    %dma_wait3A_1016 = arith.constant 0 : i32
    %dma_wait3A_1017 = tpu.memref_slice %arg15[%dma_wait3A_1008, %dma_wait3A_1015, %dma_wait3A_1016] : memref<2x64x512xf32, #tpu.memory_space<vmem>> -> memref<1x64x512xf32, #tpu.memory_space<vmem>>
    %dma_wait3A_1018 = tpu.memref_squeeze %dma_wait3A_1017 : memref<1x64x512xf32, #tpu.memory_space<vmem>> -> memref<64x512xf32, #tpu.memory_space<vmem>>
    %dma_wait3A_1019 = arith.constant 0 : i32
    %dma_wait3A_1020 = tpu.memref_slice %arg2[%add3A_988, %dma_wait3A_1019] : memref<65536x512xf32, #tpu.memory_space<hbm>> -> memref<64x512xf32, #tpu.memory_space<hbm>>
    tpu.wait_dma2 semaphore(%arg17 : memref<!tpu.dma_semaphore, #tpu.memory_space<semaphore_mem>>) src(%dma_wait3A_1020 : memref<64x512xf32, #tpu.memory_space<hbm>>) dst(%dma_wait3A_1018 : memref<64x512xf32, #tpu.memory_space<vmem>>)
    %add3A_1021 = arith.constant 1024 : i32
    %add3A_1022 = arith.addi %mul3A_2, %add3A_1021 : i32
    %dma_start3A_1023 = arith.constant 0 : i32
    %dma_start3A_1024 = arith.constant 0 : i32
    %dma_start3A_1025 = arith.constant 0 : i32
    %dma_start3A_1026 = tpu.memref_slice %arg15[%dma_start3A_1023, %dma_start3A_1024, %dma_start3A_1025] : memref<2x64x512xf32, #tpu.memory_space<vmem>> -> memref<1x64x512xf32, #tpu.memory_space<vmem>>
    %dma_start3A_1027 = tpu.memref_squeeze %dma_start3A_1026 : memref<1x64x512xf32, #tpu.memory_space<vmem>> -> memref<64x512xf32, #tpu.memory_space<vmem>>
    %dma_start3A_1028 = arith.constant 0 : i32
    %dma_start3A_1029 = tpu.memref_slice %arg7[%add3A_1022, %dma_start3A_1028] : memref<65536x512xf32, #tpu.memory_space<hbm>> -> memref<64x512xf32, #tpu.memory_space<hbm>>
    %dma_start3A_1030 = arith.constant 0 : i32
    %dma_start3A_1031 = tpu.memref_slice %arg7[%add3A_1022, %dma_start3A_1030] : memref<65536x512xf32, #tpu.memory_space<hbm>> -> memref<64x512xf32, #tpu.memory_space<hbm>>
    %dma_start3A_1032 = arith.constant 0 : i32
    %dma_start3A_1033 = arith.constant 0 : i32
    %dma_start3A_1034 = tpu.memref_slice %arg15[%dma_start3A_1023, %dma_start3A_1032, %dma_start3A_1033] : memref<2x64x512xf32, #tpu.memory_space<vmem>> -> memref<1x64x512xf32, #tpu.memory_space<vmem>>
    %dma_start3A_1035 = tpu.memref_squeeze %dma_start3A_1034 : memref<1x64x512xf32, #tpu.memory_space<vmem>> -> memref<64x512xf32, #tpu.memory_space<vmem>>
    tpu.enqueue_dma source(%dma_start3A_1035 : memref<64x512xf32, #tpu.memory_space<vmem>>) target(%dma_start3A_1031 : memref<64x512xf32, #tpu.memory_space<hbm>>) target_semaphore(%arg16 : memref<!tpu.dma_semaphore, #tpu.memory_space<semaphore_mem>>)
    %dma_wait3A_1036 = arith.constant 1 : i32
    %dma_wait3A_1037 = arith.constant 0 : i32
    %dma_wait3A_1038 = arith.constant 0 : i32
    %dma_wait3A_1039 = tpu.memref_slice %arg15[%dma_wait3A_1036, %dma_wait3A_1037, %dma_wait3A_1038] : memref<2x64x512xf32, #tpu.memory_space<vmem>> -> memref<1x64x512xf32, #tpu.memory_space<vmem>>
    %dma_wait3A_1040 = tpu.memref_squeeze %dma_wait3A_1039 : memref<1x64x512xf32, #tpu.memory_space<vmem>> -> memref<64x512xf32, #tpu.memory_space<vmem>>
    %dma_wait3A_1041 = arith.constant 0 : i32
    %dma_wait3A_1042 = tpu.memref_slice %arg7[%add3A_960, %dma_wait3A_1041] : memref<65536x512xf32, #tpu.memory_space<hbm>> -> memref<64x512xf32, #tpu.memory_space<hbm>>
    %dma_wait3A_1043 = arith.constant 0 : i32
    %dma_wait3A_1044 = tpu.memref_slice %arg7[%add3A_960, %dma_wait3A_1043] : memref<65536x512xf32, #tpu.memory_space<hbm>> -> memref<64x512xf32, #tpu.memory_space<hbm>>
    %dma_wait3A_1045 = arith.constant 0 : i32
    %dma_wait3A_1046 = arith.constant 0 : i32
    %dma_wait3A_1047 = tpu.memref_slice %arg15[%dma_wait3A_1036, %dma_wait3A_1045, %dma_wait3A_1046] : memref<2x64x512xf32, #tpu.memory_space<vmem>> -> memref<1x64x512xf32, #tpu.memory_space<vmem>>
    %dma_wait3A_1048 = tpu.memref_squeeze %dma_wait3A_1047 : memref<1x64x512xf32, #tpu.memory_space<vmem>> -> memref<64x512xf32, #tpu.memory_space<vmem>>
    tpu.wait_dma2 semaphore(%arg16 : memref<!tpu.dma_semaphore, #tpu.memory_space<semaphore_mem>>) src(%dma_wait3A_1048 : memref<64x512xf32, #tpu.memory_space<vmem>>) dst(%dma_wait3A_1044 : memref<64x512xf32, #tpu.memory_space<hbm>>)
    %add3A_1049 = arith.constant 1088 : i32
    %add3A_1050 = arith.addi %mul3A_2, %add3A_1049 : i32
    %dma_start3A_1051 = arith.constant 1 : i32
    %dma_start3A_1052 = arith.constant 0 : i32
    %dma_start3A_1053 = arith.constant 0 : i32
    %dma_start3A_1054 = tpu.memref_slice %arg15[%dma_start3A_1051, %dma_start3A_1052, %dma_start3A_1053] : memref<2x64x512xf32, #tpu.memory_space<vmem>> -> memref<1x64x512xf32, #tpu.memory_space<vmem>>
    %dma_start3A_1055 = tpu.memref_squeeze %dma_start3A_1054 : memref<1x64x512xf32, #tpu.memory_space<vmem>> -> memref<64x512xf32, #tpu.memory_space<vmem>>
    %dma_start3A_1056 = arith.constant 0 : i32
    %dma_start3A_1057 = tpu.memref_slice %arg2[%add3A_1050, %dma_start3A_1056] : memref<65536x512xf32, #tpu.memory_space<hbm>> -> memref<64x512xf32, #tpu.memory_space<hbm>>
    %dma_start3A_1058 = arith.constant 0 : i32
    %dma_start3A_1059 = arith.constant 0 : i32
    %dma_start3A_1060 = tpu.memref_slice %arg15[%dma_start3A_1051, %dma_start3A_1058, %dma_start3A_1059] : memref<2x64x512xf32, #tpu.memory_space<vmem>> -> memref<1x64x512xf32, #tpu.memory_space<vmem>>
    %dma_start3A_1061 = tpu.memref_squeeze %dma_start3A_1060 : memref<1x64x512xf32, #tpu.memory_space<vmem>> -> memref<64x512xf32, #tpu.memory_space<vmem>>
    %dma_start3A_1062 = arith.constant 0 : i32
    %dma_start3A_1063 = tpu.memref_slice %arg2[%add3A_1050, %dma_start3A_1062] : memref<65536x512xf32, #tpu.memory_space<hbm>> -> memref<64x512xf32, #tpu.memory_space<hbm>>
    tpu.enqueue_dma source(%dma_start3A_1063 : memref<64x512xf32, #tpu.memory_space<hbm>>) target(%dma_start3A_1061 : memref<64x512xf32, #tpu.memory_space<vmem>>) target_semaphore(%arg17 : memref<!tpu.dma_semaphore, #tpu.memory_space<semaphore_mem>>)
    %scan3A_1064 = arith.constant 0 : i32
    %scan3A_1065 = arith.constant 512 : i32
    %scan3A_1066 = arith.constant 32 : i32
    %scan3A_1067 = arith.addi %scan3A_1065, %scan3A_1066 : i32
    %scan3A_1068 = arith.constant 1 : i32
    scf.for %scan3A_2028 = %scan3A_1065 to %scan3A_1067 step %scan3A_1068  : i32 {
      %mul3A_2029 = arith.constant 16 : i32
      %mul3A_2030 = arith.muli %scan3A_2028, %mul3A_2029 : i32
      %get3A = arith.index_cast %mul3A_2030 : i32 to index
      %get3A_2031 = tpu.vector_load %arg8[%get3A] {strides = array<i32>} : memref<16384xi32, #tpu.memory_space<vmem>>, vector<16xi32>,
      %mul3A_2032 = arith.constant 16 : i32
      %mul3A_2033 = arith.muli %scan3A_2028, %mul3A_2032 : i32
      %add3A_2034 = vector.broadcast %mul3A_2033 : i32 to vector<16xi32>
      %add3A_2035 = arith.addi %add3A_2034, %iota3A : vector<16xi32>
      %ge3A_2036 = vector.broadcast %mul3A_2 : i32 to vector<16xi32>
      %ge3A_2037 = arith.cmpi sge, %get3A_2031, %ge3A_2036 : vector<16xi32>
      %add3A_2038 = arith.constant 2048 : i32
      %add3A_2039 = arith.addi %mul3A_2, %add3A_2038 : i32
      %lt3A = vector.broadcast %add3A_2039 : i32 to vector<16xi32>
      %lt3A_2040 = arith.cmpi slt, %get3A_2031, %lt3A : vector<16xi32>
      %and3A_2041 = arith.andi %ge3A_2037, %lt3A_2040 : vector<16xi1>
      %shift_left3A = arith.constant 14 : i32
      %shift_left3A_2042 = vector.broadcast %shift_left3A : i32 to vector<16xi32>
      %shift_left3A_2043 = arith.shli %get3A_2031, %shift_left3A_2042 : vector<16xi32>
      %add3A_2044 = arith.addi %shift_left3A_2043, %add3A_2035 : vector<16xi32>
      %select_n3A_2045 = arith.select %and3A_2041, %add3A_2044, %broadcast_in_dim3A_5 : vector<16xi1>, vector<16xi32>
      %masked_sort3A = arith.constant dense<true> : vector<16xi1>
      %masked_sort3A_2046 = arith.constant -2147483648 : i32
      %masked_sort3A_2047 = vector.broadcast %masked_sort3A_2046 : i32 to vector<16xi32>
      %masked_sort3A_2048 = arith.xori %select_n3A_2045, %masked_sort3A_2047 : vector<16xi32>
      %masked_sort3A_2049, %masked_sort3A_2050, %masked_sort3A_2051 = tpu.sort %masked_sort3A_2048, %select_n3A_2045 masked %masked_sort3A : (vector<16xi32>, vector<16xi32>, vector<16xi1>) -> (vector<16xi1>, vector<16xi32>, vector<16xi32>)
      %masked_sort3A_2052 = arith.xori %masked_sort3A_2050, %masked_sort3A_2047 : vector<16xi32>
      %shift_right_arithmetic3A = arith.constant 14 : i32
      %shift_right_arithmetic3A_2053 = vector.broadcast %shift_right_arithmetic3A : i32 to vector<16xi32>
      %shift_right_arithmetic3A_2054 = arith.shrsi %masked_sort3A_2052, %shift_right_arithmetic3A_2053 : vector<16xi32>
      %and3A_2055 = arith.constant 16383 : i32
      %and3A_2056 = vector.broadcast %and3A_2055 : i32 to vector<16xi32>
      %and3A_2057 = arith.andi %masked_sort3A_2052, %and3A_2056 : vector<16xi32>
      %ne3A_2058 = arith.cmpi ne, %masked_sort3A_2052, %broadcast_in_dim3A_5 : vector<16xi32>
      %broadcast_in_dim3A_2059 = vector.shape_cast %min3A_10 : vector<16xi32> to vector<16x1xi32>
      %gather3A = vector.shape_cast %broadcast_in_dim3A_2059 : vector<16x1xi32> to vector<16xi32>
      %gather3A_2060 = tpu.dynamic_gather %shift_right_arithmetic3A_2054[%gather3A] in [0] : vector<16xi32>, vector<16xi32> -> vector<16xi32>
      %ne3A_2061 = arith.cmpi ne, %shift_right_arithmetic3A_2054, %gather3A_2060 : vector<16xi32>
      %eq3A = arith.constant 15 : i32
      %eq3A_2062 = vector.broadcast %eq3A : i32 to vector<16xi32>
      %eq3A_2063 = arith.cmpi eq, %iota3A, %eq3A_2062 : vector<16xi32>
      %or3A = arith.ori %ne3A_2061, %eq3A_2063 : vector<16xi1>
      %sub3A_2064 = vector.broadcast %mul3A_2 : i32 to vector<16xi32>
      %sub3A_2065 = arith.subi %shift_right_arithmetic3A_2054, %sub3A_2064 : vector<16xi32>
      %and3A_2066 = arith.andi %ne3A_2058, %or3A : vector<16xi1>
      tpu.vector_store_idx %arg11[%sub3A_2065], %and3A_2057 masked %and3A_2066 : memref<2048xi32, #tpu.memory_space<vmem>>[vector<16xi32>], vector<16xi32>, vector<16xi1>
    }
    %scan3A_1069 = arith.constant 32 : i32
    %dma_wait3A_1070 = arith.constant 1 : i32
    %dma_wait3A_1071 = arith.constant 0 : i32
    %dma_wait3A_1072 = arith.constant 0 : i32
    %dma_wait3A_1073 = tpu.memref_slice %arg15[%dma_wait3A_1070, %dma_wait3A_1071, %dma_wait3A_1072] : memref<2x64x512xf32, #tpu.memory_space<vmem>> -> memref<1x64x512xf32, #tpu.memory_space<vmem>>
    %dma_wait3A_1074 = tpu.memref_squeeze %dma_wait3A_1073 : memref<1x64x512xf32, #tpu.memory_space<vmem>> -> memref<64x512xf32, #tpu.memory_space<vmem>>
    %dma_wait3A_1075 = arith.constant 0 : i32
    %dma_wait3A_1076 = tpu.memref_slice %arg2[%add3A_1050, %dma_wait3A_1075] : memref<65536x512xf32, #tpu.memory_space<hbm>> -> memref<64x512xf32, #tpu.memory_space<hbm>>
    %dma_wait3A_1077 = arith.constant 0 : i32
    %dma_wait3A_1078 = arith.constant 0 : i32
    %dma_wait3A_1079 = tpu.memref_slice %arg15[%dma_wait3A_1070, %dma_wait3A_1077, %dma_wait3A_1078] : memref<2x64x512xf32, #tpu.memory_space<vmem>> -> memref<1x64x512xf32, #tpu.memory_space<vmem>>
    %dma_wait3A_1080 = tpu.memref_squeeze %dma_wait3A_1079 : memref<1x64x512xf32, #tpu.memory_space<vmem>> -> memref<64x512xf32, #tpu.memory_space<vmem>>
    %dma_wait3A_1081 = arith.constant 0 : i32
    %dma_wait3A_1082 = tpu.memref_slice %arg2[%add3A_1050, %dma_wait3A_1081] : memref<65536x512xf32, #tpu.memory_space<hbm>> -> memref<64x512xf32, #tpu.memory_space<hbm>>
    tpu.wait_dma2 semaphore(%arg17 : memref<!tpu.dma_semaphore, #tpu.memory_space<semaphore_mem>>) src(%dma_wait3A_1082 : memref<64x512xf32, #tpu.memory_space<hbm>>) dst(%dma_wait3A_1080 : memref<64x512xf32, #tpu.memory_space<vmem>>)
    %add3A_1083 = arith.constant 1088 : i32
    %add3A_1084 = arith.addi %mul3A_2, %add3A_1083 : i32
    %dma_start3A_1085 = arith.constant 1 : i32
    %dma_start3A_1086 = arith.constant 0 : i32
    %dma_start3A_1087 = arith.constant 0 : i32
    %dma_start3A_1088 = tpu.memref_slice %arg15[%dma_start3A_1085, %dma_start3A_1086, %dma_start3A_1087] : memref<2x64x512xf32, #tpu.memory_space<vmem>> -> memref<1x64x512xf32, #tpu.memory_space<vmem>>
    %dma_start3A_1089 = tpu.memref_squeeze %dma_start3A_1088 : memref<1x64x512xf32, #tpu.memory_space<vmem>> -> memref<64x512xf32, #tpu.memory_space<vmem>>
    %dma_start3A_1090 = arith.constant 0 : i32
    %dma_start3A_1091 = tpu.memref_slice %arg7[%add3A_1084, %dma_start3A_1090] : memref<65536x512xf32, #tpu.memory_space<hbm>> -> memref<64x512xf32, #tpu.memory_space<hbm>>
    %dma_start3A_1092 = arith.constant 0 : i32
    %dma_start3A_1093 = tpu.memref_slice %arg7[%add3A_1084, %dma_start3A_1092] : memref<65536x512xf32, #tpu.memory_space<hbm>> -> memref<64x512xf32, #tpu.memory_space<hbm>>
    %dma_start3A_1094 = arith.constant 0 : i32
    %dma_start3A_1095 = arith.constant 0 : i32
    %dma_start3A_1096 = tpu.memref_slice %arg15[%dma_start3A_1085, %dma_start3A_1094, %dma_start3A_1095] : memref<2x64x512xf32, #tpu.memory_space<vmem>> -> memref<1x64x512xf32, #tpu.memory_space<vmem>>
    %dma_start3A_1097 = tpu.memref_squeeze %dma_start3A_1096 : memref<1x64x512xf32, #tpu.memory_space<vmem>> -> memref<64x512xf32, #tpu.memory_space<vmem>>
    tpu.enqueue_dma source(%dma_start3A_1097 : memref<64x512xf32, #tpu.memory_space<vmem>>) target(%dma_start3A_1093 : memref<64x512xf32, #tpu.memory_space<hbm>>) target_semaphore(%arg16 : memref<!tpu.dma_semaphore, #tpu.memory_space<semaphore_mem>>)
    %dma_wait3A_1098 = arith.constant 0 : i32
    %dma_wait3A_1099 = arith.constant 0 : i32
    %dma_wait3A_1100 = arith.constant 0 : i32
    %dma_wait3A_1101 = tpu.memref_slice %arg15[%dma_wait3A_1098, %dma_wait3A_1099, %dma_wait3A_1100] : memref<2x64x512xf32, #tpu.memory_space<vmem>> -> memref<1x64x512xf32, #tpu.memory_space<vmem>>
    %dma_wait3A_1102 = tpu.memref_squeeze %dma_wait3A_1101 : memref<1x64x512xf32, #tpu.memory_space<vmem>> -> memref<64x512xf32, #tpu.memory_space<vmem>>
    %dma_wait3A_1103 = arith.constant 0 : i32
    %dma_wait3A_1104 = tpu.memref_slice %arg7[%add3A_1022, %dma_wait3A_1103] : memref<65536x512xf32, #tpu.memory_space<hbm>> -> memref<64x512xf32, #tpu.memory_space<hbm>>
    %dma_wait3A_1105 = arith.constant 0 : i32
    %dma_wait3A_1106 = tpu.memref_slice %arg7[%add3A_1022, %dma_wait3A_1105] : memref<65536x512xf32, #tpu.memory_space<hbm>> -> memref<64x512xf32, #tpu.memory_space<hbm>>
    %dma_wait3A_1107 = arith.constant 0 : i32
    %dma_wait3A_1108 = arith.constant 0 : i32
    %dma_wait3A_1109 = tpu.memref_slice %arg15[%dma_wait3A_1098, %dma_wait3A_1107, %dma_wait3A_1108] : memref<2x64x512xf32, #tpu.memory_space<vmem>> -> memref<1x64x512xf32, #tpu.memory_space<vmem>>
    %dma_wait3A_1110 = tpu.memref_squeeze %dma_wait3A_1109 : memref<1x64x512xf32, #tpu.memory_space<vmem>> -> memref<64x512xf32, #tpu.memory_space<vmem>>
    tpu.wait_dma2 semaphore(%arg16 : memref<!tpu.dma_semaphore, #tpu.memory_space<semaphore_mem>>) src(%dma_wait3A_1110 : memref<64x512xf32, #tpu.memory_space<vmem>>) dst(%dma_wait3A_1106 : memref<64x512xf32, #tpu.memory_space<hbm>>)
    %add3A_1111 = arith.constant 1152 : i32
    %add3A_1112 = arith.addi %mul3A_2, %add3A_1111 : i32
    %dma_start3A_1113 = arith.constant 0 : i32
    %dma_start3A_1114 = arith.constant 0 : i32
    %dma_start3A_1115 = arith.constant 0 : i32
    %dma_start3A_1116 = tpu.memref_slice %arg15[%dma_start3A_1113, %dma_start3A_1114, %dma_start3A_1115] : memref<2x64x512xf32, #tpu.memory_space<vmem>> -> memref<1x64x512xf32, #tpu.memory_space<vmem>>
    %dma_start3A_1117 = tpu.memref_squeeze %dma_start3A_1116 : memref<1x64x512xf32, #tpu.memory_space<vmem>> -> memref<64x512xf32, #tpu.memory_space<vmem>>
    %dma_start3A_1118 = arith.constant 0 : i32
    %dma_start3A_1119 = tpu.memref_slice %arg2[%add3A_1112, %dma_start3A_1118] : memref<65536x512xf32, #tpu.memory_space<hbm>> -> memref<64x512xf32, #tpu.memory_space<hbm>>
    %dma_start3A_1120 = arith.constant 0 : i32
    %dma_start3A_1121 = arith.constant 0 : i32
    %dma_start3A_1122 = tpu.memref_slice %arg15[%dma_start3A_1113, %dma_start3A_1120, %dma_start3A_1121] : memref<2x64x512xf32, #tpu.memory_space<vmem>> -> memref<1x64x512xf32, #tpu.memory_space<vmem>>
    %dma_start3A_1123 = tpu.memref_squeeze %dma_start3A_1122 : memref<1x64x512xf32, #tpu.memory_space<vmem>> -> memref<64x512xf32, #tpu.memory_space<vmem>>
    %dma_start3A_1124 = arith.constant 0 : i32
    %dma_start3A_1125 = tpu.memref_slice %arg2[%add3A_1112, %dma_start3A_1124] : memref<65536x512xf32, #tpu.memory_space<hbm>> -> memref<64x512xf32, #tpu.memory_space<hbm>>
    tpu.enqueue_dma source(%dma_start3A_1125 : memref<64x512xf32, #tpu.memory_space<hbm>>) target(%dma_start3A_1123 : memref<64x512xf32, #tpu.memory_space<vmem>>) target_semaphore(%arg17 : memref<!tpu.dma_semaphore, #tpu.memory_space<semaphore_mem>>)
    %scan3A_1126 = arith.constant 0 : i32
    %scan3A_1127 = arith.constant 544 : i32
    %scan3A_1128 = arith.constant 32 : i32
    %scan3A_1129 = arith.addi %scan3A_1127, %scan3A_1128 : i32
    %scan3A_1130 = arith.constant 1 : i32
    scf.for %scan3A_2028 = %scan3A_1127 to %scan3A_1129 step %scan3A_1130  : i32 {
      %mul3A_2029 = arith.constant 16 : i32
      %mul3A_2030 = arith.muli %scan3A_2028, %mul3A_2029 : i32
      %get3A = arith.index_cast %mul3A_2030 : i32 to index
      %get3A_2031 = tpu.vector_load %arg8[%get3A] {strides = array<i32>} : memref<16384xi32, #tpu.memory_space<vmem>>, vector<16xi32>,
      %mul3A_2032 = arith.constant 16 : i32
      %mul3A_2033 = arith.muli %scan3A_2028, %mul3A_2032 : i32
      %add3A_2034 = vector.broadcast %mul3A_2033 : i32 to vector<16xi32>
      %add3A_2035 = arith.addi %add3A_2034, %iota3A : vector<16xi32>
      %ge3A_2036 = vector.broadcast %mul3A_2 : i32 to vector<16xi32>
      %ge3A_2037 = arith.cmpi sge, %get3A_2031, %ge3A_2036 : vector<16xi32>
      %add3A_2038 = arith.constant 2048 : i32
      %add3A_2039 = arith.addi %mul3A_2, %add3A_2038 : i32
      %lt3A = vector.broadcast %add3A_2039 : i32 to vector<16xi32>
      %lt3A_2040 = arith.cmpi slt, %get3A_2031, %lt3A : vector<16xi32>
      %and3A_2041 = arith.andi %ge3A_2037, %lt3A_2040 : vector<16xi1>
      %shift_left3A = arith.constant 14 : i32
      %shift_left3A_2042 = vector.broadcast %shift_left3A : i32 to vector<16xi32>
      %shift_left3A_2043 = arith.shli %get3A_2031, %shift_left3A_2042 : vector<16xi32>
      %add3A_2044 = arith.addi %shift_left3A_2043, %add3A_2035 : vector<16xi32>
      %select_n3A_2045 = arith.select %and3A_2041, %add3A_2044, %broadcast_in_dim3A_5 : vector<16xi1>, vector<16xi32>
      %masked_sort3A = arith.constant dense<true> : vector<16xi1>
      %masked_sort3A_2046 = arith.constant -2147483648 : i32
      %masked_sort3A_2047 = vector.broadcast %masked_sort3A_2046 : i32 to vector<16xi32>
      %masked_sort3A_2048 = arith.xori %select_n3A_2045, %masked_sort3A_2047 : vector<16xi32>
      %masked_sort3A_2049, %masked_sort3A_2050, %masked_sort3A_2051 = tpu.sort %masked_sort3A_2048, %select_n3A_2045 masked %masked_sort3A : (vector<16xi32>, vector<16xi32>, vector<16xi1>) -> (vector<16xi1>, vector<16xi32>, vector<16xi32>)
      %masked_sort3A_2052 = arith.xori %masked_sort3A_2050, %masked_sort3A_2047 : vector<16xi32>
      %shift_right_arithmetic3A = arith.constant 14 : i32
      %shift_right_arithmetic3A_2053 = vector.broadcast %shift_right_arithmetic3A : i32 to vector<16xi32>
      %shift_right_arithmetic3A_2054 = arith.shrsi %masked_sort3A_2052, %shift_right_arithmetic3A_2053 : vector<16xi32>
      %and3A_2055 = arith.constant 16383 : i32
      %and3A_2056 = vector.broadcast %and3A_2055 : i32 to vector<16xi32>
      %and3A_2057 = arith.andi %masked_sort3A_2052, %and3A_2056 : vector<16xi32>
      %ne3A_2058 = arith.cmpi ne, %masked_sort3A_2052, %broadcast_in_dim3A_5 : vector<16xi32>
      %broadcast_in_dim3A_2059 = vector.shape_cast %min3A_10 : vector<16xi32> to vector<16x1xi32>
      %gather3A = vector.shape_cast %broadcast_in_dim3A_2059 : vector<16x1xi32> to vector<16xi32>
      %gather3A_2060 = tpu.dynamic_gather %shift_right_arithmetic3A_2054[%gather3A] in [0] : vector<16xi32>, vector<16xi32> -> vector<16xi32>
      %ne3A_2061 = arith.cmpi ne, %shift_right_arithmetic3A_2054, %gather3A_2060 : vector<16xi32>
      %eq3A = arith.constant 15 : i32
      %eq3A_2062 = vector.broadcast %eq3A : i32 to vector<16xi32>
      %eq3A_2063 = arith.cmpi eq, %iota3A, %eq3A_2062 : vector<16xi32>
      %or3A = arith.ori %ne3A_2061, %eq3A_2063 : vector<16xi1>
      %sub3A_2064 = vector.broadcast %mul3A_2 : i32 to vector<16xi32>
      %sub3A_2065 = arith.subi %shift_right_arithmetic3A_2054, %sub3A_2064 : vector<16xi32>
      %and3A_2066 = arith.andi %ne3A_2058, %or3A : vector<16xi1>
      tpu.vector_store_idx %arg11[%sub3A_2065], %and3A_2057 masked %and3A_2066 : memref<2048xi32, #tpu.memory_space<vmem>>[vector<16xi32>], vector<16xi32>, vector<16xi1>
    }
    %scan3A_1131 = arith.constant 32 : i32
    %dma_wait3A_1132 = arith.constant 0 : i32
    %dma_wait3A_1133 = arith.constant 0 : i32
    %dma_wait3A_1134 = arith.constant 0 : i32
    %dma_wait3A_1135 = tpu.memref_slice %arg15[%dma_wait3A_1132, %dma_wait3A_1133, %dma_wait3A_1134] : memref<2x64x512xf32, #tpu.memory_space<vmem>> -> memref<1x64x512xf32, #tpu.memory_space<vmem>>
    %dma_wait3A_1136 = tpu.memref_squeeze %dma_wait3A_1135 : memref<1x64x512xf32, #tpu.memory_space<vmem>> -> memref<64x512xf32, #tpu.memory_space<vmem>>
    %dma_wait3A_1137 = arith.constant 0 : i32
    %dma_wait3A_1138 = tpu.memref_slice %arg2[%add3A_1112, %dma_wait3A_1137] : memref<65536x512xf32, #tpu.memory_space<hbm>> -> memref<64x512xf32, #tpu.memory_space<hbm>>
    %dma_wait3A_1139 = arith.constant 0 : i32
    %dma_wait3A_1140 = arith.constant 0 : i32
    %dma_wait3A_1141 = tpu.memref_slice %arg15[%dma_wait3A_1132, %dma_wait3A_1139, %dma_wait3A_1140] : memref<2x64x512xf32, #tpu.memory_space<vmem>> -> memref<1x64x512xf32, #tpu.memory_space<vmem>>
    %dma_wait3A_1142 = tpu.memref_squeeze %dma_wait3A_1141 : memref<1x64x512xf32, #tpu.memory_space<vmem>> -> memref<64x512xf32, #tpu.memory_space<vmem>>
    %dma_wait3A_1143 = arith.constant 0 : i32
    %dma_wait3A_1144 = tpu.memref_slice %arg2[%add3A_1112, %dma_wait3A_1143] : memref<65536x512xf32, #tpu.memory_space<hbm>> -> memref<64x512xf32, #tpu.memory_space<hbm>>
    tpu.wait_dma2 semaphore(%arg17 : memref<!tpu.dma_semaphore, #tpu.memory_space<semaphore_mem>>) src(%dma_wait3A_1144 : memref<64x512xf32, #tpu.memory_space<hbm>>) dst(%dma_wait3A_1142 : memref<64x512xf32, #tpu.memory_space<vmem>>)
    %add3A_1145 = arith.constant 1152 : i32
    %add3A_1146 = arith.addi %mul3A_2, %add3A_1145 : i32
    %dma_start3A_1147 = arith.constant 0 : i32
    %dma_start3A_1148 = arith.constant 0 : i32
    %dma_start3A_1149 = arith.constant 0 : i32
    %dma_start3A_1150 = tpu.memref_slice %arg15[%dma_start3A_1147, %dma_start3A_1148, %dma_start3A_1149] : memref<2x64x512xf32, #tpu.memory_space<vmem>> -> memref<1x64x512xf32, #tpu.memory_space<vmem>>
    %dma_start3A_1151 = tpu.memref_squeeze %dma_start3A_1150 : memref<1x64x512xf32, #tpu.memory_space<vmem>> -> memref<64x512xf32, #tpu.memory_space<vmem>>
    %dma_start3A_1152 = arith.constant 0 : i32
    %dma_start3A_1153 = tpu.memref_slice %arg7[%add3A_1146, %dma_start3A_1152] : memref<65536x512xf32, #tpu.memory_space<hbm>> -> memref<64x512xf32, #tpu.memory_space<hbm>>
    %dma_start3A_1154 = arith.constant 0 : i32
    %dma_start3A_1155 = tpu.memref_slice %arg7[%add3A_1146, %dma_start3A_1154] : memref<65536x512xf32, #tpu.memory_space<hbm>> -> memref<64x512xf32, #tpu.memory_space<hbm>>
    %dma_start3A_1156 = arith.constant 0 : i32
    %dma_start3A_1157 = arith.constant 0 : i32
    %dma_start3A_1158 = tpu.memref_slice %arg15[%dma_start3A_1147, %dma_start3A_1156, %dma_start3A_1157] : memref<2x64x512xf32, #tpu.memory_space<vmem>> -> memref<1x64x512xf32, #tpu.memory_space<vmem>>
    %dma_start3A_1159 = tpu.memref_squeeze %dma_start3A_1158 : memref<1x64x512xf32, #tpu.memory_space<vmem>> -> memref<64x512xf32, #tpu.memory_space<vmem>>
    tpu.enqueue_dma source(%dma_start3A_1159 : memref<64x512xf32, #tpu.memory_space<vmem>>) target(%dma_start3A_1155 : memref<64x512xf32, #tpu.memory_space<hbm>>) target_semaphore(%arg16 : memref<!tpu.dma_semaphore, #tpu.memory_space<semaphore_mem>>)
    %dma_wait3A_1160 = arith.constant 1 : i32
    %dma_wait3A_1161 = arith.constant 0 : i32
    %dma_wait3A_1162 = arith.constant 0 : i32
    %dma_wait3A_1163 = tpu.memref_slice %arg15[%dma_wait3A_1160, %dma_wait3A_1161, %dma_wait3A_1162] : memref<2x64x512xf32, #tpu.memory_space<vmem>> -> memref<1x64x512xf32, #tpu.memory_space<vmem>>
    %dma_wait3A_1164 = tpu.memref_squeeze %dma_wait3A_1163 : memref<1x64x512xf32, #tpu.memory_space<vmem>> -> memref<64x512xf32, #tpu.memory_space<vmem>>
    %dma_wait3A_1165 = arith.constant 0 : i32
    %dma_wait3A_1166 = tpu.memref_slice %arg7[%add3A_1084, %dma_wait3A_1165] : memref<65536x512xf32, #tpu.memory_space<hbm>> -> memref<64x512xf32, #tpu.memory_space<hbm>>
    %dma_wait3A_1167 = arith.constant 0 : i32
    %dma_wait3A_1168 = tpu.memref_slice %arg7[%add3A_1084, %dma_wait3A_1167] : memref<65536x512xf32, #tpu.memory_space<hbm>> -> memref<64x512xf32, #tpu.memory_space<hbm>>
    %dma_wait3A_1169 = arith.constant 0 : i32
    %dma_wait3A_1170 = arith.constant 0 : i32
    %dma_wait3A_1171 = tpu.memref_slice %arg15[%dma_wait3A_1160, %dma_wait3A_1169, %dma_wait3A_1170] : memref<2x64x512xf32, #tpu.memory_space<vmem>> -> memref<1x64x512xf32, #tpu.memory_space<vmem>>
    %dma_wait3A_1172 = tpu.memref_squeeze %dma_wait3A_1171 : memref<1x64x512xf32, #tpu.memory_space<vmem>> -> memref<64x512xf32, #tpu.memory_space<vmem>>
    tpu.wait_dma2 semaphore(%arg16 : memref<!tpu.dma_semaphore, #tpu.memory_space<semaphore_mem>>) src(%dma_wait3A_1172 : memref<64x512xf32, #tpu.memory_space<vmem>>) dst(%dma_wait3A_1168 : memref<64x512xf32, #tpu.memory_space<hbm>>)
    %add3A_1173 = arith.constant 1216 : i32
    %add3A_1174 = arith.addi %mul3A_2, %add3A_1173 : i32
    %dma_start3A_1175 = arith.constant 1 : i32
    %dma_start3A_1176 = arith.constant 0 : i32
    %dma_start3A_1177 = arith.constant 0 : i32
    %dma_start3A_1178 = tpu.memref_slice %arg15[%dma_start3A_1175, %dma_start3A_1176, %dma_start3A_1177] : memref<2x64x512xf32, #tpu.memory_space<vmem>> -> memref<1x64x512xf32, #tpu.memory_space<vmem>>
    %dma_start3A_1179 = tpu.memref_squeeze %dma_start3A_1178 : memref<1x64x512xf32, #tpu.memory_space<vmem>> -> memref<64x512xf32, #tpu.memory_space<vmem>>
    %dma_start3A_1180 = arith.constant 0 : i32
    %dma_start3A_1181 = tpu.memref_slice %arg2[%add3A_1174, %dma_start3A_1180] : memref<65536x512xf32, #tpu.memory_space<hbm>> -> memref<64x512xf32, #tpu.memory_space<hbm>>
    %dma_start3A_1182 = arith.constant 0 : i32
    %dma_start3A_1183 = arith.constant 0 : i32
    %dma_start3A_1184 = tpu.memref_slice %arg15[%dma_start3A_1175, %dma_start3A_1182, %dma_start3A_1183] : memref<2x64x512xf32, #tpu.memory_space<vmem>> -> memref<1x64x512xf32, #tpu.memory_space<vmem>>
    %dma_start3A_1185 = tpu.memref_squeeze %dma_start3A_1184 : memref<1x64x512xf32, #tpu.memory_space<vmem>> -> memref<64x512xf32, #tpu.memory_space<vmem>>
    %dma_start3A_1186 = arith.constant 0 : i32
    %dma_start3A_1187 = tpu.memref_slice %arg2[%add3A_1174, %dma_start3A_1186] : memref<65536x512xf32, #tpu.memory_space<hbm>> -> memref<64x512xf32, #tpu.memory_space<hbm>>
    tpu.enqueue_dma source(%dma_start3A_1187 : memref<64x512xf32, #tpu.memory_space<hbm>>) target(%dma_start3A_1185 : memref<64x512xf32, #tpu.memory_space<vmem>>) target_semaphore(%arg17 : memref<!tpu.dma_semaphore, #tpu.memory_space<semaphore_mem>>)
    %scan3A_1188 = arith.constant 0 : i32
    %scan3A_1189 = arith.constant 576 : i32
    %scan3A_1190 = arith.constant 32 : i32
    %scan3A_1191 = arith.addi %scan3A_1189, %scan3A_1190 : i32
    %scan3A_1192 = arith.constant 1 : i32
    scf.for %scan3A_2028 = %scan3A_1189 to %scan3A_1191 step %scan3A_1192  : i32 {
      %mul3A_2029 = arith.constant 16 : i32
      %mul3A_2030 = arith.muli %scan3A_2028, %mul3A_2029 : i32
      %get3A = arith.index_cast %mul3A_2030 : i32 to index
      %get3A_2031 = tpu.vector_load %arg8[%get3A] {strides = array<i32>} : memref<16384xi32, #tpu.memory_space<vmem>>, vector<16xi32>,
      %mul3A_2032 = arith.constant 16 : i32
      %mul3A_2033 = arith.muli %scan3A_2028, %mul3A_2032 : i32
      %add3A_2034 = vector.broadcast %mul3A_2033 : i32 to vector<16xi32>
      %add3A_2035 = arith.addi %add3A_2034, %iota3A : vector<16xi32>
      %ge3A_2036 = vector.broadcast %mul3A_2 : i32 to vector<16xi32>
      %ge3A_2037 = arith.cmpi sge, %get3A_2031, %ge3A_2036 : vector<16xi32>
      %add3A_2038 = arith.constant 2048 : i32
      %add3A_2039 = arith.addi %mul3A_2, %add3A_2038 : i32
      %lt3A = vector.broadcast %add3A_2039 : i32 to vector<16xi32>
      %lt3A_2040 = arith.cmpi slt, %get3A_2031, %lt3A : vector<16xi32>
      %and3A_2041 = arith.andi %ge3A_2037, %lt3A_2040 : vector<16xi1>
      %shift_left3A = arith.constant 14 : i32
      %shift_left3A_2042 = vector.broadcast %shift_left3A : i32 to vector<16xi32>
      %shift_left3A_2043 = arith.shli %get3A_2031, %shift_left3A_2042 : vector<16xi32>
      %add3A_2044 = arith.addi %shift_left3A_2043, %add3A_2035 : vector<16xi32>
      %select_n3A_2045 = arith.select %and3A_2041, %add3A_2044, %broadcast_in_dim3A_5 : vector<16xi1>, vector<16xi32>
      %masked_sort3A = arith.constant dense<true> : vector<16xi1>
      %masked_sort3A_2046 = arith.constant -2147483648 : i32
      %masked_sort3A_2047 = vector.broadcast %masked_sort3A_2046 : i32 to vector<16xi32>
      %masked_sort3A_2048 = arith.xori %select_n3A_2045, %masked_sort3A_2047 : vector<16xi32>
      %masked_sort3A_2049, %masked_sort3A_2050, %masked_sort3A_2051 = tpu.sort %masked_sort3A_2048, %select_n3A_2045 masked %masked_sort3A : (vector<16xi32>, vector<16xi32>, vector<16xi1>) -> (vector<16xi1>, vector<16xi32>, vector<16xi32>)
      %masked_sort3A_2052 = arith.xori %masked_sort3A_2050, %masked_sort3A_2047 : vector<16xi32>
      %shift_right_arithmetic3A = arith.constant 14 : i32
      %shift_right_arithmetic3A_2053 = vector.broadcast %shift_right_arithmetic3A : i32 to vector<16xi32>
      %shift_right_arithmetic3A_2054 = arith.shrsi %masked_sort3A_2052, %shift_right_arithmetic3A_2053 : vector<16xi32>
      %and3A_2055 = arith.constant 16383 : i32
      %and3A_2056 = vector.broadcast %and3A_2055 : i32 to vector<16xi32>
      %and3A_2057 = arith.andi %masked_sort3A_2052, %and3A_2056 : vector<16xi32>
      %ne3A_2058 = arith.cmpi ne, %masked_sort3A_2052, %broadcast_in_dim3A_5 : vector<16xi32>
      %broadcast_in_dim3A_2059 = vector.shape_cast %min3A_10 : vector<16xi32> to vector<16x1xi32>
      %gather3A = vector.shape_cast %broadcast_in_dim3A_2059 : vector<16x1xi32> to vector<16xi32>
      %gather3A_2060 = tpu.dynamic_gather %shift_right_arithmetic3A_2054[%gather3A] in [0] : vector<16xi32>, vector<16xi32> -> vector<16xi32>
      %ne3A_2061 = arith.cmpi ne, %shift_right_arithmetic3A_2054, %gather3A_2060 : vector<16xi32>
      %eq3A = arith.constant 15 : i32
      %eq3A_2062 = vector.broadcast %eq3A : i32 to vector<16xi32>
      %eq3A_2063 = arith.cmpi eq, %iota3A, %eq3A_2062 : vector<16xi32>
      %or3A = arith.ori %ne3A_2061, %eq3A_2063 : vector<16xi1>
      %sub3A_2064 = vector.broadcast %mul3A_2 : i32 to vector<16xi32>
      %sub3A_2065 = arith.subi %shift_right_arithmetic3A_2054, %sub3A_2064 : vector<16xi32>
      %and3A_2066 = arith.andi %ne3A_2058, %or3A : vector<16xi1>
      tpu.vector_store_idx %arg11[%sub3A_2065], %and3A_2057 masked %and3A_2066 : memref<2048xi32, #tpu.memory_space<vmem>>[vector<16xi32>], vector<16xi32>, vector<16xi1>
    }
    %scan3A_1193 = arith.constant 32 : i32
    %dma_wait3A_1194 = arith.constant 1 : i32
    %dma_wait3A_1195 = arith.constant 0 : i32
    %dma_wait3A_1196 = arith.constant 0 : i32
    %dma_wait3A_1197 = tpu.memref_slice %arg15[%dma_wait3A_1194, %dma_wait3A_1195, %dma_wait3A_1196] : memref<2x64x512xf32, #tpu.memory_space<vmem>> -> memref<1x64x512xf32, #tpu.memory_space<vmem>>
    %dma_wait3A_1198 = tpu.memref_squeeze %dma_wait3A_1197 : memref<1x64x512xf32, #tpu.memory_space<vmem>> -> memref<64x512xf32, #tpu.memory_space<vmem>>
    %dma_wait3A_1199 = arith.constant 0 : i32
    %dma_wait3A_1200 = tpu.memref_slice %arg2[%add3A_1174, %dma_wait3A_1199] : memref<65536x512xf32, #tpu.memory_space<hbm>> -> memref<64x512xf32, #tpu.memory_space<hbm>>
    %dma_wait3A_1201 = arith.constant 0 : i32
    %dma_wait3A_1202 = arith.constant 0 : i32
    %dma_wait3A_1203 = tpu.memref_slice %arg15[%dma_wait3A_1194, %dma_wait3A_1201, %dma_wait3A_1202] : memref<2x64x512xf32, #tpu.memory_space<vmem>> -> memref<1x64x512xf32, #tpu.memory_space<vmem>>
    %dma_wait3A_1204 = tpu.memref_squeeze %dma_wait3A_1203 : memref<1x64x512xf32, #tpu.memory_space<vmem>> -> memref<64x512xf32, #tpu.memory_space<vmem>>
    %dma_wait3A_1205 = arith.constant 0 : i32
    %dma_wait3A_1206 = tpu.memref_slice %arg2[%add3A_1174, %dma_wait3A_1205] : memref<65536x512xf32, #tpu.memory_space<hbm>> -> memref<64x512xf32, #tpu.memory_space<hbm>>
    tpu.wait_dma2 semaphore(%arg17 : memref<!tpu.dma_semaphore, #tpu.memory_space<semaphore_mem>>) src(%dma_wait3A_1206 : memref<64x512xf32, #tpu.memory_space<hbm>>) dst(%dma_wait3A_1204 : memref<64x512xf32, #tpu.memory_space<vmem>>)
    %add3A_1207 = arith.constant 1216 : i32
    %add3A_1208 = arith.addi %mul3A_2, %add3A_1207 : i32
    %dma_start3A_1209 = arith.constant 1 : i32
    %dma_start3A_1210 = arith.constant 0 : i32
    %dma_start3A_1211 = arith.constant 0 : i32
    %dma_start3A_1212 = tpu.memref_slice %arg15[%dma_start3A_1209, %dma_start3A_1210, %dma_start3A_1211] : memref<2x64x512xf32, #tpu.memory_space<vmem>> -> memref<1x64x512xf32, #tpu.memory_space<vmem>>
    %dma_start3A_1213 = tpu.memref_squeeze %dma_start3A_1212 : memref<1x64x512xf32, #tpu.memory_space<vmem>> -> memref<64x512xf32, #tpu.memory_space<vmem>>
    %dma_start3A_1214 = arith.constant 0 : i32
    %dma_start3A_1215 = tpu.memref_slice %arg7[%add3A_1208, %dma_start3A_1214] : memref<65536x512xf32, #tpu.memory_space<hbm>> -> memref<64x512xf32, #tpu.memory_space<hbm>>
    %dma_start3A_1216 = arith.constant 0 : i32
    %dma_start3A_1217 = tpu.memref_slice %arg7[%add3A_1208, %dma_start3A_1216] : memref<65536x512xf32, #tpu.memory_space<hbm>> -> memref<64x512xf32, #tpu.memory_space<hbm>>
    %dma_start3A_1218 = arith.constant 0 : i32
    %dma_start3A_1219 = arith.constant 0 : i32
    %dma_start3A_1220 = tpu.memref_slice %arg15[%dma_start3A_1209, %dma_start3A_1218, %dma_start3A_1219] : memref<2x64x512xf32, #tpu.memory_space<vmem>> -> memref<1x64x512xf32, #tpu.memory_space<vmem>>
    %dma_start3A_1221 = tpu.memref_squeeze %dma_start3A_1220 : memref<1x64x512xf32, #tpu.memory_space<vmem>> -> memref<64x512xf32, #tpu.memory_space<vmem>>
    tpu.enqueue_dma source(%dma_start3A_1221 : memref<64x512xf32, #tpu.memory_space<vmem>>) target(%dma_start3A_1217 : memref<64x512xf32, #tpu.memory_space<hbm>>) target_semaphore(%arg16 : memref<!tpu.dma_semaphore, #tpu.memory_space<semaphore_mem>>)
    %dma_wait3A_1222 = arith.constant 0 : i32
    %dma_wait3A_1223 = arith.constant 0 : i32
    %dma_wait3A_1224 = arith.constant 0 : i32
    %dma_wait3A_1225 = tpu.memref_slice %arg15[%dma_wait3A_1222, %dma_wait3A_1223, %dma_wait3A_1224] : memref<2x64x512xf32, #tpu.memory_space<vmem>> -> memref<1x64x512xf32, #tpu.memory_space<vmem>>
    %dma_wait3A_1226 = tpu.memref_squeeze %dma_wait3A_1225 : memref<1x64x512xf32, #tpu.memory_space<vmem>> -> memref<64x512xf32, #tpu.memory_space<vmem>>
    %dma_wait3A_1227 = arith.constant 0 : i32
    %dma_wait3A_1228 = tpu.memref_slice %arg7[%add3A_1146, %dma_wait3A_1227] : memref<65536x512xf32, #tpu.memory_space<hbm>> -> memref<64x512xf32, #tpu.memory_space<hbm>>
    %dma_wait3A_1229 = arith.constant 0 : i32
    %dma_wait3A_1230 = tpu.memref_slice %arg7[%add3A_1146, %dma_wait3A_1229] : memref<65536x512xf32, #tpu.memory_space<hbm>> -> memref<64x512xf32, #tpu.memory_space<hbm>>
    %dma_wait3A_1231 = arith.constant 0 : i32
    %dma_wait3A_1232 = arith.constant 0 : i32
    %dma_wait3A_1233 = tpu.memref_slice %arg15[%dma_wait3A_1222, %dma_wait3A_1231, %dma_wait3A_1232] : memref<2x64x512xf32, #tpu.memory_space<vmem>> -> memref<1x64x512xf32, #tpu.memory_space<vmem>>
    %dma_wait3A_1234 = tpu.memref_squeeze %dma_wait3A_1233 : memref<1x64x512xf32, #tpu.memory_space<vmem>> -> memref<64x512xf32, #tpu.memory_space<vmem>>
    tpu.wait_dma2 semaphore(%arg16 : memref<!tpu.dma_semaphore, #tpu.memory_space<semaphore_mem>>) src(%dma_wait3A_1234 : memref<64x512xf32, #tpu.memory_space<vmem>>) dst(%dma_wait3A_1230 : memref<64x512xf32, #tpu.memory_space<hbm>>)
    %add3A_1235 = arith.constant 1280 : i32
    %add3A_1236 = arith.addi %mul3A_2, %add3A_1235 : i32
    %dma_start3A_1237 = arith.constant 0 : i32
    %dma_start3A_1238 = arith.constant 0 : i32
    %dma_start3A_1239 = arith.constant 0 : i32
    %dma_start3A_1240 = tpu.memref_slice %arg15[%dma_start3A_1237, %dma_start3A_1238, %dma_start3A_1239] : memref<2x64x512xf32, #tpu.memory_space<vmem>> -> memref<1x64x512xf32, #tpu.memory_space<vmem>>
    %dma_start3A_1241 = tpu.memref_squeeze %dma_start3A_1240 : memref<1x64x512xf32, #tpu.memory_space<vmem>> -> memref<64x512xf32, #tpu.memory_space<vmem>>
    %dma_start3A_1242 = arith.constant 0 : i32
    %dma_start3A_1243 = tpu.memref_slice %arg2[%add3A_1236, %dma_start3A_1242] : memref<65536x512xf32, #tpu.memory_space<hbm>> -> memref<64x512xf32, #tpu.memory_space<hbm>>
    %dma_start3A_1244 = arith.constant 0 : i32
    %dma_start3A_1245 = arith.constant 0 : i32
    %dma_start3A_1246 = tpu.memref_slice %arg15[%dma_start3A_1237, %dma_start3A_1244, %dma_start3A_1245] : memref<2x64x512xf32, #tpu.memory_space<vmem>> -> memref<1x64x512xf32, #tpu.memory_space<vmem>>
    %dma_start3A_1247 = tpu.memref_squeeze %dma_start3A_1246 : memref<1x64x512xf32, #tpu.memory_space<vmem>> -> memref<64x512xf32, #tpu.memory_space<vmem>>
    %dma_start3A_1248 = arith.constant 0 : i32
    %dma_start3A_1249 = tpu.memref_slice %arg2[%add3A_1236, %dma_start3A_1248] : memref<65536x512xf32, #tpu.memory_space<hbm>> -> memref<64x512xf32, #tpu.memory_space<hbm>>
    tpu.enqueue_dma source(%dma_start3A_1249 : memref<64x512xf32, #tpu.memory_space<hbm>>) target(%dma_start3A_1247 : memref<64x512xf32, #tpu.memory_space<vmem>>) target_semaphore(%arg17 : memref<!tpu.dma_semaphore, #tpu.memory_space<semaphore_mem>>)
    %scan3A_1250 = arith.constant 0 : i32
    %scan3A_1251 = arith.constant 608 : i32
    %scan3A_1252 = arith.constant 32 : i32
    %scan3A_1253 = arith.addi %scan3A_1251, %scan3A_1252 : i32
    %scan3A_1254 = arith.constant 1 : i32
    scf.for %scan3A_2028 = %scan3A_1251 to %scan3A_1253 step %scan3A_1254  : i32 {
      %mul3A_2029 = arith.constant 16 : i32
      %mul3A_2030 = arith.muli %scan3A_2028, %mul3A_2029 : i32
      %get3A = arith.index_cast %mul3A_2030 : i32 to index
      %get3A_2031 = tpu.vector_load %arg8[%get3A] {strides = array<i32>} : memref<16384xi32, #tpu.memory_space<vmem>>, vector<16xi32>,
      %mul3A_2032 = arith.constant 16 : i32
      %mul3A_2033 = arith.muli %scan3A_2028, %mul3A_2032 : i32
      %add3A_2034 = vector.broadcast %mul3A_2033 : i32 to vector<16xi32>
      %add3A_2035 = arith.addi %add3A_2034, %iota3A : vector<16xi32>
      %ge3A_2036 = vector.broadcast %mul3A_2 : i32 to vector<16xi32>
      %ge3A_2037 = arith.cmpi sge, %get3A_2031, %ge3A_2036 : vector<16xi32>
      %add3A_2038 = arith.constant 2048 : i32
      %add3A_2039 = arith.addi %mul3A_2, %add3A_2038 : i32
      %lt3A = vector.broadcast %add3A_2039 : i32 to vector<16xi32>
      %lt3A_2040 = arith.cmpi slt, %get3A_2031, %lt3A : vector<16xi32>
      %and3A_2041 = arith.andi %ge3A_2037, %lt3A_2040 : vector<16xi1>
      %shift_left3A = arith.constant 14 : i32
      %shift_left3A_2042 = vector.broadcast %shift_left3A : i32 to vector<16xi32>
      %shift_left3A_2043 = arith.shli %get3A_2031, %shift_left3A_2042 : vector<16xi32>
      %add3A_2044 = arith.addi %shift_left3A_2043, %add3A_2035 : vector<16xi32>
      %select_n3A_2045 = arith.select %and3A_2041, %add3A_2044, %broadcast_in_dim3A_5 : vector<16xi1>, vector<16xi32>
      %masked_sort3A = arith.constant dense<true> : vector<16xi1>
      %masked_sort3A_2046 = arith.constant -2147483648 : i32
      %masked_sort3A_2047 = vector.broadcast %masked_sort3A_2046 : i32 to vector<16xi32>
      %masked_sort3A_2048 = arith.xori %select_n3A_2045, %masked_sort3A_2047 : vector<16xi32>
      %masked_sort3A_2049, %masked_sort3A_2050, %masked_sort3A_2051 = tpu.sort %masked_sort3A_2048, %select_n3A_2045 masked %masked_sort3A : (vector<16xi32>, vector<16xi32>, vector<16xi1>) -> (vector<16xi1>, vector<16xi32>, vector<16xi32>)
      %masked_sort3A_2052 = arith.xori %masked_sort3A_2050, %masked_sort3A_2047 : vector<16xi32>
      %shift_right_arithmetic3A = arith.constant 14 : i32
      %shift_right_arithmetic3A_2053 = vector.broadcast %shift_right_arithmetic3A : i32 to vector<16xi32>
      %shift_right_arithmetic3A_2054 = arith.shrsi %masked_sort3A_2052, %shift_right_arithmetic3A_2053 : vector<16xi32>
      %and3A_2055 = arith.constant 16383 : i32
      %and3A_2056 = vector.broadcast %and3A_2055 : i32 to vector<16xi32>
      %and3A_2057 = arith.andi %masked_sort3A_2052, %and3A_2056 : vector<16xi32>
      %ne3A_2058 = arith.cmpi ne, %masked_sort3A_2052, %broadcast_in_dim3A_5 : vector<16xi32>
      %broadcast_in_dim3A_2059 = vector.shape_cast %min3A_10 : vector<16xi32> to vector<16x1xi32>
      %gather3A = vector.shape_cast %broadcast_in_dim3A_2059 : vector<16x1xi32> to vector<16xi32>
      %gather3A_2060 = tpu.dynamic_gather %shift_right_arithmetic3A_2054[%gather3A] in [0] : vector<16xi32>, vector<16xi32> -> vector<16xi32>
      %ne3A_2061 = arith.cmpi ne, %shift_right_arithmetic3A_2054, %gather3A_2060 : vector<16xi32>
      %eq3A = arith.constant 15 : i32
      %eq3A_2062 = vector.broadcast %eq3A : i32 to vector<16xi32>
      %eq3A_2063 = arith.cmpi eq, %iota3A, %eq3A_2062 : vector<16xi32>
      %or3A = arith.ori %ne3A_2061, %eq3A_2063 : vector<16xi1>
      %sub3A_2064 = vector.broadcast %mul3A_2 : i32 to vector<16xi32>
      %sub3A_2065 = arith.subi %shift_right_arithmetic3A_2054, %sub3A_2064 : vector<16xi32>
      %and3A_2066 = arith.andi %ne3A_2058, %or3A : vector<16xi1>
      tpu.vector_store_idx %arg11[%sub3A_2065], %and3A_2057 masked %and3A_2066 : memref<2048xi32, #tpu.memory_space<vmem>>[vector<16xi32>], vector<16xi32>, vector<16xi1>
    }
    %scan3A_1255 = arith.constant 32 : i32
    %dma_wait3A_1256 = arith.constant 0 : i32
    %dma_wait3A_1257 = arith.constant 0 : i32
    %dma_wait3A_1258 = arith.constant 0 : i32
    %dma_wait3A_1259 = tpu.memref_slice %arg15[%dma_wait3A_1256, %dma_wait3A_1257, %dma_wait3A_1258] : memref<2x64x512xf32, #tpu.memory_space<vmem>> -> memref<1x64x512xf32, #tpu.memory_space<vmem>>
    %dma_wait3A_1260 = tpu.memref_squeeze %dma_wait3A_1259 : memref<1x64x512xf32, #tpu.memory_space<vmem>> -> memref<64x512xf32, #tpu.memory_space<vmem>>
    %dma_wait3A_1261 = arith.constant 0 : i32
    %dma_wait3A_1262 = tpu.memref_slice %arg2[%add3A_1236, %dma_wait3A_1261] : memref<65536x512xf32, #tpu.memory_space<hbm>> -> memref<64x512xf32, #tpu.memory_space<hbm>>
    %dma_wait3A_1263 = arith.constant 0 : i32
    %dma_wait3A_1264 = arith.constant 0 : i32
    %dma_wait3A_1265 = tpu.memref_slice %arg15[%dma_wait3A_1256, %dma_wait3A_1263, %dma_wait3A_1264] : memref<2x64x512xf32, #tpu.memory_space<vmem>> -> memref<1x64x512xf32, #tpu.memory_space<vmem>>
    %dma_wait3A_1266 = tpu.memref_squeeze %dma_wait3A_1265 : memref<1x64x512xf32, #tpu.memory_space<vmem>> -> memref<64x512xf32, #tpu.memory_space<vmem>>
    %dma_wait3A_1267 = arith.constant 0 : i32
    %dma_wait3A_1268 = tpu.memref_slice %arg2[%add3A_1236, %dma_wait3A_1267] : memref<65536x512xf32, #tpu.memory_space<hbm>> -> memref<64x512xf32, #tpu.memory_space<hbm>>
    tpu.wait_dma2 semaphore(%arg17 : memref<!tpu.dma_semaphore, #tpu.memory_space<semaphore_mem>>) src(%dma_wait3A_1268 : memref<64x512xf32, #tpu.memory_space<hbm>>) dst(%dma_wait3A_1266 : memref<64x512xf32, #tpu.memory_space<vmem>>)
    %add3A_1269 = arith.constant 1280 : i32
    %add3A_1270 = arith.addi %mul3A_2, %add3A_1269 : i32
    %dma_start3A_1271 = arith.constant 0 : i32
    %dma_start3A_1272 = arith.constant 0 : i32
    %dma_start3A_1273 = arith.constant 0 : i32
    %dma_start3A_1274 = tpu.memref_slice %arg15[%dma_start3A_1271, %dma_start3A_1272, %dma_start3A_1273] : memref<2x64x512xf32, #tpu.memory_space<vmem>> -> memref<1x64x512xf32, #tpu.memory_space<vmem>>
    %dma_start3A_1275 = tpu.memref_squeeze %dma_start3A_1274 : memref<1x64x512xf32, #tpu.memory_space<vmem>> -> memref<64x512xf32, #tpu.memory_space<vmem>>
    %dma_start3A_1276 = arith.constant 0 : i32
    %dma_start3A_1277 = tpu.memref_slice %arg7[%add3A_1270, %dma_start3A_1276] : memref<65536x512xf32, #tpu.memory_space<hbm>> -> memref<64x512xf32, #tpu.memory_space<hbm>>
    %dma_start3A_1278 = arith.constant 0 : i32
    %dma_start3A_1279 = tpu.memref_slice %arg7[%add3A_1270, %dma_start3A_1278] : memref<65536x512xf32, #tpu.memory_space<hbm>> -> memref<64x512xf32, #tpu.memory_space<hbm>>
    %dma_start3A_1280 = arith.constant 0 : i32
    %dma_start3A_1281 = arith.constant 0 : i32
    %dma_start3A_1282 = tpu.memref_slice %arg15[%dma_start3A_1271, %dma_start3A_1280, %dma_start3A_1281] : memref<2x64x512xf32, #tpu.memory_space<vmem>> -> memref<1x64x512xf32, #tpu.memory_space<vmem>>
    %dma_start3A_1283 = tpu.memref_squeeze %dma_start3A_1282 : memref<1x64x512xf32, #tpu.memory_space<vmem>> -> memref<64x512xf32, #tpu.memory_space<vmem>>
    tpu.enqueue_dma source(%dma_start3A_1283 : memref<64x512xf32, #tpu.memory_space<vmem>>) target(%dma_start3A_1279 : memref<64x512xf32, #tpu.memory_space<hbm>>) target_semaphore(%arg16 : memref<!tpu.dma_semaphore, #tpu.memory_space<semaphore_mem>>)
    %dma_wait3A_1284 = arith.constant 1 : i32
    %dma_wait3A_1285 = arith.constant 0 : i32
    %dma_wait3A_1286 = arith.constant 0 : i32
    %dma_wait3A_1287 = tpu.memref_slice %arg15[%dma_wait3A_1284, %dma_wait3A_1285, %dma_wait3A_1286] : memref<2x64x512xf32, #tpu.memory_space<vmem>> -> memref<1x64x512xf32, #tpu.memory_space<vmem>>
    %dma_wait3A_1288 = tpu.memref_squeeze %dma_wait3A_1287 : memref<1x64x512xf32, #tpu.memory_space<vmem>> -> memref<64x512xf32, #tpu.memory_space<vmem>>
    %dma_wait3A_1289 = arith.constant 0 : i32
    %dma_wait3A_1290 = tpu.memref_slice %arg7[%add3A_1208, %dma_wait3A_1289] : memref<65536x512xf32, #tpu.memory_space<hbm>> -> memref<64x512xf32, #tpu.memory_space<hbm>>
    %dma_wait3A_1291 = arith.constant 0 : i32
    %dma_wait3A_1292 = tpu.memref_slice %arg7[%add3A_1208, %dma_wait3A_1291] : memref<65536x512xf32, #tpu.memory_space<hbm>> -> memref<64x512xf32, #tpu.memory_space<hbm>>
    %dma_wait3A_1293 = arith.constant 0 : i32
    %dma_wait3A_1294 = arith.constant 0 : i32
    %dma_wait3A_1295 = tpu.memref_slice %arg15[%dma_wait3A_1284, %dma_wait3A_1293, %dma_wait3A_1294] : memref<2x64x512xf32, #tpu.memory_space<vmem>> -> memref<1x64x512xf32, #tpu.memory_space<vmem>>
    %dma_wait3A_1296 = tpu.memref_squeeze %dma_wait3A_1295 : memref<1x64x512xf32, #tpu.memory_space<vmem>> -> memref<64x512xf32, #tpu.memory_space<vmem>>
    tpu.wait_dma2 semaphore(%arg16 : memref<!tpu.dma_semaphore, #tpu.memory_space<semaphore_mem>>) src(%dma_wait3A_1296 : memref<64x512xf32, #tpu.memory_space<vmem>>) dst(%dma_wait3A_1292 : memref<64x512xf32, #tpu.memory_space<hbm>>)
    %add3A_1297 = arith.constant 1344 : i32
    %add3A_1298 = arith.addi %mul3A_2, %add3A_1297 : i32
    %dma_start3A_1299 = arith.constant 1 : i32
    %dma_start3A_1300 = arith.constant 0 : i32
    %dma_start3A_1301 = arith.constant 0 : i32
    %dma_start3A_1302 = tpu.memref_slice %arg15[%dma_start3A_1299, %dma_start3A_1300, %dma_start3A_1301] : memref<2x64x512xf32, #tpu.memory_space<vmem>> -> memref<1x64x512xf32, #tpu.memory_space<vmem>>
    %dma_start3A_1303 = tpu.memref_squeeze %dma_start3A_1302 : memref<1x64x512xf32, #tpu.memory_space<vmem>> -> memref<64x512xf32, #tpu.memory_space<vmem>>
    %dma_start3A_1304 = arith.constant 0 : i32
    %dma_start3A_1305 = tpu.memref_slice %arg2[%add3A_1298, %dma_start3A_1304] : memref<65536x512xf32, #tpu.memory_space<hbm>> -> memref<64x512xf32, #tpu.memory_space<hbm>>
    %dma_start3A_1306 = arith.constant 0 : i32
    %dma_start3A_1307 = arith.constant 0 : i32
    %dma_start3A_1308 = tpu.memref_slice %arg15[%dma_start3A_1299, %dma_start3A_1306, %dma_start3A_1307] : memref<2x64x512xf32, #tpu.memory_space<vmem>> -> memref<1x64x512xf32, #tpu.memory_space<vmem>>
    %dma_start3A_1309 = tpu.memref_squeeze %dma_start3A_1308 : memref<1x64x512xf32, #tpu.memory_space<vmem>> -> memref<64x512xf32, #tpu.memory_space<vmem>>
    %dma_start3A_1310 = arith.constant 0 : i32
    %dma_start3A_1311 = tpu.memref_slice %arg2[%add3A_1298, %dma_start3A_1310] : memref<65536x512xf32, #tpu.memory_space<hbm>> -> memref<64x512xf32, #tpu.memory_space<hbm>>
    tpu.enqueue_dma source(%dma_start3A_1311 : memref<64x512xf32, #tpu.memory_space<hbm>>) target(%dma_start3A_1309 : memref<64x512xf32, #tpu.memory_space<vmem>>) target_semaphore(%arg17 : memref<!tpu.dma_semaphore, #tpu.memory_space<semaphore_mem>>)
    %scan3A_1312 = arith.constant 0 : i32
    %scan3A_1313 = arith.constant 640 : i32
    %scan3A_1314 = arith.constant 32 : i32
    %scan3A_1315 = arith.addi %scan3A_1313, %scan3A_1314 : i32
    %scan3A_1316 = arith.constant 1 : i32
    scf.for %scan3A_2028 = %scan3A_1313 to %scan3A_1315 step %scan3A_1316  : i32 {
      %mul3A_2029 = arith.constant 16 : i32
      %mul3A_2030 = arith.muli %scan3A_2028, %mul3A_2029 : i32
      %get3A = arith.index_cast %mul3A_2030 : i32 to index
      %get3A_2031 = tpu.vector_load %arg8[%get3A] {strides = array<i32>} : memref<16384xi32, #tpu.memory_space<vmem>>, vector<16xi32>,
      %mul3A_2032 = arith.constant 16 : i32
      %mul3A_2033 = arith.muli %scan3A_2028, %mul3A_2032 : i32
      %add3A_2034 = vector.broadcast %mul3A_2033 : i32 to vector<16xi32>
      %add3A_2035 = arith.addi %add3A_2034, %iota3A : vector<16xi32>
      %ge3A_2036 = vector.broadcast %mul3A_2 : i32 to vector<16xi32>
      %ge3A_2037 = arith.cmpi sge, %get3A_2031, %ge3A_2036 : vector<16xi32>
      %add3A_2038 = arith.constant 2048 : i32
      %add3A_2039 = arith.addi %mul3A_2, %add3A_2038 : i32
      %lt3A = vector.broadcast %add3A_2039 : i32 to vector<16xi32>
      %lt3A_2040 = arith.cmpi slt, %get3A_2031, %lt3A : vector<16xi32>
      %and3A_2041 = arith.andi %ge3A_2037, %lt3A_2040 : vector<16xi1>
      %shift_left3A = arith.constant 14 : i32
      %shift_left3A_2042 = vector.broadcast %shift_left3A : i32 to vector<16xi32>
      %shift_left3A_2043 = arith.shli %get3A_2031, %shift_left3A_2042 : vector<16xi32>
      %add3A_2044 = arith.addi %shift_left3A_2043, %add3A_2035 : vector<16xi32>
      %select_n3A_2045 = arith.select %and3A_2041, %add3A_2044, %broadcast_in_dim3A_5 : vector<16xi1>, vector<16xi32>
      %masked_sort3A = arith.constant dense<true> : vector<16xi1>
      %masked_sort3A_2046 = arith.constant -2147483648 : i32
      %masked_sort3A_2047 = vector.broadcast %masked_sort3A_2046 : i32 to vector<16xi32>
      %masked_sort3A_2048 = arith.xori %select_n3A_2045, %masked_sort3A_2047 : vector<16xi32>
      %masked_sort3A_2049, %masked_sort3A_2050, %masked_sort3A_2051 = tpu.sort %masked_sort3A_2048, %select_n3A_2045 masked %masked_sort3A : (vector<16xi32>, vector<16xi32>, vector<16xi1>) -> (vector<16xi1>, vector<16xi32>, vector<16xi32>)
      %masked_sort3A_2052 = arith.xori %masked_sort3A_2050, %masked_sort3A_2047 : vector<16xi32>
      %shift_right_arithmetic3A = arith.constant 14 : i32
      %shift_right_arithmetic3A_2053 = vector.broadcast %shift_right_arithmetic3A : i32 to vector<16xi32>
      %shift_right_arithmetic3A_2054 = arith.shrsi %masked_sort3A_2052, %shift_right_arithmetic3A_2053 : vector<16xi32>
      %and3A_2055 = arith.constant 16383 : i32
      %and3A_2056 = vector.broadcast %and3A_2055 : i32 to vector<16xi32>
      %and3A_2057 = arith.andi %masked_sort3A_2052, %and3A_2056 : vector<16xi32>
      %ne3A_2058 = arith.cmpi ne, %masked_sort3A_2052, %broadcast_in_dim3A_5 : vector<16xi32>
      %broadcast_in_dim3A_2059 = vector.shape_cast %min3A_10 : vector<16xi32> to vector<16x1xi32>
      %gather3A = vector.shape_cast %broadcast_in_dim3A_2059 : vector<16x1xi32> to vector<16xi32>
      %gather3A_2060 = tpu.dynamic_gather %shift_right_arithmetic3A_2054[%gather3A] in [0] : vector<16xi32>, vector<16xi32> -> vector<16xi32>
      %ne3A_2061 = arith.cmpi ne, %shift_right_arithmetic3A_2054, %gather3A_2060 : vector<16xi32>
      %eq3A = arith.constant 15 : i32
      %eq3A_2062 = vector.broadcast %eq3A : i32 to vector<16xi32>
      %eq3A_2063 = arith.cmpi eq, %iota3A, %eq3A_2062 : vector<16xi32>
      %or3A = arith.ori %ne3A_2061, %eq3A_2063 : vector<16xi1>
      %sub3A_2064 = vector.broadcast %mul3A_2 : i32 to vector<16xi32>
      %sub3A_2065 = arith.subi %shift_right_arithmetic3A_2054, %sub3A_2064 : vector<16xi32>
      %and3A_2066 = arith.andi %ne3A_2058, %or3A : vector<16xi1>
      tpu.vector_store_idx %arg11[%sub3A_2065], %and3A_2057 masked %and3A_2066 : memref<2048xi32, #tpu.memory_space<vmem>>[vector<16xi32>], vector<16xi32>, vector<16xi1>
    }
    %scan3A_1317 = arith.constant 32 : i32
    %dma_wait3A_1318 = arith.constant 1 : i32
    %dma_wait3A_1319 = arith.constant 0 : i32
    %dma_wait3A_1320 = arith.constant 0 : i32
    %dma_wait3A_1321 = tpu.memref_slice %arg15[%dma_wait3A_1318, %dma_wait3A_1319, %dma_wait3A_1320] : memref<2x64x512xf32, #tpu.memory_space<vmem>> -> memref<1x64x512xf32, #tpu.memory_space<vmem>>
    %dma_wait3A_1322 = tpu.memref_squeeze %dma_wait3A_1321 : memref<1x64x512xf32, #tpu.memory_space<vmem>> -> memref<64x512xf32, #tpu.memory_space<vmem>>
    %dma_wait3A_1323 = arith.constant 0 : i32
    %dma_wait3A_1324 = tpu.memref_slice %arg2[%add3A_1298, %dma_wait3A_1323] : memref<65536x512xf32, #tpu.memory_space<hbm>> -> memref<64x512xf32, #tpu.memory_space<hbm>>
    %dma_wait3A_1325 = arith.constant 0 : i32
    %dma_wait3A_1326 = arith.constant 0 : i32
    %dma_wait3A_1327 = tpu.memref_slice %arg15[%dma_wait3A_1318, %dma_wait3A_1325, %dma_wait3A_1326] : memref<2x64x512xf32, #tpu.memory_space<vmem>> -> memref<1x64x512xf32, #tpu.memory_space<vmem>>
    %dma_wait3A_1328 = tpu.memref_squeeze %dma_wait3A_1327 : memref<1x64x512xf32, #tpu.memory_space<vmem>> -> memref<64x512xf32, #tpu.memory_space<vmem>>
    %dma_wait3A_1329 = arith.constant 0 : i32
    %dma_wait3A_1330 = tpu.memref_slice %arg2[%add3A_1298, %dma_wait3A_1329] : memref<65536x512xf32, #tpu.memory_space<hbm>> -> memref<64x512xf32, #tpu.memory_space<hbm>>
    tpu.wait_dma2 semaphore(%arg17 : memref<!tpu.dma_semaphore, #tpu.memory_space<semaphore_mem>>) src(%dma_wait3A_1330 : memref<64x512xf32, #tpu.memory_space<hbm>>) dst(%dma_wait3A_1328 : memref<64x512xf32, #tpu.memory_space<vmem>>)
    %add3A_1331 = arith.constant 1344 : i32
    %add3A_1332 = arith.addi %mul3A_2, %add3A_1331 : i32
    %dma_start3A_1333 = arith.constant 1 : i32
    %dma_start3A_1334 = arith.constant 0 : i32
    %dma_start3A_1335 = arith.constant 0 : i32
    %dma_start3A_1336 = tpu.memref_slice %arg15[%dma_start3A_1333, %dma_start3A_1334, %dma_start3A_1335] : memref<2x64x512xf32, #tpu.memory_space<vmem>> -> memref<1x64x512xf32, #tpu.memory_space<vmem>>
    %dma_start3A_1337 = tpu.memref_squeeze %dma_start3A_1336 : memref<1x64x512xf32, #tpu.memory_space<vmem>> -> memref<64x512xf32, #tpu.memory_space<vmem>>
    %dma_start3A_1338 = arith.constant 0 : i32
    %dma_start3A_1339 = tpu.memref_slice %arg7[%add3A_1332, %dma_start3A_1338] : memref<65536x512xf32, #tpu.memory_space<hbm>> -> memref<64x512xf32, #tpu.memory_space<hbm>>
    %dma_start3A_1340 = arith.constant 0 : i32
    %dma_start3A_1341 = tpu.memref_slice %arg7[%add3A_1332, %dma_start3A_1340] : memref<65536x512xf32, #tpu.memory_space<hbm>> -> memref<64x512xf32, #tpu.memory_space<hbm>>
    %dma_start3A_1342 = arith.constant 0 : i32
    %dma_start3A_1343 = arith.constant 0 : i32
    %dma_start3A_1344 = tpu.memref_slice %arg15[%dma_start3A_1333, %dma_start3A_1342, %dma_start3A_1343] : memref<2x64x512xf32, #tpu.memory_space<vmem>> -> memref<1x64x512xf32, #tpu.memory_space<vmem>>
    %dma_start3A_1345 = tpu.memref_squeeze %dma_start3A_1344 : memref<1x64x512xf32, #tpu.memory_space<vmem>> -> memref<64x512xf32, #tpu.memory_space<vmem>>
    tpu.enqueue_dma source(%dma_start3A_1345 : memref<64x512xf32, #tpu.memory_space<vmem>>) target(%dma_start3A_1341 : memref<64x512xf32, #tpu.memory_space<hbm>>) target_semaphore(%arg16 : memref<!tpu.dma_semaphore, #tpu.memory_space<semaphore_mem>>)
    %dma_wait3A_1346 = arith.constant 0 : i32
    %dma_wait3A_1347 = arith.constant 0 : i32
    %dma_wait3A_1348 = arith.constant 0 : i32
    %dma_wait3A_1349 = tpu.memref_slice %arg15[%dma_wait3A_1346, %dma_wait3A_1347, %dma_wait3A_1348] : memref<2x64x512xf32, #tpu.memory_space<vmem>> -> memref<1x64x512xf32, #tpu.memory_space<vmem>>
    %dma_wait3A_1350 = tpu.memref_squeeze %dma_wait3A_1349 : memref<1x64x512xf32, #tpu.memory_space<vmem>> -> memref<64x512xf32, #tpu.memory_space<vmem>>
    %dma_wait3A_1351 = arith.constant 0 : i32
    %dma_wait3A_1352 = tpu.memref_slice %arg7[%add3A_1270, %dma_wait3A_1351] : memref<65536x512xf32, #tpu.memory_space<hbm>> -> memref<64x512xf32, #tpu.memory_space<hbm>>
    %dma_wait3A_1353 = arith.constant 0 : i32
    %dma_wait3A_1354 = tpu.memref_slice %arg7[%add3A_1270, %dma_wait3A_1353] : memref<65536x512xf32, #tpu.memory_space<hbm>> -> memref<64x512xf32, #tpu.memory_space<hbm>>
    %dma_wait3A_1355 = arith.constant 0 : i32
    %dma_wait3A_1356 = arith.constant 0 : i32
    %dma_wait3A_1357 = tpu.memref_slice %arg15[%dma_wait3A_1346, %dma_wait3A_1355, %dma_wait3A_1356] : memref<2x64x512xf32, #tpu.memory_space<vmem>> -> memref<1x64x512xf32, #tpu.memory_space<vmem>>
    %dma_wait3A_1358 = tpu.memref_squeeze %dma_wait3A_1357 : memref<1x64x512xf32, #tpu.memory_space<vmem>> -> memref<64x512xf32, #tpu.memory_space<vmem>>
    tpu.wait_dma2 semaphore(%arg16 : memref<!tpu.dma_semaphore, #tpu.memory_space<semaphore_mem>>) src(%dma_wait3A_1358 : memref<64x512xf32, #tpu.memory_space<vmem>>) dst(%dma_wait3A_1354 : memref<64x512xf32, #tpu.memory_space<hbm>>)
    %add3A_1359 = arith.constant 1408 : i32
    %add3A_1360 = arith.addi %mul3A_2, %add3A_1359 : i32
    %dma_start3A_1361 = arith.constant 0 : i32
    %dma_start3A_1362 = arith.constant 0 : i32
    %dma_start3A_1363 = arith.constant 0 : i32
    %dma_start3A_1364 = tpu.memref_slice %arg15[%dma_start3A_1361, %dma_start3A_1362, %dma_start3A_1363] : memref<2x64x512xf32, #tpu.memory_space<vmem>> -> memref<1x64x512xf32, #tpu.memory_space<vmem>>
    %dma_start3A_1365 = tpu.memref_squeeze %dma_start3A_1364 : memref<1x64x512xf32, #tpu.memory_space<vmem>> -> memref<64x512xf32, #tpu.memory_space<vmem>>
    %dma_start3A_1366 = arith.constant 0 : i32
    %dma_start3A_1367 = tpu.memref_slice %arg2[%add3A_1360, %dma_start3A_1366] : memref<65536x512xf32, #tpu.memory_space<hbm>> -> memref<64x512xf32, #tpu.memory_space<hbm>>
    %dma_start3A_1368 = arith.constant 0 : i32
    %dma_start3A_1369 = arith.constant 0 : i32
    %dma_start3A_1370 = tpu.memref_slice %arg15[%dma_start3A_1361, %dma_start3A_1368, %dma_start3A_1369] : memref<2x64x512xf32, #tpu.memory_space<vmem>> -> memref<1x64x512xf32, #tpu.memory_space<vmem>>
    %dma_start3A_1371 = tpu.memref_squeeze %dma_start3A_1370 : memref<1x64x512xf32, #tpu.memory_space<vmem>> -> memref<64x512xf32, #tpu.memory_space<vmem>>
    %dma_start3A_1372 = arith.constant 0 : i32
    %dma_start3A_1373 = tpu.memref_slice %arg2[%add3A_1360, %dma_start3A_1372] : memref<65536x512xf32, #tpu.memory_space<hbm>> -> memref<64x512xf32, #tpu.memory_space<hbm>>
    tpu.enqueue_dma source(%dma_start3A_1373 : memref<64x512xf32, #tpu.memory_space<hbm>>) target(%dma_start3A_1371 : memref<64x512xf32, #tpu.memory_space<vmem>>) target_semaphore(%arg17 : memref<!tpu.dma_semaphore, #tpu.memory_space<semaphore_mem>>)
    %scan3A_1374 = arith.constant 0 : i32
    %scan3A_1375 = arith.constant 672 : i32
    %scan3A_1376 = arith.constant 32 : i32
    %scan3A_1377 = arith.addi %scan3A_1375, %scan3A_1376 : i32
    %scan3A_1378 = arith.constant 1 : i32
    scf.for %scan3A_2028 = %scan3A_1375 to %scan3A_1377 step %scan3A_1378  : i32 {
      %mul3A_2029 = arith.constant 16 : i32
      %mul3A_2030 = arith.muli %scan3A_2028, %mul3A_2029 : i32
      %get3A = arith.index_cast %mul3A_2030 : i32 to index
      %get3A_2031 = tpu.vector_load %arg8[%get3A] {strides = array<i32>} : memref<16384xi32, #tpu.memory_space<vmem>>, vector<16xi32>,
      %mul3A_2032 = arith.constant 16 : i32
      %mul3A_2033 = arith.muli %scan3A_2028, %mul3A_2032 : i32
      %add3A_2034 = vector.broadcast %mul3A_2033 : i32 to vector<16xi32>
      %add3A_2035 = arith.addi %add3A_2034, %iota3A : vector<16xi32>
      %ge3A_2036 = vector.broadcast %mul3A_2 : i32 to vector<16xi32>
      %ge3A_2037 = arith.cmpi sge, %get3A_2031, %ge3A_2036 : vector<16xi32>
      %add3A_2038 = arith.constant 2048 : i32
      %add3A_2039 = arith.addi %mul3A_2, %add3A_2038 : i32
      %lt3A = vector.broadcast %add3A_2039 : i32 to vector<16xi32>
      %lt3A_2040 = arith.cmpi slt, %get3A_2031, %lt3A : vector<16xi32>
      %and3A_2041 = arith.andi %ge3A_2037, %lt3A_2040 : vector<16xi1>
      %shift_left3A = arith.constant 14 : i32
      %shift_left3A_2042 = vector.broadcast %shift_left3A : i32 to vector<16xi32>
      %shift_left3A_2043 = arith.shli %get3A_2031, %shift_left3A_2042 : vector<16xi32>
      %add3A_2044 = arith.addi %shift_left3A_2043, %add3A_2035 : vector<16xi32>
      %select_n3A_2045 = arith.select %and3A_2041, %add3A_2044, %broadcast_in_dim3A_5 : vector<16xi1>, vector<16xi32>
      %masked_sort3A = arith.constant dense<true> : vector<16xi1>
      %masked_sort3A_2046 = arith.constant -2147483648 : i32
      %masked_sort3A_2047 = vector.broadcast %masked_sort3A_2046 : i32 to vector<16xi32>
      %masked_sort3A_2048 = arith.xori %select_n3A_2045, %masked_sort3A_2047 : vector<16xi32>
      %masked_sort3A_2049, %masked_sort3A_2050, %masked_sort3A_2051 = tpu.sort %masked_sort3A_2048, %select_n3A_2045 masked %masked_sort3A : (vector<16xi32>, vector<16xi32>, vector<16xi1>) -> (vector<16xi1>, vector<16xi32>, vector<16xi32>)
      %masked_sort3A_2052 = arith.xori %masked_sort3A_2050, %masked_sort3A_2047 : vector<16xi32>
      %shift_right_arithmetic3A = arith.constant 14 : i32
      %shift_right_arithmetic3A_2053 = vector.broadcast %shift_right_arithmetic3A : i32 to vector<16xi32>
      %shift_right_arithmetic3A_2054 = arith.shrsi %masked_sort3A_2052, %shift_right_arithmetic3A_2053 : vector<16xi32>
      %and3A_2055 = arith.constant 16383 : i32
      %and3A_2056 = vector.broadcast %and3A_2055 : i32 to vector<16xi32>
      %and3A_2057 = arith.andi %masked_sort3A_2052, %and3A_2056 : vector<16xi32>
      %ne3A_2058 = arith.cmpi ne, %masked_sort3A_2052, %broadcast_in_dim3A_5 : vector<16xi32>
      %broadcast_in_dim3A_2059 = vector.shape_cast %min3A_10 : vector<16xi32> to vector<16x1xi32>
      %gather3A = vector.shape_cast %broadcast_in_dim3A_2059 : vector<16x1xi32> to vector<16xi32>
      %gather3A_2060 = tpu.dynamic_gather %shift_right_arithmetic3A_2054[%gather3A] in [0] : vector<16xi32>, vector<16xi32> -> vector<16xi32>
      %ne3A_2061 = arith.cmpi ne, %shift_right_arithmetic3A_2054, %gather3A_2060 : vector<16xi32>
      %eq3A = arith.constant 15 : i32
      %eq3A_2062 = vector.broadcast %eq3A : i32 to vector<16xi32>
      %eq3A_2063 = arith.cmpi eq, %iota3A, %eq3A_2062 : vector<16xi32>
      %or3A = arith.ori %ne3A_2061, %eq3A_2063 : vector<16xi1>
      %sub3A_2064 = vector.broadcast %mul3A_2 : i32 to vector<16xi32>
      %sub3A_2065 = arith.subi %shift_right_arithmetic3A_2054, %sub3A_2064 : vector<16xi32>
      %and3A_2066 = arith.andi %ne3A_2058, %or3A : vector<16xi1>
      tpu.vector_store_idx %arg11[%sub3A_2065], %and3A_2057 masked %and3A_2066 : memref<2048xi32, #tpu.memory_space<vmem>>[vector<16xi32>], vector<16xi32>, vector<16xi1>
    }
    %scan3A_1379 = arith.constant 32 : i32
    %dma_wait3A_1380 = arith.constant 0 : i32
    %dma_wait3A_1381 = arith.constant 0 : i32
    %dma_wait3A_1382 = arith.constant 0 : i32
    %dma_wait3A_1383 = tpu.memref_slice %arg15[%dma_wait3A_1380, %dma_wait3A_1381, %dma_wait3A_1382] : memref<2x64x512xf32, #tpu.memory_space<vmem>> -> memref<1x64x512xf32, #tpu.memory_space<vmem>>
    %dma_wait3A_1384 = tpu.memref_squeeze %dma_wait3A_1383 : memref<1x64x512xf32, #tpu.memory_space<vmem>> -> memref<64x512xf32, #tpu.memory_space<vmem>>
    %dma_wait3A_1385 = arith.constant 0 : i32
    %dma_wait3A_1386 = tpu.memref_slice %arg2[%add3A_1360, %dma_wait3A_1385] : memref<65536x512xf32, #tpu.memory_space<hbm>> -> memref<64x512xf32, #tpu.memory_space<hbm>>
    %dma_wait3A_1387 = arith.constant 0 : i32
    %dma_wait3A_1388 = arith.constant 0 : i32
    %dma_wait3A_1389 = tpu.memref_slice %arg15[%dma_wait3A_1380, %dma_wait3A_1387, %dma_wait3A_1388] : memref<2x64x512xf32, #tpu.memory_space<vmem>> -> memref<1x64x512xf32, #tpu.memory_space<vmem>>
    %dma_wait3A_1390 = tpu.memref_squeeze %dma_wait3A_1389 : memref<1x64x512xf32, #tpu.memory_space<vmem>> -> memref<64x512xf32, #tpu.memory_space<vmem>>
    %dma_wait3A_1391 = arith.constant 0 : i32
    %dma_wait3A_1392 = tpu.memref_slice %arg2[%add3A_1360, %dma_wait3A_1391] : memref<65536x512xf32, #tpu.memory_space<hbm>> -> memref<64x512xf32, #tpu.memory_space<hbm>>
    tpu.wait_dma2 semaphore(%arg17 : memref<!tpu.dma_semaphore, #tpu.memory_space<semaphore_mem>>) src(%dma_wait3A_1392 : memref<64x512xf32, #tpu.memory_space<hbm>>) dst(%dma_wait3A_1390 : memref<64x512xf32, #tpu.memory_space<vmem>>)
    %add3A_1393 = arith.constant 1408 : i32
    %add3A_1394 = arith.addi %mul3A_2, %add3A_1393 : i32
    %dma_start3A_1395 = arith.constant 0 : i32
    %dma_start3A_1396 = arith.constant 0 : i32
    %dma_start3A_1397 = arith.constant 0 : i32
    %dma_start3A_1398 = tpu.memref_slice %arg15[%dma_start3A_1395, %dma_start3A_1396, %dma_start3A_1397] : memref<2x64x512xf32, #tpu.memory_space<vmem>> -> memref<1x64x512xf32, #tpu.memory_space<vmem>>
    %dma_start3A_1399 = tpu.memref_squeeze %dma_start3A_1398 : memref<1x64x512xf32, #tpu.memory_space<vmem>> -> memref<64x512xf32, #tpu.memory_space<vmem>>
    %dma_start3A_1400 = arith.constant 0 : i32
    %dma_start3A_1401 = tpu.memref_slice %arg7[%add3A_1394, %dma_start3A_1400] : memref<65536x512xf32, #tpu.memory_space<hbm>> -> memref<64x512xf32, #tpu.memory_space<hbm>>
    %dma_start3A_1402 = arith.constant 0 : i32
    %dma_start3A_1403 = tpu.memref_slice %arg7[%add3A_1394, %dma_start3A_1402] : memref<65536x512xf32, #tpu.memory_space<hbm>> -> memref<64x512xf32, #tpu.memory_space<hbm>>
    %dma_start3A_1404 = arith.constant 0 : i32
    %dma_start3A_1405 = arith.constant 0 : i32
    %dma_start3A_1406 = tpu.memref_slice %arg15[%dma_start3A_1395, %dma_start3A_1404, %dma_start3A_1405] : memref<2x64x512xf32, #tpu.memory_space<vmem>> -> memref<1x64x512xf32, #tpu.memory_space<vmem>>
    %dma_start3A_1407 = tpu.memref_squeeze %dma_start3A_1406 : memref<1x64x512xf32, #tpu.memory_space<vmem>> -> memref<64x512xf32, #tpu.memory_space<vmem>>
    tpu.enqueue_dma source(%dma_start3A_1407 : memref<64x512xf32, #tpu.memory_space<vmem>>) target(%dma_start3A_1403 : memref<64x512xf32, #tpu.memory_space<hbm>>) target_semaphore(%arg16 : memref<!tpu.dma_semaphore, #tpu.memory_space<semaphore_mem>>)
    %dma_wait3A_1408 = arith.constant 1 : i32
    %dma_wait3A_1409 = arith.constant 0 : i32
    %dma_wait3A_1410 = arith.constant 0 : i32
    %dma_wait3A_1411 = tpu.memref_slice %arg15[%dma_wait3A_1408, %dma_wait3A_1409, %dma_wait3A_1410] : memref<2x64x512xf32, #tpu.memory_space<vmem>> -> memref<1x64x512xf32, #tpu.memory_space<vmem>>
    %dma_wait3A_1412 = tpu.memref_squeeze %dma_wait3A_1411 : memref<1x64x512xf32, #tpu.memory_space<vmem>> -> memref<64x512xf32, #tpu.memory_space<vmem>>
    %dma_wait3A_1413 = arith.constant 0 : i32
    %dma_wait3A_1414 = tpu.memref_slice %arg7[%add3A_1332, %dma_wait3A_1413] : memref<65536x512xf32, #tpu.memory_space<hbm>> -> memref<64x512xf32, #tpu.memory_space<hbm>>
    %dma_wait3A_1415 = arith.constant 0 : i32
    %dma_wait3A_1416 = tpu.memref_slice %arg7[%add3A_1332, %dma_wait3A_1415] : memref<65536x512xf32, #tpu.memory_space<hbm>> -> memref<64x512xf32, #tpu.memory_space<hbm>>
    %dma_wait3A_1417 = arith.constant 0 : i32
    %dma_wait3A_1418 = arith.constant 0 : i32
    %dma_wait3A_1419 = tpu.memref_slice %arg15[%dma_wait3A_1408, %dma_wait3A_1417, %dma_wait3A_1418] : memref<2x64x512xf32, #tpu.memory_space<vmem>> -> memref<1x64x512xf32, #tpu.memory_space<vmem>>
    %dma_wait3A_1420 = tpu.memref_squeeze %dma_wait3A_1419 : memref<1x64x512xf32, #tpu.memory_space<vmem>> -> memref<64x512xf32, #tpu.memory_space<vmem>>
    tpu.wait_dma2 semaphore(%arg16 : memref<!tpu.dma_semaphore, #tpu.memory_space<semaphore_mem>>) src(%dma_wait3A_1420 : memref<64x512xf32, #tpu.memory_space<vmem>>) dst(%dma_wait3A_1416 : memref<64x512xf32, #tpu.memory_space<hbm>>)
    %add3A_1421 = arith.constant 1472 : i32
    %add3A_1422 = arith.addi %mul3A_2, %add3A_1421 : i32
    %dma_start3A_1423 = arith.constant 1 : i32
    %dma_start3A_1424 = arith.constant 0 : i32
    %dma_start3A_1425 = arith.constant 0 : i32
    %dma_start3A_1426 = tpu.memref_slice %arg15[%dma_start3A_1423, %dma_start3A_1424, %dma_start3A_1425] : memref<2x64x512xf32, #tpu.memory_space<vmem>> -> memref<1x64x512xf32, #tpu.memory_space<vmem>>
    %dma_start3A_1427 = tpu.memref_squeeze %dma_start3A_1426 : memref<1x64x512xf32, #tpu.memory_space<vmem>> -> memref<64x512xf32, #tpu.memory_space<vmem>>
    %dma_start3A_1428 = arith.constant 0 : i32
    %dma_start3A_1429 = tpu.memref_slice %arg2[%add3A_1422, %dma_start3A_1428] : memref<65536x512xf32, #tpu.memory_space<hbm>> -> memref<64x512xf32, #tpu.memory_space<hbm>>
    %dma_start3A_1430 = arith.constant 0 : i32
    %dma_start3A_1431 = arith.constant 0 : i32
    %dma_start3A_1432 = tpu.memref_slice %arg15[%dma_start3A_1423, %dma_start3A_1430, %dma_start3A_1431] : memref<2x64x512xf32, #tpu.memory_space<vmem>> -> memref<1x64x512xf32, #tpu.memory_space<vmem>>
    %dma_start3A_1433 = tpu.memref_squeeze %dma_start3A_1432 : memref<1x64x512xf32, #tpu.memory_space<vmem>> -> memref<64x512xf32, #tpu.memory_space<vmem>>
    %dma_start3A_1434 = arith.constant 0 : i32
    %dma_start3A_1435 = tpu.memref_slice %arg2[%add3A_1422, %dma_start3A_1434] : memref<65536x512xf32, #tpu.memory_space<hbm>> -> memref<64x512xf32, #tpu.memory_space<hbm>>
    tpu.enqueue_dma source(%dma_start3A_1435 : memref<64x512xf32, #tpu.memory_space<hbm>>) target(%dma_start3A_1433 : memref<64x512xf32, #tpu.memory_space<vmem>>) target_semaphore(%arg17 : memref<!tpu.dma_semaphore, #tpu.memory_space<semaphore_mem>>)
    %scan3A_1436 = arith.constant 0 : i32
    %scan3A_1437 = arith.constant 704 : i32
    %scan3A_1438 = arith.constant 32 : i32
    %scan3A_1439 = arith.addi %scan3A_1437, %scan3A_1438 : i32
    %scan3A_1440 = arith.constant 1 : i32
    scf.for %scan3A_2028 = %scan3A_1437 to %scan3A_1439 step %scan3A_1440  : i32 {
      %mul3A_2029 = arith.constant 16 : i32
      %mul3A_2030 = arith.muli %scan3A_2028, %mul3A_2029 : i32
      %get3A = arith.index_cast %mul3A_2030 : i32 to index
      %get3A_2031 = tpu.vector_load %arg8[%get3A] {strides = array<i32>} : memref<16384xi32, #tpu.memory_space<vmem>>, vector<16xi32>,
      %mul3A_2032 = arith.constant 16 : i32
      %mul3A_2033 = arith.muli %scan3A_2028, %mul3A_2032 : i32
      %add3A_2034 = vector.broadcast %mul3A_2033 : i32 to vector<16xi32>
      %add3A_2035 = arith.addi %add3A_2034, %iota3A : vector<16xi32>
      %ge3A_2036 = vector.broadcast %mul3A_2 : i32 to vector<16xi32>
      %ge3A_2037 = arith.cmpi sge, %get3A_2031, %ge3A_2036 : vector<16xi32>
      %add3A_2038 = arith.constant 2048 : i32
      %add3A_2039 = arith.addi %mul3A_2, %add3A_2038 : i32
      %lt3A = vector.broadcast %add3A_2039 : i32 to vector<16xi32>
      %lt3A_2040 = arith.cmpi slt, %get3A_2031, %lt3A : vector<16xi32>
      %and3A_2041 = arith.andi %ge3A_2037, %lt3A_2040 : vector<16xi1>
      %shift_left3A = arith.constant 14 : i32
      %shift_left3A_2042 = vector.broadcast %shift_left3A : i32 to vector<16xi32>
      %shift_left3A_2043 = arith.shli %get3A_2031, %shift_left3A_2042 : vector<16xi32>
      %add3A_2044 = arith.addi %shift_left3A_2043, %add3A_2035 : vector<16xi32>
      %select_n3A_2045 = arith.select %and3A_2041, %add3A_2044, %broadcast_in_dim3A_5 : vector<16xi1>, vector<16xi32>
      %masked_sort3A = arith.constant dense<true> : vector<16xi1>
      %masked_sort3A_2046 = arith.constant -2147483648 : i32
      %masked_sort3A_2047 = vector.broadcast %masked_sort3A_2046 : i32 to vector<16xi32>
      %masked_sort3A_2048 = arith.xori %select_n3A_2045, %masked_sort3A_2047 : vector<16xi32>
      %masked_sort3A_2049, %masked_sort3A_2050, %masked_sort3A_2051 = tpu.sort %masked_sort3A_2048, %select_n3A_2045 masked %masked_sort3A : (vector<16xi32>, vector<16xi32>, vector<16xi1>) -> (vector<16xi1>, vector<16xi32>, vector<16xi32>)
      %masked_sort3A_2052 = arith.xori %masked_sort3A_2050, %masked_sort3A_2047 : vector<16xi32>
      %shift_right_arithmetic3A = arith.constant 14 : i32
      %shift_right_arithmetic3A_2053 = vector.broadcast %shift_right_arithmetic3A : i32 to vector<16xi32>
      %shift_right_arithmetic3A_2054 = arith.shrsi %masked_sort3A_2052, %shift_right_arithmetic3A_2053 : vector<16xi32>
      %and3A_2055 = arith.constant 16383 : i32
      %and3A_2056 = vector.broadcast %and3A_2055 : i32 to vector<16xi32>
      %and3A_2057 = arith.andi %masked_sort3A_2052, %and3A_2056 : vector<16xi32>
      %ne3A_2058 = arith.cmpi ne, %masked_sort3A_2052, %broadcast_in_dim3A_5 : vector<16xi32>
      %broadcast_in_dim3A_2059 = vector.shape_cast %min3A_10 : vector<16xi32> to vector<16x1xi32>
      %gather3A = vector.shape_cast %broadcast_in_dim3A_2059 : vector<16x1xi32> to vector<16xi32>
      %gather3A_2060 = tpu.dynamic_gather %shift_right_arithmetic3A_2054[%gather3A] in [0] : vector<16xi32>, vector<16xi32> -> vector<16xi32>
      %ne3A_2061 = arith.cmpi ne, %shift_right_arithmetic3A_2054, %gather3A_2060 : vector<16xi32>
      %eq3A = arith.constant 15 : i32
      %eq3A_2062 = vector.broadcast %eq3A : i32 to vector<16xi32>
      %eq3A_2063 = arith.cmpi eq, %iota3A, %eq3A_2062 : vector<16xi32>
      %or3A = arith.ori %ne3A_2061, %eq3A_2063 : vector<16xi1>
      %sub3A_2064 = vector.broadcast %mul3A_2 : i32 to vector<16xi32>
      %sub3A_2065 = arith.subi %shift_right_arithmetic3A_2054, %sub3A_2064 : vector<16xi32>
      %and3A_2066 = arith.andi %ne3A_2058, %or3A : vector<16xi1>
      tpu.vector_store_idx %arg11[%sub3A_2065], %and3A_2057 masked %and3A_2066 : memref<2048xi32, #tpu.memory_space<vmem>>[vector<16xi32>], vector<16xi32>, vector<16xi1>
    }
    %scan3A_1441 = arith.constant 32 : i32
    %dma_wait3A_1442 = arith.constant 1 : i32
    %dma_wait3A_1443 = arith.constant 0 : i32
    %dma_wait3A_1444 = arith.constant 0 : i32
    %dma_wait3A_1445 = tpu.memref_slice %arg15[%dma_wait3A_1442, %dma_wait3A_1443, %dma_wait3A_1444] : memref<2x64x512xf32, #tpu.memory_space<vmem>> -> memref<1x64x512xf32, #tpu.memory_space<vmem>>
    %dma_wait3A_1446 = tpu.memref_squeeze %dma_wait3A_1445 : memref<1x64x512xf32, #tpu.memory_space<vmem>> -> memref<64x512xf32, #tpu.memory_space<vmem>>
    %dma_wait3A_1447 = arith.constant 0 : i32
    %dma_wait3A_1448 = tpu.memref_slice %arg2[%add3A_1422, %dma_wait3A_1447] : memref<65536x512xf32, #tpu.memory_space<hbm>> -> memref<64x512xf32, #tpu.memory_space<hbm>>
    %dma_wait3A_1449 = arith.constant 0 : i32
    %dma_wait3A_1450 = arith.constant 0 : i32
    %dma_wait3A_1451 = tpu.memref_slice %arg15[%dma_wait3A_1442, %dma_wait3A_1449, %dma_wait3A_1450] : memref<2x64x512xf32, #tpu.memory_space<vmem>> -> memref<1x64x512xf32, #tpu.memory_space<vmem>>
    %dma_wait3A_1452 = tpu.memref_squeeze %dma_wait3A_1451 : memref<1x64x512xf32, #tpu.memory_space<vmem>> -> memref<64x512xf32, #tpu.memory_space<vmem>>
    %dma_wait3A_1453 = arith.constant 0 : i32
    %dma_wait3A_1454 = tpu.memref_slice %arg2[%add3A_1422, %dma_wait3A_1453] : memref<65536x512xf32, #tpu.memory_space<hbm>> -> memref<64x512xf32, #tpu.memory_space<hbm>>
    tpu.wait_dma2 semaphore(%arg17 : memref<!tpu.dma_semaphore, #tpu.memory_space<semaphore_mem>>) src(%dma_wait3A_1454 : memref<64x512xf32, #tpu.memory_space<hbm>>) dst(%dma_wait3A_1452 : memref<64x512xf32, #tpu.memory_space<vmem>>)
    %add3A_1455 = arith.constant 1472 : i32
    %add3A_1456 = arith.addi %mul3A_2, %add3A_1455 : i32
    %dma_start3A_1457 = arith.constant 1 : i32
    %dma_start3A_1458 = arith.constant 0 : i32
    %dma_start3A_1459 = arith.constant 0 : i32
    %dma_start3A_1460 = tpu.memref_slice %arg15[%dma_start3A_1457, %dma_start3A_1458, %dma_start3A_1459] : memref<2x64x512xf32, #tpu.memory_space<vmem>> -> memref<1x64x512xf32, #tpu.memory_space<vmem>>
    %dma_start3A_1461 = tpu.memref_squeeze %dma_start3A_1460 : memref<1x64x512xf32, #tpu.memory_space<vmem>> -> memref<64x512xf32, #tpu.memory_space<vmem>>
    %dma_start3A_1462 = arith.constant 0 : i32
    %dma_start3A_1463 = tpu.memref_slice %arg7[%add3A_1456, %dma_start3A_1462] : memref<65536x512xf32, #tpu.memory_space<hbm>> -> memref<64x512xf32, #tpu.memory_space<hbm>>
    %dma_start3A_1464 = arith.constant 0 : i32
    %dma_start3A_1465 = tpu.memref_slice %arg7[%add3A_1456, %dma_start3A_1464] : memref<65536x512xf32, #tpu.memory_space<hbm>> -> memref<64x512xf32, #tpu.memory_space<hbm>>
    %dma_start3A_1466 = arith.constant 0 : i32
    %dma_start3A_1467 = arith.constant 0 : i32
    %dma_start3A_1468 = tpu.memref_slice %arg15[%dma_start3A_1457, %dma_start3A_1466, %dma_start3A_1467] : memref<2x64x512xf32, #tpu.memory_space<vmem>> -> memref<1x64x512xf32, #tpu.memory_space<vmem>>
    %dma_start3A_1469 = tpu.memref_squeeze %dma_start3A_1468 : memref<1x64x512xf32, #tpu.memory_space<vmem>> -> memref<64x512xf32, #tpu.memory_space<vmem>>
    tpu.enqueue_dma source(%dma_start3A_1469 : memref<64x512xf32, #tpu.memory_space<vmem>>) target(%dma_start3A_1465 : memref<64x512xf32, #tpu.memory_space<hbm>>) target_semaphore(%arg16 : memref<!tpu.dma_semaphore, #tpu.memory_space<semaphore_mem>>)
    %dma_wait3A_1470 = arith.constant 0 : i32
    %dma_wait3A_1471 = arith.constant 0 : i32
    %dma_wait3A_1472 = arith.constant 0 : i32
    %dma_wait3A_1473 = tpu.memref_slice %arg15[%dma_wait3A_1470, %dma_wait3A_1471, %dma_wait3A_1472] : memref<2x64x512xf32, #tpu.memory_space<vmem>> -> memref<1x64x512xf32, #tpu.memory_space<vmem>>
    %dma_wait3A_1474 = tpu.memref_squeeze %dma_wait3A_1473 : memref<1x64x512xf32, #tpu.memory_space<vmem>> -> memref<64x512xf32, #tpu.memory_space<vmem>>
    %dma_wait3A_1475 = arith.constant 0 : i32
    %dma_wait3A_1476 = tpu.memref_slice %arg7[%add3A_1394, %dma_wait3A_1475] : memref<65536x512xf32, #tpu.memory_space<hbm>> -> memref<64x512xf32, #tpu.memory_space<hbm>>
    %dma_wait3A_1477 = arith.constant 0 : i32
    %dma_wait3A_1478 = tpu.memref_slice %arg7[%add3A_1394, %dma_wait3A_1477] : memref<65536x512xf32, #tpu.memory_space<hbm>> -> memref<64x512xf32, #tpu.memory_space<hbm>>
    %dma_wait3A_1479 = arith.constant 0 : i32
    %dma_wait3A_1480 = arith.constant 0 : i32
    %dma_wait3A_1481 = tpu.memref_slice %arg15[%dma_wait3A_1470, %dma_wait3A_1479, %dma_wait3A_1480] : memref<2x64x512xf32, #tpu.memory_space<vmem>> -> memref<1x64x512xf32, #tpu.memory_space<vmem>>
    %dma_wait3A_1482 = tpu.memref_squeeze %dma_wait3A_1481 : memref<1x64x512xf32, #tpu.memory_space<vmem>> -> memref<64x512xf32, #tpu.memory_space<vmem>>
    tpu.wait_dma2 semaphore(%arg16 : memref<!tpu.dma_semaphore, #tpu.memory_space<semaphore_mem>>) src(%dma_wait3A_1482 : memref<64x512xf32, #tpu.memory_space<vmem>>) dst(%dma_wait3A_1478 : memref<64x512xf32, #tpu.memory_space<hbm>>)
    %add3A_1483 = arith.constant 1536 : i32
    %add3A_1484 = arith.addi %mul3A_2, %add3A_1483 : i32
    %dma_start3A_1485 = arith.constant 0 : i32
    %dma_start3A_1486 = arith.constant 0 : i32
    %dma_start3A_1487 = arith.constant 0 : i32
    %dma_start3A_1488 = tpu.memref_slice %arg15[%dma_start3A_1485, %dma_start3A_1486, %dma_start3A_1487] : memref<2x64x512xf32, #tpu.memory_space<vmem>> -> memref<1x64x512xf32, #tpu.memory_space<vmem>>
    %dma_start3A_1489 = tpu.memref_squeeze %dma_start3A_1488 : memref<1x64x512xf32, #tpu.memory_space<vmem>> -> memref<64x512xf32, #tpu.memory_space<vmem>>
    %dma_start3A_1490 = arith.constant 0 : i32
    %dma_start3A_1491 = tpu.memref_slice %arg2[%add3A_1484, %dma_start3A_1490] : memref<65536x512xf32, #tpu.memory_space<hbm>> -> memref<64x512xf32, #tpu.memory_space<hbm>>
    %dma_start3A_1492 = arith.constant 0 : i32
    %dma_start3A_1493 = arith.constant 0 : i32
    %dma_start3A_1494 = tpu.memref_slice %arg15[%dma_start3A_1485, %dma_start3A_1492, %dma_start3A_1493] : memref<2x64x512xf32, #tpu.memory_space<vmem>> -> memref<1x64x512xf32, #tpu.memory_space<vmem>>
    %dma_start3A_1495 = tpu.memref_squeeze %dma_start3A_1494 : memref<1x64x512xf32, #tpu.memory_space<vmem>> -> memref<64x512xf32, #tpu.memory_space<vmem>>
    %dma_start3A_1496 = arith.constant 0 : i32
    %dma_start3A_1497 = tpu.memref_slice %arg2[%add3A_1484, %dma_start3A_1496] : memref<65536x512xf32, #tpu.memory_space<hbm>> -> memref<64x512xf32, #tpu.memory_space<hbm>>
    tpu.enqueue_dma source(%dma_start3A_1497 : memref<64x512xf32, #tpu.memory_space<hbm>>) target(%dma_start3A_1495 : memref<64x512xf32, #tpu.memory_space<vmem>>) target_semaphore(%arg17 : memref<!tpu.dma_semaphore, #tpu.memory_space<semaphore_mem>>)
    %scan3A_1498 = arith.constant 0 : i32
    %scan3A_1499 = arith.constant 736 : i32
    %scan3A_1500 = arith.constant 32 : i32
    %scan3A_1501 = arith.addi %scan3A_1499, %scan3A_1500 : i32
    %scan3A_1502 = arith.constant 1 : i32
    scf.for %scan3A_2028 = %scan3A_1499 to %scan3A_1501 step %scan3A_1502  : i32 {
      %mul3A_2029 = arith.constant 16 : i32
      %mul3A_2030 = arith.muli %scan3A_2028, %mul3A_2029 : i32
      %get3A = arith.index_cast %mul3A_2030 : i32 to index
      %get3A_2031 = tpu.vector_load %arg8[%get3A] {strides = array<i32>} : memref<16384xi32, #tpu.memory_space<vmem>>, vector<16xi32>,
      %mul3A_2032 = arith.constant 16 : i32
      %mul3A_2033 = arith.muli %scan3A_2028, %mul3A_2032 : i32
      %add3A_2034 = vector.broadcast %mul3A_2033 : i32 to vector<16xi32>
      %add3A_2035 = arith.addi %add3A_2034, %iota3A : vector<16xi32>
      %ge3A_2036 = vector.broadcast %mul3A_2 : i32 to vector<16xi32>
      %ge3A_2037 = arith.cmpi sge, %get3A_2031, %ge3A_2036 : vector<16xi32>
      %add3A_2038 = arith.constant 2048 : i32
      %add3A_2039 = arith.addi %mul3A_2, %add3A_2038 : i32
      %lt3A = vector.broadcast %add3A_2039 : i32 to vector<16xi32>
      %lt3A_2040 = arith.cmpi slt, %get3A_2031, %lt3A : vector<16xi32>
      %and3A_2041 = arith.andi %ge3A_2037, %lt3A_2040 : vector<16xi1>
      %shift_left3A = arith.constant 14 : i32
      %shift_left3A_2042 = vector.broadcast %shift_left3A : i32 to vector<16xi32>
      %shift_left3A_2043 = arith.shli %get3A_2031, %shift_left3A_2042 : vector<16xi32>
      %add3A_2044 = arith.addi %shift_left3A_2043, %add3A_2035 : vector<16xi32>
      %select_n3A_2045 = arith.select %and3A_2041, %add3A_2044, %broadcast_in_dim3A_5 : vector<16xi1>, vector<16xi32>
      %masked_sort3A = arith.constant dense<true> : vector<16xi1>
      %masked_sort3A_2046 = arith.constant -2147483648 : i32
      %masked_sort3A_2047 = vector.broadcast %masked_sort3A_2046 : i32 to vector<16xi32>
      %masked_sort3A_2048 = arith.xori %select_n3A_2045, %masked_sort3A_2047 : vector<16xi32>
      %masked_sort3A_2049, %masked_sort3A_2050, %masked_sort3A_2051 = tpu.sort %masked_sort3A_2048, %select_n3A_2045 masked %masked_sort3A : (vector<16xi32>, vector<16xi32>, vector<16xi1>) -> (vector<16xi1>, vector<16xi32>, vector<16xi32>)
      %masked_sort3A_2052 = arith.xori %masked_sort3A_2050, %masked_sort3A_2047 : vector<16xi32>
      %shift_right_arithmetic3A = arith.constant 14 : i32
      %shift_right_arithmetic3A_2053 = vector.broadcast %shift_right_arithmetic3A : i32 to vector<16xi32>
      %shift_right_arithmetic3A_2054 = arith.shrsi %masked_sort3A_2052, %shift_right_arithmetic3A_2053 : vector<16xi32>
      %and3A_2055 = arith.constant 16383 : i32
      %and3A_2056 = vector.broadcast %and3A_2055 : i32 to vector<16xi32>
      %and3A_2057 = arith.andi %masked_sort3A_2052, %and3A_2056 : vector<16xi32>
      %ne3A_2058 = arith.cmpi ne, %masked_sort3A_2052, %broadcast_in_dim3A_5 : vector<16xi32>
      %broadcast_in_dim3A_2059 = vector.shape_cast %min3A_10 : vector<16xi32> to vector<16x1xi32>
      %gather3A = vector.shape_cast %broadcast_in_dim3A_2059 : vector<16x1xi32> to vector<16xi32>
      %gather3A_2060 = tpu.dynamic_gather %shift_right_arithmetic3A_2054[%gather3A] in [0] : vector<16xi32>, vector<16xi32> -> vector<16xi32>
      %ne3A_2061 = arith.cmpi ne, %shift_right_arithmetic3A_2054, %gather3A_2060 : vector<16xi32>
      %eq3A = arith.constant 15 : i32
      %eq3A_2062 = vector.broadcast %eq3A : i32 to vector<16xi32>
      %eq3A_2063 = arith.cmpi eq, %iota3A, %eq3A_2062 : vector<16xi32>
      %or3A = arith.ori %ne3A_2061, %eq3A_2063 : vector<16xi1>
      %sub3A_2064 = vector.broadcast %mul3A_2 : i32 to vector<16xi32>
      %sub3A_2065 = arith.subi %shift_right_arithmetic3A_2054, %sub3A_2064 : vector<16xi32>
      %and3A_2066 = arith.andi %ne3A_2058, %or3A : vector<16xi1>
      tpu.vector_store_idx %arg11[%sub3A_2065], %and3A_2057 masked %and3A_2066 : memref<2048xi32, #tpu.memory_space<vmem>>[vector<16xi32>], vector<16xi32>, vector<16xi1>
    }
    %scan3A_1503 = arith.constant 32 : i32
    %dma_wait3A_1504 = arith.constant 0 : i32
    %dma_wait3A_1505 = arith.constant 0 : i32
    %dma_wait3A_1506 = arith.constant 0 : i32
    %dma_wait3A_1507 = tpu.memref_slice %arg15[%dma_wait3A_1504, %dma_wait3A_1505, %dma_wait3A_1506] : memref<2x64x512xf32, #tpu.memory_space<vmem>> -> memref<1x64x512xf32, #tpu.memory_space<vmem>>
    %dma_wait3A_1508 = tpu.memref_squeeze %dma_wait3A_1507 : memref<1x64x512xf32, #tpu.memory_space<vmem>> -> memref<64x512xf32, #tpu.memory_space<vmem>>
    %dma_wait3A_1509 = arith.constant 0 : i32
    %dma_wait3A_1510 = tpu.memref_slice %arg2[%add3A_1484, %dma_wait3A_1509] : memref<65536x512xf32, #tpu.memory_space<hbm>> -> memref<64x512xf32, #tpu.memory_space<hbm>>
    %dma_wait3A_1511 = arith.constant 0 : i32
    %dma_wait3A_1512 = arith.constant 0 : i32
    %dma_wait3A_1513 = tpu.memref_slice %arg15[%dma_wait3A_1504, %dma_wait3A_1511, %dma_wait3A_1512] : memref<2x64x512xf32, #tpu.memory_space<vmem>> -> memref<1x64x512xf32, #tpu.memory_space<vmem>>
    %dma_wait3A_1514 = tpu.memref_squeeze %dma_wait3A_1513 : memref<1x64x512xf32, #tpu.memory_space<vmem>> -> memref<64x512xf32, #tpu.memory_space<vmem>>
    %dma_wait3A_1515 = arith.constant 0 : i32
    %dma_wait3A_1516 = tpu.memref_slice %arg2[%add3A_1484, %dma_wait3A_1515] : memref<65536x512xf32, #tpu.memory_space<hbm>> -> memref<64x512xf32, #tpu.memory_space<hbm>>
    tpu.wait_dma2 semaphore(%arg17 : memref<!tpu.dma_semaphore, #tpu.memory_space<semaphore_mem>>) src(%dma_wait3A_1516 : memref<64x512xf32, #tpu.memory_space<hbm>>) dst(%dma_wait3A_1514 : memref<64x512xf32, #tpu.memory_space<vmem>>)
    %add3A_1517 = arith.constant 1536 : i32
    %add3A_1518 = arith.addi %mul3A_2, %add3A_1517 : i32
    %dma_start3A_1519 = arith.constant 0 : i32
    %dma_start3A_1520 = arith.constant 0 : i32
    %dma_start3A_1521 = arith.constant 0 : i32
    %dma_start3A_1522 = tpu.memref_slice %arg15[%dma_start3A_1519, %dma_start3A_1520, %dma_start3A_1521] : memref<2x64x512xf32, #tpu.memory_space<vmem>> -> memref<1x64x512xf32, #tpu.memory_space<vmem>>
    %dma_start3A_1523 = tpu.memref_squeeze %dma_start3A_1522 : memref<1x64x512xf32, #tpu.memory_space<vmem>> -> memref<64x512xf32, #tpu.memory_space<vmem>>
    %dma_start3A_1524 = arith.constant 0 : i32
    %dma_start3A_1525 = tpu.memref_slice %arg7[%add3A_1518, %dma_start3A_1524] : memref<65536x512xf32, #tpu.memory_space<hbm>> -> memref<64x512xf32, #tpu.memory_space<hbm>>
    %dma_start3A_1526 = arith.constant 0 : i32
    %dma_start3A_1527 = tpu.memref_slice %arg7[%add3A_1518, %dma_start3A_1526] : memref<65536x512xf32, #tpu.memory_space<hbm>> -> memref<64x512xf32, #tpu.memory_space<hbm>>
    %dma_start3A_1528 = arith.constant 0 : i32
    %dma_start3A_1529 = arith.constant 0 : i32
    %dma_start3A_1530 = tpu.memref_slice %arg15[%dma_start3A_1519, %dma_start3A_1528, %dma_start3A_1529] : memref<2x64x512xf32, #tpu.memory_space<vmem>> -> memref<1x64x512xf32, #tpu.memory_space<vmem>>
    %dma_start3A_1531 = tpu.memref_squeeze %dma_start3A_1530 : memref<1x64x512xf32, #tpu.memory_space<vmem>> -> memref<64x512xf32, #tpu.memory_space<vmem>>
    tpu.enqueue_dma source(%dma_start3A_1531 : memref<64x512xf32, #tpu.memory_space<vmem>>) target(%dma_start3A_1527 : memref<64x512xf32, #tpu.memory_space<hbm>>) target_semaphore(%arg16 : memref<!tpu.dma_semaphore, #tpu.memory_space<semaphore_mem>>)
    %dma_wait3A_1532 = arith.constant 1 : i32
    %dma_wait3A_1533 = arith.constant 0 : i32
    %dma_wait3A_1534 = arith.constant 0 : i32
    %dma_wait3A_1535 = tpu.memref_slice %arg15[%dma_wait3A_1532, %dma_wait3A_1533, %dma_wait3A_1534] : memref<2x64x512xf32, #tpu.memory_space<vmem>> -> memref<1x64x512xf32, #tpu.memory_space<vmem>>
    %dma_wait3A_1536 = tpu.memref_squeeze %dma_wait3A_1535 : memref<1x64x512xf32, #tpu.memory_space<vmem>> -> memref<64x512xf32, #tpu.memory_space<vmem>>
    %dma_wait3A_1537 = arith.constant 0 : i32
    %dma_wait3A_1538 = tpu.memref_slice %arg7[%add3A_1456, %dma_wait3A_1537] : memref<65536x512xf32, #tpu.memory_space<hbm>> -> memref<64x512xf32, #tpu.memory_space<hbm>>
    %dma_wait3A_1539 = arith.constant 0 : i32
    %dma_wait3A_1540 = tpu.memref_slice %arg7[%add3A_1456, %dma_wait3A_1539] : memref<65536x512xf32, #tpu.memory_space<hbm>> -> memref<64x512xf32, #tpu.memory_space<hbm>>
    %dma_wait3A_1541 = arith.constant 0 : i32
    %dma_wait3A_1542 = arith.constant 0 : i32
    %dma_wait3A_1543 = tpu.memref_slice %arg15[%dma_wait3A_1532, %dma_wait3A_1541, %dma_wait3A_1542] : memref<2x64x512xf32, #tpu.memory_space<vmem>> -> memref<1x64x512xf32, #tpu.memory_space<vmem>>
    %dma_wait3A_1544 = tpu.memref_squeeze %dma_wait3A_1543 : memref<1x64x512xf32, #tpu.memory_space<vmem>> -> memref<64x512xf32, #tpu.memory_space<vmem>>
    tpu.wait_dma2 semaphore(%arg16 : memref<!tpu.dma_semaphore, #tpu.memory_space<semaphore_mem>>) src(%dma_wait3A_1544 : memref<64x512xf32, #tpu.memory_space<vmem>>) dst(%dma_wait3A_1540 : memref<64x512xf32, #tpu.memory_space<hbm>>)
    %add3A_1545 = arith.constant 1600 : i32
    %add3A_1546 = arith.addi %mul3A_2, %add3A_1545 : i32
    %dma_start3A_1547 = arith.constant 1 : i32
    %dma_start3A_1548 = arith.constant 0 : i32
    %dma_start3A_1549 = arith.constant 0 : i32
    %dma_start3A_1550 = tpu.memref_slice %arg15[%dma_start3A_1547, %dma_start3A_1548, %dma_start3A_1549] : memref<2x64x512xf32, #tpu.memory_space<vmem>> -> memref<1x64x512xf32, #tpu.memory_space<vmem>>
    %dma_start3A_1551 = tpu.memref_squeeze %dma_start3A_1550 : memref<1x64x512xf32, #tpu.memory_space<vmem>> -> memref<64x512xf32, #tpu.memory_space<vmem>>
    %dma_start3A_1552 = arith.constant 0 : i32
    %dma_start3A_1553 = tpu.memref_slice %arg2[%add3A_1546, %dma_start3A_1552] : memref<65536x512xf32, #tpu.memory_space<hbm>> -> memref<64x512xf32, #tpu.memory_space<hbm>>
    %dma_start3A_1554 = arith.constant 0 : i32
    %dma_start3A_1555 = arith.constant 0 : i32
    %dma_start3A_1556 = tpu.memref_slice %arg15[%dma_start3A_1547, %dma_start3A_1554, %dma_start3A_1555] : memref<2x64x512xf32, #tpu.memory_space<vmem>> -> memref<1x64x512xf32, #tpu.memory_space<vmem>>
    %dma_start3A_1557 = tpu.memref_squeeze %dma_start3A_1556 : memref<1x64x512xf32, #tpu.memory_space<vmem>> -> memref<64x512xf32, #tpu.memory_space<vmem>>
    %dma_start3A_1558 = arith.constant 0 : i32
    %dma_start3A_1559 = tpu.memref_slice %arg2[%add3A_1546, %dma_start3A_1558] : memref<65536x512xf32, #tpu.memory_space<hbm>> -> memref<64x512xf32, #tpu.memory_space<hbm>>
    tpu.enqueue_dma source(%dma_start3A_1559 : memref<64x512xf32, #tpu.memory_space<hbm>>) target(%dma_start3A_1557 : memref<64x512xf32, #tpu.memory_space<vmem>>) target_semaphore(%arg17 : memref<!tpu.dma_semaphore, #tpu.memory_space<semaphore_mem>>)
    %scan3A_1560 = arith.constant 0 : i32
    %scan3A_1561 = arith.constant 768 : i32
    %scan3A_1562 = arith.constant 32 : i32
    %scan3A_1563 = arith.addi %scan3A_1561, %scan3A_1562 : i32
    %scan3A_1564 = arith.constant 1 : i32
    scf.for %scan3A_2028 = %scan3A_1561 to %scan3A_1563 step %scan3A_1564  : i32 {
      %mul3A_2029 = arith.constant 16 : i32
      %mul3A_2030 = arith.muli %scan3A_2028, %mul3A_2029 : i32
      %get3A = arith.index_cast %mul3A_2030 : i32 to index
      %get3A_2031 = tpu.vector_load %arg8[%get3A] {strides = array<i32>} : memref<16384xi32, #tpu.memory_space<vmem>>, vector<16xi32>,
      %mul3A_2032 = arith.constant 16 : i32
      %mul3A_2033 = arith.muli %scan3A_2028, %mul3A_2032 : i32
      %add3A_2034 = vector.broadcast %mul3A_2033 : i32 to vector<16xi32>
      %add3A_2035 = arith.addi %add3A_2034, %iota3A : vector<16xi32>
      %ge3A_2036 = vector.broadcast %mul3A_2 : i32 to vector<16xi32>
      %ge3A_2037 = arith.cmpi sge, %get3A_2031, %ge3A_2036 : vector<16xi32>
      %add3A_2038 = arith.constant 2048 : i32
      %add3A_2039 = arith.addi %mul3A_2, %add3A_2038 : i32
      %lt3A = vector.broadcast %add3A_2039 : i32 to vector<16xi32>
      %lt3A_2040 = arith.cmpi slt, %get3A_2031, %lt3A : vector<16xi32>
      %and3A_2041 = arith.andi %ge3A_2037, %lt3A_2040 : vector<16xi1>
      %shift_left3A = arith.constant 14 : i32
      %shift_left3A_2042 = vector.broadcast %shift_left3A : i32 to vector<16xi32>
      %shift_left3A_2043 = arith.shli %get3A_2031, %shift_left3A_2042 : vector<16xi32>
      %add3A_2044 = arith.addi %shift_left3A_2043, %add3A_2035 : vector<16xi32>
      %select_n3A_2045 = arith.select %and3A_2041, %add3A_2044, %broadcast_in_dim3A_5 : vector<16xi1>, vector<16xi32>
      %masked_sort3A = arith.constant dense<true> : vector<16xi1>
      %masked_sort3A_2046 = arith.constant -2147483648 : i32
      %masked_sort3A_2047 = vector.broadcast %masked_sort3A_2046 : i32 to vector<16xi32>
      %masked_sort3A_2048 = arith.xori %select_n3A_2045, %masked_sort3A_2047 : vector<16xi32>
      %masked_sort3A_2049, %masked_sort3A_2050, %masked_sort3A_2051 = tpu.sort %masked_sort3A_2048, %select_n3A_2045 masked %masked_sort3A : (vector<16xi32>, vector<16xi32>, vector<16xi1>) -> (vector<16xi1>, vector<16xi32>, vector<16xi32>)
      %masked_sort3A_2052 = arith.xori %masked_sort3A_2050, %masked_sort3A_2047 : vector<16xi32>
      %shift_right_arithmetic3A = arith.constant 14 : i32
      %shift_right_arithmetic3A_2053 = vector.broadcast %shift_right_arithmetic3A : i32 to vector<16xi32>
      %shift_right_arithmetic3A_2054 = arith.shrsi %masked_sort3A_2052, %shift_right_arithmetic3A_2053 : vector<16xi32>
      %and3A_2055 = arith.constant 16383 : i32
      %and3A_2056 = vector.broadcast %and3A_2055 : i32 to vector<16xi32>
      %and3A_2057 = arith.andi %masked_sort3A_2052, %and3A_2056 : vector<16xi32>
      %ne3A_2058 = arith.cmpi ne, %masked_sort3A_2052, %broadcast_in_dim3A_5 : vector<16xi32>
      %broadcast_in_dim3A_2059 = vector.shape_cast %min3A_10 : vector<16xi32> to vector<16x1xi32>
      %gather3A = vector.shape_cast %broadcast_in_dim3A_2059 : vector<16x1xi32> to vector<16xi32>
      %gather3A_2060 = tpu.dynamic_gather %shift_right_arithmetic3A_2054[%gather3A] in [0] : vector<16xi32>, vector<16xi32> -> vector<16xi32>
      %ne3A_2061 = arith.cmpi ne, %shift_right_arithmetic3A_2054, %gather3A_2060 : vector<16xi32>
      %eq3A = arith.constant 15 : i32
      %eq3A_2062 = vector.broadcast %eq3A : i32 to vector<16xi32>
      %eq3A_2063 = arith.cmpi eq, %iota3A, %eq3A_2062 : vector<16xi32>
      %or3A = arith.ori %ne3A_2061, %eq3A_2063 : vector<16xi1>
      %sub3A_2064 = vector.broadcast %mul3A_2 : i32 to vector<16xi32>
      %sub3A_2065 = arith.subi %shift_right_arithmetic3A_2054, %sub3A_2064 : vector<16xi32>
      %and3A_2066 = arith.andi %ne3A_2058, %or3A : vector<16xi1>
      tpu.vector_store_idx %arg11[%sub3A_2065], %and3A_2057 masked %and3A_2066 : memref<2048xi32, #tpu.memory_space<vmem>>[vector<16xi32>], vector<16xi32>, vector<16xi1>
    }
    %scan3A_1565 = arith.constant 32 : i32
    %dma_wait3A_1566 = arith.constant 1 : i32
    %dma_wait3A_1567 = arith.constant 0 : i32
    %dma_wait3A_1568 = arith.constant 0 : i32
    %dma_wait3A_1569 = tpu.memref_slice %arg15[%dma_wait3A_1566, %dma_wait3A_1567, %dma_wait3A_1568] : memref<2x64x512xf32, #tpu.memory_space<vmem>> -> memref<1x64x512xf32, #tpu.memory_space<vmem>>
    %dma_wait3A_1570 = tpu.memref_squeeze %dma_wait3A_1569 : memref<1x64x512xf32, #tpu.memory_space<vmem>> -> memref<64x512xf32, #tpu.memory_space<vmem>>
    %dma_wait3A_1571 = arith.constant 0 : i32
    %dma_wait3A_1572 = tpu.memref_slice %arg2[%add3A_1546, %dma_wait3A_1571] : memref<65536x512xf32, #tpu.memory_space<hbm>> -> memref<64x512xf32, #tpu.memory_space<hbm>>
    %dma_wait3A_1573 = arith.constant 0 : i32
    %dma_wait3A_1574 = arith.constant 0 : i32
    %dma_wait3A_1575 = tpu.memref_slice %arg15[%dma_wait3A_1566, %dma_wait3A_1573, %dma_wait3A_1574] : memref<2x64x512xf32, #tpu.memory_space<vmem>> -> memref<1x64x512xf32, #tpu.memory_space<vmem>>
    %dma_wait3A_1576 = tpu.memref_squeeze %dma_wait3A_1575 : memref<1x64x512xf32, #tpu.memory_space<vmem>> -> memref<64x512xf32, #tpu.memory_space<vmem>>
    %dma_wait3A_1577 = arith.constant 0 : i32
    %dma_wait3A_1578 = tpu.memref_slice %arg2[%add3A_1546, %dma_wait3A_1577] : memref<65536x512xf32, #tpu.memory_space<hbm>> -> memref<64x512xf32, #tpu.memory_space<hbm>>
    tpu.wait_dma2 semaphore(%arg17 : memref<!tpu.dma_semaphore, #tpu.memory_space<semaphore_mem>>) src(%dma_wait3A_1578 : memref<64x512xf32, #tpu.memory_space<hbm>>) dst(%dma_wait3A_1576 : memref<64x512xf32, #tpu.memory_space<vmem>>)
    %add3A_1579 = arith.constant 1600 : i32
    %add3A_1580 = arith.addi %mul3A_2, %add3A_1579 : i32
    %dma_start3A_1581 = arith.constant 1 : i32
    %dma_start3A_1582 = arith.constant 0 : i32
    %dma_start3A_1583 = arith.constant 0 : i32
    %dma_start3A_1584 = tpu.memref_slice %arg15[%dma_start3A_1581, %dma_start3A_1582, %dma_start3A_1583] : memref<2x64x512xf32, #tpu.memory_space<vmem>> -> memref<1x64x512xf32, #tpu.memory_space<vmem>>
    %dma_start3A_1585 = tpu.memref_squeeze %dma_start3A_1584 : memref<1x64x512xf32, #tpu.memory_space<vmem>> -> memref<64x512xf32, #tpu.memory_space<vmem>>
    %dma_start3A_1586 = arith.constant 0 : i32
    %dma_start3A_1587 = tpu.memref_slice %arg7[%add3A_1580, %dma_start3A_1586] : memref<65536x512xf32, #tpu.memory_space<hbm>> -> memref<64x512xf32, #tpu.memory_space<hbm>>
    %dma_start3A_1588 = arith.constant 0 : i32
    %dma_start3A_1589 = tpu.memref_slice %arg7[%add3A_1580, %dma_start3A_1588] : memref<65536x512xf32, #tpu.memory_space<hbm>> -> memref<64x512xf32, #tpu.memory_space<hbm>>
    %dma_start3A_1590 = arith.constant 0 : i32
    %dma_start3A_1591 = arith.constant 0 : i32
    %dma_start3A_1592 = tpu.memref_slice %arg15[%dma_start3A_1581, %dma_start3A_1590, %dma_start3A_1591] : memref<2x64x512xf32, #tpu.memory_space<vmem>> -> memref<1x64x512xf32, #tpu.memory_space<vmem>>
    %dma_start3A_1593 = tpu.memref_squeeze %dma_start3A_1592 : memref<1x64x512xf32, #tpu.memory_space<vmem>> -> memref<64x512xf32, #tpu.memory_space<vmem>>
    tpu.enqueue_dma source(%dma_start3A_1593 : memref<64x512xf32, #tpu.memory_space<vmem>>) target(%dma_start3A_1589 : memref<64x512xf32, #tpu.memory_space<hbm>>) target_semaphore(%arg16 : memref<!tpu.dma_semaphore, #tpu.memory_space<semaphore_mem>>)
    %dma_wait3A_1594 = arith.constant 0 : i32
    %dma_wait3A_1595 = arith.constant 0 : i32
    %dma_wait3A_1596 = arith.constant 0 : i32
    %dma_wait3A_1597 = tpu.memref_slice %arg15[%dma_wait3A_1594, %dma_wait3A_1595, %dma_wait3A_1596] : memref<2x64x512xf32, #tpu.memory_space<vmem>> -> memref<1x64x512xf32, #tpu.memory_space<vmem>>
    %dma_wait3A_1598 = tpu.memref_squeeze %dma_wait3A_1597 : memref<1x64x512xf32, #tpu.memory_space<vmem>> -> memref<64x512xf32, #tpu.memory_space<vmem>>
    %dma_wait3A_1599 = arith.constant 0 : i32
    %dma_wait3A_1600 = tpu.memref_slice %arg7[%add3A_1518, %dma_wait3A_1599] : memref<65536x512xf32, #tpu.memory_space<hbm>> -> memref<64x512xf32, #tpu.memory_space<hbm>>
    %dma_wait3A_1601 = arith.constant 0 : i32
    %dma_wait3A_1602 = tpu.memref_slice %arg7[%add3A_1518, %dma_wait3A_1601] : memref<65536x512xf32, #tpu.memory_space<hbm>> -> memref<64x512xf32, #tpu.memory_space<hbm>>
    %dma_wait3A_1603 = arith.constant 0 : i32
    %dma_wait3A_1604 = arith.constant 0 : i32
    %dma_wait3A_1605 = tpu.memref_slice %arg15[%dma_wait3A_1594, %dma_wait3A_1603, %dma_wait3A_1604] : memref<2x64x512xf32, #tpu.memory_space<vmem>> -> memref<1x64x512xf32, #tpu.memory_space<vmem>>
    %dma_wait3A_1606 = tpu.memref_squeeze %dma_wait3A_1605 : memref<1x64x512xf32, #tpu.memory_space<vmem>> -> memref<64x512xf32, #tpu.memory_space<vmem>>
    tpu.wait_dma2 semaphore(%arg16 : memref<!tpu.dma_semaphore, #tpu.memory_space<semaphore_mem>>) src(%dma_wait3A_1606 : memref<64x512xf32, #tpu.memory_space<vmem>>) dst(%dma_wait3A_1602 : memref<64x512xf32, #tpu.memory_space<hbm>>)
    %add3A_1607 = arith.constant 1664 : i32
    %add3A_1608 = arith.addi %mul3A_2, %add3A_1607 : i32
    %dma_start3A_1609 = arith.constant 0 : i32
    %dma_start3A_1610 = arith.constant 0 : i32
    %dma_start3A_1611 = arith.constant 0 : i32
    %dma_start3A_1612 = tpu.memref_slice %arg15[%dma_start3A_1609, %dma_start3A_1610, %dma_start3A_1611] : memref<2x64x512xf32, #tpu.memory_space<vmem>> -> memref<1x64x512xf32, #tpu.memory_space<vmem>>
    %dma_start3A_1613 = tpu.memref_squeeze %dma_start3A_1612 : memref<1x64x512xf32, #tpu.memory_space<vmem>> -> memref<64x512xf32, #tpu.memory_space<vmem>>
    %dma_start3A_1614 = arith.constant 0 : i32
    %dma_start3A_1615 = tpu.memref_slice %arg2[%add3A_1608, %dma_start3A_1614] : memref<65536x512xf32, #tpu.memory_space<hbm>> -> memref<64x512xf32, #tpu.memory_space<hbm>>
    %dma_start3A_1616 = arith.constant 0 : i32
    %dma_start3A_1617 = arith.constant 0 : i32
    %dma_start3A_1618 = tpu.memref_slice %arg15[%dma_start3A_1609, %dma_start3A_1616, %dma_start3A_1617] : memref<2x64x512xf32, #tpu.memory_space<vmem>> -> memref<1x64x512xf32, #tpu.memory_space<vmem>>
    %dma_start3A_1619 = tpu.memref_squeeze %dma_start3A_1618 : memref<1x64x512xf32, #tpu.memory_space<vmem>> -> memref<64x512xf32, #tpu.memory_space<vmem>>
    %dma_start3A_1620 = arith.constant 0 : i32
    %dma_start3A_1621 = tpu.memref_slice %arg2[%add3A_1608, %dma_start3A_1620] : memref<65536x512xf32, #tpu.memory_space<hbm>> -> memref<64x512xf32, #tpu.memory_space<hbm>>
    tpu.enqueue_dma source(%dma_start3A_1621 : memref<64x512xf32, #tpu.memory_space<hbm>>) target(%dma_start3A_1619 : memref<64x512xf32, #tpu.memory_space<vmem>>) target_semaphore(%arg17 : memref<!tpu.dma_semaphore, #tpu.memory_space<semaphore_mem>>)
    %scan3A_1622 = arith.constant 0 : i32
    %scan3A_1623 = arith.constant 800 : i32
    %scan3A_1624 = arith.constant 32 : i32
    %scan3A_1625 = arith.addi %scan3A_1623, %scan3A_1624 : i32
    %scan3A_1626 = arith.constant 1 : i32
    scf.for %scan3A_2028 = %scan3A_1623 to %scan3A_1625 step %scan3A_1626  : i32 {
      %mul3A_2029 = arith.constant 16 : i32
      %mul3A_2030 = arith.muli %scan3A_2028, %mul3A_2029 : i32
      %get3A = arith.index_cast %mul3A_2030 : i32 to index
      %get3A_2031 = tpu.vector_load %arg8[%get3A] {strides = array<i32>} : memref<16384xi32, #tpu.memory_space<vmem>>, vector<16xi32>,
      %mul3A_2032 = arith.constant 16 : i32
      %mul3A_2033 = arith.muli %scan3A_2028, %mul3A_2032 : i32
      %add3A_2034 = vector.broadcast %mul3A_2033 : i32 to vector<16xi32>
      %add3A_2035 = arith.addi %add3A_2034, %iota3A : vector<16xi32>
      %ge3A_2036 = vector.broadcast %mul3A_2 : i32 to vector<16xi32>
      %ge3A_2037 = arith.cmpi sge, %get3A_2031, %ge3A_2036 : vector<16xi32>
      %add3A_2038 = arith.constant 2048 : i32
      %add3A_2039 = arith.addi %mul3A_2, %add3A_2038 : i32
      %lt3A = vector.broadcast %add3A_2039 : i32 to vector<16xi32>
      %lt3A_2040 = arith.cmpi slt, %get3A_2031, %lt3A : vector<16xi32>
      %and3A_2041 = arith.andi %ge3A_2037, %lt3A_2040 : vector<16xi1>
      %shift_left3A = arith.constant 14 : i32
      %shift_left3A_2042 = vector.broadcast %shift_left3A : i32 to vector<16xi32>
      %shift_left3A_2043 = arith.shli %get3A_2031, %shift_left3A_2042 : vector<16xi32>
      %add3A_2044 = arith.addi %shift_left3A_2043, %add3A_2035 : vector<16xi32>
      %select_n3A_2045 = arith.select %and3A_2041, %add3A_2044, %broadcast_in_dim3A_5 : vector<16xi1>, vector<16xi32>
      %masked_sort3A = arith.constant dense<true> : vector<16xi1>
      %masked_sort3A_2046 = arith.constant -2147483648 : i32
      %masked_sort3A_2047 = vector.broadcast %masked_sort3A_2046 : i32 to vector<16xi32>
      %masked_sort3A_2048 = arith.xori %select_n3A_2045, %masked_sort3A_2047 : vector<16xi32>
      %masked_sort3A_2049, %masked_sort3A_2050, %masked_sort3A_2051 = tpu.sort %masked_sort3A_2048, %select_n3A_2045 masked %masked_sort3A : (vector<16xi32>, vector<16xi32>, vector<16xi1>) -> (vector<16xi1>, vector<16xi32>, vector<16xi32>)
      %masked_sort3A_2052 = arith.xori %masked_sort3A_2050, %masked_sort3A_2047 : vector<16xi32>
      %shift_right_arithmetic3A = arith.constant 14 : i32
      %shift_right_arithmetic3A_2053 = vector.broadcast %shift_right_arithmetic3A : i32 to vector<16xi32>
      %shift_right_arithmetic3A_2054 = arith.shrsi %masked_sort3A_2052, %shift_right_arithmetic3A_2053 : vector<16xi32>
      %and3A_2055 = arith.constant 16383 : i32
      %and3A_2056 = vector.broadcast %and3A_2055 : i32 to vector<16xi32>
      %and3A_2057 = arith.andi %masked_sort3A_2052, %and3A_2056 : vector<16xi32>
      %ne3A_2058 = arith.cmpi ne, %masked_sort3A_2052, %broadcast_in_dim3A_5 : vector<16xi32>
      %broadcast_in_dim3A_2059 = vector.shape_cast %min3A_10 : vector<16xi32> to vector<16x1xi32>
      %gather3A = vector.shape_cast %broadcast_in_dim3A_2059 : vector<16x1xi32> to vector<16xi32>
      %gather3A_2060 = tpu.dynamic_gather %shift_right_arithmetic3A_2054[%gather3A] in [0] : vector<16xi32>, vector<16xi32> -> vector<16xi32>
      %ne3A_2061 = arith.cmpi ne, %shift_right_arithmetic3A_2054, %gather3A_2060 : vector<16xi32>
      %eq3A = arith.constant 15 : i32
      %eq3A_2062 = vector.broadcast %eq3A : i32 to vector<16xi32>
      %eq3A_2063 = arith.cmpi eq, %iota3A, %eq3A_2062 : vector<16xi32>
      %or3A = arith.ori %ne3A_2061, %eq3A_2063 : vector<16xi1>
      %sub3A_2064 = vector.broadcast %mul3A_2 : i32 to vector<16xi32>
      %sub3A_2065 = arith.subi %shift_right_arithmetic3A_2054, %sub3A_2064 : vector<16xi32>
      %and3A_2066 = arith.andi %ne3A_2058, %or3A : vector<16xi1>
      tpu.vector_store_idx %arg11[%sub3A_2065], %and3A_2057 masked %and3A_2066 : memref<2048xi32, #tpu.memory_space<vmem>>[vector<16xi32>], vector<16xi32>, vector<16xi1>
    }
    %scan3A_1627 = arith.constant 32 : i32
    %dma_wait3A_1628 = arith.constant 0 : i32
    %dma_wait3A_1629 = arith.constant 0 : i32
    %dma_wait3A_1630 = arith.constant 0 : i32
    %dma_wait3A_1631 = tpu.memref_slice %arg15[%dma_wait3A_1628, %dma_wait3A_1629, %dma_wait3A_1630] : memref<2x64x512xf32, #tpu.memory_space<vmem>> -> memref<1x64x512xf32, #tpu.memory_space<vmem>>
    %dma_wait3A_1632 = tpu.memref_squeeze %dma_wait3A_1631 : memref<1x64x512xf32, #tpu.memory_space<vmem>> -> memref<64x512xf32, #tpu.memory_space<vmem>>
    %dma_wait3A_1633 = arith.constant 0 : i32
    %dma_wait3A_1634 = tpu.memref_slice %arg2[%add3A_1608, %dma_wait3A_1633] : memref<65536x512xf32, #tpu.memory_space<hbm>> -> memref<64x512xf32, #tpu.memory_space<hbm>>
    %dma_wait3A_1635 = arith.constant 0 : i32
    %dma_wait3A_1636 = arith.constant 0 : i32
    %dma_wait3A_1637 = tpu.memref_slice %arg15[%dma_wait3A_1628, %dma_wait3A_1635, %dma_wait3A_1636] : memref<2x64x512xf32, #tpu.memory_space<vmem>> -> memref<1x64x512xf32, #tpu.memory_space<vmem>>
    %dma_wait3A_1638 = tpu.memref_squeeze %dma_wait3A_1637 : memref<1x64x512xf32, #tpu.memory_space<vmem>> -> memref<64x512xf32, #tpu.memory_space<vmem>>
    %dma_wait3A_1639 = arith.constant 0 : i32
    %dma_wait3A_1640 = tpu.memref_slice %arg2[%add3A_1608, %dma_wait3A_1639] : memref<65536x512xf32, #tpu.memory_space<hbm>> -> memref<64x512xf32, #tpu.memory_space<hbm>>
    tpu.wait_dma2 semaphore(%arg17 : memref<!tpu.dma_semaphore, #tpu.memory_space<semaphore_mem>>) src(%dma_wait3A_1640 : memref<64x512xf32, #tpu.memory_space<hbm>>) dst(%dma_wait3A_1638 : memref<64x512xf32, #tpu.memory_space<vmem>>)
    %add3A_1641 = arith.constant 1664 : i32
    %add3A_1642 = arith.addi %mul3A_2, %add3A_1641 : i32
    %dma_start3A_1643 = arith.constant 0 : i32
    %dma_start3A_1644 = arith.constant 0 : i32
    %dma_start3A_1645 = arith.constant 0 : i32
    %dma_start3A_1646 = tpu.memref_slice %arg15[%dma_start3A_1643, %dma_start3A_1644, %dma_start3A_1645] : memref<2x64x512xf32, #tpu.memory_space<vmem>> -> memref<1x64x512xf32, #tpu.memory_space<vmem>>
    %dma_start3A_1647 = tpu.memref_squeeze %dma_start3A_1646 : memref<1x64x512xf32, #tpu.memory_space<vmem>> -> memref<64x512xf32, #tpu.memory_space<vmem>>
    %dma_start3A_1648 = arith.constant 0 : i32
    %dma_start3A_1649 = tpu.memref_slice %arg7[%add3A_1642, %dma_start3A_1648] : memref<65536x512xf32, #tpu.memory_space<hbm>> -> memref<64x512xf32, #tpu.memory_space<hbm>>
    %dma_start3A_1650 = arith.constant 0 : i32
    %dma_start3A_1651 = tpu.memref_slice %arg7[%add3A_1642, %dma_start3A_1650] : memref<65536x512xf32, #tpu.memory_space<hbm>> -> memref<64x512xf32, #tpu.memory_space<hbm>>
    %dma_start3A_1652 = arith.constant 0 : i32
    %dma_start3A_1653 = arith.constant 0 : i32
    %dma_start3A_1654 = tpu.memref_slice %arg15[%dma_start3A_1643, %dma_start3A_1652, %dma_start3A_1653] : memref<2x64x512xf32, #tpu.memory_space<vmem>> -> memref<1x64x512xf32, #tpu.memory_space<vmem>>
    %dma_start3A_1655 = tpu.memref_squeeze %dma_start3A_1654 : memref<1x64x512xf32, #tpu.memory_space<vmem>> -> memref<64x512xf32, #tpu.memory_space<vmem>>
    tpu.enqueue_dma source(%dma_start3A_1655 : memref<64x512xf32, #tpu.memory_space<vmem>>) target(%dma_start3A_1651 : memref<64x512xf32, #tpu.memory_space<hbm>>) target_semaphore(%arg16 : memref<!tpu.dma_semaphore, #tpu.memory_space<semaphore_mem>>)
    %dma_wait3A_1656 = arith.constant 1 : i32
    %dma_wait3A_1657 = arith.constant 0 : i32
    %dma_wait3A_1658 = arith.constant 0 : i32
    %dma_wait3A_1659 = tpu.memref_slice %arg15[%dma_wait3A_1656, %dma_wait3A_1657, %dma_wait3A_1658] : memref<2x64x512xf32, #tpu.memory_space<vmem>> -> memref<1x64x512xf32, #tpu.memory_space<vmem>>
    %dma_wait3A_1660 = tpu.memref_squeeze %dma_wait3A_1659 : memref<1x64x512xf32, #tpu.memory_space<vmem>> -> memref<64x512xf32, #tpu.memory_space<vmem>>
    %dma_wait3A_1661 = arith.constant 0 : i32
    %dma_wait3A_1662 = tpu.memref_slice %arg7[%add3A_1580, %dma_wait3A_1661] : memref<65536x512xf32, #tpu.memory_space<hbm>> -> memref<64x512xf32, #tpu.memory_space<hbm>>
    %dma_wait3A_1663 = arith.constant 0 : i32
    %dma_wait3A_1664 = tpu.memref_slice %arg7[%add3A_1580, %dma_wait3A_1663] : memref<65536x512xf32, #tpu.memory_space<hbm>> -> memref<64x512xf32, #tpu.memory_space<hbm>>
    %dma_wait3A_1665 = arith.constant 0 : i32
    %dma_wait3A_1666 = arith.constant 0 : i32
    %dma_wait3A_1667 = tpu.memref_slice %arg15[%dma_wait3A_1656, %dma_wait3A_1665, %dma_wait3A_1666] : memref<2x64x512xf32, #tpu.memory_space<vmem>> -> memref<1x64x512xf32, #tpu.memory_space<vmem>>
    %dma_wait3A_1668 = tpu.memref_squeeze %dma_wait3A_1667 : memref<1x64x512xf32, #tpu.memory_space<vmem>> -> memref<64x512xf32, #tpu.memory_space<vmem>>
    tpu.wait_dma2 semaphore(%arg16 : memref<!tpu.dma_semaphore, #tpu.memory_space<semaphore_mem>>) src(%dma_wait3A_1668 : memref<64x512xf32, #tpu.memory_space<vmem>>) dst(%dma_wait3A_1664 : memref<64x512xf32, #tpu.memory_space<hbm>>)
    %add3A_1669 = arith.constant 1728 : i32
    %add3A_1670 = arith.addi %mul3A_2, %add3A_1669 : i32
    %dma_start3A_1671 = arith.constant 1 : i32
    %dma_start3A_1672 = arith.constant 0 : i32
    %dma_start3A_1673 = arith.constant 0 : i32
    %dma_start3A_1674 = tpu.memref_slice %arg15[%dma_start3A_1671, %dma_start3A_1672, %dma_start3A_1673] : memref<2x64x512xf32, #tpu.memory_space<vmem>> -> memref<1x64x512xf32, #tpu.memory_space<vmem>>
    %dma_start3A_1675 = tpu.memref_squeeze %dma_start3A_1674 : memref<1x64x512xf32, #tpu.memory_space<vmem>> -> memref<64x512xf32, #tpu.memory_space<vmem>>
    %dma_start3A_1676 = arith.constant 0 : i32
    %dma_start3A_1677 = tpu.memref_slice %arg2[%add3A_1670, %dma_start3A_1676] : memref<65536x512xf32, #tpu.memory_space<hbm>> -> memref<64x512xf32, #tpu.memory_space<hbm>>
    %dma_start3A_1678 = arith.constant 0 : i32
    %dma_start3A_1679 = arith.constant 0 : i32
    %dma_start3A_1680 = tpu.memref_slice %arg15[%dma_start3A_1671, %dma_start3A_1678, %dma_start3A_1679] : memref<2x64x512xf32, #tpu.memory_space<vmem>> -> memref<1x64x512xf32, #tpu.memory_space<vmem>>
    %dma_start3A_1681 = tpu.memref_squeeze %dma_start3A_1680 : memref<1x64x512xf32, #tpu.memory_space<vmem>> -> memref<64x512xf32, #tpu.memory_space<vmem>>
    %dma_start3A_1682 = arith.constant 0 : i32
    %dma_start3A_1683 = tpu.memref_slice %arg2[%add3A_1670, %dma_start3A_1682] : memref<65536x512xf32, #tpu.memory_space<hbm>> -> memref<64x512xf32, #tpu.memory_space<hbm>>
    tpu.enqueue_dma source(%dma_start3A_1683 : memref<64x512xf32, #tpu.memory_space<hbm>>) target(%dma_start3A_1681 : memref<64x512xf32, #tpu.memory_space<vmem>>) target_semaphore(%arg17 : memref<!tpu.dma_semaphore, #tpu.memory_space<semaphore_mem>>)
    %scan3A_1684 = arith.constant 0 : i32
    %scan3A_1685 = arith.constant 832 : i32
    %scan3A_1686 = arith.constant 32 : i32
    %scan3A_1687 = arith.addi %scan3A_1685, %scan3A_1686 : i32
    %scan3A_1688 = arith.constant 1 : i32
    scf.for %scan3A_2028 = %scan3A_1685 to %scan3A_1687 step %scan3A_1688  : i32 {
      %mul3A_2029 = arith.constant 16 : i32
      %mul3A_2030 = arith.muli %scan3A_2028, %mul3A_2029 : i32
      %get3A = arith.index_cast %mul3A_2030 : i32 to index
      %get3A_2031 = tpu.vector_load %arg8[%get3A] {strides = array<i32>} : memref<16384xi32, #tpu.memory_space<vmem>>, vector<16xi32>,
      %mul3A_2032 = arith.constant 16 : i32
      %mul3A_2033 = arith.muli %scan3A_2028, %mul3A_2032 : i32
      %add3A_2034 = vector.broadcast %mul3A_2033 : i32 to vector<16xi32>
      %add3A_2035 = arith.addi %add3A_2034, %iota3A : vector<16xi32>
      %ge3A_2036 = vector.broadcast %mul3A_2 : i32 to vector<16xi32>
      %ge3A_2037 = arith.cmpi sge, %get3A_2031, %ge3A_2036 : vector<16xi32>
      %add3A_2038 = arith.constant 2048 : i32
      %add3A_2039 = arith.addi %mul3A_2, %add3A_2038 : i32
      %lt3A = vector.broadcast %add3A_2039 : i32 to vector<16xi32>
      %lt3A_2040 = arith.cmpi slt, %get3A_2031, %lt3A : vector<16xi32>
      %and3A_2041 = arith.andi %ge3A_2037, %lt3A_2040 : vector<16xi1>
      %shift_left3A = arith.constant 14 : i32
      %shift_left3A_2042 = vector.broadcast %shift_left3A : i32 to vector<16xi32>
      %shift_left3A_2043 = arith.shli %get3A_2031, %shift_left3A_2042 : vector<16xi32>
      %add3A_2044 = arith.addi %shift_left3A_2043, %add3A_2035 : vector<16xi32>
      %select_n3A_2045 = arith.select %and3A_2041, %add3A_2044, %broadcast_in_dim3A_5 : vector<16xi1>, vector<16xi32>
      %masked_sort3A = arith.constant dense<true> : vector<16xi1>
      %masked_sort3A_2046 = arith.constant -2147483648 : i32
      %masked_sort3A_2047 = vector.broadcast %masked_sort3A_2046 : i32 to vector<16xi32>
      %masked_sort3A_2048 = arith.xori %select_n3A_2045, %masked_sort3A_2047 : vector<16xi32>
      %masked_sort3A_2049, %masked_sort3A_2050, %masked_sort3A_2051 = tpu.sort %masked_sort3A_2048, %select_n3A_2045 masked %masked_sort3A : (vector<16xi32>, vector<16xi32>, vector<16xi1>) -> (vector<16xi1>, vector<16xi32>, vector<16xi32>)
      %masked_sort3A_2052 = arith.xori %masked_sort3A_2050, %masked_sort3A_2047 : vector<16xi32>
      %shift_right_arithmetic3A = arith.constant 14 : i32
      %shift_right_arithmetic3A_2053 = vector.broadcast %shift_right_arithmetic3A : i32 to vector<16xi32>
      %shift_right_arithmetic3A_2054 = arith.shrsi %masked_sort3A_2052, %shift_right_arithmetic3A_2053 : vector<16xi32>
      %and3A_2055 = arith.constant 16383 : i32
      %and3A_2056 = vector.broadcast %and3A_2055 : i32 to vector<16xi32>
      %and3A_2057 = arith.andi %masked_sort3A_2052, %and3A_2056 : vector<16xi32>
      %ne3A_2058 = arith.cmpi ne, %masked_sort3A_2052, %broadcast_in_dim3A_5 : vector<16xi32>
      %broadcast_in_dim3A_2059 = vector.shape_cast %min3A_10 : vector<16xi32> to vector<16x1xi32>
      %gather3A = vector.shape_cast %broadcast_in_dim3A_2059 : vector<16x1xi32> to vector<16xi32>
      %gather3A_2060 = tpu.dynamic_gather %shift_right_arithmetic3A_2054[%gather3A] in [0] : vector<16xi32>, vector<16xi32> -> vector<16xi32>
      %ne3A_2061 = arith.cmpi ne, %shift_right_arithmetic3A_2054, %gather3A_2060 : vector<16xi32>
      %eq3A = arith.constant 15 : i32
      %eq3A_2062 = vector.broadcast %eq3A : i32 to vector<16xi32>
      %eq3A_2063 = arith.cmpi eq, %iota3A, %eq3A_2062 : vector<16xi32>
      %or3A = arith.ori %ne3A_2061, %eq3A_2063 : vector<16xi1>
      %sub3A_2064 = vector.broadcast %mul3A_2 : i32 to vector<16xi32>
      %sub3A_2065 = arith.subi %shift_right_arithmetic3A_2054, %sub3A_2064 : vector<16xi32>
      %and3A_2066 = arith.andi %ne3A_2058, %or3A : vector<16xi1>
      tpu.vector_store_idx %arg11[%sub3A_2065], %and3A_2057 masked %and3A_2066 : memref<2048xi32, #tpu.memory_space<vmem>>[vector<16xi32>], vector<16xi32>, vector<16xi1>
    }
    %scan3A_1689 = arith.constant 32 : i32
    %dma_wait3A_1690 = arith.constant 1 : i32
    %dma_wait3A_1691 = arith.constant 0 : i32
    %dma_wait3A_1692 = arith.constant 0 : i32
    %dma_wait3A_1693 = tpu.memref_slice %arg15[%dma_wait3A_1690, %dma_wait3A_1691, %dma_wait3A_1692] : memref<2x64x512xf32, #tpu.memory_space<vmem>> -> memref<1x64x512xf32, #tpu.memory_space<vmem>>
    %dma_wait3A_1694 = tpu.memref_squeeze %dma_wait3A_1693 : memref<1x64x512xf32, #tpu.memory_space<vmem>> -> memref<64x512xf32, #tpu.memory_space<vmem>>
    %dma_wait3A_1695 = arith.constant 0 : i32
    %dma_wait3A_1696 = tpu.memref_slice %arg2[%add3A_1670, %dma_wait3A_1695] : memref<65536x512xf32, #tpu.memory_space<hbm>> -> memref<64x512xf32, #tpu.memory_space<hbm>>
    %dma_wait3A_1697 = arith.constant 0 : i32
    %dma_wait3A_1698 = arith.constant 0 : i32
    %dma_wait3A_1699 = tpu.memref_slice %arg15[%dma_wait3A_1690, %dma_wait3A_1697, %dma_wait3A_1698] : memref<2x64x512xf32, #tpu.memory_space<vmem>> -> memref<1x64x512xf32, #tpu.memory_space<vmem>>
    %dma_wait3A_1700 = tpu.memref_squeeze %dma_wait3A_1699 : memref<1x64x512xf32, #tpu.memory_space<vmem>> -> memref<64x512xf32, #tpu.memory_space<vmem>>
    %dma_wait3A_1701 = arith.constant 0 : i32
    %dma_wait3A_1702 = tpu.memref_slice %arg2[%add3A_1670, %dma_wait3A_1701] : memref<65536x512xf32, #tpu.memory_space<hbm>> -> memref<64x512xf32, #tpu.memory_space<hbm>>
    tpu.wait_dma2 semaphore(%arg17 : memref<!tpu.dma_semaphore, #tpu.memory_space<semaphore_mem>>) src(%dma_wait3A_1702 : memref<64x512xf32, #tpu.memory_space<hbm>>) dst(%dma_wait3A_1700 : memref<64x512xf32, #tpu.memory_space<vmem>>)
    %add3A_1703 = arith.constant 1728 : i32
    %add3A_1704 = arith.addi %mul3A_2, %add3A_1703 : i32
    %dma_start3A_1705 = arith.constant 1 : i32
    %dma_start3A_1706 = arith.constant 0 : i32
    %dma_start3A_1707 = arith.constant 0 : i32
    %dma_start3A_1708 = tpu.memref_slice %arg15[%dma_start3A_1705, %dma_start3A_1706, %dma_start3A_1707] : memref<2x64x512xf32, #tpu.memory_space<vmem>> -> memref<1x64x512xf32, #tpu.memory_space<vmem>>
    %dma_start3A_1709 = tpu.memref_squeeze %dma_start3A_1708 : memref<1x64x512xf32, #tpu.memory_space<vmem>> -> memref<64x512xf32, #tpu.memory_space<vmem>>
    %dma_start3A_1710 = arith.constant 0 : i32
    %dma_start3A_1711 = tpu.memref_slice %arg7[%add3A_1704, %dma_start3A_1710] : memref<65536x512xf32, #tpu.memory_space<hbm>> -> memref<64x512xf32, #tpu.memory_space<hbm>>
    %dma_start3A_1712 = arith.constant 0 : i32
    %dma_start3A_1713 = tpu.memref_slice %arg7[%add3A_1704, %dma_start3A_1712] : memref<65536x512xf32, #tpu.memory_space<hbm>> -> memref<64x512xf32, #tpu.memory_space<hbm>>
    %dma_start3A_1714 = arith.constant 0 : i32
    %dma_start3A_1715 = arith.constant 0 : i32
    %dma_start3A_1716 = tpu.memref_slice %arg15[%dma_start3A_1705, %dma_start3A_1714, %dma_start3A_1715] : memref<2x64x512xf32, #tpu.memory_space<vmem>> -> memref<1x64x512xf32, #tpu.memory_space<vmem>>
    %dma_start3A_1717 = tpu.memref_squeeze %dma_start3A_1716 : memref<1x64x512xf32, #tpu.memory_space<vmem>> -> memref<64x512xf32, #tpu.memory_space<vmem>>
    tpu.enqueue_dma source(%dma_start3A_1717 : memref<64x512xf32, #tpu.memory_space<vmem>>) target(%dma_start3A_1713 : memref<64x512xf32, #tpu.memory_space<hbm>>) target_semaphore(%arg16 : memref<!tpu.dma_semaphore, #tpu.memory_space<semaphore_mem>>)
    %dma_wait3A_1718 = arith.constant 0 : i32
    %dma_wait3A_1719 = arith.constant 0 : i32
    %dma_wait3A_1720 = arith.constant 0 : i32
    %dma_wait3A_1721 = tpu.memref_slice %arg15[%dma_wait3A_1718, %dma_wait3A_1719, %dma_wait3A_1720] : memref<2x64x512xf32, #tpu.memory_space<vmem>> -> memref<1x64x512xf32, #tpu.memory_space<vmem>>
    %dma_wait3A_1722 = tpu.memref_squeeze %dma_wait3A_1721 : memref<1x64x512xf32, #tpu.memory_space<vmem>> -> memref<64x512xf32, #tpu.memory_space<vmem>>
    %dma_wait3A_1723 = arith.constant 0 : i32
    %dma_wait3A_1724 = tpu.memref_slice %arg7[%add3A_1642, %dma_wait3A_1723] : memref<65536x512xf32, #tpu.memory_space<hbm>> -> memref<64x512xf32, #tpu.memory_space<hbm>>
    %dma_wait3A_1725 = arith.constant 0 : i32
    %dma_wait3A_1726 = tpu.memref_slice %arg7[%add3A_1642, %dma_wait3A_1725] : memref<65536x512xf32, #tpu.memory_space<hbm>> -> memref<64x512xf32, #tpu.memory_space<hbm>>
    %dma_wait3A_1727 = arith.constant 0 : i32
    %dma_wait3A_1728 = arith.constant 0 : i32
    %dma_wait3A_1729 = tpu.memref_slice %arg15[%dma_wait3A_1718, %dma_wait3A_1727, %dma_wait3A_1728] : memref<2x64x512xf32, #tpu.memory_space<vmem>> -> memref<1x64x512xf32, #tpu.memory_space<vmem>>
    %dma_wait3A_1730 = tpu.memref_squeeze %dma_wait3A_1729 : memref<1x64x512xf32, #tpu.memory_space<vmem>> -> memref<64x512xf32, #tpu.memory_space<vmem>>
    tpu.wait_dma2 semaphore(%arg16 : memref<!tpu.dma_semaphore, #tpu.memory_space<semaphore_mem>>) src(%dma_wait3A_1730 : memref<64x512xf32, #tpu.memory_space<vmem>>) dst(%dma_wait3A_1726 : memref<64x512xf32, #tpu.memory_space<hbm>>)
    %add3A_1731 = arith.constant 1792 : i32
    %add3A_1732 = arith.addi %mul3A_2, %add3A_1731 : i32
    %dma_start3A_1733 = arith.constant 0 : i32
    %dma_start3A_1734 = arith.constant 0 : i32
    %dma_start3A_1735 = arith.constant 0 : i32
    %dma_start3A_1736 = tpu.memref_slice %arg15[%dma_start3A_1733, %dma_start3A_1734, %dma_start3A_1735] : memref<2x64x512xf32, #tpu.memory_space<vmem>> -> memref<1x64x512xf32, #tpu.memory_space<vmem>>
    %dma_start3A_1737 = tpu.memref_squeeze %dma_start3A_1736 : memref<1x64x512xf32, #tpu.memory_space<vmem>> -> memref<64x512xf32, #tpu.memory_space<vmem>>
    %dma_start3A_1738 = arith.constant 0 : i32
    %dma_start3A_1739 = tpu.memref_slice %arg2[%add3A_1732, %dma_start3A_1738] : memref<65536x512xf32, #tpu.memory_space<hbm>> -> memref<64x512xf32, #tpu.memory_space<hbm>>
    %dma_start3A_1740 = arith.constant 0 : i32
    %dma_start3A_1741 = arith.constant 0 : i32
    %dma_start3A_1742 = tpu.memref_slice %arg15[%dma_start3A_1733, %dma_start3A_1740, %dma_start3A_1741] : memref<2x64x512xf32, #tpu.memory_space<vmem>> -> memref<1x64x512xf32, #tpu.memory_space<vmem>>
    %dma_start3A_1743 = tpu.memref_squeeze %dma_start3A_1742 : memref<1x64x512xf32, #tpu.memory_space<vmem>> -> memref<64x512xf32, #tpu.memory_space<vmem>>
    %dma_start3A_1744 = arith.constant 0 : i32
    %dma_start3A_1745 = tpu.memref_slice %arg2[%add3A_1732, %dma_start3A_1744] : memref<65536x512xf32, #tpu.memory_space<hbm>> -> memref<64x512xf32, #tpu.memory_space<hbm>>
    tpu.enqueue_dma source(%dma_start3A_1745 : memref<64x512xf32, #tpu.memory_space<hbm>>) target(%dma_start3A_1743 : memref<64x512xf32, #tpu.memory_space<vmem>>) target_semaphore(%arg17 : memref<!tpu.dma_semaphore, #tpu.memory_space<semaphore_mem>>)
    %scan3A_1746 = arith.constant 0 : i32
    %scan3A_1747 = arith.constant 864 : i32
    %scan3A_1748 = arith.constant 32 : i32
    %scan3A_1749 = arith.addi %scan3A_1747, %scan3A_1748 : i32
    %scan3A_1750 = arith.constant 1 : i32
    scf.for %scan3A_2028 = %scan3A_1747 to %scan3A_1749 step %scan3A_1750  : i32 {
      %mul3A_2029 = arith.constant 16 : i32
      %mul3A_2030 = arith.muli %scan3A_2028, %mul3A_2029 : i32
      %get3A = arith.index_cast %mul3A_2030 : i32 to index
      %get3A_2031 = tpu.vector_load %arg8[%get3A] {strides = array<i32>} : memref<16384xi32, #tpu.memory_space<vmem>>, vector<16xi32>,
      %mul3A_2032 = arith.constant 16 : i32
      %mul3A_2033 = arith.muli %scan3A_2028, %mul3A_2032 : i32
      %add3A_2034 = vector.broadcast %mul3A_2033 : i32 to vector<16xi32>
      %add3A_2035 = arith.addi %add3A_2034, %iota3A : vector<16xi32>
      %ge3A_2036 = vector.broadcast %mul3A_2 : i32 to vector<16xi32>
      %ge3A_2037 = arith.cmpi sge, %get3A_2031, %ge3A_2036 : vector<16xi32>
      %add3A_2038 = arith.constant 2048 : i32
      %add3A_2039 = arith.addi %mul3A_2, %add3A_2038 : i32
      %lt3A = vector.broadcast %add3A_2039 : i32 to vector<16xi32>
      %lt3A_2040 = arith.cmpi slt, %get3A_2031, %lt3A : vector<16xi32>
      %and3A_2041 = arith.andi %ge3A_2037, %lt3A_2040 : vector<16xi1>
      %shift_left3A = arith.constant 14 : i32
      %shift_left3A_2042 = vector.broadcast %shift_left3A : i32 to vector<16xi32>
      %shift_left3A_2043 = arith.shli %get3A_2031, %shift_left3A_2042 : vector<16xi32>
      %add3A_2044 = arith.addi %shift_left3A_2043, %add3A_2035 : vector<16xi32>
      %select_n3A_2045 = arith.select %and3A_2041, %add3A_2044, %broadcast_in_dim3A_5 : vector<16xi1>, vector<16xi32>
      %masked_sort3A = arith.constant dense<true> : vector<16xi1>
      %masked_sort3A_2046 = arith.constant -2147483648 : i32
      %masked_sort3A_2047 = vector.broadcast %masked_sort3A_2046 : i32 to vector<16xi32>
      %masked_sort3A_2048 = arith.xori %select_n3A_2045, %masked_sort3A_2047 : vector<16xi32>
      %masked_sort3A_2049, %masked_sort3A_2050, %masked_sort3A_2051 = tpu.sort %masked_sort3A_2048, %select_n3A_2045 masked %masked_sort3A : (vector<16xi32>, vector<16xi32>, vector<16xi1>) -> (vector<16xi1>, vector<16xi32>, vector<16xi32>)
      %masked_sort3A_2052 = arith.xori %masked_sort3A_2050, %masked_sort3A_2047 : vector<16xi32>
      %shift_right_arithmetic3A = arith.constant 14 : i32
      %shift_right_arithmetic3A_2053 = vector.broadcast %shift_right_arithmetic3A : i32 to vector<16xi32>
      %shift_right_arithmetic3A_2054 = arith.shrsi %masked_sort3A_2052, %shift_right_arithmetic3A_2053 : vector<16xi32>
      %and3A_2055 = arith.constant 16383 : i32
      %and3A_2056 = vector.broadcast %and3A_2055 : i32 to vector<16xi32>
      %and3A_2057 = arith.andi %masked_sort3A_2052, %and3A_2056 : vector<16xi32>
      %ne3A_2058 = arith.cmpi ne, %masked_sort3A_2052, %broadcast_in_dim3A_5 : vector<16xi32>
      %broadcast_in_dim3A_2059 = vector.shape_cast %min3A_10 : vector<16xi32> to vector<16x1xi32>
      %gather3A = vector.shape_cast %broadcast_in_dim3A_2059 : vector<16x1xi32> to vector<16xi32>
      %gather3A_2060 = tpu.dynamic_gather %shift_right_arithmetic3A_2054[%gather3A] in [0] : vector<16xi32>, vector<16xi32> -> vector<16xi32>
      %ne3A_2061 = arith.cmpi ne, %shift_right_arithmetic3A_2054, %gather3A_2060 : vector<16xi32>
      %eq3A = arith.constant 15 : i32
      %eq3A_2062 = vector.broadcast %eq3A : i32 to vector<16xi32>
      %eq3A_2063 = arith.cmpi eq, %iota3A, %eq3A_2062 : vector<16xi32>
      %or3A = arith.ori %ne3A_2061, %eq3A_2063 : vector<16xi1>
      %sub3A_2064 = vector.broadcast %mul3A_2 : i32 to vector<16xi32>
      %sub3A_2065 = arith.subi %shift_right_arithmetic3A_2054, %sub3A_2064 : vector<16xi32>
      %and3A_2066 = arith.andi %ne3A_2058, %or3A : vector<16xi1>
      tpu.vector_store_idx %arg11[%sub3A_2065], %and3A_2057 masked %and3A_2066 : memref<2048xi32, #tpu.memory_space<vmem>>[vector<16xi32>], vector<16xi32>, vector<16xi1>
    }
    %scan3A_1751 = arith.constant 32 : i32
    %dma_wait3A_1752 = arith.constant 0 : i32
    %dma_wait3A_1753 = arith.constant 0 : i32
    %dma_wait3A_1754 = arith.constant 0 : i32
    %dma_wait3A_1755 = tpu.memref_slice %arg15[%dma_wait3A_1752, %dma_wait3A_1753, %dma_wait3A_1754] : memref<2x64x512xf32, #tpu.memory_space<vmem>> -> memref<1x64x512xf32, #tpu.memory_space<vmem>>
    %dma_wait3A_1756 = tpu.memref_squeeze %dma_wait3A_1755 : memref<1x64x512xf32, #tpu.memory_space<vmem>> -> memref<64x512xf32, #tpu.memory_space<vmem>>
    %dma_wait3A_1757 = arith.constant 0 : i32
    %dma_wait3A_1758 = tpu.memref_slice %arg2[%add3A_1732, %dma_wait3A_1757] : memref<65536x512xf32, #tpu.memory_space<hbm>> -> memref<64x512xf32, #tpu.memory_space<hbm>>
    %dma_wait3A_1759 = arith.constant 0 : i32
    %dma_wait3A_1760 = arith.constant 0 : i32
    %dma_wait3A_1761 = tpu.memref_slice %arg15[%dma_wait3A_1752, %dma_wait3A_1759, %dma_wait3A_1760] : memref<2x64x512xf32, #tpu.memory_space<vmem>> -> memref<1x64x512xf32, #tpu.memory_space<vmem>>
    %dma_wait3A_1762 = tpu.memref_squeeze %dma_wait3A_1761 : memref<1x64x512xf32, #tpu.memory_space<vmem>> -> memref<64x512xf32, #tpu.memory_space<vmem>>
    %dma_wait3A_1763 = arith.constant 0 : i32
    %dma_wait3A_1764 = tpu.memref_slice %arg2[%add3A_1732, %dma_wait3A_1763] : memref<65536x512xf32, #tpu.memory_space<hbm>> -> memref<64x512xf32, #tpu.memory_space<hbm>>
    tpu.wait_dma2 semaphore(%arg17 : memref<!tpu.dma_semaphore, #tpu.memory_space<semaphore_mem>>) src(%dma_wait3A_1764 : memref<64x512xf32, #tpu.memory_space<hbm>>) dst(%dma_wait3A_1762 : memref<64x512xf32, #tpu.memory_space<vmem>>)
    %add3A_1765 = arith.constant 1792 : i32
    %add3A_1766 = arith.addi %mul3A_2, %add3A_1765 : i32
    %dma_start3A_1767 = arith.constant 0 : i32
    %dma_start3A_1768 = arith.constant 0 : i32
    %dma_start3A_1769 = arith.constant 0 : i32
    %dma_start3A_1770 = tpu.memref_slice %arg15[%dma_start3A_1767, %dma_start3A_1768, %dma_start3A_1769] : memref<2x64x512xf32, #tpu.memory_space<vmem>> -> memref<1x64x512xf32, #tpu.memory_space<vmem>>
    %dma_start3A_1771 = tpu.memref_squeeze %dma_start3A_1770 : memref<1x64x512xf32, #tpu.memory_space<vmem>> -> memref<64x512xf32, #tpu.memory_space<vmem>>
    %dma_start3A_1772 = arith.constant 0 : i32
    %dma_start3A_1773 = tpu.memref_slice %arg7[%add3A_1766, %dma_start3A_1772] : memref<65536x512xf32, #tpu.memory_space<hbm>> -> memref<64x512xf32, #tpu.memory_space<hbm>>
    %dma_start3A_1774 = arith.constant 0 : i32
    %dma_start3A_1775 = tpu.memref_slice %arg7[%add3A_1766, %dma_start3A_1774] : memref<65536x512xf32, #tpu.memory_space<hbm>> -> memref<64x512xf32, #tpu.memory_space<hbm>>
    %dma_start3A_1776 = arith.constant 0 : i32
    %dma_start3A_1777 = arith.constant 0 : i32
    %dma_start3A_1778 = tpu.memref_slice %arg15[%dma_start3A_1767, %dma_start3A_1776, %dma_start3A_1777] : memref<2x64x512xf32, #tpu.memory_space<vmem>> -> memref<1x64x512xf32, #tpu.memory_space<vmem>>
    %dma_start3A_1779 = tpu.memref_squeeze %dma_start3A_1778 : memref<1x64x512xf32, #tpu.memory_space<vmem>> -> memref<64x512xf32, #tpu.memory_space<vmem>>
    tpu.enqueue_dma source(%dma_start3A_1779 : memref<64x512xf32, #tpu.memory_space<vmem>>) target(%dma_start3A_1775 : memref<64x512xf32, #tpu.memory_space<hbm>>) target_semaphore(%arg16 : memref<!tpu.dma_semaphore, #tpu.memory_space<semaphore_mem>>)
    %dma_wait3A_1780 = arith.constant 1 : i32
    %dma_wait3A_1781 = arith.constant 0 : i32
    %dma_wait3A_1782 = arith.constant 0 : i32
    %dma_wait3A_1783 = tpu.memref_slice %arg15[%dma_wait3A_1780, %dma_wait3A_1781, %dma_wait3A_1782] : memref<2x64x512xf32, #tpu.memory_space<vmem>> -> memref<1x64x512xf32, #tpu.memory_space<vmem>>
    %dma_wait3A_1784 = tpu.memref_squeeze %dma_wait3A_1783 : memref<1x64x512xf32, #tpu.memory_space<vmem>> -> memref<64x512xf32, #tpu.memory_space<vmem>>
    %dma_wait3A_1785 = arith.constant 0 : i32
    %dma_wait3A_1786 = tpu.memref_slice %arg7[%add3A_1704, %dma_wait3A_1785] : memref<65536x512xf32, #tpu.memory_space<hbm>> -> memref<64x512xf32, #tpu.memory_space<hbm>>
    %dma_wait3A_1787 = arith.constant 0 : i32
    %dma_wait3A_1788 = tpu.memref_slice %arg7[%add3A_1704, %dma_wait3A_1787] : memref<65536x512xf32, #tpu.memory_space<hbm>> -> memref<64x512xf32, #tpu.memory_space<hbm>>
    %dma_wait3A_1789 = arith.constant 0 : i32
    %dma_wait3A_1790 = arith.constant 0 : i32
    %dma_wait3A_1791 = tpu.memref_slice %arg15[%dma_wait3A_1780, %dma_wait3A_1789, %dma_wait3A_1790] : memref<2x64x512xf32, #tpu.memory_space<vmem>> -> memref<1x64x512xf32, #tpu.memory_space<vmem>>
    %dma_wait3A_1792 = tpu.memref_squeeze %dma_wait3A_1791 : memref<1x64x512xf32, #tpu.memory_space<vmem>> -> memref<64x512xf32, #tpu.memory_space<vmem>>
    tpu.wait_dma2 semaphore(%arg16 : memref<!tpu.dma_semaphore, #tpu.memory_space<semaphore_mem>>) src(%dma_wait3A_1792 : memref<64x512xf32, #tpu.memory_space<vmem>>) dst(%dma_wait3A_1788 : memref<64x512xf32, #tpu.memory_space<hbm>>)
    %add3A_1793 = arith.constant 1856 : i32
    %add3A_1794 = arith.addi %mul3A_2, %add3A_1793 : i32
    %dma_start3A_1795 = arith.constant 1 : i32
    %dma_start3A_1796 = arith.constant 0 : i32
    %dma_start3A_1797 = arith.constant 0 : i32
    %dma_start3A_1798 = tpu.memref_slice %arg15[%dma_start3A_1795, %dma_start3A_1796, %dma_start3A_1797] : memref<2x64x512xf32, #tpu.memory_space<vmem>> -> memref<1x64x512xf32, #tpu.memory_space<vmem>>
    %dma_start3A_1799 = tpu.memref_squeeze %dma_start3A_1798 : memref<1x64x512xf32, #tpu.memory_space<vmem>> -> memref<64x512xf32, #tpu.memory_space<vmem>>
    %dma_start3A_1800 = arith.constant 0 : i32
    %dma_start3A_1801 = tpu.memref_slice %arg2[%add3A_1794, %dma_start3A_1800] : memref<65536x512xf32, #tpu.memory_space<hbm>> -> memref<64x512xf32, #tpu.memory_space<hbm>>
    %dma_start3A_1802 = arith.constant 0 : i32
    %dma_start3A_1803 = arith.constant 0 : i32
    %dma_start3A_1804 = tpu.memref_slice %arg15[%dma_start3A_1795, %dma_start3A_1802, %dma_start3A_1803] : memref<2x64x512xf32, #tpu.memory_space<vmem>> -> memref<1x64x512xf32, #tpu.memory_space<vmem>>
    %dma_start3A_1805 = tpu.memref_squeeze %dma_start3A_1804 : memref<1x64x512xf32, #tpu.memory_space<vmem>> -> memref<64x512xf32, #tpu.memory_space<vmem>>
    %dma_start3A_1806 = arith.constant 0 : i32
    %dma_start3A_1807 = tpu.memref_slice %arg2[%add3A_1794, %dma_start3A_1806] : memref<65536x512xf32, #tpu.memory_space<hbm>> -> memref<64x512xf32, #tpu.memory_space<hbm>>
    tpu.enqueue_dma source(%dma_start3A_1807 : memref<64x512xf32, #tpu.memory_space<hbm>>) target(%dma_start3A_1805 : memref<64x512xf32, #tpu.memory_space<vmem>>) target_semaphore(%arg17 : memref<!tpu.dma_semaphore, #tpu.memory_space<semaphore_mem>>)
    %scan3A_1808 = arith.constant 0 : i32
    %scan3A_1809 = arith.constant 896 : i32
    %scan3A_1810 = arith.constant 32 : i32
    %scan3A_1811 = arith.addi %scan3A_1809, %scan3A_1810 : i32
    %scan3A_1812 = arith.constant 1 : i32
    scf.for %scan3A_2028 = %scan3A_1809 to %scan3A_1811 step %scan3A_1812  : i32 {
      %mul3A_2029 = arith.constant 16 : i32
      %mul3A_2030 = arith.muli %scan3A_2028, %mul3A_2029 : i32
      %get3A = arith.index_cast %mul3A_2030 : i32 to index
      %get3A_2031 = tpu.vector_load %arg8[%get3A] {strides = array<i32>} : memref<16384xi32, #tpu.memory_space<vmem>>, vector<16xi32>,
      %mul3A_2032 = arith.constant 16 : i32
      %mul3A_2033 = arith.muli %scan3A_2028, %mul3A_2032 : i32
      %add3A_2034 = vector.broadcast %mul3A_2033 : i32 to vector<16xi32>
      %add3A_2035 = arith.addi %add3A_2034, %iota3A : vector<16xi32>
      %ge3A_2036 = vector.broadcast %mul3A_2 : i32 to vector<16xi32>
      %ge3A_2037 = arith.cmpi sge, %get3A_2031, %ge3A_2036 : vector<16xi32>
      %add3A_2038 = arith.constant 2048 : i32
      %add3A_2039 = arith.addi %mul3A_2, %add3A_2038 : i32
      %lt3A = vector.broadcast %add3A_2039 : i32 to vector<16xi32>
      %lt3A_2040 = arith.cmpi slt, %get3A_2031, %lt3A : vector<16xi32>
      %and3A_2041 = arith.andi %ge3A_2037, %lt3A_2040 : vector<16xi1>
      %shift_left3A = arith.constant 14 : i32
      %shift_left3A_2042 = vector.broadcast %shift_left3A : i32 to vector<16xi32>
      %shift_left3A_2043 = arith.shli %get3A_2031, %shift_left3A_2042 : vector<16xi32>
      %add3A_2044 = arith.addi %shift_left3A_2043, %add3A_2035 : vector<16xi32>
      %select_n3A_2045 = arith.select %and3A_2041, %add3A_2044, %broadcast_in_dim3A_5 : vector<16xi1>, vector<16xi32>
      %masked_sort3A = arith.constant dense<true> : vector<16xi1>
      %masked_sort3A_2046 = arith.constant -2147483648 : i32
      %masked_sort3A_2047 = vector.broadcast %masked_sort3A_2046 : i32 to vector<16xi32>
      %masked_sort3A_2048 = arith.xori %select_n3A_2045, %masked_sort3A_2047 : vector<16xi32>
      %masked_sort3A_2049, %masked_sort3A_2050, %masked_sort3A_2051 = tpu.sort %masked_sort3A_2048, %select_n3A_2045 masked %masked_sort3A : (vector<16xi32>, vector<16xi32>, vector<16xi1>) -> (vector<16xi1>, vector<16xi32>, vector<16xi32>)
      %masked_sort3A_2052 = arith.xori %masked_sort3A_2050, %masked_sort3A_2047 : vector<16xi32>
      %shift_right_arithmetic3A = arith.constant 14 : i32
      %shift_right_arithmetic3A_2053 = vector.broadcast %shift_right_arithmetic3A : i32 to vector<16xi32>
      %shift_right_arithmetic3A_2054 = arith.shrsi %masked_sort3A_2052, %shift_right_arithmetic3A_2053 : vector<16xi32>
      %and3A_2055 = arith.constant 16383 : i32
      %and3A_2056 = vector.broadcast %and3A_2055 : i32 to vector<16xi32>
      %and3A_2057 = arith.andi %masked_sort3A_2052, %and3A_2056 : vector<16xi32>
      %ne3A_2058 = arith.cmpi ne, %masked_sort3A_2052, %broadcast_in_dim3A_5 : vector<16xi32>
      %broadcast_in_dim3A_2059 = vector.shape_cast %min3A_10 : vector<16xi32> to vector<16x1xi32>
      %gather3A = vector.shape_cast %broadcast_in_dim3A_2059 : vector<16x1xi32> to vector<16xi32>
      %gather3A_2060 = tpu.dynamic_gather %shift_right_arithmetic3A_2054[%gather3A] in [0] : vector<16xi32>, vector<16xi32> -> vector<16xi32>
      %ne3A_2061 = arith.cmpi ne, %shift_right_arithmetic3A_2054, %gather3A_2060 : vector<16xi32>
      %eq3A = arith.constant 15 : i32
      %eq3A_2062 = vector.broadcast %eq3A : i32 to vector<16xi32>
      %eq3A_2063 = arith.cmpi eq, %iota3A, %eq3A_2062 : vector<16xi32>
      %or3A = arith.ori %ne3A_2061, %eq3A_2063 : vector<16xi1>
      %sub3A_2064 = vector.broadcast %mul3A_2 : i32 to vector<16xi32>
      %sub3A_2065 = arith.subi %shift_right_arithmetic3A_2054, %sub3A_2064 : vector<16xi32>
      %and3A_2066 = arith.andi %ne3A_2058, %or3A : vector<16xi1>
      tpu.vector_store_idx %arg11[%sub3A_2065], %and3A_2057 masked %and3A_2066 : memref<2048xi32, #tpu.memory_space<vmem>>[vector<16xi32>], vector<16xi32>, vector<16xi1>
    }
    %scan3A_1813 = arith.constant 32 : i32
    %dma_wait3A_1814 = arith.constant 1 : i32
    %dma_wait3A_1815 = arith.constant 0 : i32
    %dma_wait3A_1816 = arith.constant 0 : i32
    %dma_wait3A_1817 = tpu.memref_slice %arg15[%dma_wait3A_1814, %dma_wait3A_1815, %dma_wait3A_1816] : memref<2x64x512xf32, #tpu.memory_space<vmem>> -> memref<1x64x512xf32, #tpu.memory_space<vmem>>
    %dma_wait3A_1818 = tpu.memref_squeeze %dma_wait3A_1817 : memref<1x64x512xf32, #tpu.memory_space<vmem>> -> memref<64x512xf32, #tpu.memory_space<vmem>>
    %dma_wait3A_1819 = arith.constant 0 : i32
    %dma_wait3A_1820 = tpu.memref_slice %arg2[%add3A_1794, %dma_wait3A_1819] : memref<65536x512xf32, #tpu.memory_space<hbm>> -> memref<64x512xf32, #tpu.memory_space<hbm>>
    %dma_wait3A_1821 = arith.constant 0 : i32
    %dma_wait3A_1822 = arith.constant 0 : i32
    %dma_wait3A_1823 = tpu.memref_slice %arg15[%dma_wait3A_1814, %dma_wait3A_1821, %dma_wait3A_1822] : memref<2x64x512xf32, #tpu.memory_space<vmem>> -> memref<1x64x512xf32, #tpu.memory_space<vmem>>
    %dma_wait3A_1824 = tpu.memref_squeeze %dma_wait3A_1823 : memref<1x64x512xf32, #tpu.memory_space<vmem>> -> memref<64x512xf32, #tpu.memory_space<vmem>>
    %dma_wait3A_1825 = arith.constant 0 : i32
    %dma_wait3A_1826 = tpu.memref_slice %arg2[%add3A_1794, %dma_wait3A_1825] : memref<65536x512xf32, #tpu.memory_space<hbm>> -> memref<64x512xf32, #tpu.memory_space<hbm>>
    tpu.wait_dma2 semaphore(%arg17 : memref<!tpu.dma_semaphore, #tpu.memory_space<semaphore_mem>>) src(%dma_wait3A_1826 : memref<64x512xf32, #tpu.memory_space<hbm>>) dst(%dma_wait3A_1824 : memref<64x512xf32, #tpu.memory_space<vmem>>)
    %add3A_1827 = arith.constant 1856 : i32
    %add3A_1828 = arith.addi %mul3A_2, %add3A_1827 : i32
    %dma_start3A_1829 = arith.constant 1 : i32
    %dma_start3A_1830 = arith.constant 0 : i32
    %dma_start3A_1831 = arith.constant 0 : i32
    %dma_start3A_1832 = tpu.memref_slice %arg15[%dma_start3A_1829, %dma_start3A_1830, %dma_start3A_1831] : memref<2x64x512xf32, #tpu.memory_space<vmem>> -> memref<1x64x512xf32, #tpu.memory_space<vmem>>
    %dma_start3A_1833 = tpu.memref_squeeze %dma_start3A_1832 : memref<1x64x512xf32, #tpu.memory_space<vmem>> -> memref<64x512xf32, #tpu.memory_space<vmem>>
    %dma_start3A_1834 = arith.constant 0 : i32
    %dma_start3A_1835 = tpu.memref_slice %arg7[%add3A_1828, %dma_start3A_1834] : memref<65536x512xf32, #tpu.memory_space<hbm>> -> memref<64x512xf32, #tpu.memory_space<hbm>>
    %dma_start3A_1836 = arith.constant 0 : i32
    %dma_start3A_1837 = tpu.memref_slice %arg7[%add3A_1828, %dma_start3A_1836] : memref<65536x512xf32, #tpu.memory_space<hbm>> -> memref<64x512xf32, #tpu.memory_space<hbm>>
    %dma_start3A_1838 = arith.constant 0 : i32
    %dma_start3A_1839 = arith.constant 0 : i32
    %dma_start3A_1840 = tpu.memref_slice %arg15[%dma_start3A_1829, %dma_start3A_1838, %dma_start3A_1839] : memref<2x64x512xf32, #tpu.memory_space<vmem>> -> memref<1x64x512xf32, #tpu.memory_space<vmem>>
    %dma_start3A_1841 = tpu.memref_squeeze %dma_start3A_1840 : memref<1x64x512xf32, #tpu.memory_space<vmem>> -> memref<64x512xf32, #tpu.memory_space<vmem>>
    tpu.enqueue_dma source(%dma_start3A_1841 : memref<64x512xf32, #tpu.memory_space<vmem>>) target(%dma_start3A_1837 : memref<64x512xf32, #tpu.memory_space<hbm>>) target_semaphore(%arg16 : memref<!tpu.dma_semaphore, #tpu.memory_space<semaphore_mem>>)
    %dma_wait3A_1842 = arith.constant 0 : i32
    %dma_wait3A_1843 = arith.constant 0 : i32
    %dma_wait3A_1844 = arith.constant 0 : i32
    %dma_wait3A_1845 = tpu.memref_slice %arg15[%dma_wait3A_1842, %dma_wait3A_1843, %dma_wait3A_1844] : memref<2x64x512xf32, #tpu.memory_space<vmem>> -> memref<1x64x512xf32, #tpu.memory_space<vmem>>
    %dma_wait3A_1846 = tpu.memref_squeeze %dma_wait3A_1845 : memref<1x64x512xf32, #tpu.memory_space<vmem>> -> memref<64x512xf32, #tpu.memory_space<vmem>>
    %dma_wait3A_1847 = arith.constant 0 : i32
    %dma_wait3A_1848 = tpu.memref_slice %arg7[%add3A_1766, %dma_wait3A_1847] : memref<65536x512xf32, #tpu.memory_space<hbm>> -> memref<64x512xf32, #tpu.memory_space<hbm>>
    %dma_wait3A_1849 = arith.constant 0 : i32
    %dma_wait3A_1850 = tpu.memref_slice %arg7[%add3A_1766, %dma_wait3A_1849] : memref<65536x512xf32, #tpu.memory_space<hbm>> -> memref<64x512xf32, #tpu.memory_space<hbm>>
    %dma_wait3A_1851 = arith.constant 0 : i32
    %dma_wait3A_1852 = arith.constant 0 : i32
    %dma_wait3A_1853 = tpu.memref_slice %arg15[%dma_wait3A_1842, %dma_wait3A_1851, %dma_wait3A_1852] : memref<2x64x512xf32, #tpu.memory_space<vmem>> -> memref<1x64x512xf32, #tpu.memory_space<vmem>>
    %dma_wait3A_1854 = tpu.memref_squeeze %dma_wait3A_1853 : memref<1x64x512xf32, #tpu.memory_space<vmem>> -> memref<64x512xf32, #tpu.memory_space<vmem>>
    tpu.wait_dma2 semaphore(%arg16 : memref<!tpu.dma_semaphore, #tpu.memory_space<semaphore_mem>>) src(%dma_wait3A_1854 : memref<64x512xf32, #tpu.memory_space<vmem>>) dst(%dma_wait3A_1850 : memref<64x512xf32, #tpu.memory_space<hbm>>)
    %add3A_1855 = arith.constant 1920 : i32
    %add3A_1856 = arith.addi %mul3A_2, %add3A_1855 : i32
    %dma_start3A_1857 = arith.constant 0 : i32
    %dma_start3A_1858 = arith.constant 0 : i32
    %dma_start3A_1859 = arith.constant 0 : i32
    %dma_start3A_1860 = tpu.memref_slice %arg15[%dma_start3A_1857, %dma_start3A_1858, %dma_start3A_1859] : memref<2x64x512xf32, #tpu.memory_space<vmem>> -> memref<1x64x512xf32, #tpu.memory_space<vmem>>
    %dma_start3A_1861 = tpu.memref_squeeze %dma_start3A_1860 : memref<1x64x512xf32, #tpu.memory_space<vmem>> -> memref<64x512xf32, #tpu.memory_space<vmem>>
    %dma_start3A_1862 = arith.constant 0 : i32
    %dma_start3A_1863 = tpu.memref_slice %arg2[%add3A_1856, %dma_start3A_1862] : memref<65536x512xf32, #tpu.memory_space<hbm>> -> memref<64x512xf32, #tpu.memory_space<hbm>>
    %dma_start3A_1864 = arith.constant 0 : i32
    %dma_start3A_1865 = arith.constant 0 : i32
    %dma_start3A_1866 = tpu.memref_slice %arg15[%dma_start3A_1857, %dma_start3A_1864, %dma_start3A_1865] : memref<2x64x512xf32, #tpu.memory_space<vmem>> -> memref<1x64x512xf32, #tpu.memory_space<vmem>>
    %dma_start3A_1867 = tpu.memref_squeeze %dma_start3A_1866 : memref<1x64x512xf32, #tpu.memory_space<vmem>> -> memref<64x512xf32, #tpu.memory_space<vmem>>
    %dma_start3A_1868 = arith.constant 0 : i32
    %dma_start3A_1869 = tpu.memref_slice %arg2[%add3A_1856, %dma_start3A_1868] : memref<65536x512xf32, #tpu.memory_space<hbm>> -> memref<64x512xf32, #tpu.memory_space<hbm>>
    tpu.enqueue_dma source(%dma_start3A_1869 : memref<64x512xf32, #tpu.memory_space<hbm>>) target(%dma_start3A_1867 : memref<64x512xf32, #tpu.memory_space<vmem>>) target_semaphore(%arg17 : memref<!tpu.dma_semaphore, #tpu.memory_space<semaphore_mem>>)
    %scan3A_1870 = arith.constant 0 : i32
    %scan3A_1871 = arith.constant 928 : i32
    %scan3A_1872 = arith.constant 32 : i32
    %scan3A_1873 = arith.addi %scan3A_1871, %scan3A_1872 : i32
    %scan3A_1874 = arith.constant 1 : i32
    scf.for %scan3A_2028 = %scan3A_1871 to %scan3A_1873 step %scan3A_1874  : i32 {
      %mul3A_2029 = arith.constant 16 : i32
      %mul3A_2030 = arith.muli %scan3A_2028, %mul3A_2029 : i32
      %get3A = arith.index_cast %mul3A_2030 : i32 to index
      %get3A_2031 = tpu.vector_load %arg8[%get3A] {strides = array<i32>} : memref<16384xi32, #tpu.memory_space<vmem>>, vector<16xi32>,
      %mul3A_2032 = arith.constant 16 : i32
      %mul3A_2033 = arith.muli %scan3A_2028, %mul3A_2032 : i32
      %add3A_2034 = vector.broadcast %mul3A_2033 : i32 to vector<16xi32>
      %add3A_2035 = arith.addi %add3A_2034, %iota3A : vector<16xi32>
      %ge3A_2036 = vector.broadcast %mul3A_2 : i32 to vector<16xi32>
      %ge3A_2037 = arith.cmpi sge, %get3A_2031, %ge3A_2036 : vector<16xi32>
      %add3A_2038 = arith.constant 2048 : i32
      %add3A_2039 = arith.addi %mul3A_2, %add3A_2038 : i32
      %lt3A = vector.broadcast %add3A_2039 : i32 to vector<16xi32>
      %lt3A_2040 = arith.cmpi slt, %get3A_2031, %lt3A : vector<16xi32>
      %and3A_2041 = arith.andi %ge3A_2037, %lt3A_2040 : vector<16xi1>
      %shift_left3A = arith.constant 14 : i32
      %shift_left3A_2042 = vector.broadcast %shift_left3A : i32 to vector<16xi32>
      %shift_left3A_2043 = arith.shli %get3A_2031, %shift_left3A_2042 : vector<16xi32>
      %add3A_2044 = arith.addi %shift_left3A_2043, %add3A_2035 : vector<16xi32>
      %select_n3A_2045 = arith.select %and3A_2041, %add3A_2044, %broadcast_in_dim3A_5 : vector<16xi1>, vector<16xi32>
      %masked_sort3A = arith.constant dense<true> : vector<16xi1>
      %masked_sort3A_2046 = arith.constant -2147483648 : i32
      %masked_sort3A_2047 = vector.broadcast %masked_sort3A_2046 : i32 to vector<16xi32>
      %masked_sort3A_2048 = arith.xori %select_n3A_2045, %masked_sort3A_2047 : vector<16xi32>
      %masked_sort3A_2049, %masked_sort3A_2050, %masked_sort3A_2051 = tpu.sort %masked_sort3A_2048, %select_n3A_2045 masked %masked_sort3A : (vector<16xi32>, vector<16xi32>, vector<16xi1>) -> (vector<16xi1>, vector<16xi32>, vector<16xi32>)
      %masked_sort3A_2052 = arith.xori %masked_sort3A_2050, %masked_sort3A_2047 : vector<16xi32>
      %shift_right_arithmetic3A = arith.constant 14 : i32
      %shift_right_arithmetic3A_2053 = vector.broadcast %shift_right_arithmetic3A : i32 to vector<16xi32>
      %shift_right_arithmetic3A_2054 = arith.shrsi %masked_sort3A_2052, %shift_right_arithmetic3A_2053 : vector<16xi32>
      %and3A_2055 = arith.constant 16383 : i32
      %and3A_2056 = vector.broadcast %and3A_2055 : i32 to vector<16xi32>
      %and3A_2057 = arith.andi %masked_sort3A_2052, %and3A_2056 : vector<16xi32>
      %ne3A_2058 = arith.cmpi ne, %masked_sort3A_2052, %broadcast_in_dim3A_5 : vector<16xi32>
      %broadcast_in_dim3A_2059 = vector.shape_cast %min3A_10 : vector<16xi32> to vector<16x1xi32>
      %gather3A = vector.shape_cast %broadcast_in_dim3A_2059 : vector<16x1xi32> to vector<16xi32>
      %gather3A_2060 = tpu.dynamic_gather %shift_right_arithmetic3A_2054[%gather3A] in [0] : vector<16xi32>, vector<16xi32> -> vector<16xi32>
      %ne3A_2061 = arith.cmpi ne, %shift_right_arithmetic3A_2054, %gather3A_2060 : vector<16xi32>
      %eq3A = arith.constant 15 : i32
      %eq3A_2062 = vector.broadcast %eq3A : i32 to vector<16xi32>
      %eq3A_2063 = arith.cmpi eq, %iota3A, %eq3A_2062 : vector<16xi32>
      %or3A = arith.ori %ne3A_2061, %eq3A_2063 : vector<16xi1>
      %sub3A_2064 = vector.broadcast %mul3A_2 : i32 to vector<16xi32>
      %sub3A_2065 = arith.subi %shift_right_arithmetic3A_2054, %sub3A_2064 : vector<16xi32>
      %and3A_2066 = arith.andi %ne3A_2058, %or3A : vector<16xi1>
      tpu.vector_store_idx %arg11[%sub3A_2065], %and3A_2057 masked %and3A_2066 : memref<2048xi32, #tpu.memory_space<vmem>>[vector<16xi32>], vector<16xi32>, vector<16xi1>
    }
    %scan3A_1875 = arith.constant 32 : i32
    %dma_wait3A_1876 = arith.constant 0 : i32
    %dma_wait3A_1877 = arith.constant 0 : i32
    %dma_wait3A_1878 = arith.constant 0 : i32
    %dma_wait3A_1879 = tpu.memref_slice %arg15[%dma_wait3A_1876, %dma_wait3A_1877, %dma_wait3A_1878] : memref<2x64x512xf32, #tpu.memory_space<vmem>> -> memref<1x64x512xf32, #tpu.memory_space<vmem>>
    %dma_wait3A_1880 = tpu.memref_squeeze %dma_wait3A_1879 : memref<1x64x512xf32, #tpu.memory_space<vmem>> -> memref<64x512xf32, #tpu.memory_space<vmem>>
    %dma_wait3A_1881 = arith.constant 0 : i32
    %dma_wait3A_1882 = tpu.memref_slice %arg2[%add3A_1856, %dma_wait3A_1881] : memref<65536x512xf32, #tpu.memory_space<hbm>> -> memref<64x512xf32, #tpu.memory_space<hbm>>
    %dma_wait3A_1883 = arith.constant 0 : i32
    %dma_wait3A_1884 = arith.constant 0 : i32
    %dma_wait3A_1885 = tpu.memref_slice %arg15[%dma_wait3A_1876, %dma_wait3A_1883, %dma_wait3A_1884] : memref<2x64x512xf32, #tpu.memory_space<vmem>> -> memref<1x64x512xf32, #tpu.memory_space<vmem>>
    %dma_wait3A_1886 = tpu.memref_squeeze %dma_wait3A_1885 : memref<1x64x512xf32, #tpu.memory_space<vmem>> -> memref<64x512xf32, #tpu.memory_space<vmem>>
    %dma_wait3A_1887 = arith.constant 0 : i32
    %dma_wait3A_1888 = tpu.memref_slice %arg2[%add3A_1856, %dma_wait3A_1887] : memref<65536x512xf32, #tpu.memory_space<hbm>> -> memref<64x512xf32, #tpu.memory_space<hbm>>
    tpu.wait_dma2 semaphore(%arg17 : memref<!tpu.dma_semaphore, #tpu.memory_space<semaphore_mem>>) src(%dma_wait3A_1888 : memref<64x512xf32, #tpu.memory_space<hbm>>) dst(%dma_wait3A_1886 : memref<64x512xf32, #tpu.memory_space<vmem>>)
    %add3A_1889 = arith.constant 1920 : i32
    %add3A_1890 = arith.addi %mul3A_2, %add3A_1889 : i32
    %dma_start3A_1891 = arith.constant 0 : i32
    %dma_start3A_1892 = arith.constant 0 : i32
    %dma_start3A_1893 = arith.constant 0 : i32
    %dma_start3A_1894 = tpu.memref_slice %arg15[%dma_start3A_1891, %dma_start3A_1892, %dma_start3A_1893] : memref<2x64x512xf32, #tpu.memory_space<vmem>> -> memref<1x64x512xf32, #tpu.memory_space<vmem>>
    %dma_start3A_1895 = tpu.memref_squeeze %dma_start3A_1894 : memref<1x64x512xf32, #tpu.memory_space<vmem>> -> memref<64x512xf32, #tpu.memory_space<vmem>>
    %dma_start3A_1896 = arith.constant 0 : i32
    %dma_start3A_1897 = tpu.memref_slice %arg7[%add3A_1890, %dma_start3A_1896] : memref<65536x512xf32, #tpu.memory_space<hbm>> -> memref<64x512xf32, #tpu.memory_space<hbm>>
    %dma_start3A_1898 = arith.constant 0 : i32
    %dma_start3A_1899 = tpu.memref_slice %arg7[%add3A_1890, %dma_start3A_1898] : memref<65536x512xf32, #tpu.memory_space<hbm>> -> memref<64x512xf32, #tpu.memory_space<hbm>>
    %dma_start3A_1900 = arith.constant 0 : i32
    %dma_start3A_1901 = arith.constant 0 : i32
    %dma_start3A_1902 = tpu.memref_slice %arg15[%dma_start3A_1891, %dma_start3A_1900, %dma_start3A_1901] : memref<2x64x512xf32, #tpu.memory_space<vmem>> -> memref<1x64x512xf32, #tpu.memory_space<vmem>>
    %dma_start3A_1903 = tpu.memref_squeeze %dma_start3A_1902 : memref<1x64x512xf32, #tpu.memory_space<vmem>> -> memref<64x512xf32, #tpu.memory_space<vmem>>
    tpu.enqueue_dma source(%dma_start3A_1903 : memref<64x512xf32, #tpu.memory_space<vmem>>) target(%dma_start3A_1899 : memref<64x512xf32, #tpu.memory_space<hbm>>) target_semaphore(%arg16 : memref<!tpu.dma_semaphore, #tpu.memory_space<semaphore_mem>>)
    %dma_wait3A_1904 = arith.constant 1 : i32
    %dma_wait3A_1905 = arith.constant 0 : i32
    %dma_wait3A_1906 = arith.constant 0 : i32
    %dma_wait3A_1907 = tpu.memref_slice %arg15[%dma_wait3A_1904, %dma_wait3A_1905, %dma_wait3A_1906] : memref<2x64x512xf32, #tpu.memory_space<vmem>> -> memref<1x64x512xf32, #tpu.memory_space<vmem>>
    %dma_wait3A_1908 = tpu.memref_squeeze %dma_wait3A_1907 : memref<1x64x512xf32, #tpu.memory_space<vmem>> -> memref<64x512xf32, #tpu.memory_space<vmem>>
    %dma_wait3A_1909 = arith.constant 0 : i32
    %dma_wait3A_1910 = tpu.memref_slice %arg7[%add3A_1828, %dma_wait3A_1909] : memref<65536x512xf32, #tpu.memory_space<hbm>> -> memref<64x512xf32, #tpu.memory_space<hbm>>
    %dma_wait3A_1911 = arith.constant 0 : i32
    %dma_wait3A_1912 = tpu.memref_slice %arg7[%add3A_1828, %dma_wait3A_1911] : memref<65536x512xf32, #tpu.memory_space<hbm>> -> memref<64x512xf32, #tpu.memory_space<hbm>>
    %dma_wait3A_1913 = arith.constant 0 : i32
    %dma_wait3A_1914 = arith.constant 0 : i32
    %dma_wait3A_1915 = tpu.memref_slice %arg15[%dma_wait3A_1904, %dma_wait3A_1913, %dma_wait3A_1914] : memref<2x64x512xf32, #tpu.memory_space<vmem>> -> memref<1x64x512xf32, #tpu.memory_space<vmem>>
    %dma_wait3A_1916 = tpu.memref_squeeze %dma_wait3A_1915 : memref<1x64x512xf32, #tpu.memory_space<vmem>> -> memref<64x512xf32, #tpu.memory_space<vmem>>
    tpu.wait_dma2 semaphore(%arg16 : memref<!tpu.dma_semaphore, #tpu.memory_space<semaphore_mem>>) src(%dma_wait3A_1916 : memref<64x512xf32, #tpu.memory_space<vmem>>) dst(%dma_wait3A_1912 : memref<64x512xf32, #tpu.memory_space<hbm>>)
    %add3A_1917 = arith.constant 1984 : i32
    %add3A_1918 = arith.addi %mul3A_2, %add3A_1917 : i32
    %dma_start3A_1919 = arith.constant 1 : i32
    %dma_start3A_1920 = arith.constant 0 : i32
    %dma_start3A_1921 = arith.constant 0 : i32
    %dma_start3A_1922 = tpu.memref_slice %arg15[%dma_start3A_1919, %dma_start3A_1920, %dma_start3A_1921] : memref<2x64x512xf32, #tpu.memory_space<vmem>> -> memref<1x64x512xf32, #tpu.memory_space<vmem>>
    %dma_start3A_1923 = tpu.memref_squeeze %dma_start3A_1922 : memref<1x64x512xf32, #tpu.memory_space<vmem>> -> memref<64x512xf32, #tpu.memory_space<vmem>>
    %dma_start3A_1924 = arith.constant 0 : i32
    %dma_start3A_1925 = tpu.memref_slice %arg2[%add3A_1918, %dma_start3A_1924] : memref<65536x512xf32, #tpu.memory_space<hbm>> -> memref<64x512xf32, #tpu.memory_space<hbm>>
    %dma_start3A_1926 = arith.constant 0 : i32
    %dma_start3A_1927 = arith.constant 0 : i32
    %dma_start3A_1928 = tpu.memref_slice %arg15[%dma_start3A_1919, %dma_start3A_1926, %dma_start3A_1927] : memref<2x64x512xf32, #tpu.memory_space<vmem>> -> memref<1x64x512xf32, #tpu.memory_space<vmem>>
    %dma_start3A_1929 = tpu.memref_squeeze %dma_start3A_1928 : memref<1x64x512xf32, #tpu.memory_space<vmem>> -> memref<64x512xf32, #tpu.memory_space<vmem>>
    %dma_start3A_1930 = arith.constant 0 : i32
    %dma_start3A_1931 = tpu.memref_slice %arg2[%add3A_1918, %dma_start3A_1930] : memref<65536x512xf32, #tpu.memory_space<hbm>> -> memref<64x512xf32, #tpu.memory_space<hbm>>
    tpu.enqueue_dma source(%dma_start3A_1931 : memref<64x512xf32, #tpu.memory_space<hbm>>) target(%dma_start3A_1929 : memref<64x512xf32, #tpu.memory_space<vmem>>) target_semaphore(%arg17 : memref<!tpu.dma_semaphore, #tpu.memory_space<semaphore_mem>>)
    %scan3A_1932 = arith.constant 0 : i32
    %scan3A_1933 = arith.constant 960 : i32
    %scan3A_1934 = arith.constant 32 : i32
    %scan3A_1935 = arith.addi %scan3A_1933, %scan3A_1934 : i32
    %scan3A_1936 = arith.constant 1 : i32
    scf.for %scan3A_2028 = %scan3A_1933 to %scan3A_1935 step %scan3A_1936  : i32 {
      %mul3A_2029 = arith.constant 16 : i32
      %mul3A_2030 = arith.muli %scan3A_2028, %mul3A_2029 : i32
      %get3A = arith.index_cast %mul3A_2030 : i32 to index
      %get3A_2031 = tpu.vector_load %arg8[%get3A] {strides = array<i32>} : memref<16384xi32, #tpu.memory_space<vmem>>, vector<16xi32>,
      %mul3A_2032 = arith.constant 16 : i32
      %mul3A_2033 = arith.muli %scan3A_2028, %mul3A_2032 : i32
      %add3A_2034 = vector.broadcast %mul3A_2033 : i32 to vector<16xi32>
      %add3A_2035 = arith.addi %add3A_2034, %iota3A : vector<16xi32>
      %ge3A_2036 = vector.broadcast %mul3A_2 : i32 to vector<16xi32>
      %ge3A_2037 = arith.cmpi sge, %get3A_2031, %ge3A_2036 : vector<16xi32>
      %add3A_2038 = arith.constant 2048 : i32
      %add3A_2039 = arith.addi %mul3A_2, %add3A_2038 : i32
      %lt3A = vector.broadcast %add3A_2039 : i32 to vector<16xi32>
      %lt3A_2040 = arith.cmpi slt, %get3A_2031, %lt3A : vector<16xi32>
      %and3A_2041 = arith.andi %ge3A_2037, %lt3A_2040 : vector<16xi1>
      %shift_left3A = arith.constant 14 : i32
      %shift_left3A_2042 = vector.broadcast %shift_left3A : i32 to vector<16xi32>
      %shift_left3A_2043 = arith.shli %get3A_2031, %shift_left3A_2042 : vector<16xi32>
      %add3A_2044 = arith.addi %shift_left3A_2043, %add3A_2035 : vector<16xi32>
      %select_n3A_2045 = arith.select %and3A_2041, %add3A_2044, %broadcast_in_dim3A_5 : vector<16xi1>, vector<16xi32>
      %masked_sort3A = arith.constant dense<true> : vector<16xi1>
      %masked_sort3A_2046 = arith.constant -2147483648 : i32
      %masked_sort3A_2047 = vector.broadcast %masked_sort3A_2046 : i32 to vector<16xi32>
      %masked_sort3A_2048 = arith.xori %select_n3A_2045, %masked_sort3A_2047 : vector<16xi32>
      %masked_sort3A_2049, %masked_sort3A_2050, %masked_sort3A_2051 = tpu.sort %masked_sort3A_2048, %select_n3A_2045 masked %masked_sort3A : (vector<16xi32>, vector<16xi32>, vector<16xi1>) -> (vector<16xi1>, vector<16xi32>, vector<16xi32>)
      %masked_sort3A_2052 = arith.xori %masked_sort3A_2050, %masked_sort3A_2047 : vector<16xi32>
      %shift_right_arithmetic3A = arith.constant 14 : i32
      %shift_right_arithmetic3A_2053 = vector.broadcast %shift_right_arithmetic3A : i32 to vector<16xi32>
      %shift_right_arithmetic3A_2054 = arith.shrsi %masked_sort3A_2052, %shift_right_arithmetic3A_2053 : vector<16xi32>
      %and3A_2055 = arith.constant 16383 : i32
      %and3A_2056 = vector.broadcast %and3A_2055 : i32 to vector<16xi32>
      %and3A_2057 = arith.andi %masked_sort3A_2052, %and3A_2056 : vector<16xi32>
      %ne3A_2058 = arith.cmpi ne, %masked_sort3A_2052, %broadcast_in_dim3A_5 : vector<16xi32>
      %broadcast_in_dim3A_2059 = vector.shape_cast %min3A_10 : vector<16xi32> to vector<16x1xi32>
      %gather3A = vector.shape_cast %broadcast_in_dim3A_2059 : vector<16x1xi32> to vector<16xi32>
      %gather3A_2060 = tpu.dynamic_gather %shift_right_arithmetic3A_2054[%gather3A] in [0] : vector<16xi32>, vector<16xi32> -> vector<16xi32>
      %ne3A_2061 = arith.cmpi ne, %shift_right_arithmetic3A_2054, %gather3A_2060 : vector<16xi32>
      %eq3A = arith.constant 15 : i32
      %eq3A_2062 = vector.broadcast %eq3A : i32 to vector<16xi32>
      %eq3A_2063 = arith.cmpi eq, %iota3A, %eq3A_2062 : vector<16xi32>
      %or3A = arith.ori %ne3A_2061, %eq3A_2063 : vector<16xi1>
      %sub3A_2064 = vector.broadcast %mul3A_2 : i32 to vector<16xi32>
      %sub3A_2065 = arith.subi %shift_right_arithmetic3A_2054, %sub3A_2064 : vector<16xi32>
      %and3A_2066 = arith.andi %ne3A_2058, %or3A : vector<16xi1>
      tpu.vector_store_idx %arg11[%sub3A_2065], %and3A_2057 masked %and3A_2066 : memref<2048xi32, #tpu.memory_space<vmem>>[vector<16xi32>], vector<16xi32>, vector<16xi1>
    }
    %scan3A_1937 = arith.constant 32 : i32
    %dma_wait3A_1938 = arith.constant 1 : i32
    %dma_wait3A_1939 = arith.constant 0 : i32
    %dma_wait3A_1940 = arith.constant 0 : i32
    %dma_wait3A_1941 = tpu.memref_slice %arg15[%dma_wait3A_1938, %dma_wait3A_1939, %dma_wait3A_1940] : memref<2x64x512xf32, #tpu.memory_space<vmem>> -> memref<1x64x512xf32, #tpu.memory_space<vmem>>
    %dma_wait3A_1942 = tpu.memref_squeeze %dma_wait3A_1941 : memref<1x64x512xf32, #tpu.memory_space<vmem>> -> memref<64x512xf32, #tpu.memory_space<vmem>>
    %dma_wait3A_1943 = arith.constant 0 : i32
    %dma_wait3A_1944 = tpu.memref_slice %arg2[%add3A_1918, %dma_wait3A_1943] : memref<65536x512xf32, #tpu.memory_space<hbm>> -> memref<64x512xf32, #tpu.memory_space<hbm>>
    %dma_wait3A_1945 = arith.constant 0 : i32
    %dma_wait3A_1946 = arith.constant 0 : i32
    %dma_wait3A_1947 = tpu.memref_slice %arg15[%dma_wait3A_1938, %dma_wait3A_1945, %dma_wait3A_1946] : memref<2x64x512xf32, #tpu.memory_space<vmem>> -> memref<1x64x512xf32, #tpu.memory_space<vmem>>
    %dma_wait3A_1948 = tpu.memref_squeeze %dma_wait3A_1947 : memref<1x64x512xf32, #tpu.memory_space<vmem>> -> memref<64x512xf32, #tpu.memory_space<vmem>>
    %dma_wait3A_1949 = arith.constant 0 : i32
    %dma_wait3A_1950 = tpu.memref_slice %arg2[%add3A_1918, %dma_wait3A_1949] : memref<65536x512xf32, #tpu.memory_space<hbm>> -> memref<64x512xf32, #tpu.memory_space<hbm>>
    tpu.wait_dma2 semaphore(%arg17 : memref<!tpu.dma_semaphore, #tpu.memory_space<semaphore_mem>>) src(%dma_wait3A_1950 : memref<64x512xf32, #tpu.memory_space<hbm>>) dst(%dma_wait3A_1948 : memref<64x512xf32, #tpu.memory_space<vmem>>)
    %add3A_1951 = arith.constant 1984 : i32
    %add3A_1952 = arith.addi %mul3A_2, %add3A_1951 : i32
    %dma_start3A_1953 = arith.constant 1 : i32
    %dma_start3A_1954 = arith.constant 0 : i32
    %dma_start3A_1955 = arith.constant 0 : i32
    %dma_start3A_1956 = tpu.memref_slice %arg15[%dma_start3A_1953, %dma_start3A_1954, %dma_start3A_1955] : memref<2x64x512xf32, #tpu.memory_space<vmem>> -> memref<1x64x512xf32, #tpu.memory_space<vmem>>
    %dma_start3A_1957 = tpu.memref_squeeze %dma_start3A_1956 : memref<1x64x512xf32, #tpu.memory_space<vmem>> -> memref<64x512xf32, #tpu.memory_space<vmem>>
    %dma_start3A_1958 = arith.constant 0 : i32
    %dma_start3A_1959 = tpu.memref_slice %arg7[%add3A_1952, %dma_start3A_1958] : memref<65536x512xf32, #tpu.memory_space<hbm>> -> memref<64x512xf32, #tpu.memory_space<hbm>>
    %dma_start3A_1960 = arith.constant 0 : i32
    %dma_start3A_1961 = tpu.memref_slice %arg7[%add3A_1952, %dma_start3A_1960] : memref<65536x512xf32, #tpu.memory_space<hbm>> -> memref<64x512xf32, #tpu.memory_space<hbm>>
    %dma_start3A_1962 = arith.constant 0 : i32
    %dma_start3A_1963 = arith.constant 0 : i32
    %dma_start3A_1964 = tpu.memref_slice %arg15[%dma_start3A_1953, %dma_start3A_1962, %dma_start3A_1963] : memref<2x64x512xf32, #tpu.memory_space<vmem>> -> memref<1x64x512xf32, #tpu.memory_space<vmem>>
    %dma_start3A_1965 = tpu.memref_squeeze %dma_start3A_1964 : memref<1x64x512xf32, #tpu.memory_space<vmem>> -> memref<64x512xf32, #tpu.memory_space<vmem>>
    tpu.enqueue_dma source(%dma_start3A_1965 : memref<64x512xf32, #tpu.memory_space<vmem>>) target(%dma_start3A_1961 : memref<64x512xf32, #tpu.memory_space<hbm>>) target_semaphore(%arg16 : memref<!tpu.dma_semaphore, #tpu.memory_space<semaphore_mem>>)
    %scan3A_1966 = arith.constant 0 : i32
    %scan3A_1967 = arith.constant 992 : i32
    %scan3A_1968 = arith.constant 32 : i32
    %scan3A_1969 = arith.addi %scan3A_1967, %scan3A_1968 : i32
    %scan3A_1970 = arith.constant 1 : i32
    scf.for %scan3A_2028 = %scan3A_1967 to %scan3A_1969 step %scan3A_1970  : i32 {
      %mul3A_2029 = arith.constant 16 : i32
      %mul3A_2030 = arith.muli %scan3A_2028, %mul3A_2029 : i32
      %get3A = arith.index_cast %mul3A_2030 : i32 to index
      %get3A_2031 = tpu.vector_load %arg8[%get3A] {strides = array<i32>} : memref<16384xi32, #tpu.memory_space<vmem>>, vector<16xi32>,
      %mul3A_2032 = arith.constant 16 : i32
      %mul3A_2033 = arith.muli %scan3A_2028, %mul3A_2032 : i32
      %add3A_2034 = vector.broadcast %mul3A_2033 : i32 to vector<16xi32>
      %add3A_2035 = arith.addi %add3A_2034, %iota3A : vector<16xi32>
      %ge3A_2036 = vector.broadcast %mul3A_2 : i32 to vector<16xi32>
      %ge3A_2037 = arith.cmpi sge, %get3A_2031, %ge3A_2036 : vector<16xi32>
      %add3A_2038 = arith.constant 2048 : i32
      %add3A_2039 = arith.addi %mul3A_2, %add3A_2038 : i32
      %lt3A = vector.broadcast %add3A_2039 : i32 to vector<16xi32>
      %lt3A_2040 = arith.cmpi slt, %get3A_2031, %lt3A : vector<16xi32>
      %and3A_2041 = arith.andi %ge3A_2037, %lt3A_2040 : vector<16xi1>
      %shift_left3A = arith.constant 14 : i32
      %shift_left3A_2042 = vector.broadcast %shift_left3A : i32 to vector<16xi32>
      %shift_left3A_2043 = arith.shli %get3A_2031, %shift_left3A_2042 : vector<16xi32>
      %add3A_2044 = arith.addi %shift_left3A_2043, %add3A_2035 : vector<16xi32>
      %select_n3A_2045 = arith.select %and3A_2041, %add3A_2044, %broadcast_in_dim3A_5 : vector<16xi1>, vector<16xi32>
      %masked_sort3A = arith.constant dense<true> : vector<16xi1>
      %masked_sort3A_2046 = arith.constant -2147483648 : i32
      %masked_sort3A_2047 = vector.broadcast %masked_sort3A_2046 : i32 to vector<16xi32>
      %masked_sort3A_2048 = arith.xori %select_n3A_2045, %masked_sort3A_2047 : vector<16xi32>
      %masked_sort3A_2049, %masked_sort3A_2050, %masked_sort3A_2051 = tpu.sort %masked_sort3A_2048, %select_n3A_2045 masked %masked_sort3A : (vector<16xi32>, vector<16xi32>, vector<16xi1>) -> (vector<16xi1>, vector<16xi32>, vector<16xi32>)
      %masked_sort3A_2052 = arith.xori %masked_sort3A_2050, %masked_sort3A_2047 : vector<16xi32>
      %shift_right_arithmetic3A = arith.constant 14 : i32
      %shift_right_arithmetic3A_2053 = vector.broadcast %shift_right_arithmetic3A : i32 to vector<16xi32>
      %shift_right_arithmetic3A_2054 = arith.shrsi %masked_sort3A_2052, %shift_right_arithmetic3A_2053 : vector<16xi32>
      %and3A_2055 = arith.constant 16383 : i32
      %and3A_2056 = vector.broadcast %and3A_2055 : i32 to vector<16xi32>
      %and3A_2057 = arith.andi %masked_sort3A_2052, %and3A_2056 : vector<16xi32>
      %ne3A_2058 = arith.cmpi ne, %masked_sort3A_2052, %broadcast_in_dim3A_5 : vector<16xi32>
      %broadcast_in_dim3A_2059 = vector.shape_cast %min3A_10 : vector<16xi32> to vector<16x1xi32>
      %gather3A = vector.shape_cast %broadcast_in_dim3A_2059 : vector<16x1xi32> to vector<16xi32>
      %gather3A_2060 = tpu.dynamic_gather %shift_right_arithmetic3A_2054[%gather3A] in [0] : vector<16xi32>, vector<16xi32> -> vector<16xi32>
      %ne3A_2061 = arith.cmpi ne, %shift_right_arithmetic3A_2054, %gather3A_2060 : vector<16xi32>
      %eq3A = arith.constant 15 : i32
      %eq3A_2062 = vector.broadcast %eq3A : i32 to vector<16xi32>
      %eq3A_2063 = arith.cmpi eq, %iota3A, %eq3A_2062 : vector<16xi32>
      %or3A = arith.ori %ne3A_2061, %eq3A_2063 : vector<16xi1>
      %sub3A_2064 = vector.broadcast %mul3A_2 : i32 to vector<16xi32>
      %sub3A_2065 = arith.subi %shift_right_arithmetic3A_2054, %sub3A_2064 : vector<16xi32>
      %and3A_2066 = arith.andi %ne3A_2058, %or3A : vector<16xi1>
      tpu.vector_store_idx %arg11[%sub3A_2065], %and3A_2057 masked %and3A_2066 : memref<2048xi32, #tpu.memory_space<vmem>>[vector<16xi32>], vector<16xi32>, vector<16xi1>
    }
    %scan3A_1971 = arith.constant 32 : i32
    %scan3A_1972 = arith.constant 0 : i32
    %scan3A_1973 = arith.constant 0 : i32
    %scan3A_1974 = arith.constant 128 : i32
    %scan3A_1975 = arith.addi %scan3A_1973, %scan3A_1974 : i32
    %scan3A_1976 = arith.constant 1 : i32
    %scan3A_1977 = scf.for %scan3A_2028 = %scan3A_1973 to %scan3A_1975 step %scan3A_1976 iter_args(%scan3A_2029 = %scan3A_1972) -> (i32)  : i32 {
      %mul3A_2030 = arith.constant 16 : i32
      %mul3A_2031 = arith.muli %scan3A_2028, %mul3A_2030 : i32
      %get3A = arith.index_cast %mul3A_2031 : i32 to index
      %get3A_2032 = tpu.vector_load %arg11[%get3A] {strides = array<i32>} : memref<2048xi32, #tpu.memory_space<vmem>>, vector<16xi32>,
      %ge3A_2033 = arith.constant 0 : i32
      %ge3A_2034 = vector.broadcast %ge3A_2033 : i32 to vector<16xi32>
      %ge3A_2035 = arith.cmpi sge, %get3A_2032, %ge3A_2034 : vector<16xi32>
      %gather3A = tpu.vector_load_idx %arg9[%get3A_2032] masked %ge3A_2035 : memref<16384xf32, #tpu.memory_space<vmem>>[vector<16xi32>], vector<16xf32>, vector<16xi1>
      %mul3A_2036 = arith.constant 16 : i32
      %mul3A_2037 = arith.muli %scan3A_2028, %mul3A_2036 : i32
      %get3A_2038 = arith.index_cast %mul3A_2037 : i32 to index
      %get3A_2039 = tpu.vector_load %arg10[%get3A_2038] {strides = array<i32>} : memref<2048xf32, #tpu.memory_space<vmem>>, vector<16xf32>,
      %lt3A = arith.cmpf olt, %gather3A, %get3A_2039 : vector<16xf32>
      %and3A_2040 = arith.andi %ge3A_2035, %lt3A : vector<16xi1>
      %convert_element_type3A_2041 = arith.extui %and3A_2040 : vector<16xi1> to vector<16xi32>
      %broadcast_in_dim3A_2042 = arith.constant true
      %broadcast_in_dim3A_2043 = vector.broadcast %broadcast_in_dim3A_2042 : i1 to vector<16xi1>
      %masked_cumsum3A = tpu.scan <sum>, %convert_element_type3A_2041 masked %broadcast_in_dim3A_2043 : vector<16xi32>, vector<16xi1> -> vector<16xi32>
      %add3A_2044 = vector.broadcast %scan3A_2029 : i32 to vector<16xi32>
      %add3A_2045 = arith.addi %add3A_2044, %masked_cumsum3A : vector<16xi32>
      %sub3A_2046 = arith.subi %add3A_2045, %convert_element_type3A_2041 : vector<16xi32>
      %mul3A_2047 = arith.constant 16 : i32
      %mul3A_2048 = arith.muli %scan3A_2028, %mul3A_2047 : i32
      %add3A_2049 = arith.addi %mul3A_2, %mul3A_2048 : i32
      %add3A_2050 = vector.broadcast %add3A_2049 : i32 to vector<16xi32>
      %add3A_2051 = arith.addi %add3A_2050, %iota3A : vector<16xi32>
      tpu.vector_store_idx %arg12[%sub3A_2046], %add3A_2051 masked %and3A_2040 : memref<2048xi32, #tpu.memory_space<vmem>>[vector<16xi32>], vector<16xi32>, vector<16xi1>
      tpu.vector_store_idx %arg13[%sub3A_2046], %get3A_2032 masked %and3A_2040 : memref<2048xi32, #tpu.memory_space<vmem>>[vector<16xi32>], vector<16xi32>, vector<16xi1>
      %reduce_sum3A = arith.constant true
      %reduce_sum3A_2052 = vector.broadcast %reduce_sum3A : i1 to vector<16xi1>
      %reduce_sum3A_2053 = tpu.scan <sum>, %convert_element_type3A_2041 masked %reduce_sum3A_2052 : vector<16xi32>, vector<16xi1> -> vector<16xi32>
      %reduce_sum3A_2054 = vector.extract %reduce_sum3A_2053[15] : i32 from vector<16xi32>
      %add3A_2055 = arith.addi %scan3A_2029, %reduce_sum3A_2054 : i32
      scf.yield %add3A_2055 : i32
    }
    %scan3A_1978 = arith.constant 128 : i32
    %dma_wait3A_1979 = arith.constant 1 : i32
    %dma_wait3A_1980 = arith.constant 0 : i32
    %dma_wait3A_1981 = arith.constant 0 : i32
    %dma_wait3A_1982 = tpu.memref_slice %arg15[%dma_wait3A_1979, %dma_wait3A_1980, %dma_wait3A_1981] : memref<2x64x512xf32, #tpu.memory_space<vmem>> -> memref<1x64x512xf32, #tpu.memory_space<vmem>>
    %dma_wait3A_1983 = tpu.memref_squeeze %dma_wait3A_1982 : memref<1x64x512xf32, #tpu.memory_space<vmem>> -> memref<64x512xf32, #tpu.memory_space<vmem>>
    %dma_wait3A_1984 = arith.constant 0 : i32
    %dma_wait3A_1985 = tpu.memref_slice %arg7[%add3A_1952, %dma_wait3A_1984] : memref<65536x512xf32, #tpu.memory_space<hbm>> -> memref<64x512xf32, #tpu.memory_space<hbm>>
    %dma_wait3A_1986 = arith.constant 0 : i32
    %dma_wait3A_1987 = tpu.memref_slice %arg7[%add3A_1952, %dma_wait3A_1986] : memref<65536x512xf32, #tpu.memory_space<hbm>> -> memref<64x512xf32, #tpu.memory_space<hbm>>
    %dma_wait3A_1988 = arith.constant 0 : i32
    %dma_wait3A_1989 = arith.constant 0 : i32
    %dma_wait3A_1990 = tpu.memref_slice %arg15[%dma_wait3A_1979, %dma_wait3A_1988, %dma_wait3A_1989] : memref<2x64x512xf32, #tpu.memory_space<vmem>> -> memref<1x64x512xf32, #tpu.memory_space<vmem>>
    %dma_wait3A_1991 = tpu.memref_squeeze %dma_wait3A_1990 : memref<1x64x512xf32, #tpu.memory_space<vmem>> -> memref<64x512xf32, #tpu.memory_space<vmem>>
    tpu.wait_dma2 semaphore(%arg16 : memref<!tpu.dma_semaphore, #tpu.memory_space<semaphore_mem>>) src(%dma_wait3A_1991 : memref<64x512xf32, #tpu.memory_space<vmem>>) dst(%dma_wait3A_1987 : memref<64x512xf32, #tpu.memory_space<hbm>>)
    %add3A_1992 = arith.constant 16 : i32
    %add3A_1993 = arith.addi %scan3A_1977, %add3A_1992 : i32
    %sub3A = arith.constant 1 : i32
    %sub3A_1994 = arith.subi %add3A_1993, %sub3A : i32
    %jit3A = arith.constant 16 : i32
    %div3A = arith.divsi %sub3A_1994, %jit3A : i32
    %sign3A = arith.constant 0 : i32
    %sign3A_1995 = arith.cmpi sgt, %sub3A_1994, %sign3A : i32
    %sign3A_1996 = arith.extui %sign3A_1995 : i1 to i32
    %sign3A_1997 = arith.constant 0 : i32
    %sign3A_1998 = arith.cmpi slt, %sub3A_1994, %sign3A_1997 : i32
    %sign3A_1999 = arith.extui %sign3A_1998 : i1 to i32
    %sign3A_2000 = arith.subi %sign3A_1996, %sign3A_1999 : i32
    %sign3A_2001 = arith.constant 0 : i32
    %sign3A_2002 = arith.cmpi sgt, %jit3A, %sign3A_2001 : i32
    %sign3A_2003 = arith.extui %sign3A_2002 : i1 to i32
    %sign3A_2004 = arith.constant 0 : i32
    %sign3A_2005 = arith.cmpi slt, %jit3A, %sign3A_2004 : i32
    %sign3A_2006 = arith.extui %sign3A_2005 : i1 to i32
    %sign3A_2007 = arith.subi %sign3A_2003, %sign3A_2006 : i32
    %ne3A = arith.cmpi ne, %sign3A_2000, %sign3A_2007 : i32
    %rem3A = arith.remsi %sub3A_1994, %jit3A : i32
    %ne3A_2008 = arith.constant 0 : i32
    %ne3A_2009 = arith.cmpi ne, %rem3A, %ne3A_2008 : i32
    %and3A = arith.andi %ne3A, %ne3A_2009 : i1
    %sub3A_2010 = arith.constant 1 : i32
    %sub3A_2011 = arith.subi %div3A, %sub3A_2010 : i32
    %select_n3A = arith.select %and3A, %sub3A_2011, %div3A : i32
    %while3A = arith.constant 0 : i32
    %while3A_2012 = arith.constant 0 : i32
    %while3A_2013 = arith.subi %select_n3A, %while3A_2012 : i32
    %while3A_2014 = arith.addi %while3A_2012, %while3A_2013 : i32
    %while3A_2015 = arith.constant 1 : i32
    %while3A_2016 = arith.divsi %while3A_2013, %while3A_2015 : i32
    %while3A_2017 = arith.muli %while3A_2016, %while3A_2015 : i32
    %while3A_2018 = arith.addi %while3A_2012, %while3A_2017 : i32
    %while3A_2019 = arith.constant 1 : i32
    scf.for %while3A_2028 = %while3A_2012 to %while3A_2018 step %while3A_2019  : i32 {
      %and3A_2029 = arith.constant 1 : i32
      %and3A_2030 = arith.andi %while3A_2028, %and3A_2029 : i32
      %mul3A_2031 = arith.constant 16 : i32
      %mul3A_2032 = arith.muli %while3A_2028, %mul3A_2031 : i32
      %add3A_2033 = vector.broadcast %mul3A_2032 : i32 to vector<16xi32>
      %add3A_2034 = arith.addi %add3A_2033, %iota3A : vector<16xi32>
      %lt3A = vector.broadcast %scan3A_1977 : i32 to vector<16xi32>
      %lt3A_2035 = arith.cmpi slt, %add3A_2034, %lt3A : vector<16xi32>
      %mul3A_2036 = arith.constant 16 : i32
      %mul3A_2037 = arith.muli %while3A_2028, %mul3A_2036 : i32
      %get3A = arith.index_cast %mul3A_2037 : i32 to index
      %get3A_2038 = tpu.vector_load %arg12[%get3A] {strides = array<i32>} : memref<2048xi32, #tpu.memory_space<vmem>>, vector<16xi32>,
      %mul3A_2039 = arith.constant 16 : i32
      %mul3A_2040 = arith.muli %while3A_2028, %mul3A_2039 : i32
      %get3A_2041 = arith.index_cast %mul3A_2040 : i32 to index
      %get3A_2042 = tpu.vector_load %arg13[%get3A_2041] {strides = array<i32>} : memref<2048xi32, #tpu.memory_space<vmem>>, vector<16xi32>,
      %broadcast_in_dim3A_2043 = vector.shape_cast %broadcast_in_dim3A_12 : vector<16xi32> to vector<16x1xi32>
      %gather3A = vector.shape_cast %broadcast_in_dim3A_2043 : vector<16x1xi32> to vector<16xi32>
      %gather3A_2044 = tpu.dynamic_gather %get3A_2038[%gather3A] in [0] : vector<16xi32>, vector<16xi32> -> vector<16xi32>
      %select_n3A_2045 = arith.select %lt3A_2035, %get3A_2038, %gather3A_2044 : vector<16xi1>, vector<16xi32>
      %broadcast_in_dim3A_2046 = vector.shape_cast %broadcast_in_dim3A_12 : vector<16xi32> to vector<16x1xi32>
      %gather3A_2047 = vector.shape_cast %broadcast_in_dim3A_2046 : vector<16x1xi32> to vector<16xi32>
      %gather3A_2048 = tpu.dynamic_gather %get3A_2042[%gather3A_2047] in [0] : vector<16xi32>, vector<16xi32> -> vector<16xi32>
      %select_n3A_2049 = arith.select %lt3A_2035, %get3A_2042, %gather3A_2048 : vector<16xi1>, vector<16xi32>
      %ge3A_2050 = arith.constant 2 : i32
      %ge3A_2051 = arith.cmpi sge, %while3A_2028, %ge3A_2050 : i32
      %convert_element_type3A_2052 = arith.extui %ge3A_2051 : i1 to i32
      %cond3A_2053 = arith.constant 0 : i32
      %cond3A_2054 = arith.cmpi ne, %convert_element_type3A_2052, %cond3A_2053 : i32
      scf.if %cond3A_2054 {
        %dma_wait3A_2076 = arith.constant 0 : i32
        %dma_wait3A_2077 = arith.constant 0 : i32
        %dma_wait3A_2078 = arith.constant 0 : i32
        %dma_wait3A_2079 = tpu.memref_slice %arg14[%dma_wait3A_2076, %dma_wait3A_2077, %dma_wait3A_2078] : memref<2x16x512xf32, #tpu.memory_space<vmem>> -> memref<1x16x512xf32, #tpu.memory_space<vmem>>
        %dma_wait3A_2080 = tpu.memref_squeeze %dma_wait3A_2079 : memref<1x16x512xf32, #tpu.memory_space<vmem>> -> memref<16x512xf32, #tpu.memory_space<vmem>>
        %dma_wait3A_2081 = arith.constant 0 : i32
        %dma_wait3A_2082 = arith.constant 0 : i32
        %dma_wait3A_2083 = tpu.memref_slice %arg6[%dma_wait3A_2081, %dma_wait3A_2082] : memref<16384x512xf32, #tpu.memory_space<hbm>> -> memref<16384x512xf32, #tpu.memory_space<hbm>>
        tpu.wait_indirect_dma semaphore(%arg16 : memref<!tpu.dma_semaphore, #tpu.memory_space<semaphore_mem>>) src(%dma_wait3A_2083 : memref<16384x512xf32, #tpu.memory_space<hbm>>) dst(%dma_wait3A_2080 : memref<16x512xf32, #tpu.memory_space<vmem>>)
      } else {
      }
      %dma_start3A_2055 = arith.constant 0 : i32
      %dma_start3A_2056 = arith.constant 0 : i32
      %dma_start3A_2057 = tpu.memref_slice %arg14[%and3A_2030, %dma_start3A_2055, %dma_start3A_2056] : memref<2x16x512xf32, #tpu.memory_space<vmem>> -> memref<1x16x512xf32, #tpu.memory_space<vmem>>
      %dma_start3A_2058 = tpu.memref_squeeze %dma_start3A_2057 : memref<1x16x512xf32, #tpu.memory_space<vmem>> -> memref<16x512xf32, #tpu.memory_space<vmem>>
      %dma_start3A_2059 = arith.constant 0 : i32
      %dma_start3A_2060 = arith.constant 0 : i32
      %dma_start3A_2061 = tpu.memref_slice %arg6[%dma_start3A_2059, %dma_start3A_2060] : memref<16384x512xf32, #tpu.memory_space<hbm>> -> memref<16384x512xf32, #tpu.memory_space<hbm>>
      tpu.enqueue_indirect_dma source(%dma_start3A_2061 : memref<16384x512xf32, #tpu.memory_space<hbm>>) target(%dma_start3A_2058 : memref<16x512xf32, #tpu.memory_space<vmem>>) offsets(%select_n3A_2049 : vector<16xi32>) semaphore(%arg17 : memref<!tpu.dma_semaphore, #tpu.memory_space<semaphore_mem>>)
      %dma_wait3A_2062 = arith.constant 0 : i32
      %dma_wait3A_2063 = arith.constant 0 : i32
      %dma_wait3A_2064 = tpu.memref_slice %arg14[%and3A_2030, %dma_wait3A_2062, %dma_wait3A_2063] : memref<2x16x512xf32, #tpu.memory_space<vmem>> -> memref<1x16x512xf32, #tpu.memory_space<vmem>>
      %dma_wait3A_2065 = tpu.memref_squeeze %dma_wait3A_2064 : memref<1x16x512xf32, #tpu.memory_space<vmem>> -> memref<16x512xf32, #tpu.memory_space<vmem>>
      %dma_wait3A_2066 = arith.constant 0 : i32
      %dma_wait3A_2067 = arith.constant 0 : i32
      %dma_wait3A_2068 = tpu.memref_slice %arg6[%dma_wait3A_2066, %dma_wait3A_2067] : memref<16384x512xf32, #tpu.memory_space<hbm>> -> memref<16384x512xf32, #tpu.memory_space<hbm>>
      tpu.wait_indirect_dma semaphore(%arg17 : memref<!tpu.dma_semaphore, #tpu.memory_space<semaphore_mem>>) src(%dma_wait3A_2068 : memref<16384x512xf32, #tpu.memory_space<hbm>>) dst(%dma_wait3A_2065 : memref<16x512xf32, #tpu.memory_space<vmem>>)
      %dma_start3A_2069 = arith.constant 0 : i32
      %dma_start3A_2070 = arith.constant 0 : i32
      %dma_start3A_2071 = tpu.memref_slice %arg14[%and3A_2030, %dma_start3A_2069, %dma_start3A_2070] : memref<2x16x512xf32, #tpu.memory_space<vmem>> -> memref<1x16x512xf32, #tpu.memory_space<vmem>>
      %dma_start3A_2072 = tpu.memref_squeeze %dma_start3A_2071 : memref<1x16x512xf32, #tpu.memory_space<vmem>> -> memref<16x512xf32, #tpu.memory_space<vmem>>
      %dma_start3A_2073 = arith.constant 0 : i32
      %dma_start3A_2074 = arith.constant 0 : i32
      %dma_start3A_2075 = tpu.memref_slice %arg7[%dma_start3A_2073, %dma_start3A_2074] : memref<65536x512xf32, #tpu.memory_space<hbm>> -> memref<65536x512xf32, #tpu.memory_space<hbm>>
      tpu.enqueue_indirect_dma source(%dma_start3A_2072 : memref<16x512xf32, #tpu.memory_space<vmem>>) target(%dma_start3A_2075 : memref<65536x512xf32, #tpu.memory_space<hbm>>) offsets(%select_n3A_2045 : vector<16xi32>) semaphore(%arg16 : memref<!tpu.dma_semaphore, #tpu.memory_space<semaphore_mem>>)
    }
    %while3A_2020 = arith.constant 1 : i32
    scf.for %while3A_2028 = %while3A_2018 to %while3A_2014 step %while3A_2020  : i32 {
      %and3A_2029 = arith.constant 1 : i32
      %and3A_2030 = arith.andi %while3A_2028, %and3A_2029 : i32
      %mul3A_2031 = arith.constant 16 : i32
      %mul3A_2032 = arith.muli %while3A_2028, %mul3A_2031 : i32
      %add3A_2033 = vector.broadcast %mul3A_2032 : i32 to vector<16xi32>
      %add3A_2034 = arith.addi %add3A_2033, %iota3A : vector<16xi32>
      %lt3A = vector.broadcast %scan3A_1977 : i32 to vector<16xi32>
      %lt3A_2035 = arith.cmpi slt, %add3A_2034, %lt3A : vector<16xi32>
      %mul3A_2036 = arith.constant 16 : i32
      %mul3A_2037 = arith.muli %while3A_2028, %mul3A_2036 : i32
      %get3A = arith.index_cast %mul3A_2037 : i32 to index
      %get3A_2038 = tpu.vector_load %arg12[%get3A] {strides = array<i32>} : memref<2048xi32, #tpu.memory_space<vmem>>, vector<16xi32>,
      %mul3A_2039 = arith.constant 16 : i32
      %mul3A_2040 = arith.muli %while3A_2028, %mul3A_2039 : i32
      %get3A_2041 = arith.index_cast %mul3A_2040 : i32 to index
      %get3A_2042 = tpu.vector_load %arg13[%get3A_2041] {strides = array<i32>} : memref<2048xi32, #tpu.memory_space<vmem>>, vector<16xi32>,
      %broadcast_in_dim3A_2043 = vector.shape_cast %broadcast_in_dim3A_12 : vector<16xi32> to vector<16x1xi32>
      %gather3A = vector.shape_cast %broadcast_in_dim3A_2043 : vector<16x1xi32> to vector<16xi32>
      %gather3A_2044 = tpu.dynamic_gather %get3A_2038[%gather3A] in [0] : vector<16xi32>, vector<16xi32> -> vector<16xi32>
      %select_n3A_2045 = arith.select %lt3A_2035, %get3A_2038, %gather3A_2044 : vector<16xi1>, vector<16xi32>
      %broadcast_in_dim3A_2046 = vector.shape_cast %broadcast_in_dim3A_12 : vector<16xi32> to vector<16x1xi32>
      %gather3A_2047 = vector.shape_cast %broadcast_in_dim3A_2046 : vector<16x1xi32> to vector<16xi32>
      %gather3A_2048 = tpu.dynamic_gather %get3A_2042[%gather3A_2047] in [0] : vector<16xi32>, vector<16xi32> -> vector<16xi32>
      %select_n3A_2049 = arith.select %lt3A_2035, %get3A_2042, %gather3A_2048 : vector<16xi1>, vector<16xi32>
      %ge3A_2050 = arith.constant 2 : i32
      %ge3A_2051 = arith.cmpi sge, %while3A_2028, %ge3A_2050 : i32
      %convert_element_type3A_2052 = arith.extui %ge3A_2051 : i1 to i32
      %cond3A_2053 = arith.constant 0 : i32
      %cond3A_2054 = arith.cmpi ne, %convert_element_type3A_2052, %cond3A_2053 : i32
      scf.if %cond3A_2054 {
        %dma_wait3A_2076 = arith.constant 0 : i32
        %dma_wait3A_2077 = arith.constant 0 : i32
        %dma_wait3A_2078 = arith.constant 0 : i32
        %dma_wait3A_2079 = tpu.memref_slice %arg14[%dma_wait3A_2076, %dma_wait3A_2077, %dma_wait3A_2078] : memref<2x16x512xf32, #tpu.memory_space<vmem>> -> memref<1x16x512xf32, #tpu.memory_space<vmem>>
        %dma_wait3A_2080 = tpu.memref_squeeze %dma_wait3A_2079 : memref<1x16x512xf32, #tpu.memory_space<vmem>> -> memref<16x512xf32, #tpu.memory_space<vmem>>
        %dma_wait3A_2081 = arith.constant 0 : i32
        %dma_wait3A_2082 = arith.constant 0 : i32
        %dma_wait3A_2083 = tpu.memref_slice %arg6[%dma_wait3A_2081, %dma_wait3A_2082] : memref<16384x512xf32, #tpu.memory_space<hbm>> -> memref<16384x512xf32, #tpu.memory_space<hbm>>
        tpu.wait_indirect_dma semaphore(%arg16 : memref<!tpu.dma_semaphore, #tpu.memory_space<semaphore_mem>>) src(%dma_wait3A_2083 : memref<16384x512xf32, #tpu.memory_space<hbm>>) dst(%dma_wait3A_2080 : memref<16x512xf32, #tpu.memory_space<vmem>>)
      } else {
      }
      %dma_start3A_2055 = arith.constant 0 : i32
      %dma_start3A_2056 = arith.constant 0 : i32
      %dma_start3A_2057 = tpu.memref_slice %arg14[%and3A_2030, %dma_start3A_2055, %dma_start3A_2056] : memref<2x16x512xf32, #tpu.memory_space<vmem>> -> memref<1x16x512xf32, #tpu.memory_space<vmem>>
      %dma_start3A_2058 = tpu.memref_squeeze %dma_start3A_2057 : memref<1x16x512xf32, #tpu.memory_space<vmem>> -> memref<16x512xf32, #tpu.memory_space<vmem>>
      %dma_start3A_2059 = arith.constant 0 : i32
      %dma_start3A_2060 = arith.constant 0 : i32
      %dma_start3A_2061 = tpu.memref_slice %arg6[%dma_start3A_2059, %dma_start3A_2060] : memref<16384x512xf32, #tpu.memory_space<hbm>> -> memref<16384x512xf32, #tpu.memory_space<hbm>>
      tpu.enqueue_indirect_dma source(%dma_start3A_2061 : memref<16384x512xf32, #tpu.memory_space<hbm>>) target(%dma_start3A_2058 : memref<16x512xf32, #tpu.memory_space<vmem>>) offsets(%select_n3A_2049 : vector<16xi32>) semaphore(%arg17 : memref<!tpu.dma_semaphore, #tpu.memory_space<semaphore_mem>>)
      %dma_wait3A_2062 = arith.constant 0 : i32
      %dma_wait3A_2063 = arith.constant 0 : i32
      %dma_wait3A_2064 = tpu.memref_slice %arg14[%and3A_2030, %dma_wait3A_2062, %dma_wait3A_2063] : memref<2x16x512xf32, #tpu.memory_space<vmem>> -> memref<1x16x512xf32, #tpu.memory_space<vmem>>
      %dma_wait3A_2065 = tpu.memref_squeeze %dma_wait3A_2064 : memref<1x16x512xf32, #tpu.memory_space<vmem>> -> memref<16x512xf32, #tpu.memory_space<vmem>>
      %dma_wait3A_2066 = arith.constant 0 : i32
      %dma_wait3A_2067 = arith.constant 0 : i32
      %dma_wait3A_2068 = tpu.memref_slice %arg6[%dma_wait3A_2066, %dma_wait3A_2067] : memref<16384x512xf32, #tpu.memory_space<hbm>> -> memref<16384x512xf32, #tpu.memory_space<hbm>>
      tpu.wait_indirect_dma semaphore(%arg17 : memref<!tpu.dma_semaphore, #tpu.memory_space<semaphore_mem>>) src(%dma_wait3A_2068 : memref<16384x512xf32, #tpu.memory_space<hbm>>) dst(%dma_wait3A_2065 : memref<16x512xf32, #tpu.memory_space<vmem>>)
      %dma_start3A_2069 = arith.constant 0 : i32
      %dma_start3A_2070 = arith.constant 0 : i32
      %dma_start3A_2071 = tpu.memref_slice %arg14[%and3A_2030, %dma_start3A_2069, %dma_start3A_2070] : memref<2x16x512xf32, #tpu.memory_space<vmem>> -> memref<1x16x512xf32, #tpu.memory_space<vmem>>
      %dma_start3A_2072 = tpu.memref_squeeze %dma_start3A_2071 : memref<1x16x512xf32, #tpu.memory_space<vmem>> -> memref<16x512xf32, #tpu.memory_space<vmem>>
      %dma_start3A_2073 = arith.constant 0 : i32
      %dma_start3A_2074 = arith.constant 0 : i32
      %dma_start3A_2075 = tpu.memref_slice %arg7[%dma_start3A_2073, %dma_start3A_2074] : memref<65536x512xf32, #tpu.memory_space<hbm>> -> memref<65536x512xf32, #tpu.memory_space<hbm>>
      tpu.enqueue_indirect_dma source(%dma_start3A_2072 : memref<16x512xf32, #tpu.memory_space<vmem>>) target(%dma_start3A_2075 : memref<65536x512xf32, #tpu.memory_space<hbm>>) offsets(%select_n3A_2045 : vector<16xi32>) semaphore(%arg16 : memref<!tpu.dma_semaphore, #tpu.memory_space<semaphore_mem>>)
    }
    %ge3A = arith.constant 1 : i32
    %ge3A_2021 = arith.cmpi sge, %select_n3A, %ge3A : i32
    %convert_element_type3A = arith.extui %ge3A_2021 : i1 to i32
    %cond3A = arith.constant 0 : i32
    %cond3A_2022 = arith.cmpi ne, %convert_element_type3A, %cond3A : i32
    scf.if %cond3A_2022 {
      %dma_wait3A_2028 = arith.constant 0 : i32
      %dma_wait3A_2029 = arith.constant 0 : i32
      %dma_wait3A_2030 = arith.constant 0 : i32
      %dma_wait3A_2031 = tpu.memref_slice %arg14[%dma_wait3A_2028, %dma_wait3A_2029, %dma_wait3A_2030] : memref<2x16x512xf32, #tpu.memory_space<vmem>> -> memref<1x16x512xf32, #tpu.memory_space<vmem>>
      %dma_wait3A_2032 = tpu.memref_squeeze %dma_wait3A_2031 : memref<1x16x512xf32, #tpu.memory_space<vmem>> -> memref<16x512xf32, #tpu.memory_space<vmem>>
      %dma_wait3A_2033 = arith.constant 0 : i32
      %dma_wait3A_2034 = arith.constant 0 : i32
      %dma_wait3A_2035 = tpu.memref_slice %arg6[%dma_wait3A_2033, %dma_wait3A_2034] : memref<16384x512xf32, #tpu.memory_space<hbm>> -> memref<16384x512xf32, #tpu.memory_space<hbm>>
      tpu.wait_indirect_dma semaphore(%arg16 : memref<!tpu.dma_semaphore, #tpu.memory_space<semaphore_mem>>) src(%dma_wait3A_2035 : memref<16384x512xf32, #tpu.memory_space<hbm>>) dst(%dma_wait3A_2032 : memref<16x512xf32, #tpu.memory_space<vmem>>)
    } else {
    }
    %ge3A_2023 = arith.constant 2 : i32
    %ge3A_2024 = arith.cmpi sge, %select_n3A, %ge3A_2023 : i32
    %convert_element_type3A_2025 = arith.extui %ge3A_2024 : i1 to i32
    %cond3A_2026 = arith.constant 0 : i32
    %cond3A_2027 = arith.cmpi ne, %convert_element_type3A_2025, %cond3A_2026 : i32
    scf.if %cond3A_2027 {
      %dma_wait3A_2028 = arith.constant 0 : i32
      %dma_wait3A_2029 = arith.constant 0 : i32
      %dma_wait3A_2030 = arith.constant 0 : i32
      %dma_wait3A_2031 = tpu.memref_slice %arg14[%dma_wait3A_2028, %dma_wait3A_2029, %dma_wait3A_2030] : memref<2x16x512xf32, #tpu.memory_space<vmem>> -> memref<1x16x512xf32, #tpu.memory_space<vmem>>
      %dma_wait3A_2032 = tpu.memref_squeeze %dma_wait3A_2031 : memref<1x16x512xf32, #tpu.memory_space<vmem>> -> memref<16x512xf32, #tpu.memory_space<vmem>>
      %dma_wait3A_2033 = arith.constant 0 : i32
      %dma_wait3A_2034 = arith.constant 0 : i32
      %dma_wait3A_2035 = tpu.memref_slice %arg6[%dma_wait3A_2033, %dma_wait3A_2034] : memref<16384x512xf32, #tpu.memory_space<hbm>> -> memref<16384x512xf32, #tpu.memory_space<hbm>>
      tpu.wait_indirect_dma semaphore(%arg16 : memref<!tpu.dma_semaphore, #tpu.memory_space<semaphore_mem>>) src(%dma_wait3A_2035 : memref<16384x512xf32, #tpu.memory_space<hbm>>) dst(%dma_wait3A_2032 : memref<16x512xf32, #tpu.memory_space<vmem>>)
    } else {
    }
    return
  }
}

module attributes {stable_mosaic.version = 14 : i64} {
  func.func @_stats_body(%arg0: i32, %arg1: memref<1000x256xf32, #tpu.memory_space<vmem>>, %arg2: memref<256x512xf32, #tpu.memory_space<vmem>>, %arg3: memref<1x1x256xf32, #tpu.memory_space<vmem>>, %arg4: memref<256x512xf32, #tpu.memory_space<vmem>>) attributes {dimension_semantics = [#tpu.dimension_semantics<arbitrary>], iteration_bounds = array<i64: 64>, scalar_prefetch = 0 : i64, scratch_operands = 0 : i64, tpu.core_type = #tpu.core_type<tc>, window_params = [{transform_indices = @transform_0, window_bounds = array<i64: 1000, 256>}, {transform_indices = @transform_1, window_bounds = array<i64: 256, 512>}, {transform_indices = @transform_2, window_bounds = array<i64: 1, 1, 256>}, {transform_indices = @transform_3, window_bounds = array<i64: 256, 512>}]} {
    %get3A = arith.constant 0 : index
    %get3A_0 = arith.constant 0 : index
    %get3A_1 = vector.load %arg1[%get3A, %get3A_0] : memref<1000x256xf32, #tpu.memory_space<vmem>>, vector<1000x256xf32>
    %mul3A = arith.constant 5.500000e+00 : f32
    %mul3A_2 = vector.broadcast %mul3A : f32 to vector<1000x256xf32>
    %mul3A_3 = arith.mulf %get3A_1, %mul3A_2 : vector<1000x256xf32>
    %reduce_max3A = arith.constant dense<0xFF800000> : vector<256xf32>
    %reduce_max3A_4 = vector.multi_reduction <maximumf>, %mul3A_3, %reduce_max3A [0] : vector<1000x256xf32> to vector<256xf32>
    %broadcast_in_dim3A = vector.shape_cast %reduce_max3A_4 : vector<256xf32> to vector<1x256xf32>
    %sub3A = vector.broadcast %broadcast_in_dim3A : vector<1x256xf32> to vector<1000x256xf32>
    %sub3A_5 = arith.subf %mul3A_3, %sub3A : vector<1000x256xf32>
    %exp3A = math.exp %sub3A_5 : vector<1000x256xf32>
    %reduce_sum3A = arith.constant dense<0.000000e+00> : vector<256xf32>
    %reduce_sum3A_6 = vector.multi_reduction <add>, %exp3A, %reduce_sum3A [0] : vector<1000x256xf32> to vector<256xf32>
    %broadcast_in_dim3A_7 = vector.shape_cast %reduce_sum3A_6 : vector<256xf32> to vector<1x256xf32>
    %mul3A_8 = arith.mulf %exp3A, %sub3A_5 : vector<1000x256xf32>
    %reduce_sum3A_9 = arith.constant dense<0.000000e+00> : vector<256xf32>
    %reduce_sum3A_10 = vector.multi_reduction <add>, %mul3A_8, %reduce_sum3A_9 [0] : vector<1000x256xf32> to vector<256xf32>
    %broadcast_in_dim3A_11 = vector.shape_cast %reduce_sum3A_10 : vector<256xf32> to vector<1x256xf32>
    %log3A = math.log %broadcast_in_dim3A_7 : vector<1x256xf32>
    %div3A = arith.divf %broadcast_in_dim3A_11, %broadcast_in_dim3A_7 : vector<1x256xf32>
    %sub3A_12 = arith.subf %log3A, %div3A : vector<1x256xf32>
    %squeeze3A = vector.shape_cast %sub3A_12 : vector<1x256xf32> to vector<256xf32>
    %swap3A = arith.constant 0 : index
    %swap3A_13 = arith.constant 0 : index
    %swap3A_14 = arith.constant 0 : index
    %swap3A_15 = vector.load %arg3[%swap3A, %swap3A_13, %swap3A_14] : memref<1x1x256xf32, #tpu.memory_space<vmem>>, vector<1x1x256xf32>
    %swap3A_16 = vector.shape_cast %swap3A_15 : vector<1x1x256xf32> to vector<256xf32>
    %swap3A_17 = vector.shape_cast %squeeze3A : vector<256xf32> to vector<1x1x256xf32>
    tpu.vector_store %arg3[%swap3A, %swap3A_13, %swap3A_14], %swap3A_17 {strides = array<i32>} : memref<1x1x256xf32, #tpu.memory_space<vmem>>, vector<1x1x256xf32>,
    %get3A_18 = arith.constant 0 : index
    %get3A_19 = arith.constant 0 : index
    %get3A_20 = vector.load %arg2[%get3A_18, %get3A_19] : memref<256x512xf32, #tpu.memory_space<vmem>>, vector<256x512xf32>
    %mul3A_21 = arith.mulf %get3A_20, %get3A_20 : vector<256x512xf32>
    %reduce_sum3A_22 = arith.constant dense<0.000000e+00> : vector<256xf32>
    %reduce_sum3A_23 = vector.multi_reduction <add>, %mul3A_21, %reduce_sum3A_22 [1] : vector<256x512xf32> to vector<256xf32>
    %broadcast_in_dim3A_24 = vector.shape_cast %reduce_sum3A_23 : vector<256xf32> to vector<256x1xf32>
    %sqrt3A = math.sqrt %broadcast_in_dim3A_24 : vector<256x1xf32>
    %div3A_25 = vector.broadcast %sqrt3A : vector<256x1xf32> to vector<256x512xf32>
    %div3A_26 = arith.divf %get3A_20, %div3A_25 : vector<256x512xf32>
    %swap3A_27 = arith.constant 0 : index
    %swap3A_28 = arith.constant 0 : index
    %swap3A_29 = vector.load %arg4[%swap3A_27, %swap3A_28] : memref<256x512xf32, #tpu.memory_space<vmem>>, vector<256x512xf32>
    tpu.vector_store %arg4[%swap3A_27, %swap3A_28], %div3A_26 {strides = array<i32>} : memref<256x512xf32, #tpu.memory_space<vmem>>, vector<256x512xf32>,
    return
  }
  func.func @transform_0(%arg0: i32) -> (i32, i32) {
    %c0_i32 = arith.constant 0 : i32
    %c0_i32_0 = arith.constant 0 : i32
    return %c0_i32, %arg0 : i32, i32
  }
  func.func @transform_1(%arg0: i32) -> (i32, i32) {
    %c0_i32 = arith.constant 0 : i32
    %c0_i32_0 = arith.constant 0 : i32
    return %arg0, %c0_i32 : i32, i32
  }
  func.func @transform_2(%arg0: i32) -> (i32, i32, i32) {
    %c0_i32 = arith.constant 0 : i32
    %c0_i32_0 = arith.constant 0 : i32
    %c0_i32_1 = arith.constant 0 : i32
    return %arg0, %c0_i32, %c0_i32_0 : i32, i32, i32
  }
  func.func @transform_3(%arg0: i32) -> (i32, i32) {
    %c0_i32 = arith.constant 0 : i32
    %c0_i32_0 = arith.constant 0 : i32
    return %arg0, %c0_i32 : i32, i32
  }
}

</mosaic_0001>

<sc_bundles>
// kernel: kernel.4.cloned.1.call-start
scs
__scs_entry_jumppad:
0x0: {  	(pc) =	sbr.rel $0x88, $3  }
0x1: {  	(tag) =	ssettag $0x0;
	lr =	simm.s32 $0x1  }
0x2: {  	[smem:$0x3F9C] =	sst lr;
	_ =	strace $0xD0000000  }
0x3: {  	_ = 	snop  }
0x4: {  	_ = 	snop  }
0x5: {  	_ = 	snop  }
0x6: {  	_ = 	snop  }
0x7: {  	_ = 	snop  }
__scs_overlays_trampoline_lowered:
0x8: {  	[smem:$0x3FAB] =	sst s0  }
0x9: {  	[smem:$0x3FAC] =	sst s1  }
0xa: {  	[smem:$0x3FAD] =	sst s2  }
0xb: {  	[smem:$0x3FAE] =	sst s3  }
0xc: {  	[smem:$0x3FAF] =	sst s4  }
0xd: {  	[smem:$0x3FB0] =	sst s5  }
0xe: {  	[smem:$0x3FB1] =	sst s6  }
0xf: {  	[smem:$0x3FB2] =	sst s7  }
0x10: {  	[smem:$0x3FB3] =	sst s8  }
0x11: {  	[smem:$0x3FB4] =	sst s9;
	s0 =	simm.s32 @!p0 $0x0  }
0x12: {  	s1 =	sld [smem:$0x3F9A];
	s0 =	simm.s32 @p0 $0x1  }
0x13: {  	[smem:$0x3FB5] =	sst s0;
	s0 =	simm.s32 @!p1 $0x0  }
0x14: {  	s2 =	sld [smem:$0x3F99];
	s0 =	simm.s32 @p1 $0x1  }
0x15: {  	[smem:$0x3FB6] =	sst s0;
	s0 =	simm.s32 @!p2 $0x0  }
0x16: {  	s3 =	sld [smem:$0x3FDB];
	s0 =	simm.s32 @p2 $0x1  }
0x17: {  	s4 =	simm.s32 $0x1BF5;
	[smem:$0x3FB8] =	sst s0  }
0x18: {  	s0 =	sld [smem:$0x3F9B];
	_ =	swait.ge [sflag:s4], $0x0  }
0x19: {  	s7 =	sld [smem:$0x3F9C]  }
0x1a: {  	s8 =	sadd.s32 $0xFFFFE003, lr  }
0x1b: {  	s9 =	sadd.s32 $0xFFFFFEF7, lr;
	s5 =	simm.s32 $0xFFFFFFFF;
	p2 =	slt.u32 s8, $0xFFFFF086  }
0x1c: {  	p1 =	slt.u32 s9, $0xF7A;
	s5 =	simm.s32 @!p2 $0x0  }
0x1d: {  	s5 =	simm.s32 @p1 $0x1;
	p0 =	seq.s32 s7, s2  }
0x1e: {  	s7 =	smul.u32 @!p0 $0xF7A, s2;
	p2 =	seq.s32 @!p0 s5, $0x0  }
0x1f: {  	s9 =	smul.u32 $0xF7A, s1;
	s8 =	simm.s32 @!p0 $0x1BF5;
	p2 =	por !p2, p0  }
0x20: {  	[sflag:s8] =	ssyncset.s32 @!p0 $0xFFFFF086;
	s6 =	sadd.s32 @!p0 s3, s7;
	s7 =	simm.s32 @!p0 $0x108  }
0x21: {  	s3 =	sadd.s32 s3, s9;
	s6 =	sadd.s32 @!p0 $0x88, s6;
	s7 =	simm.s32 @p2 $0x1082  }
0x22: {  	[simem:s7], [sflag:s8] =	dma.local @!p0 [hbm:s6], $0xF7A  }
0x23: {  	s9 =	sor.u32 $0xD0000000, s2;
	s6 =	simm.s32 $0x108;
	_ =	swait.ge @!p0 [sflag:s8], $0x0  }
0x24: {  	s3 =	sadd.s32 $0x88, s3;
	s6 =	simm.s32 @!p1 $0x1082;
	[sflag:s4] =	ssyncset.s32 $0xFFFFF086  }
0x25: {  	[simem:s6], [sflag:s4] =	dma.local [hbm:s3], $0xF7A  }
0x26: {  	[smem:$0x3F9C] =	sst s1;
	(tag) =	ssettag s2;
	_ =	strace s9  }
0x27: {  	s1 =	sld [smem:$0x3FAC]  }
0x28: {  	s2 =	sld [smem:$0x3FAD]  }
0x29: {  	s4 =	sld [smem:$0x3FAF]  }
0x2a: {  	p0 =	seq.s32 s5, $0x0;
	s5 =	sld [smem:$0x3FB0]  }
0x2b: {  	s6 =	sld [smem:$0x3FB1]  }
0x2c: {  	s7 =	sld [smem:$0x3FB2]  }
0x2d: {  	s3 =	simm.s32 $0x108;
	s8 =	sld [smem:$0x3FB3]  }
0x2e: {  	s3 =	simm.s32 @!p0 $0x1082;
	s9 =	sld [smem:$0x3FB4]  }
0x2f: {  	lr =	sadd.s32 s0, s3;
	s0 =	sld [smem:$0x3FAB]  }
0x30: {  	s3 =	sld [smem:$0x3FAE]  }
0x31: {  	[smem:$0x3FB7] =	sst s10  }
0x32: {  	s10 =	sld [smem:$0x3FB5];
	_ =	sdelay $0x3  }
0x33: {  	p0 =	seq.s32 s10, $0x1;
	s10 =	sld [smem:$0x3FB7];
	_ =	sdelay $0x3  }
0x34: {  	[smem:$0x3FB7] =	sst s10  }
0x35: {  	s10 =	sld [smem:$0x3FB6];
	_ =	sdelay $0x3  }
0x36: {  	p1 =	seq.s32 s10, $0x1;
	s10 =	sld [smem:$0x3FB7];
	_ =	sdelay $0x3  }
0x37: {  	[smem:$0x3FB7] =	sst s10  }
0x38: {  	s10 =	sld [smem:$0x3FB8]  }
0x39: {  	_ = 	snop;
	(pc) =	sbr.ind lr, $3  }
0x3a: {  	_ = 	snop  }
0x3b: {  	_ = 	snop  }
0x3c: {  	p2 =	seq.s32 s10, $0x1;
	s10 =	sld [smem:$0x3FB7]  }
0x3d: {  	_ =	shalt  }
0x3e: {  	_ =	shalt  }
0x3f: {  	_ =	shalt  }
0x40: {  	_ =	shalt  }
0x41: {  	_ =	shalt  }
0x42: {  	_ =	shalt  }
0x43: {  	_ =	shalt  }
0x44: {  	_ =	shalt  }
0x45: {  	_ =	shalt  }
0x46: {  	_ =	shalt  }
0x47: {  	_ =	shalt  }
0x48: {  	_ =	shalt  }
0x49: {  	_ =	shalt  }
0x4a: {  	_ =	shalt  }
0x4b: {  	_ =	shalt  }
0x4c: {  	_ =	shalt  }
0x4d: {  	_ =	shalt  }
0x4e: {  	_ =	shalt  }
0x4f: {  	_ =	shalt  }
0x50: {  	_ =	shalt  }
0x51: {  	_ =	shalt  }
0x52: {  	_ =	shalt  }
0x53: {  	_ =	shalt  }
0x54: {  	_ =	shalt  }
0x55: {  	_ =	shalt  }
0x56: {  	_ =	shalt  }
0x57: {  	_ =	shalt  }
0x58: {  	_ =	shalt  }
0x59: {  	_ =	shalt  }
0x5a: {  	_ =	shalt  }
0x5b: {  	_ =	shalt  }
0x5c: {  	_ =	shalt  }
0x5d: {  	_ =	shalt  }
0x5e: {  	_ =	shalt  }
0x5f: {  	_ =	shalt  }
0x60: {  	_ =	shalt  }
0x61: {  	_ =	shalt  }
0x62: {  	_ =	shalt  }
0x63: {  	_ =	shalt  }
0x64: {  	_ =	shalt  }
0x65: {  	_ =	shalt  }
0x66: {  	_ =	shalt  }
0x67: {  	_ =	shalt  }
0x68: {  	_ =	shalt  }
0x69: {  	_ =	shalt  }
0x6a: {  	_ =	shalt  }
0x6b: {  	_ =	shalt  }
0x6c: {  	_ =	shalt  }
0x6d: {  	_ =	shalt  }
0x6e: {  	_ =	shalt  }
0x6f: {  	_ =	shalt  }
0x70: {  	_ =	shalt  }
0x71: {  	_ =	shalt  }
0x72: {  	_ =	shalt  }
0x73: {  	_ =	shalt  }
0x74: {  	_ =	shalt  }
0x75: {  	_ =	shalt  }
0x76: {  	_ =	shalt  }
0x77: {  	_ =	shalt  }
0x78: {  	_ =	shalt  }
0x79: {  	_ =	shalt  }
0x7a: {  	_ =	shalt  }
0x7b: {  	_ =	shalt  }
0x7c: {  	_ =	shalt  }
0x7d: {  	_ =	shalt  }
0x7e: {  	_ =	shalt  }
0x7f: {  	_ =	shalt  }
0x80: {  	_ =	shalt  }
0x81: {  	_ =	shalt  }
0x82: {  	_ =	shalt  }
0x83: {  	_ =	shalt  }
0x84: {  	_ =	shalt  }
0x85: {  	_ =	shalt  }
0x86: {  	_ =	shalt  }
0x87: {  	_ =	shalt  }
.Lfunc_end0:
.L_simem_size_0:
called_computation_lowered:
.L_overlay_start_0:
0x88: {  	s2 =	sld [smem:$0x3FD9]  }
0x89: {  	s3 =	sld [smem:$0x3FFE];
	_ =	sdelay $0x1  }
0x8a: {  	s1 =	srdreg.scid  }
0x8b: {  	s0 =	sand.u32 $0x1, s1  }
0x8c: {  	s17 =	sshll.u32 s0, $0xA;
	s2 =	sadd.s32 s3, s2  }
0x8d: {  	s2 =	sadd.s32 s2, s17  }
0x8e: {  	[smem:$0x3FC3] =	sst s2  }
0x8f: {  	_ = 	snop  }
0x90: {  	s2 =	sld [smem:$0x3FC9]  }
0x91: {  	s18 =	sld [smem:$0x3FC8]  }
0x92: {  	s4 =	sld [smem:$0x3FC5]  }
0x93: {  	s5 =	sld [smem:$0x3FD0];
	(tm) =	ssettm $0x1  }
0x94: {  	s6 =	sld [smem:$0x3FFB];
	_ =	sdelay $0x3  }
0x95: {  	_ =	strace s6  }
0x96: {  	s6 =	sld [smem:$0x3FFC];
	_ =	sdelay $0x3  }
0x97: {  	_ =	strace s6  }
0x98: {  	s6 =	sld [smem:$0x3FFD];
	_ =	sdelay $0x3  }
0x99: {  	_ =	strace s6  }
0x9a: {  	_ =	strace $0x8FFFFFFF  }
0x9b: {  	s19 =	sld [smem:$0x3FDB];
	_ =	sdelay $0x1  }
0x9c: {  	s7 =	simm.s32 $_scs_section_size  }
0x9d: {  	s8 =	simm.s32 $_size__tile_overlayer_lowered;
	s9 =	simm.s32 $_tile_overlayer_lowered  }
0x9e: {  	s22 =	simm.s32 $0x1BFF;
	s21 =	sshll.u32 s9, $0x1;
	s6 =	sadd.s32 s7, s19  }
0x9f: {  	s10 =	simm.s32 $0x0;
	s20 =	sshll.u32 s8, $0x1;
	s8 =	sadd.s32 s21, s6  }
0xa0: {  	[timem:s10], [sflag:s22] =	dma.local [hbm:s8], s20  }
0xa1: {  	_ =	swait.ge [sflag:s22], s20  }
0xa2: {  	s7 =	ssub.s32 $0x0, s20;
	[sflag:s22] =	ssyncset.done $0x0  }
0xa3: {  	[sflag:s22] =	ssyncadd.s32 s7;
	_ =	sdelay $0x1  }
0xa4: {  	s23 =	simm.s32 $0x1B8B  }
0xa5: {  	_ =	swait.ge [sflag:s23], $0x1  }
0xa6: {  	[sflag:s23] =	ssyncset.done $0x0  }
0xa7: {  	s25 =	simm.s32 $0x1B8E;
	s24 =	sld [smem:$0x3FFE];
	[sflag:s23] =	ssyncadd.s32 $0xFFFFFFFF  }
0xa8: {  	s26 =	simm.s32 $execute0_lowered;
	[smem:$0x3FD2] =	sst s25  }
0xa9: {  	s8 =	sshll.u32 s26, $0x1;
	_ =	strace $0x80000046;
	[dreg:$0x1] =	wrdreg $0xFFFFFFFF  }
0xaa: {  	s28 =	simm.s32 $_size_execute0_lowered;
	s6 =	sadd.s32 s6, s8;
	[dreg:$0x0] =	wrdreg $0x0  }
0xab: {  	s8 =	sshll.u32 s28, $0x1;
	[dreg:$0x2] =	wrdreg s6  }
0xac: {  	[dreg:$0x3] =	wrdreg s8  }
0xad: {  	[dreg:$0x4] =	wrdreg $0xC0  }
0xae: {  	_ =	task [dreg:s10], $0x5FFFF  }
0xaf: {  	[dreg:$0x1] =	wrdreg $0xFFFFFFFF  }
0xb0: {  	[dreg:$0x0] =	wrdreg $0x60  }
0xb1: {  	[dreg:$0x2] =	wrdreg s2  }
0xb2: {  	[dreg:$0x3] =	wrdreg s18  }
0xb3: {  	[dreg:$0x4] =	wrdreg s4  }
0xb4: {  	[dreg:$0x5] =	wrdreg s24  }
0xb5: {  	[dreg:$0x6] =	wrdreg s5  }
0xb6: {  	[dreg:$0x7] =	wrdreg $0x9  }
0xb7: {  	_ =	task.clear_ibuf [dreg:s10], $0x8FFFF;
	_ =	strace $0x90000046  }
0xb8: {  	s29 =	simm.s32 $0x9;
	_ =	strace $0x80000048  }
0xb9: {  	_ =	swait.ge [sflag:s29], $0x1  }
0xba: {  	[sflag:s29] =	ssyncadd.s32 $0xFFFFFFFF  }
0xbb: {  	_ =	strace $0x90000048  }
0xbc: {  	_ =	sfence  }
0xbd: {  	s30 =	sld [smem:$0x0];
	_ =	sdelay $0x2  }
0xbe: {  	s31 =	sshll.u32 s1, $0xD;
	s1 =	sshrl.u32 s1, $0x2  }
0xbf: {  	s3 =	sand.u32 $0x4000, s31;
	s1 =	sadd.s32 s1, s30  }
0xc0: {  	s0 =	sor.u32 s3, s0;
	s1 =	sshll.u32 s1, $0x11  }
0xc1: {  	s0 =	sor.u32 s1, s0  }
0xc2: {  	s0 =	sadd.s32 $0x8F2B, s0  }
0xc3: {  	[sflag:s0] =	ssyncadd.remote.s32 $0x1  }
0xc4: {  	_ =	sfence.sel $0xFFFF  }
0xc5: {  	[dreg:$0x0] =	wrdreg $0xFFFFFFFF;
	(pc) =	sbr.abs _section_cstart, $3  }
0xc6: {  	[dreg:$0x1] =	wrdreg $0xFFFFFFFF  }
0xc7: {  	_ =	task.clear_ibuf [dreg:s10], $0x2FFFF;
	_ =	strace $0x9FFFFFFF  }
0xc8: {  	(tm) =	ssettm $0x7FFFFFFF  }
0xc9: {  	_ =	shalt  }
tec
execute0_lowered:
.L_overlay_start_1:
0x0: {  	(tag) =	ssettag $0x1  }
0x1: {  	s13 =	rddreg [dreg:$0x0]  }
0x2: {  	s1 =	rddreg [dreg:$0x1]  }
0x3: {  	s17 =	rddreg [dreg:$0x3];
	s0 =	srdreg.scid  }
0x4: {  	s4 =	simm.s32 $0x0;
	s2 =	stileid.u32;
	s0 =	sand.u32 $0x1, s0  }
0x5: {  	[smem:$0x7FF] =	sst s4;
	s2 =	sshll.u32 s2, $0xC;
	s5 =	sshll.u32 s0, $0xB  }
0x6: {  	s3 =	rddreg [dreg:$0x4];
	_ =	strace $0x80000047;
	s5 =	sor.u32 s5, s2  }
0x7: {  	s6 =	ssub.s32 $0x2, s0;
	s7 =	sshrl.u32 s5, $0x3;
	s0 =	sshll.u32 s5, $0x6  }
0x8: {  	s21 =	sshrl.u32 s6, $0x1;
	s1 =	sadd.s32 s1, s7;
	s22 =	sor.u32 $0x1000, s0  }
0x9: {  	s18 =	ssub.s32 s6, s21;
	[dreg:$0x6] =	wrdreg s1;
	s23 =	sadd.s32 s13, s22  }
0xa: {  	s24 =	sor.u32 $0x2000, s0;
	s1 =	sadd.s32 s3, s22;
	[dreg:$0x7] =	wrdreg s23  }
0xb: {  	s26 =	sor.u32 $0x3000, s0;
	s25 =	sadd.s32 s13, s24;
	[dreg:$0x8] =	wrdreg s1  }
0xc: {  	s6 =	sor.u32 $0x4000, s0;
	s31 =	sadd.s32 s13, s26;
	[dreg:$0x9] =	wrdreg s25  }
0xd: {  	s8 =	sor.u32 $0x5000, s0;
	s7 =	sadd.s32 s13, s6;
	[dreg:$0xb] =	wrdreg s31  }
0xe: {  	s10 =	sor.u32 $0x6000, s0;
	s9 =	sadd.s32 s13, s8;
	[dreg:$0xd] =	wrdreg s7  }
0xf: {  	s12 =	sor.u32 $0x7000, s0;
	s11 =	sadd.s32 s13, s10;
	[dreg:$0xf] =	wrdreg s9  }
0x10: {  	s15 =	sor.u32 $0x8000, s0;
	s14 =	sadd.s32 s13, s12;
	[dreg:$0x11] =	wrdreg s11  }
0x11: {  	s19 =	sor.u32 $0x9000, s0;
	s16 =	sadd.s32 s13, s15;
	[dreg:$0x13] =	wrdreg s14  }
0x12: {  	s21 =	sor.u32 $0xA000, s0;
	s20 =	sadd.s32 s13, s19;
	[dreg:$0x15] =	wrdreg s16  }
0x13: {  	s22 =	sadd.s32 s13, s21;
	[dreg:$0x17] =	wrdreg s20  }
0x14: {  	s1 =	sadd.s32 s3, s24;
	[dreg:$0x19] =	wrdreg s22  }
0x15: {  	s23 =	sor.u32 $0xB000, s0;
	[dreg:$0xa] =	wrdreg s1;
	s1 =	sadd.s32 s3, s26  }
0x16: {  	s25 =	sor.u32 $0xC000, s0;
	s24 =	sadd.s32 s13, s23;
	[dreg:$0xc] =	wrdreg s1  }
0x17: {  	s26 =	sadd.s32 s13, s25;
	[dreg:$0x1b] =	wrdreg s24  }
0x18: {  	s31 =	sor.u32 $0xD000, s0;
	s1 =	sadd.s32 s3, s6;
	[dreg:$0x1d] =	wrdreg s26  }
0x19: {  	s6 =	sadd.s32 s13, s31;
	[dreg:$0xe] =	wrdreg s1  }
0x1a: {  	s7 =	sor.u32 $0xE000, s0;
	s1 =	sadd.s32 s3, s8;
	[dreg:$0x1f] =	wrdreg s6  }
0x1b: {  	s8 =	sadd.s32 s13, s7;
	[dreg:$0x10] =	wrdreg s1  }
0x1c: {  	s9 =	sor.u32 $0xF000, s0;
	s1 =	sadd.s32 s3, s10;
	[smem:$0x7DA] =	sst s8  }
0x1d: {  	s10 =	sadd.s32 s13, s9;
	[dreg:$0x12] =	wrdreg s1  }
0x1e: {  	s11 =	sor.u32 $0x10000, s0;
	s1 =	sadd.s32 s3, s12;
	[smem:$0x7DC] =	sst s10  }
0x1f: {  	s12 =	sadd.s32 s13, s11;
	[dreg:$0x14] =	wrdreg s1  }
0x20: {  	s14 =	sor.u32 $0x11000, s0;
	s1 =	sadd.s32 s3, s15;
	[smem:$0x7DE] =	sst s12  }
0x21: {  	s15 =	sadd.s32 s13, s14;
	[dreg:$0x16] =	wrdreg s1  }
0x22: {  	s16 =	sor.u32 $0x12000, s0;
	s1 =	sadd.s32 s3, s19;
	[smem:$0x7E0] =	sst s15  }
0x23: {  	s19 =	sadd.s32 s13, s16;
	[dreg:$0x18] =	wrdreg s1  }
0x24: {  	s20 =	sor.u32 $0x13000, s0;
	s1 =	sadd.s32 s3, s21;
	[smem:$0x7E2] =	sst s19  }
0x25: {  	s21 =	sadd.s32 s13, s20;
	[dreg:$0x1a] =	wrdreg s1  }
0x26: {  	s22 =	sor.u32 $0x14000, s0;
	s1 =	sadd.s32 s3, s23;
	[smem:$0x7E4] =	sst s21  }
0x27: {  	s23 =	sadd.s32 s13, s22;
	[dreg:$0x1c] =	wrdreg s1  }
0x28: {  	s24 =	sor.u32 $0x15000, s0;
	s1 =	sadd.s32 s3, s25;
	[smem:$0x7E6] =	sst s23  }
0x29: {  	s25 =	sadd.s32 s13, s24;
	[dreg:$0x1e] =	wrdreg s1  }
0x2a: {  	s23 =	sadd.s32 s13, s0;
	[smem:$0x7E8] =	sst s25  }
0x2b: {  	s26 =	sor.u32 $0x16000, s0;
	s1 =	sadd.s32 s3, s31;
	[smem:$0x7FA] =	sst s23  }
0x2c: {  	s31 =	sadd.s32 s13, s26;
	[smem:$0x7D9] =	sst s1  }
0x2d: {  	s6 =	sor.u32 $0x17000, s0;
	s1 =	sadd.s32 s3, s7;
	[smem:$0x7EA] =	sst s31  }
0x2e: {  	s28 =	simm.s32 $0x9000;
	s7 =	sadd.s32 s13, s6;
	[smem:$0x7DB] =	sst s1  }
0x2f: {  	s8 =	sor.u32 $0x18000, s0;
	s1 =	sadd.s32 s3, s9;
	[smem:$0x7EC] =	sst s7  }
0x30: {  	s29 =	simm.s32 $0x9800;
	s9 =	sadd.s32 s13, s8;
	[smem:$0x7DD] =	sst s1  }
0x31: {  	s10 =	sor.u32 $0x19000, s0;
	s1 =	sadd.s32 s3, s11;
	[smem:$0x7EE] =	sst s9  }
0x32: {  	s30 =	simm.s32 $0x0;
	s11 =	sadd.s32 s13, s10;
	[smem:$0x7DF] =	sst s1  }
0x33: {  	s12 =	sor.u32 $0x1A000, s0;
	s1 =	sadd.s32 s3, s14;
	[smem:$0x7F0] =	sst s11  }
0x34: {  	s18 =	smax.u32 s18, $0x1;
	s14 =	sadd.s32 s13, s12;
	[smem:$0x7E1] =	sst s1  }
0x35: {  	s15 =	sor.u32 $0x1B000, s0;
	s1 =	sadd.s32 s3, s16;
	[smem:$0x7F2] =	sst s14  }
0x36: {  	s19 =	sor.u32 $0x1C000, s0;
	s16 =	sadd.s32 s13, s15;
	[smem:$0x7E3] =	sst s1  }
0x37: {  	s21 =	sor.u32 $0x1D000, s0;
	s1 =	sadd.s32 s3, s20;
	[smem:$0x7F4] =	sst s16  }
0x38: {  	s25 =	sor.u32 $0x1E000, s0;
	s20 =	sadd.s32 s13, s19;
	[smem:$0x7E5] =	sst s1  }
0x39: {  	s23 =	simm.s32 $0x2;
	s1 =	sadd.s32 s3, s22;
	[smem:$0x7F6] =	sst s20  }
0x3a: {  	s31 =	sadd.s32 $0x800, s5;
	s22 =	sadd.s32 s13, s21;
	[smem:$0x7E7] =	sst s1  }
0x3b: {  	s16 =	sadd.s32 $0x800, s17;
	s1 =	sadd.s32 s3, s24;
	[smem:$0x7F8] =	sst s22  }
0x3c: {  	s20 =	simm.s32 $0x3;
	s24 =	sadd.s32 s3, s0;
	[smem:$0x7E9] =	sst s1  }
0x3d: {  	s0 =	sor.u32 $0x1F000, s0;
	s1 =	sadd.s32 s3, s26;
	[smem:$0x7FB] =	sst s24  }
0x3e: {  	s22 =	simm.s32 $0xE000;
	s26 =	sadd.s32 s13, s25;
	[smem:$0x7EB] =	sst s1  }
0x3f: {  	s13 =	sadd.s32 s13, s0;
	s1 =	sadd.s32 s3, s6;
	[smem:$0x7FC] =	sst s26  }
0x40: {  	s14 =	sadd.s32 s3, s0;
	[smem:$0x7ED] =	sst s1;
	s1 =	sadd.s32 s3, s8  }
0x41: {  	s24 =	simm.s32 $0x16000;
	[smem:$0x7EF] =	sst s1;
	s1 =	sadd.s32 s3, s10  }
0x42: {  	v0 =	vimm.s32 $0xFFEDCBA9;
	v1 =	vimm.s32 $0x87654321;
	s26 =	simm.s32 $0x1;
	[smem:$0x7F1] =	sst s1;
	s1 =	sadd.s32 s3, s12  }
.Ltmp0:
0x43: {  	v2 =	vunpack.c.l.s4.s8 v0;
	v1 =	vunpack.c.l.s4.s8 v1;
	[smem:$0x7F3] =	sst s1;
	s1 =	sadd.s32 s3, s15;
	(pc) =	sbr.rel .LBB2_1-.Ltmp0, $4  }
0x44: {  	s15 =	sadd.s32 $0x100800, s17;
	[smem:$0x7F5] =	sst s1;
	s1 =	sadd.s32 s3, s19  }
0x45: {  	v3 =	vlaneseq.u32;
	v4 =	vunpack.c.0.s8.s32 v2;
	v5 =	vunpack.c.0.s8.s32 v1;
	s17 =	sadd.s32 $0x900, s17;
	[smem:$0x7F7] =	sst s1;
	s1 =	sadd.s32 s3, s21  }
0x46: {  	vm0 =	vcmask $0x3F3C;
	v2 =	vimm.s32 $0xFFFFFFFF;
	v1 =	vmov s5;
	s19 =	sadd.s32 $0x100, s3;
	[smem:$0x7F9] =	sst s1;
	s1 =	sadd.s32 s3, s25  }
0x47: {  	v4 =	vcombine.low v5, v4;
	v5 =	vimm.s32 $0x0;
	v0 =	vmov s31;
	s21 =	simm.s32 $0x4000;
	s25 =	simm.s32 $0x8800;
	[smem:$0x7FD] =	sst s1  }
.LBB2_72:
0x48: {  	_ =	sdelay $0x3  }
0x49: {  	[hbm4b:s19+s4] =	stream.indirect_vreg.scatter [tilespmem:s8], [sflag:$0x1], $0x80, v10, vm1, $0xb8;
	[tilespmem:$0x1E000] =	vst v63  }
0x4a: {  	_ =	swait.ge [sflag:s26], $0x2000  }
0x4b: {  	p0 =	seq.s32 s31, $0x1;
	[sflag:s26] =	ssyncset.done $0x0  }
0x4c: {  	s0 =	simm.s32 @!p0 $0x1;
	[sflag:s26] =	ssyncadd.s32 $0xFFFFE000  }
0x4d: {  	_ =	swait.ge @!p0 [sflag:s0], $0x2000  }
0x4e: {  	[sflag:s0] =	ssyncset.done @!p0 $0x0  }
0x4f: {  	[sflag:s0] =	ssyncadd.s32 @!p0 $0xFFFFE000  }
.LBB2_73:
0x50: {  	s30 =	sadd.s32 $0x1, s30  }
0x51: {  	p0 =	sne.s32 s30, s18  }
.Ltmp1:
0x52: {  	_ = 	snop;
	(pc) =	sbr.rel @!p0 .LBB2_74-.Ltmp1, $1  }
0x53: {  	_ =	sdelay $0x3  }
.LBB2_1:
0x54: {  	s0 =	rddreg [dreg:$0x2]  }
0x55: {  	[tilespmem:s4], [sflag:$0x3] =	stream.linear.gather [hbm4b:s0+s4], $0x4000, $0x38;
	[tilespmem:$0x1E000] =	vst v63  }
0x56: {  	_ =	swait.ge [sflag:s20], $0x4000  }
0x57: {  	[sflag:s20] =	ssyncset.done $0x0  }
0x58: {  	[sflag:s20] =	ssyncadd.s32 $0xFFFFC000  }
0x59: {  	[tilespmem:s21], [sflag:$0x3] =	stream.linear.gather [hbm4b:s15+s4], $0x4000, $0x38;
	[tilespmem:$0x1E000] =	vst v63  }
0x5a: {  	_ =	swait.ge [sflag:s20], $0x4000  }
0x5b: {  	[sflag:s20] =	ssyncset.done $0x0  }
0x5c: {  	s1 =	simm.s32 $0x8000;
	s31 =	rddreg [dreg:$0x6];
	[sflag:s20] =	ssyncadd.s32 $0xFFFFC000  }
0x5d: {  	[tilespmem:s1], [sflag:$0x3] =	stream.linear.gather [hbm4b:s31+s4], $0x800, $0x38;
	[tilespmem:$0x1E000] =	vst v63  }
0x5e: {  	_ =	swait.ge [sflag:s20], $0x800  }
0x5f: {  	[sflag:s20] =	ssyncset.done $0x0  }
0x60: {  	s0 =	simm.s32 $0x40;
	s1 =	simm.s32 $0x0;
	[sflag:s20] =	ssyncadd.s32 $0xFFFFF800  }
.LBB2_2:
0x61: {  	p0 =	sne.s32 s0, $0x1FC0;
	[tilespmem:s1+$0x8800] =	vst v2;
	s1 =	smov.u32 s0;
	s0 =	sadd.s32 $0x40, s0  }
.Ltmp2:
0x62: {  	(pc) =	sbr.rel @p0 .LBB2_2-.Ltmp2, $2  }
0x63: {  	_ =	sdelay $0x2  }
0x64: {  	s1 =	sshra.s32 s1, $0x2  }
0x65: {  	s11 =	sld [smem:$0x7FA];
	_ =	sdelay $0x1  }
0x66: {  	[tilespmem:s1+$0x8800] =	vst v2;
	s0 =	simm.s32 $0x0  }
0x67: {  	[tilespmem:s22], [sflag:$0x2] =	stream.linear.gather [hbm4b:s11+s0], $0x8000, $0x38;
	[tilespmem:$0x1E000] =	vst v63  }
0x68: {  	_ =	swait.ge [sflag:s23], $0x8000  }
0x69: {  	s12 =	sld [smem:$0x7FB]  }
0x6a: {  	[sflag:s23] =	ssyncset.done $0x0  }
0x6b: {  	[sflag:s23] =	ssyncadd.s32 $0xFFFF8000  }
0x6c: {  	[hbm4b:s12+s0] =	stream.linear.scatter [tilespmem:s22], [sflag:$0x1], $0x8000, $0x38;
	[tilespmem:$0x1E000] =	vst v63  }
0x6d: {  	s31 =	rddreg [dreg:$0x7]  }
0x6e: {  	[tilespmem:s24], [sflag:$0x2] =	stream.linear.gather [hbm4b:s31+s0], $0x8000, $0x38;
	[tilespmem:$0x1E000] =	vst v63  }
0x6f: {  	s1 =	simm.s32 $0x10;
	s2 =	simm.s32 $0x0;
	v6 =	vld [tilespmem:s0+$0x0]  }
.LBB2_4:
0x70: {  	p0 =	sne.s32 s1, $0x1F0;
	_ =	sdelay $0x3  }
0x71: {  	v7 =	vshll.u32 v6, $0xE  }
0x72: {  	vm1 =	vge.s32 v6, v1;
	vm2 =	vlt.s32 v6, v0;
	v6 =	vadd.s32 s0, v7;
	s0 =	smov.u32 s1  }
0x73: {  	vm1 =	vmand vm1, vm2;
	v6 =	vadd.s32 v3, v6  }
0x74: {  	v6 =	vnsel vm1, $0x7FFFFFFF, v6  }
0x75: {  	v7 =	vxor.u32 $0x80000000, v6  }
0x76: {  	(xrf1) =	vsort.ascd.msk.u32 $0xffff, v7, v6;
	_ =	sdelay $0xd  }
0x77: {  	v6, _, _ =	vpop (xrf1)  }
0x78: {  	v7 =	vshra.s32 v6, $0xE  }
0x79: {  	v8 =	vxor.u32 $0xFFFE0000, v7  }
0x7a: {  	v9 =	vperm.xlane v8, v4;
	_ =	sdelay $0x1  }
0x7b: {  	vm1 =	vne.s32 v8, v9  }
0x7c: {  	vm2 =	vne.s32 v6, $0xFFFFFFFF;
	v8 =	vsub.s32 v8, v1;
	vm1 =	vmor vm1, vm0  }
0x7d: {  	v7 =	vand.u32 $0x7F, v7;
	v8 =	vand.u32 $0xFFFFFF80, v8;
	vm1 =	vmand vm2, vm1  }
0x7e: {  	v7 =	vor.u32 v7, v8;
	_ =	sdelay $0x1  }
.Ltmp3:
0x7f: {  	(pc) =	sbr.rel @p0 .LBB2_4-.Ltmp3, $4  }
0x80: {  	_ = 	snop  }
0x81: {  	v6 =	vand.u32 $0x3FFF, v6  }
0x82: {  	s2 =	sadd.s32 $0x10, s2;
	[tilespmem:v7+s25+$0x0] =	vst.idx.msk vm1, v6  }
0x83: {  	s1 =	sadd.s32 $0x10, s1;
	v6 =	vld [tilespmem:s2+$0x0]  }
0x84: {  	_ =	sdelay $0x3  }
0x85: {  	v7 =	vshll.u32 v6, $0xE  }
0x86: {  	vm1 =	vge.s32 v6, v1;
	vm2 =	vlt.s32 v6, v0;
	v6 =	vadd.s32 s0, v7  }
0x87: {  	vm1 =	vmand vm1, vm2;
	v6 =	vadd.s32 v3, v6  }
0x88: {  	v6 =	vnsel vm1, $0x7FFFFFFF, v6  }
0x89: {  	v7 =	vxor.u32 $0x80000000, v6  }
0x8a: {  	(xrf1) =	vsort.ascd.msk.u32 $0xffff, v7, v6;
	_ =	sdelay $0xd  }
0x8b: {  	v6, _, _ =	vpop (xrf1)  }
0x8c: {  	v7 =	vshra.s32 v6, $0xE  }
0x8d: {  	v8 =	vxor.u32 $0xFFFE0000, v7  }
0x8e: {  	v9 =	vperm.xlane v8, v4;
	_ =	sdelay $0x1  }
0x8f: {  	vm1 =	vne.s32 v8, v9  }
0x90: {  	vm2 =	vne.s32 v6, $0xFFFFFFFF;
	v8 =	vsub.s32 v8, v1;
	vm1 =	vmor vm1, vm0  }
0x91: {  	v7 =	vand.u32 $0x7F, v7;
	v8 =	vand.u32 $0xFFFFFF80, v8;
	vm1 =	vmand vm2, vm1  }
0x92: {  	v7 =	vor.u32 v7, v8;
	_ =	sdelay $0x3  }
0x93: {  	v6 =	vand.u32 $0x3FFF, v6  }
0x94: {  	[tilespmem:v7+s25+$0x0] =	vst.idx.msk vm1, v6  }
0x95: {  	_ =	swait.ge [sflag:s23], $0x8000  }
0x96: {  	[sflag:s23] =	ssyncset.done $0x0  }
0x97: {  	s12 =	rddreg [dreg:$0x8];
	[sflag:s23] =	ssyncadd.s32 $0xFFFF8000  }
0x98: {  	[hbm4b:s12+s4] =	stream.linear.scatter [tilespmem:s24], [sflag:$0x1], $0x8000, $0x38;
	[tilespmem:$0x1E000] =	vst v63  }
0x99: {  	_ =	swait.ge [sflag:s26], $0x8000  }
0x9a: {  	[sflag:s26] =	ssyncset.done $0x0  }
0x9b: {  	s0 =	simm.s32 $0x200;
	s31 =	rddreg [dreg:$0x9];
	[sflag:s26] =	ssyncadd.s32 $0xFFFF8000  }
0x9c: {  	[tilespmem:s22], [sflag:$0x2] =	stream.linear.gather [hbm4b:s31+s4], $0x8000, $0x38;
	[tilespmem:$0x1E000] =	vst v63  }
0x9d: {  	s1 =	simm.s32 $0x210;
	s2 =	simm.s32 $0x200;
	v6 =	vld [tilespmem:s0+$0x0]  }
.LBB2_6:
0x9e: {  	p0 =	sne.s32 s1, $0x3F0;
	_ =	sdelay $0x3  }
0x9f: {  	v7 =	vshll.u32 v6, $0xE  }
0xa0: {  	vm1 =	vge.s32 v6, v1;
	vm2 =	vlt.s32 v6, v0;
	v6 =	vadd.s32 s0, v7;
	s0 =	smov.u32 s1  }
0xa1: {  	vm1 =	vmand vm1, vm2;
	v6 =	vadd.s32 v3, v6  }
0xa2: {  	v6 =	vnsel vm1, $0x7FFFFFFF, v6  }
0xa3: {  	v7 =	vxor.u32 $0x80000000, v6  }
0xa4: {  	(xrf1) =	vsort.ascd.msk.u32 $0xffff, v7, v6;
	_ =	sdelay $0xd  }
0xa5: {  	v6, _, _ =	vpop (xrf1)  }
0xa6: {  	v7 =	vshra.s32 v6, $0xE  }
0xa7: {  	v8 =	vxor.u32 $0xFFFE0000, v7  }
0xa8: {  	v9 =	vperm.xlane v8, v4;
	_ =	sdelay $0x1  }
0xa9: {  	vm1 =	vne.s32 v8, v9  }
0xaa: {  	vm2 =	vne.s32 v6, $0xFFFFFFFF;
	v8 =	vsub.s32 v8, v1;
	vm1 =	vmor vm1, vm0  }
0xab: {  	v7 =	vand.u32 $0x7F, v7;
	v8 =	vand.u32 $0xFFFFFF80, v8;
	vm1 =	vmand vm2, vm1  }
0xac: {  	v7 =	vor.u32 v7, v8;
	_ =	sdelay $0x1  }
.Ltmp4:
0xad: {  	(pc) =	sbr.rel @p0 .LBB2_6-.Ltmp4, $4  }
0xae: {  	_ = 	snop  }
0xaf: {  	v6 =	vand.u32 $0x3FFF, v6  }
0xb0: {  	s2 =	sadd.s32 $0x10, s2;
	[tilespmem:v7+s25+$0x0] =	vst.idx.msk vm1, v6  }
0xb1: {  	s1 =	sadd.s32 $0x10, s1;
	v6 =	vld [tilespmem:s2+$0x0]  }
0xb2: {  	_ =	sdelay $0x3  }
0xb3: {  	v7 =	vshll.u32 v6, $0xE  }
0xb4: {  	vm1 =	vge.s32 v6, v1;
	vm2 =	vlt.s32 v6, v0;
	v6 =	vadd.s32 s0, v7  }
0xb5: {  	vm1 =	vmand vm1, vm2;
	v6 =	vadd.s32 v3, v6  }
0xb6: {  	v6 =	vnsel vm1, $0x7FFFFFFF, v6  }
0xb7: {  	v7 =	vxor.u32 $0x80000000, v6  }
0xb8: {  	(xrf1) =	vsort.ascd.msk.u32 $0xffff, v7, v6;
	_ =	sdelay $0xd  }
0xb9: {  	v6, _, _ =	vpop (xrf1)  }
0xba: {  	v7 =	vshra.s32 v6, $0xE  }
0xbb: {  	v8 =	vxor.u32 $0xFFFE0000, v7  }
0xbc: {  	v9 =	vperm.xlane v8, v4;
	_ =	sdelay $0x1  }
0xbd: {  	vm1 =	vne.s32 v8, v9  }
0xbe: {  	vm2 =	vne.s32 v6, $0xFFFFFFFF;
	v8 =	vsub.s32 v8, v1;
	vm1 =	vmor vm1, vm0  }
0xbf: {  	v7 =	vand.u32 $0x7F, v7;
	v8 =	vand.u32 $0xFFFFFF80, v8;
	vm1 =	vmand vm2, vm1  }
0xc0: {  	v7 =	vor.u32 v7, v8;
	_ =	sdelay $0x3  }
0xc1: {  	v6 =	vand.u32 $0x3FFF, v6  }
0xc2: {  	[tilespmem:v7+s25+$0x0] =	vst.idx.msk vm1, v6  }
0xc3: {  	_ =	swait.ge [sflag:s23], $0x8000  }
0xc4: {  	[sflag:s23] =	ssyncset.done $0x0  }
0xc5: {  	s12 =	rddreg [dreg:$0xa];
	[sflag:s23] =	ssyncadd.s32 $0xFFFF8000  }
0xc6: {  	[hbm4b:s12+s4] =	stream.linear.scatter [tilespmem:s22], [sflag:$0x1], $0x8000, $0x38;
	[tilespmem:$0x1E000] =	vst v63  }
0xc7: {  	_ =	swait.ge [sflag:s26], $0x8000  }
0xc8: {  	[sflag:s26] =	ssyncset.done $0x0  }
0xc9: {  	s0 =	simm.s32 $0x400;
	s31 =	rddreg [dreg:$0xb];
	[sflag:s26] =	ssyncadd.s32 $0xFFFF8000  }
0xca: {  	[tilespmem:s24], [sflag:$0x2] =	stream.linear.gather [hbm4b:s31+s4], $0x8000, $0x38;
	[tilespmem:$0x1E000] =	vst v63  }
0xcb: {  	s1 =	simm.s32 $0x410;
	s2 =	simm.s32 $0x400;
	v6 =	vld [tilespmem:s0+$0x0]  }
.LBB2_8:
0xcc: {  	p0 =	sne.s32 s1, $0x5F0;
	_ =	sdelay $0x3  }
0xcd: {  	v7 =	vshll.u32 v6, $0xE  }
0xce: {  	vm1 =	vge.s32 v6, v1;
	vm2 =	vlt.s32 v6, v0;
	v6 =	vadd.s32 s0, v7;
	s0 =	smov.u32 s1  }
0xcf: {  	vm1 =	vmand vm1, vm2;
	v6 =	vadd.s32 v3, v6  }
0xd0: {  	v6 =	vnsel vm1, $0x7FFFFFFF, v6  }
0xd1: {  	v7 =	vxor.u32 $0x80000000, v6  }
0xd2: {  	(xrf1) =	vsort.ascd.msk.u32 $0xffff, v7, v6;
	_ =	sdelay $0xd  }
0xd3: {  	v6, _, _ =	vpop (xrf1)  }
0xd4: {  	v7 =	vshra.s32 v6, $0xE  }
0xd5: {  	v8 =	vxor.u32 $0xFFFE0000, v7  }
0xd6: {  	v9 =	vperm.xlane v8, v4;
	_ =	sdelay $0x1  }
0xd7: {  	vm1 =	vne.s32 v8, v9  }
0xd8: {  	vm2 =	vne.s32 v6, $0xFFFFFFFF;
	v8 =	vsub.s32 v8, v1;
	vm1 =	vmor vm1, vm0  }
0xd9: {  	v7 =	vand.u32 $0x7F, v7;
	v8 =	vand.u32 $0xFFFFFF80, v8;
	vm1 =	vmand vm2, vm1  }
0xda: {  	v7 =	vor.u32 v7, v8;
	_ =	sdelay $0x1  }
.Ltmp5:
0xdb: {  	(pc) =	sbr.rel @p0 .LBB2_8-.Ltmp5, $4  }
0xdc: {  	_ = 	snop  }
0xdd: {  	v6 =	vand.u32 $0x3FFF, v6  }
0xde: {  	s2 =	sadd.s32 $0x10, s2;
	[tilespmem:v7+s25+$0x0] =	vst.idx.msk vm1, v6  }
0xdf: {  	s1 =	sadd.s32 $0x10, s1;
	v6 =	vld [tilespmem:s2+$0x0]  }
0xe0: {  	_ =	sdelay $0x3  }
0xe1: {  	v7 =	vshll.u32 v6, $0xE  }
0xe2: {  	vm1 =	vge.s32 v6, v1;
	vm2 =	vlt.s32 v6, v0;
	v6 =	vadd.s32 s0, v7  }
0xe3: {  	vm1 =	vmand vm1, vm2;
	v6 =	vadd.s32 v3, v6  }
0xe4: {  	v6 =	vnsel vm1, $0x7FFFFFFF, v6  }
0xe5: {  	v7 =	vxor.u32 $0x80000000, v6  }
0xe6: {  	(xrf1) =	vsort.ascd.msk.u32 $0xffff, v7, v6;
	_ =	sdelay $0xd  }
0xe7: {  	v6, _, _ =	vpop (xrf1)  }
0xe8: {  	v7 =	vshra.s32 v6, $0xE  }
0xe9: {  	v8 =	vxor.u32 $0xFFFE0000, v7  }
0xea: {  	v9 =	vperm.xlane v8, v4;
	_ =	sdelay $0x1  }
0xeb: {  	vm1 =	vne.s32 v8, v9  }
0xec: {  	vm2 =	vne.s32 v6, $0xFFFFFFFF;
	v8 =	vsub.s32 v8, v1;
	vm1 =	vmor vm1, vm0  }
0xed: {  	v7 =	vand.u32 $0x7F, v7;
	v8 =	vand.u32 $0xFFFFFF80, v8;
	vm1 =	vmand vm2, vm1  }
0xee: {  	v7 =	vor.u32 v7, v8;
	_ =	sdelay $0x3  }
0xef: {  	v6 =	vand.u32 $0x3FFF, v6  }
0xf0: {  	[tilespmem:v7+s25+$0x0] =	vst.idx.msk vm1, v6  }
0xf1: {  	_ =	swait.ge [sflag:s23], $0x8000  }
0xf2: {  	[sflag:s23] =	ssyncset.done $0x0  }
0xf3: {  	s12 =	rddreg [dreg:$0xc];
	[sflag:s23] =	ssyncadd.s32 $0xFFFF8000  }
0xf4: {  	[hbm4b:s12+s4] =	stream.linear.scatter [tilespmem:s24], [sflag:$0x1], $0x8000, $0x38;
	[tilespmem:$0x1E000] =	vst v63  }
0xf5: {  	_ =	swait.ge [sflag:s26], $0x8000  }
0xf6: {  	[sflag:s26] =	ssyncset.done $0x0  }
0xf7: {  	s0 =	simm.s32 $0x600;
	s31 =	rddreg [dreg:$0xd];
	[sflag:s26] =	ssyncadd.s32 $0xFFFF8000  }
0xf8: {  	[tilespmem:s22], [sflag:$0x2] =	stream.linear.gather [hbm4b:s31+s4], $0x8000, $0x38;
	[tilespmem:$0x1E000] =	vst v63  }
0xf9: {  	s1 =	simm.s32 $0x610;
	s2 =	simm.s32 $0x600;
	v6 =	vld [tilespmem:s0+$0x0]  }
.LBB2_10:
0xfa: {  	p0 =	sne.s32 s1, $0x7F0;
	_ =	sdelay $0x3  }
0xfb: {  	v7 =	vshll.u32 v6, $0xE  }
0xfc: {  	vm1 =	vge.s32 v6, v1;
	vm2 =	vlt.s32 v6, v0;
	v6 =	vadd.s32 s0, v7;
	s0 =	smov.u32 s1  }
0xfd: {  	vm1 =	vmand vm1, vm2;
	v6 =	vadd.s32 v3, v6  }
0xfe: {  	v6 =	vnsel vm1, $0x7FFFFFFF, v6  }
0xff: {  	v7 =	vxor.u32 $0x80000000, v6  }
0x100: {  	(xrf1) =	vsort.ascd.msk.u32 $0xffff, v7, v6;
	_ =	sdelay $0xd  }
0x101: {  	v6, _, _ =	vpop (xrf1)  }
0x102: {  	v7 =	vshra.s32 v6, $0xE  }
0x103: {  	v8 =	vxor.u32 $0xFFFE0000, v7  }
0x104: {  	v9 =	vperm.xlane v8, v4;
	_ =	sdelay $0x1  }
0x105: {  	vm1 =	vne.s32 v8, v9  }
0x106: {  	vm2 =	vne.s32 v6, $0xFFFFFFFF;
	v8 =	vsub.s32 v8, v1;
	vm1 =	vmor vm1, vm0  }
0x107: {  	v7 =	vand.u32 $0x7F, v7;
	v8 =	vand.u32 $0xFFFFFF80, v8;
	vm1 =	vmand vm2, vm1  }
0x108: {  	v7 =	vor.u32 v7, v8;
	_ =	sdelay $0x1  }
.Ltmp6:
0x109: {  	(pc) =	sbr.rel @p0 .LBB2_10-.Ltmp6, $4  }
0x10a: {  	_ = 	snop  }
0x10b: {  	v6 =	vand.u32 $0x3FFF, v6  }
0x10c: {  	s2 =	sadd.s32 $0x10, s2;
	[tilespmem:v7+s25+$0x0] =	vst.idx.msk vm1, v6  }
0x10d: {  	s1 =	sadd.s32 $0x10, s1;
	v6 =	vld [tilespmem:s2+$0x0]  }
0x10e: {  	_ =	sdelay $0x3  }
0x10f: {  	v7 =	vshll.u32 v6, $0xE  }
0x110: {  	vm1 =	vge.s32 v6, v1;
	vm2 =	vlt.s32 v6, v0;
	v6 =	vadd.s32 s0, v7  }
0x111: {  	vm1 =	vmand vm1, vm2;
	v6 =	vadd.s32 v3, v6  }
0x112: {  	v6 =	vnsel vm1, $0x7FFFFFFF, v6  }
0x113: {  	v7 =	vxor.u32 $0x80000000, v6  }
0x114: {  	(xrf1) =	vsort.ascd.msk.u32 $0xffff, v7, v6;
	_ =	sdelay $0xd  }
0x115: {  	v6, _, _ =	vpop (xrf1)  }
0x116: {  	v7 =	vshra.s32 v6, $0xE  }
0x117: {  	v8 =	vxor.u32 $0xFFFE0000, v7  }
0x118: {  	v9 =	vperm.xlane v8, v4;
	_ =	sdelay $0x1  }
0x119: {  	vm1 =	vne.s32 v8, v9  }
0x11a: {  	vm2 =	vne.s32 v6, $0xFFFFFFFF;
	v8 =	vsub.s32 v8, v1;
	vm1 =	vmor vm1, vm0  }
0x11b: {  	v7 =	vand.u32 $0x7F, v7;
	v8 =	vand.u32 $0xFFFFFF80, v8;
	vm1 =	vmand vm2, vm1  }
0x11c: {  	v7 =	vor.u32 v7, v8;
	_ =	sdelay $0x3  }
0x11d: {  	v6 =	vand.u32 $0x3FFF, v6  }
0x11e: {  	[tilespmem:v7+s25+$0x0] =	vst.idx.msk vm1, v6  }
0x11f: {  	_ =	swait.ge [sflag:s23], $0x8000  }
0x120: {  	[sflag:s23] =	ssyncset.done $0x0  }
0x121: {  	s12 =	rddreg [dreg:$0xe];
	[sflag:s23] =	ssyncadd.s32 $0xFFFF8000  }
0x122: {  	[hbm4b:s12+s4] =	stream.linear.scatter [tilespmem:s22], [sflag:$0x1], $0x8000, $0x38;
	[tilespmem:$0x1E000] =	vst v63  }
0x123: {  	_ =	swait.ge [sflag:s26], $0x8000  }
0x124: {  	[sflag:s26] =	ssyncset.done $0x0  }
0x125: {  	s0 =	simm.s32 $0x800;
	s31 =	rddreg [dreg:$0xf];
	[sflag:s26] =	ssyncadd.s32 $0xFFFF8000  }
0x126: {  	[tilespmem:s24], [sflag:$0x2] =	stream.linear.gather [hbm4b:s31+s4], $0x8000, $0x38;
	[tilespmem:$0x1E000] =	vst v63  }
0x127: {  	s1 =	simm.s32 $0x810;
	s2 =	simm.s32 $0x800;
	v6 =	vld [tilespmem:s0+$0x0]  }
.LBB2_12:
0x128: {  	p0 =	sne.s32 s1, $0x9F0;
	_ =	sdelay $0x3  }
0x129: {  	v7 =	vshll.u32 v6, $0xE  }
0x12a: {  	vm1 =	vge.s32 v6, v1;
	vm2 =	vlt.s32 v6, v0;
	v6 =	vadd.s32 s0, v7;
	s0 =	smov.u32 s1  }
0x12b: {  	vm1 =	vmand vm1, vm2;
	v6 =	vadd.s32 v3, v6  }
0x12c: {  	v6 =	vnsel vm1, $0x7FFFFFFF, v6  }
0x12d: {  	v7 =	vxor.u32 $0x80000000, v6  }
0x12e: {  	(xrf1) =	vsort.ascd.msk.u32 $0xffff, v7, v6;
	_ =	sdelay $0xd  }
0x12f: {  	v6, _, _ =	vpop (xrf1)  }
0x130: {  	v7 =	vshra.s32 v6, $0xE  }
0x131: {  	v8 =	vxor.u32 $0xFFFE0000, v7  }
0x132: {  	v9 =	vperm.xlane v8, v4;
	_ =	sdelay $0x1  }
0x133: {  	vm1 =	vne.s32 v8, v9  }
0x134: {  	vm2 =	vne.s32 v6, $0xFFFFFFFF;
	v8 =	vsub.s32 v8, v1;
	vm1 =	vmor vm1, vm0  }
0x135: {  	v7 =	vand.u32 $0x7F, v7;
	v8 =	vand.u32 $0xFFFFFF80, v8;
	vm1 =	vmand vm2, vm1  }
0x136: {  	v7 =	vor.u32 v7, v8;
	_ =	sdelay $0x1  }
.Ltmp7:
0x137: {  	(pc) =	sbr.rel @p0 .LBB2_12-.Ltmp7, $4  }
0x138: {  	_ = 	snop  }
0x139: {  	v6 =	vand.u32 $0x3FFF, v6  }
0x13a: {  	s2 =	sadd.s32 $0x10, s2;
	[tilespmem:v7+s25+$0x0] =	vst.idx.msk vm1, v6  }
0x13b: {  	s1 =	sadd.s32 $0x10, s1;
	v6 =	vld [tilespmem:s2+$0x0]  }
0x13c: {  	_ =	sdelay $0x3  }
0x13d: {  	v7 =	vshll.u32 v6, $0xE  }
0x13e: {  	vm1 =	vge.s32 v6, v1;
	vm2 =	vlt.s32 v6, v0;
	v6 =	vadd.s32 s0, v7  }
0x13f: {  	vm1 =	vmand vm1, vm2;
	v6 =	vadd.s32 v3, v6  }
0x140: {  	v6 =	vnsel vm1, $0x7FFFFFFF, v6  }
0x141: {  	v7 =	vxor.u32 $0x80000000, v6  }
0x142: {  	(xrf1) =	vsort.ascd.msk.u32 $0xffff, v7, v6;
	_ =	sdelay $0xd  }
0x143: {  	v6, _, _ =	vpop (xrf1)  }
0x144: {  	v7 =	vshra.s32 v6, $0xE  }
0x145: {  	v8 =	vxor.u32 $0xFFFE0000, v7  }
0x146: {  	v9 =	vperm.xlane v8, v4;
	_ =	sdelay $0x1  }
0x147: {  	vm1 =	vne.s32 v8, v9  }
0x148: {  	vm2 =	vne.s32 v6, $0xFFFFFFFF;
	v8 =	vsub.s32 v8, v1;
	vm1 =	vmor vm1, vm0  }
0x149: {  	v7 =	vand.u32 $0x7F, v7;
	v8 =	vand.u32 $0xFFFFFF80, v8;
	vm1 =	vmand vm2, vm1  }
0x14a: {  	v7 =	vor.u32 v7, v8;
	_ =	sdelay $0x3  }
0x14b: {  	v6 =	vand.u32 $0x3FFF, v6  }
0x14c: {  	[tilespmem:v7+s25+$0x0] =	vst.idx.msk vm1, v6  }
0x14d: {  	_ =	swait.ge [sflag:s23], $0x8000  }
0x14e: {  	[sflag:s23] =	ssyncset.done $0x0  }
0x14f: {  	s12 =	rddreg [dreg:$0x10];
	[sflag:s23] =	ssyncadd.s32 $0xFFFF8000  }
0x150: {  	[hbm4b:s12+s4] =	stream.linear.scatter [tilespmem:s24], [sflag:$0x1], $0x8000, $0x38;
	[tilespmem:$0x1E000] =	vst v63  }
0x151: {  	_ =	swait.ge [sflag:s26], $0x8000  }
0x152: {  	[sflag:s26] =	ssyncset.done $0x0  }
0x153: {  	s0 =	simm.s32 $0xA00;
	s31 =	rddreg [dreg:$0x11];
	[sflag:s26] =	ssyncadd.s32 $0xFFFF8000  }
0x154: {  	[tilespmem:s22], [sflag:$0x2] =	stream.linear.gather [hbm4b:s31+s4], $0x8000, $0x38;
	[tilespmem:$0x1E000] =	vst v63  }
0x155: {  	s1 =	simm.s32 $0xA10;
	s2 =	simm.s32 $0xA00;
	v6 =	vld [tilespmem:s0+$0x0]  }
.LBB2_14:
0x156: {  	p0 =	sne.s32 s1, $0xBF0;
	_ =	sdelay $0x3  }
0x157: {  	v7 =	vshll.u32 v6, $0xE  }
0x158: {  	vm1 =	vge.s32 v6, v1;
	vm2 =	vlt.s32 v6, v0;
	v6 =	vadd.s32 s0, v7;
	s0 =	smov.u32 s1  }
0x159: {  	vm1 =	vmand vm1, vm2;
	v6 =	vadd.s32 v3, v6  }
0x15a: {  	v6 =	vnsel vm1, $0x7FFFFFFF, v6  }
0x15b: {  	v7 =	vxor.u32 $0x80000000, v6  }
0x15c: {  	(xrf1) =	vsort.ascd.msk.u32 $0xffff, v7, v6;
	_ =	sdelay $0xd  }
0x15d: {  	v6, _, _ =	vpop (xrf1)  }
0x15e: {  	v7 =	vshra.s32 v6, $0xE  }
0x15f: {  	v8 =	vxor.u32 $0xFFFE0000, v7  }
0x160: {  	v9 =	vperm.xlane v8, v4;
	_ =	sdelay $0x1  }
0x161: {  	vm1 =	vne.s32 v8, v9  }
0x162: {  	vm2 =	vne.s32 v6, $0xFFFFFFFF;
	v8 =	vsub.s32 v8, v1;
	vm1 =	vmor vm1, vm0  }
0x163: {  	v7 =	vand.u32 $0x7F, v7;
	v8 =	vand.u32 $0xFFFFFF80, v8;
	vm1 =	vmand vm2, vm1  }
0x164: {  	v7 =	vor.u32 v7, v8;
	_ =	sdelay $0x1  }
.Ltmp8:
0x165: {  	(pc) =	sbr.rel @p0 .LBB2_14-.Ltmp8, $4  }
0x166: {  	_ = 	snop  }
0x167: {  	v6 =	vand.u32 $0x3FFF, v6  }
0x168: {  	s2 =	sadd.s32 $0x10, s2;
	[tilespmem:v7+s25+$0x0] =	vst.idx.msk vm1, v6  }
0x169: {  	s1 =	sadd.s32 $0x10, s1;
	v6 =	vld [tilespmem:s2+$0x0]  }
0x16a: {  	_ =	sdelay $0x3  }
0x16b: {  	v7 =	vshll.u32 v6, $0xE  }
0x16c: {  	vm1 =	vge.s32 v6, v1;
	vm2 =	vlt.s32 v6, v0;
	v6 =	vadd.s32 s0, v7  }
0x16d: {  	vm1 =	vmand vm1, vm2;
	v6 =	vadd.s32 v3, v6  }
0x16e: {  	v6 =	vnsel vm1, $0x7FFFFFFF, v6  }
0x16f: {  	v7 =	vxor.u32 $0x80000000, v6  }
0x170: {  	(xrf1) =	vsort.ascd.msk.u32 $0xffff, v7, v6;
	_ =	sdelay $0xd  }
0x171: {  	v6, _, _ =	vpop (xrf1)  }
0x172: {  	v7 =	vshra.s32 v6, $0xE  }
0x173: {  	v8 =	vxor.u32 $0xFFFE0000, v7  }
0x174: {  	v9 =	vperm.xlane v8, v4;
	_ =	sdelay $0x1  }
0x175: {  	vm1 =	vne.s32 v8, v9  }
0x176: {  	vm2 =	vne.s32 v6, $0xFFFFFFFF;
	v8 =	vsub.s32 v8, v1;
	vm1 =	vmor vm1, vm0  }
0x177: {  	v7 =	vand.u32 $0x7F, v7;
	v8 =	vand.u32 $0xFFFFFF80, v8;
	vm1 =	vmand vm2, vm1  }
0x178: {  	v7 =	vor.u32 v7, v8;
	_ =	sdelay $0x3  }
0x179: {  	v6 =	vand.u32 $0x3FFF, v6  }
0x17a: {  	[tilespmem:v7+s25+$0x0] =	vst.idx.msk vm1, v6  }
0x17b: {  	_ =	swait.ge [sflag:s23], $0x8000  }
0x17c: {  	[sflag:s23] =	ssyncset.done $0x0  }
0x17d: {  	s12 =	rddreg [dreg:$0x12];
	[sflag:s23] =	ssyncadd.s32 $0xFFFF8000  }
0x17e: {  	[hbm4b:s12+s4] =	stream.linear.scatter [tilespmem:s22], [sflag:$0x1], $0x8000, $0x38;
	[tilespmem:$0x1E000] =	vst v63  }
0x17f: {  	_ =	swait.ge [sflag:s26], $0x8000  }
0x180: {  	[sflag:s26] =	ssyncset.done $0x0  }
0x181: {  	s0 =	simm.s32 $0xC00;
	s31 =	rddreg [dreg:$0x13];
	[sflag:s26] =	ssyncadd.s32 $0xFFFF8000  }
0x182: {  	[tilespmem:s24], [sflag:$0x2] =	stream.linear.gather [hbm4b:s31+s4], $0x8000, $0x38;
	[tilespmem:$0x1E000] =	vst v63  }
0x183: {  	s1 =	simm.s32 $0xC10;
	s2 =	simm.s32 $0xC00;
	v6 =	vld [tilespmem:s0+$0x0]  }
.LBB2_16:
0x184: {  	p0 =	sne.s32 s1, $0xDF0;
	_ =	sdelay $0x3  }
0x185: {  	v7 =	vshll.u32 v6, $0xE  }
0x186: {  	vm1 =	vge.s32 v6, v1;
	vm2 =	vlt.s32 v6, v0;
	v6 =	vadd.s32 s0, v7;
	s0 =	smov.u32 s1  }
0x187: {  	vm1 =	vmand vm1, vm2;
	v6 =	vadd.s32 v3, v6  }
0x188: {  	v6 =	vnsel vm1, $0x7FFFFFFF, v6  }
0x189: {  	v7 =	vxor.u32 $0x80000000, v6  }
0x18a: {  	(xrf1) =	vsort.ascd.msk.u32 $0xffff, v7, v6;
	_ =	sdelay $0xd  }
0x18b: {  	v6, _, _ =	vpop (xrf1)  }
0x18c: {  	v7 =	vshra.s32 v6, $0xE  }
0x18d: {  	v8 =	vxor.u32 $0xFFFE0000, v7  }
0x18e: {  	v9 =	vperm.xlane v8, v4;
	_ =	sdelay $0x1  }
0x18f: {  	vm1 =	vne.s32 v8, v9  }
0x190: {  	vm2 =	vne.s32 v6, $0xFFFFFFFF;
	v8 =	vsub.s32 v8, v1;
	vm1 =	vmor vm1, vm0  }
0x191: {  	v7 =	vand.u32 $0x7F, v7;
	v8 =	vand.u32 $0xFFFFFF80, v8;
	vm1 =	vmand vm2, vm1  }
0x192: {  	v7 =	vor.u32 v7, v8;
	_ =	sdelay $0x1  }
.Ltmp9:
0x193: {  	(pc) =	sbr.rel @p0 .LBB2_16-.Ltmp9, $4  }
0x194: {  	_ = 	snop  }
0x195: {  	v6 =	vand.u32 $0x3FFF, v6  }
0x196: {  	s2 =	sadd.s32 $0x10, s2;
	[tilespmem:v7+s25+$0x0] =	vst.idx.msk vm1, v6  }
0x197: {  	s1 =	sadd.s32 $0x10, s1;
	v6 =	vld [tilespmem:s2+$0x0]  }
0x198: {  	_ =	sdelay $0x3  }
0x199: {  	v7 =	vshll.u32 v6, $0xE  }
0x19a: {  	vm1 =	vge.s32 v6, v1;
	vm2 =	vlt.s32 v6, v0;
	v6 =	vadd.s32 s0, v7  }
0x19b: {  	vm1 =	vmand vm1, vm2;
	v6 =	vadd.s32 v3, v6  }
0x19c: {  	v6 =	vnsel vm1, $0x7FFFFFFF, v6  }
0x19d: {  	v7 =	vxor.u32 $0x80000000, v6  }
0x19e: {  	(xrf1) =	vsort.ascd.msk.u32 $0xffff, v7, v6;
	_ =	sdelay $0xd  }
0x19f: {  	v6, _, _ =	vpop (xrf1)  }
0x1a0: {  	v7 =	vshra.s32 v6, $0xE  }
0x1a1: {  	v8 =	vxor.u32 $0xFFFE0000, v7  }
0x1a2: {  	v9 =	vperm.xlane v8, v4;
	_ =	sdelay $0x1  }
0x1a3: {  	vm1 =	vne.s32 v8, v9  }
0x1a4: {  	vm2 =	vne.s32 v6, $0xFFFFFFFF;
	v8 =	vsub.s32 v8, v1;
	vm1 =	vmor vm1, vm0  }
0x1a5: {  	v7 =	vand.u32 $0x7F, v7;
	v8 =	vand.u32 $0xFFFFFF80, v8;
	vm1 =	vmand vm2, vm1  }
0x1a6: {  	v7 =	vor.u32 v7, v8;
	_ =	sdelay $0x3  }
0x1a7: {  	v6 =	vand.u32 $0x3FFF, v6  }
0x1a8: {  	[tilespmem:v7+s25+$0x0] =	vst.idx.msk vm1, v6  }
0x1a9: {  	_ =	swait.ge [sflag:s23], $0x8000  }
0x1aa: {  	[sflag:s23] =	ssyncset.done $0x0  }
0x1ab: {  	s12 =	rddreg [dreg:$0x14];
	[sflag:s23] =	ssyncadd.s32 $0xFFFF8000  }
0x1ac: {  	[hbm4b:s12+s4] =	stream.linear.scatter [tilespmem:s24], [sflag:$0x1], $0x8000, $0x38;
	[tilespmem:$0x1E000] =	vst v63  }
0x1ad: {  	_ =	swait.ge [sflag:s26], $0x8000  }
0x1ae: {  	[sflag:s26] =	ssyncset.done $0x0  }
0x1af: {  	s0 =	simm.s32 $0xE00;
	s31 =	rddreg [dreg:$0x15];
	[sflag:s26] =	ssyncadd.s32 $0xFFFF8000  }
0x1b0: {  	[tilespmem:s22], [sflag:$0x2] =	stream.linear.gather [hbm4b:s31+s4], $0x8000, $0x38;
	[tilespmem:$0x1E000] =	vst v63  }
0x1b1: {  	s1 =	simm.s32 $0xE10;
	s2 =	simm.s32 $0xE00;
	v6 =	vld [tilespmem:s0+$0x0]  }
.LBB2_18:
0x1b2: {  	p0 =	sne.s32 s1, $0xFF0;
	_ =	sdelay $0x3  }
0x1b3: {  	v7 =	vshll.u32 v6, $0xE  }
0x1b4: {  	vm1 =	vge.s32 v6, v1;
	vm2 =	vlt.s32 v6, v0;
	v6 =	vadd.s32 s0, v7;
	s0 =	smov.u32 s1  }
0x1b5: {  	vm1 =	vmand vm1, vm2;
	v6 =	vadd.s32 v3, v6  }
0x1b6: {  	v6 =	vnsel vm1, $0x7FFFFFFF, v6  }
0x1b7: {  	v7 =	vxor.u32 $0x80000000, v6  }
0x1b8: {  	(xrf1) =	vsort.ascd.msk.u32 $0xffff, v7, v6;
	_ =	sdelay $0xd  }
0x1b9: {  	v6, _, _ =	vpop (xrf1)  }
0x1ba: {  	v7 =	vshra.s32 v6, $0xE  }
0x1bb: {  	v8 =	vxor.u32 $0xFFFE0000, v7  }
0x1bc: {  	v9 =	vperm.xlane v8, v4;
	_ =	sdelay $0x1  }
0x1bd: {  	vm1 =	vne.s32 v8, v9  }
0x1be: {  	vm2 =	vne.s32 v6, $0xFFFFFFFF;
	v8 =	vsub.s32 v8, v1;
	vm1 =	vmor vm1, vm0  }
0x1bf: {  	v7 =	vand.u32 $0x7F, v7;
	v8 =	vand.u32 $0xFFFFFF80, v8;
	vm1 =	vmand vm2, vm1  }
0x1c0: {  	v7 =	vor.u32 v7, v8;
	_ =	sdelay $0x1  }
.Ltmp10:
0x1c1: {  	(pc) =	sbr.rel @p0 .LBB2_18-.Ltmp10, $4  }
0x1c2: {  	_ = 	snop  }
0x1c3: {  	v6 =	vand.u32 $0x3FFF, v6  }
0x1c4: {  	s2 =	sadd.s32 $0x10, s2;
	[tilespmem:v7+s25+$0x0] =	vst.idx.msk vm1, v6  }
0x1c5: {  	s1 =	sadd.s32 $0x10, s1;
	v6 =	vld [tilespmem:s2+$0x0]  }
0x1c6: {  	_ =	sdelay $0x3  }
0x1c7: {  	v7 =	vshll.u32 v6, $0xE  }
0x1c8: {  	vm1 =	vge.s32 v6, v1;
	vm2 =	vlt.s32 v6, v0;
	v6 =	vadd.s32 s0, v7  }
0x1c9: {  	vm1 =	vmand vm1, vm2;
	v6 =	vadd.s32 v3, v6  }
0x1ca: {  	v6 =	vnsel vm1, $0x7FFFFFFF, v6  }
0x1cb: {  	v7 =	vxor.u32 $0x80000000, v6  }
0x1cc: {  	(xrf1) =	vsort.ascd.msk.u32 $0xffff, v7, v6;
	_ =	sdelay $0xd  }
0x1cd: {  	v6, _, _ =	vpop (xrf1)  }
0x1ce: {  	v7 =	vshra.s32 v6, $0xE  }
0x1cf: {  	v8 =	vxor.u32 $0xFFFE0000, v7  }
0x1d0: {  	v9 =	vperm.xlane v8, v4;
	_ =	sdelay $0x1  }
0x1d1: {  	vm1 =	vne.s32 v8, v9  }
0x1d2: {  	vm2 =	vne.s32 v6, $0xFFFFFFFF;
	v8 =	vsub.s32 v8, v1;
	vm1 =	vmor vm1, vm0  }
0x1d3: {  	v7 =	vand.u32 $0x7F, v7;
	v8 =	vand.u32 $0xFFFFFF80, v8;
	vm1 =	vmand vm2, vm1  }
0x1d4: {  	v7 =	vor.u32 v7, v8;
	_ =	sdelay $0x3  }
0x1d5: {  	v6 =	vand.u32 $0x3FFF, v6  }
0x1d6: {  	[tilespmem:v7+s25+$0x0] =	vst.idx.msk vm1, v6  }
0x1d7: {  	_ =	swait.ge [sflag:s23], $0x8000  }
0x1d8: {  	[sflag:s23] =	ssyncset.done $0x0  }
0x1d9: {  	s12 =	rddreg [dreg:$0x16];
	[sflag:s23] =	ssyncadd.s32 $0xFFFF8000  }
0x1da: {  	[hbm4b:s12+s4] =	stream.linear.scatter [tilespmem:s22], [sflag:$0x1], $0x8000, $0x38;
	[tilespmem:$0x1E000] =	vst v63  }
0x1db: {  	_ =	swait.ge [sflag:s26], $0x8000  }
0x1dc: {  	[sflag:s26] =	ssyncset.done $0x0  }
0x1dd: {  	s0 =	simm.s32 $0x1000;
	s31 =	rddreg [dreg:$0x17];
	[sflag:s26] =	ssyncadd.s32 $0xFFFF8000  }
0x1de: {  	[tilespmem:s24], [sflag:$0x2] =	stream.linear.gather [hbm4b:s31+s4], $0x8000, $0x38;
	[tilespmem:$0x1E000] =	vst v63  }
0x1df: {  	s1 =	simm.s32 $0x1010;
	s2 =	simm.s32 $0x1000;
	v6 =	vld [tilespmem:s0+$0x0]  }
.LBB2_20:
0x1e0: {  	p0 =	sne.s32 s1, $0x11F0;
	_ =	sdelay $0x3  }
0x1e1: {  	v7 =	vshll.u32 v6, $0xE  }
0x1e2: {  	vm1 =	vge.s32 v6, v1;
	vm2 =	vlt.s32 v6, v0;
	v6 =	vadd.s32 s0, v7;
	s0 =	smov.u32 s1  }
0x1e3: {  	vm1 =	vmand vm1, vm2;
	v6 =	vadd.s32 v3, v6  }
0x1e4: {  	v6 =	vnsel vm1, $0x7FFFFFFF, v6  }
0x1e5: {  	v7 =	vxor.u32 $0x80000000, v6  }
0x1e6: {  	(xrf1) =	vsort.ascd.msk.u32 $0xffff, v7, v6;
	_ =	sdelay $0xd  }
0x1e7: {  	v6, _, _ =	vpop (xrf1)  }
0x1e8: {  	v7 =	vshra.s32 v6, $0xE  }
0x1e9: {  	v8 =	vxor.u32 $0xFFFE0000, v7  }
0x1ea: {  	v9 =	vperm.xlane v8, v4;
	_ =	sdelay $0x1  }
0x1eb: {  	vm1 =	vne.s32 v8, v9  }
0x1ec: {  	vm2 =	vne.s32 v6, $0xFFFFFFFF;
	v8 =	vsub.s32 v8, v1;
	vm1 =	vmor vm1, vm0  }
0x1ed: {  	v7 =	vand.u32 $0x7F, v7;
	v8 =	vand.u32 $0xFFFFFF80, v8;
	vm1 =	vmand vm2, vm1  }
0x1ee: {  	v7 =	vor.u32 v7, v8;
	_ =	sdelay $0x1  }
.Ltmp11:
0x1ef: {  	(pc) =	sbr.rel @p0 .LBB2_20-.Ltmp11, $4  }
0x1f0: {  	_ = 	snop  }
0x1f1: {  	v6 =	vand.u32 $0x3FFF, v6  }
0x1f2: {  	s2 =	sadd.s32 $0x10, s2;
	[tilespmem:v7+s25+$0x0] =	vst.idx.msk vm1, v6  }
0x1f3: {  	s1 =	sadd.s32 $0x10, s1;
	v6 =	vld [tilespmem:s2+$0x0]  }
0x1f4: {  	_ =	sdelay $0x3  }
0x1f5: {  	v7 =	vshll.u32 v6, $0xE  }
0x1f6: {  	vm1 =	vge.s32 v6, v1;
	vm2 =	vlt.s32 v6, v0;
	v6 =	vadd.s32 s0, v7  }
0x1f7: {  	vm1 =	vmand vm1, vm2;
	v6 =	vadd.s32 v3, v6  }
0x1f8: {  	v6 =	vnsel vm1, $0x7FFFFFFF, v6  }
0x1f9: {  	v7 =	vxor.u32 $0x80000000, v6  }
0x1fa: {  	(xrf1) =	vsort.ascd.msk.u32 $0xffff, v7, v6;
	_ =	sdelay $0xd  }
0x1fb: {  	v6, _, _ =	vpop (xrf1)  }
0x1fc: {  	v7 =	vshra.s32 v6, $0xE  }
0x1fd: {  	v8 =	vxor.u32 $0xFFFE0000, v7  }
0x1fe: {  	v9 =	vperm.xlane v8, v4;
	_ =	sdelay $0x1  }
0x1ff: {  	vm1 =	vne.s32 v8, v9  }
0x200: {  	vm2 =	vne.s32 v6, $0xFFFFFFFF;
	v8 =	vsub.s32 v8, v1;
	vm1 =	vmor vm1, vm0  }
0x201: {  	v7 =	vand.u32 $0x7F, v7;
	v8 =	vand.u32 $0xFFFFFF80, v8;
	vm1 =	vmand vm2, vm1  }
0x202: {  	v7 =	vor.u32 v7, v8;
	_ =	sdelay $0x3  }
0x203: {  	v6 =	vand.u32 $0x3FFF, v6  }
0x204: {  	[tilespmem:v7+s25+$0x0] =	vst.idx.msk vm1, v6  }
0x205: {  	_ =	swait.ge [sflag:s23], $0x8000  }
0x206: {  	[sflag:s23] =	ssyncset.done $0x0  }
0x207: {  	s12 =	rddreg [dreg:$0x18];
	[sflag:s23] =	ssyncadd.s32 $0xFFFF8000  }
0x208: {  	[hbm4b:s12+s4] =	stream.linear.scatter [tilespmem:s24], [sflag:$0x1], $0x8000, $0x38;
	[tilespmem:$0x1E000] =	vst v63  }
0x209: {  	_ =	swait.ge [sflag:s26], $0x8000  }
0x20a: {  	[sflag:s26] =	ssyncset.done $0x0  }
0x20b: {  	s0 =	simm.s32 $0x1200;
	s31 =	rddreg [dreg:$0x19];
	[sflag:s26] =	ssyncadd.s32 $0xFFFF8000  }
0x20c: {  	[tilespmem:s22], [sflag:$0x2] =	stream.linear.gather [hbm4b:s31+s4], $0x8000, $0x38;
	[tilespmem:$0x1E000] =	vst v63  }
0x20d: {  	s1 =	simm.s32 $0x1210;
	s2 =	simm.s32 $0x1200;
	v6 =	vld [tilespmem:s0+$0x0]  }
.LBB2_22:
0x20e: {  	p0 =	sne.s32 s1, $0x13F0;
	_ =	sdelay $0x3  }
0x20f: {  	v7 =	vshll.u32 v6, $0xE  }
0x210: {  	vm1 =	vge.s32 v6, v1;
	vm2 =	vlt.s32 v6, v0;
	v6 =	vadd.s32 s0, v7;
	s0 =	smov.u32 s1  }
0x211: {  	vm1 =	vmand vm1, vm2;
	v6 =	vadd.s32 v3, v6  }
0x212: {  	v6 =	vnsel vm1, $0x7FFFFFFF, v6  }
0x213: {  	v7 =	vxor.u32 $0x80000000, v6  }
0x214: {  	(xrf1) =	vsort.ascd.msk.u32 $0xffff, v7, v6;
	_ =	sdelay $0xd  }
0x215: {  	v6, _, _ =	vpop (xrf1)  }
0x216: {  	v7 =	vshra.s32 v6, $0xE  }
0x217: {  	v8 =	vxor.u32 $0xFFFE0000, v7  }
0x218: {  	v9 =	vperm.xlane v8, v4;
	_ =	sdelay $0x1  }
0x219: {  	vm1 =	vne.s32 v8, v9  }
0x21a: {  	vm2 =	vne.s32 v6, $0xFFFFFFFF;
	v8 =	vsub.s32 v8, v1;
	vm1 =	vmor vm1, vm0  }
0x21b: {  	v7 =	vand.u32 $0x7F, v7;
	v8 =	vand.u32 $0xFFFFFF80, v8;
	vm1 =	vmand vm2, vm1  }
0x21c: {  	v7 =	vor.u32 v7, v8;
	_ =	sdelay $0x1  }
.Ltmp12:
0x21d: {  	(pc) =	sbr.rel @p0 .LBB2_22-.Ltmp12, $4  }
0x21e: {  	_ = 	snop  }
0x21f: {  	v6 =	vand.u32 $0x3FFF, v6  }
0x220: {  	s2 =	sadd.s32 $0x10, s2;
	[tilespmem:v7+s25+$0x0] =	vst.idx.msk vm1, v6  }
0x221: {  	s1 =	sadd.s32 $0x10, s1;
	v6 =	vld [tilespmem:s2+$0x0]  }
0x222: {  	_ =	sdelay $0x3  }
0x223: {  	v7 =	vshll.u32 v6, $0xE  }
0x224: {  	vm1 =	vge.s32 v6, v1;
	vm2 =	vlt.s32 v6, v0;
	v6 =	vadd.s32 s0, v7  }
0x225: {  	vm1 =	vmand vm1, vm2;
	v6 =	vadd.s32 v3, v6  }
0x226: {  	v6 =	vnsel vm1, $0x7FFFFFFF, v6  }
0x227: {  	v7 =	vxor.u32 $0x80000000, v6  }
0x228: {  	(xrf1) =	vsort.ascd.msk.u32 $0xffff, v7, v6;
	_ =	sdelay $0xd  }
0x229: {  	v6, _, _ =	vpop (xrf1)  }
0x22a: {  	v7 =	vshra.s32 v6, $0xE  }
0x22b: {  	v8 =	vxor.u32 $0xFFFE0000, v7  }
0x22c: {  	v9 =	vperm.xlane v8, v4;
	_ =	sdelay $0x1  }
0x22d: {  	vm1 =	vne.s32 v8, v9  }
0x22e: {  	vm2 =	vne.s32 v6, $0xFFFFFFFF;
	v8 =	vsub.s32 v8, v1;
	vm1 =	vmor vm1, vm0  }
0x22f: {  	v7 =	vand.u32 $0x7F, v7;
	v8 =	vand.u32 $0xFFFFFF80, v8;
	vm1 =	vmand vm2, vm1  }
0x230: {  	v7 =	vor.u32 v7, v8;
	_ =	sdelay $0x3  }
0x231: {  	v6 =	vand.u32 $0x3FFF, v6  }
0x232: {  	[tilespmem:v7+s25+$0x0] =	vst.idx.msk vm1, v6  }
0x233: {  	_ =	swait.ge [sflag:s23], $0x8000  }
0x234: {  	[sflag:s23] =	ssyncset.done $0x0  }
0x235: {  	s12 =	rddreg [dreg:$0x1a];
	[sflag:s23] =	ssyncadd.s32 $0xFFFF8000  }
0x236: {  	[hbm4b:s12+s4] =	stream.linear.scatter [tilespmem:s22], [sflag:$0x1], $0x8000, $0x38;
	[tilespmem:$0x1E000] =	vst v63  }
0x237: {  	_ =	swait.ge [sflag:s26], $0x8000  }
0x238: {  	[sflag:s26] =	ssyncset.done $0x0  }
0x239: {  	s0 =	simm.s32 $0x1400;
	s31 =	rddreg [dreg:$0x1b];
	[sflag:s26] =	ssyncadd.s32 $0xFFFF8000  }
0x23a: {  	[tilespmem:s24], [sflag:$0x2] =	stream.linear.gather [hbm4b:s31+s4], $0x8000, $0x38;
	[tilespmem:$0x1E000] =	vst v63  }
0x23b: {  	s1 =	simm.s32 $0x1410;
	s2 =	simm.s32 $0x1400;
	v6 =	vld [tilespmem:s0+$0x0]  }
.LBB2_24:
0x23c: {  	p0 =	sne.s32 s1, $0x15F0;
	_ =	sdelay $0x3  }
0x23d: {  	v7 =	vshll.u32 v6, $0xE  }
0x23e: {  	vm1 =	vge.s32 v6, v1;
	vm2 =	vlt.s32 v6, v0;
	v6 =	vadd.s32 s0, v7;
	s0 =	smov.u32 s1  }
0x23f: {  	vm1 =	vmand vm1, vm2;
	v6 =	vadd.s32 v3, v6  }
0x240: {  	v6 =	vnsel vm1, $0x7FFFFFFF, v6  }
0x241: {  	v7 =	vxor.u32 $0x80000000, v6  }
0x242: {  	(xrf1) =	vsort.ascd.msk.u32 $0xffff, v7, v6;
	_ =	sdelay $0xd  }
0x243: {  	v6, _, _ =	vpop (xrf1)  }
0x244: {  	v7 =	vshra.s32 v6, $0xE  }
0x245: {  	v8 =	vxor.u32 $0xFFFE0000, v7  }
0x246: {  	v9 =	vperm.xlane v8, v4;
	_ =	sdelay $0x1  }
0x247: {  	vm1 =	vne.s32 v8, v9  }
0x248: {  	vm2 =	vne.s32 v6, $0xFFFFFFFF;
	v8 =	vsub.s32 v8, v1;
	vm1 =	vmor vm1, vm0  }
0x249: {  	v7 =	vand.u32 $0x7F, v7;
	v8 =	vand.u32 $0xFFFFFF80, v8;
	vm1 =	vmand vm2, vm1  }
0x24a: {  	v7 =	vor.u32 v7, v8;
	_ =	sdelay $0x1  }
.Ltmp13:
0x24b: {  	(pc) =	sbr.rel @p0 .LBB2_24-.Ltmp13, $4  }
0x24c: {  	_ = 	snop  }
0x24d: {  	v6 =	vand.u32 $0x3FFF, v6  }
0x24e: {  	s2 =	sadd.s32 $0x10, s2;
	[tilespmem:v7+s25+$0x0] =	vst.idx.msk vm1, v6  }
0x24f: {  	s1 =	sadd.s32 $0x10, s1;
	v6 =	vld [tilespmem:s2+$0x0]  }
0x250: {  	_ =	sdelay $0x3  }
0x251: {  	v7 =	vshll.u32 v6, $0xE  }
0x252: {  	vm1 =	vge.s32 v6, v1;
	vm2 =	vlt.s32 v6, v0;
	v6 =	vadd.s32 s0, v7  }
0x253: {  	vm1 =	vmand vm1, vm2;
	v6 =	vadd.s32 v3, v6  }
0x254: {  	v6 =	vnsel vm1, $0x7FFFFFFF, v6  }
0x255: {  	v7 =	vxor.u32 $0x80000000, v6  }
0x256: {  	(xrf1) =	vsort.ascd.msk.u32 $0xffff, v7, v6;
	_ =	sdelay $0xd  }
0x257: {  	v6, _, _ =	vpop (xrf1)  }
0x258: {  	v7 =	vshra.s32 v6, $0xE  }
0x259: {  	v8 =	vxor.u32 $0xFFFE0000, v7  }
0x25a: {  	v9 =	vperm.xlane v8, v4;
	_ =	sdelay $0x1  }
0x25b: {  	vm1 =	vne.s32 v8, v9  }
0x25c: {  	vm2 =	vne.s32 v6, $0xFFFFFFFF;
	v8 =	vsub.s32 v8, v1;
	vm1 =	vmor vm1, vm0  }
0x25d: {  	v7 =	vand.u32 $0x7F, v7;
	v8 =	vand.u32 $0xFFFFFF80, v8;
	vm1 =	vmand vm2, vm1  }
0x25e: {  	v7 =	vor.u32 v7, v8;
	_ =	sdelay $0x3  }
0x25f: {  	v6 =	vand.u32 $0x3FFF, v6  }
0x260: {  	[tilespmem:v7+s25+$0x0] =	vst.idx.msk vm1, v6  }
0x261: {  	_ =	swait.ge [sflag:s23], $0x8000  }
0x262: {  	[sflag:s23] =	ssyncset.done $0x0  }
0x263: {  	s12 =	rddreg [dreg:$0x1c];
	[sflag:s23] =	ssyncadd.s32 $0xFFFF8000  }
0x264: {  	[hbm4b:s12+s4] =	stream.linear.scatter [tilespmem:s24], [sflag:$0x1], $0x8000, $0x38;
	[tilespmem:$0x1E000] =	vst v63  }
0x265: {  	_ =	swait.ge [sflag:s26], $0x8000  }
0x266: {  	[sflag:s26] =	ssyncset.done $0x0  }
0x267: {  	s0 =	simm.s32 $0x1600;
	s31 =	rddreg [dreg:$0x1d];
	[sflag:s26] =	ssyncadd.s32 $0xFFFF8000  }
0x268: {  	[tilespmem:s22], [sflag:$0x2] =	stream.linear.gather [hbm4b:s31+s4], $0x8000, $0x38;
	[tilespmem:$0x1E000] =	vst v63  }
0x269: {  	s1 =	simm.s32 $0x1610;
	s2 =	simm.s32 $0x1600;
	v6 =	vld [tilespmem:s0+$0x0]  }
.LBB2_26:
0x26a: {  	p0 =	sne.s32 s1, $0x17F0;
	_ =	sdelay $0x3  }
0x26b: {  	v7 =	vshll.u32 v6, $0xE  }
0x26c: {  	vm1 =	vge.s32 v6, v1;
	vm2 =	vlt.s32 v6, v0;
	v6 =	vadd.s32 s0, v7;
	s0 =	smov.u32 s1  }
0x26d: {  	vm1 =	vmand vm1, vm2;
	v6 =	vadd.s32 v3, v6  }
0x26e: {  	v6 =	vnsel vm1, $0x7FFFFFFF, v6  }
0x26f: {  	v7 =	vxor.u32 $0x80000000, v6  }
0x270: {  	(xrf1) =	vsort.ascd.msk.u32 $0xffff, v7, v6;
	_ =	sdelay $0xd  }
0x271: {  	v6, _, _ =	vpop (xrf1)  }
0x272: {  	v7 =	vshra.s32 v6, $0xE  }
0x273: {  	v8 =	vxor.u32 $0xFFFE0000, v7  }
0x274: {  	v9 =	vperm.xlane v8, v4;
	_ =	sdelay $0x1  }
0x275: {  	vm1 =	vne.s32 v8, v9  }
0x276: {  	vm2 =	vne.s32 v6, $0xFFFFFFFF;
	v8 =	vsub.s32 v8, v1;
	vm1 =	vmor vm1, vm0  }
0x277: {  	v7 =	vand.u32 $0x7F, v7;
	v8 =	vand.u32 $0xFFFFFF80, v8;
	vm1 =	vmand vm2, vm1  }
0x278: {  	v7 =	vor.u32 v7, v8;
	_ =	sdelay $0x1  }
.Ltmp14:
0x279: {  	(pc) =	sbr.rel @p0 .LBB2_26-.Ltmp14, $4  }
0x27a: {  	_ = 	snop  }
0x27b: {  	v6 =	vand.u32 $0x3FFF, v6  }
0x27c: {  	s2 =	sadd.s32 $0x10, s2;
	[tilespmem:v7+s25+$0x0] =	vst.idx.msk vm1, v6  }
0x27d: {  	s1 =	sadd.s32 $0x10, s1;
	v6 =	vld [tilespmem:s2+$0x0]  }
0x27e: {  	_ =	sdelay $0x3  }
0x27f: {  	v7 =	vshll.u32 v6, $0xE  }
0x280: {  	vm1 =	vge.s32 v6, v1;
	vm2 =	vlt.s32 v6, v0;
	v6 =	vadd.s32 s0, v7  }
0x281: {  	vm1 =	vmand vm1, vm2;
	v6 =	vadd.s32 v3, v6  }
0x282: {  	v6 =	vnsel vm1, $0x7FFFFFFF, v6  }
0x283: {  	v7 =	vxor.u32 $0x80000000, v6  }
0x284: {  	(xrf1) =	vsort.ascd.msk.u32 $0xffff, v7, v6;
	_ =	sdelay $0xd  }
0x285: {  	v6, _, _ =	vpop (xrf1)  }
0x286: {  	v7 =	vshra.s32 v6, $0xE  }
0x287: {  	v8 =	vxor.u32 $0xFFFE0000, v7  }
0x288: {  	v9 =	vperm.xlane v8, v4;
	_ =	sdelay $0x1  }
0x289: {  	vm1 =	vne.s32 v8, v9  }
0x28a: {  	vm2 =	vne.s32 v6, $0xFFFFFFFF;
	v8 =	vsub.s32 v8, v1;
	vm1 =	vmor vm1, vm0  }
0x28b: {  	v7 =	vand.u32 $0x7F, v7;
	v8 =	vand.u32 $0xFFFFFF80, v8;
	vm1 =	vmand vm2, vm1  }
0x28c: {  	v7 =	vor.u32 v7, v8;
	_ =	sdelay $0x3  }
0x28d: {  	v6 =	vand.u32 $0x3FFF, v6  }
0x28e: {  	[tilespmem:v7+s25+$0x0] =	vst.idx.msk vm1, v6  }
0x28f: {  	_ =	swait.ge [sflag:s23], $0x8000  }
0x290: {  	[sflag:s23] =	ssyncset.done $0x0  }
0x291: {  	s12 =	rddreg [dreg:$0x1e];
	[sflag:s23] =	ssyncadd.s32 $0xFFFF8000  }
0x292: {  	[hbm4b:s12+s4] =	stream.linear.scatter [tilespmem:s22], [sflag:$0x1], $0x8000, $0x38;
	[tilespmem:$0x1E000] =	vst v63  }
0x293: {  	_ =	swait.ge [sflag:s26], $0x8000  }
0x294: {  	[sflag:s26] =	ssyncset.done $0x0  }
0x295: {  	s0 =	simm.s32 $0x1800;
	s31 =	rddreg [dreg:$0x1f];
	[sflag:s26] =	ssyncadd.s32 $0xFFFF8000  }
0x296: {  	[tilespmem:s24], [sflag:$0x2] =	stream.linear.gather [hbm4b:s31+s4], $0x8000, $0x38;
	[tilespmem:$0x1E000] =	vst v63  }
0x297: {  	s1 =	simm.s32 $0x1810;
	s2 =	simm.s32 $0x1800;
	v6 =	vld [tilespmem:s0+$0x0]  }
.LBB2_28:
0x298: {  	p0 =	sne.s32 s1, $0x19F0;
	_ =	sdelay $0x3  }
0x299: {  	v7 =	vshll.u32 v6, $0xE  }
0x29a: {  	vm1 =	vge.s32 v6, v1;
	vm2 =	vlt.s32 v6, v0;
	v6 =	vadd.s32 s0, v7;
	s0 =	smov.u32 s1  }
0x29b: {  	vm1 =	vmand vm1, vm2;
	v6 =	vadd.s32 v3, v6  }
0x29c: {  	v6 =	vnsel vm1, $0x7FFFFFFF, v6  }
0x29d: {  	v7 =	vxor.u32 $0x80000000, v6  }
0x29e: {  	(xrf1) =	vsort.ascd.msk.u32 $0xffff, v7, v6;
	_ =	sdelay $0xd  }
0x29f: {  	v6, _, _ =	vpop (xrf1)  }
0x2a0: {  	v7 =	vshra.s32 v6, $0xE  }
0x2a1: {  	v8 =	vxor.u32 $0xFFFE0000, v7  }
0x2a2: {  	v9 =	vperm.xlane v8, v4;
	_ =	sdelay $0x1  }
0x2a3: {  	vm1 =	vne.s32 v8, v9  }
0x2a4: {  	vm2 =	vne.s32 v6, $0xFFFFFFFF;
	v8 =	vsub.s32 v8, v1;
	vm1 =	vmor vm1, vm0  }
0x2a5: {  	v7 =	vand.u32 $0x7F, v7;
	v8 =	vand.u32 $0xFFFFFF80, v8;
	vm1 =	vmand vm2, vm1  }
0x2a6: {  	v7 =	vor.u32 v7, v8;
	_ =	sdelay $0x1  }
.Ltmp15:
0x2a7: {  	(pc) =	sbr.rel @p0 .LBB2_28-.Ltmp15, $4  }
0x2a8: {  	_ = 	snop  }
0x2a9: {  	v6 =	vand.u32 $0x3FFF, v6  }
0x2aa: {  	s2 =	sadd.s32 $0x10, s2;
	[tilespmem:v7+s25+$0x0] =	vst.idx.msk vm1, v6  }
0x2ab: {  	s1 =	sadd.s32 $0x10, s1;
	v6 =	vld [tilespmem:s2+$0x0]  }
0x2ac: {  	_ =	sdelay $0x3  }
0x2ad: {  	v7 =	vshll.u32 v6, $0xE  }
0x2ae: {  	vm1 =	vge.s32 v6, v1;
	vm2 =	vlt.s32 v6, v0;
	v6 =	vadd.s32 s0, v7  }
0x2af: {  	vm1 =	vmand vm1, vm2;
	v6 =	vadd.s32 v3, v6  }
0x2b0: {  	v6 =	vnsel vm1, $0x7FFFFFFF, v6  }
0x2b1: {  	v7 =	vxor.u32 $0x80000000, v6  }
0x2b2: {  	(xrf1) =	vsort.ascd.msk.u32 $0xffff, v7, v6;
	_ =	sdelay $0xd  }
0x2b3: {  	v6, _, _ =	vpop (xrf1)  }
0x2b4: {  	v7 =	vshra.s32 v6, $0xE  }
0x2b5: {  	v8 =	vxor.u32 $0xFFFE0000, v7  }
0x2b6: {  	v9 =	vperm.xlane v8, v4;
	_ =	sdelay $0x1  }
0x2b7: {  	vm1 =	vne.s32 v8, v9  }
0x2b8: {  	vm2 =	vne.s32 v6, $0xFFFFFFFF;
	v8 =	vsub.s32 v8, v1;
	vm1 =	vmor vm1, vm0  }
0x2b9: {  	v7 =	vand.u32 $0x7F, v7;
	v8 =	vand.u32 $0xFFFFFF80, v8;
	vm1 =	vmand vm2, vm1  }
0x2ba: {  	v7 =	vor.u32 v7, v8;
	_ =	sdelay $0x3  }
0x2bb: {  	v6 =	vand.u32 $0x3FFF, v6  }
0x2bc: {  	[tilespmem:v7+s25+$0x0] =	vst.idx.msk vm1, v6  }
0x2bd: {  	_ =	swait.ge [sflag:s23], $0x8000  }
0x2be: {  	s12 =	sld [smem:$0x7D9]  }
0x2bf: {  	[sflag:s23] =	ssyncset.done $0x0  }
0x2c0: {  	[sflag:s23] =	ssyncadd.s32 $0xFFFF8000  }
0x2c1: {  	[hbm4b:s12+s4] =	stream.linear.scatter [tilespmem:s24], [sflag:$0x1], $0x8000, $0x38;
	[tilespmem:$0x1E000] =	vst v63  }
0x2c2: {  	_ =	swait.ge [sflag:s26], $0x8000  }
0x2c3: {  	s31 =	sld [smem:$0x7DA]  }
0x2c4: {  	[sflag:s26] =	ssyncset.done $0x0  }
0x2c5: {  	s0 =	simm.s32 $0x1A00;
	[sflag:s26] =	ssyncadd.s32 $0xFFFF8000  }
0x2c6: {  	[tilespmem:s22], [sflag:$0x2] =	stream.linear.gather [hbm4b:s31+s4], $0x8000, $0x38;
	[tilespmem:$0x1E000] =	vst v63  }
0x2c7: {  	s1 =	simm.s32 $0x1A10;
	s2 =	simm.s32 $0x1A00;
	v6 =	vld [tilespmem:s0+$0x0]  }
.LBB2_30:
0x2c8: {  	p0 =	sne.s32 s1, $0x1BF0;
	_ =	sdelay $0x3  }
0x2c9: {  	v7 =	vshll.u32 v6, $0xE  }
0x2ca: {  	vm1 =	vge.s32 v6, v1;
	vm2 =	vlt.s32 v6, v0;
	v6 =	vadd.s32 s0, v7;
	s0 =	smov.u32 s1  }
0x2cb: {  	vm1 =	vmand vm1, vm2;
	v6 =	vadd.s32 v3, v6  }
0x2cc: {  	v6 =	vnsel vm1, $0x7FFFFFFF, v6  }
0x2cd: {  	v7 =	vxor.u32 $0x80000000, v6  }
0x2ce: {  	(xrf1) =	vsort.ascd.msk.u32 $0xffff, v7, v6;
	_ =	sdelay $0xd  }
0x2cf: {  	v6, _, _ =	vpop (xrf1)  }
0x2d0: {  	v7 =	vshra.s32 v6, $0xE  }
0x2d1: {  	v8 =	vxor.u32 $0xFFFE0000, v7  }
0x2d2: {  	v9 =	vperm.xlane v8, v4;
	_ =	sdelay $0x1  }
0x2d3: {  	vm1 =	vne.s32 v8, v9  }
0x2d4: {  	vm2 =	vne.s32 v6, $0xFFFFFFFF;
	v8 =	vsub.s32 v8, v1;
	vm1 =	vmor vm1, vm0  }
0x2d5: {  	v7 =	vand.u32 $0x7F, v7;
	v8 =	vand.u32 $0xFFFFFF80, v8;
	vm1 =	vmand vm2, vm1  }
0x2d6: {  	v7 =	vor.u32 v7, v8;
	_ =	sdelay $0x1  }
.Ltmp16:
0x2d7: {  	(pc) =	sbr.rel @p0 .LBB2_30-.Ltmp16, $4  }
0x2d8: {  	_ = 	snop  }
0x2d9: {  	v6 =	vand.u32 $0x3FFF, v6  }
0x2da: {  	s2 =	sadd.s32 $0x10, s2;
	[tilespmem:v7+s25+$0x0] =	vst.idx.msk vm1, v6  }
0x2db: {  	s1 =	sadd.s32 $0x10, s1;
	v6 =	vld [tilespmem:s2+$0x0]  }
0x2dc: {  	_ =	sdelay $0x3  }
0x2dd: {  	v7 =	vshll.u32 v6, $0xE  }
0x2de: {  	vm1 =	vge.s32 v6, v1;
	vm2 =	vlt.s32 v6, v0;
	v6 =	vadd.s32 s0, v7  }
0x2df: {  	vm1 =	vmand vm1, vm2;
	v6 =	vadd.s32 v3, v6  }
0x2e0: {  	v6 =	vnsel vm1, $0x7FFFFFFF, v6  }
0x2e1: {  	v7 =	vxor.u32 $0x80000000, v6  }
0x2e2: {  	(xrf1) =	vsort.ascd.msk.u32 $0xffff, v7, v6;
	_ =	sdelay $0xd  }
0x2e3: {  	v6, _, _ =	vpop (xrf1)  }
0x2e4: {  	v7 =	vshra.s32 v6, $0xE  }
0x2e5: {  	v8 =	vxor.u32 $0xFFFE0000, v7  }
0x2e6: {  	v9 =	vperm.xlane v8, v4;
	_ =	sdelay $0x1  }
0x2e7: {  	vm1 =	vne.s32 v8, v9  }
0x2e8: {  	vm2 =	vne.s32 v6, $0xFFFFFFFF;
	v8 =	vsub.s32 v8, v1;
	vm1 =	vmor vm1, vm0  }
0x2e9: {  	v7 =	vand.u32 $0x7F, v7;
	v8 =	vand.u32 $0xFFFFFF80, v8;
	vm1 =	vmand vm2, vm1  }
0x2ea: {  	v7 =	vor.u32 v7, v8;
	_ =	sdelay $0x3  }
0x2eb: {  	v6 =	vand.u32 $0x3FFF, v6  }
0x2ec: {  	[tilespmem:v7+s25+$0x0] =	vst.idx.msk vm1, v6  }
0x2ed: {  	_ =	swait.ge [sflag:s23], $0x8000  }
0x2ee: {  	s12 =	sld [smem:$0x7DB]  }
0x2ef: {  	[sflag:s23] =	ssyncset.done $0x0  }
0x2f0: {  	[sflag:s23] =	ssyncadd.s32 $0xFFFF8000  }
0x2f1: {  	[hbm4b:s12+s4] =	stream.linear.scatter [tilespmem:s22], [sflag:$0x1], $0x8000, $0x38;
	[tilespmem:$0x1E000] =	vst v63  }
0x2f2: {  	_ =	swait.ge [sflag:s26], $0x8000  }
0x2f3: {  	s31 =	sld [smem:$0x7DC]  }
0x2f4: {  	[sflag:s26] =	ssyncset.done $0x0  }
0x2f5: {  	s0 =	simm.s32 $0x1C00;
	[sflag:s26] =	ssyncadd.s32 $0xFFFF8000  }
0x2f6: {  	[tilespmem:s24], [sflag:$0x2] =	stream.linear.gather [hbm4b:s31+s4], $0x8000, $0x38;
	[tilespmem:$0x1E000] =	vst v63  }
0x2f7: {  	s1 =	simm.s32 $0x1C10;
	s2 =	simm.s32 $0x1C00;
	v6 =	vld [tilespmem:s0+$0x0]  }
.LBB2_32:
0x2f8: {  	p0 =	sne.s32 s1, $0x1DF0;
	_ =	sdelay $0x3  }
0x2f9: {  	v7 =	vshll.u32 v6, $0xE  }
0x2fa: {  	vm1 =	vge.s32 v6, v1;
	vm2 =	vlt.s32 v6, v0;
	v6 =	vadd.s32 s0, v7;
	s0 =	smov.u32 s1  }
0x2fb: {  	vm1 =	vmand vm1, vm2;
	v6 =	vadd.s32 v3, v6  }
0x2fc: {  	v6 =	vnsel vm1, $0x7FFFFFFF, v6  }
0x2fd: {  	v7 =	vxor.u32 $0x80000000, v6  }
0x2fe: {  	(xrf1) =	vsort.ascd.msk.u32 $0xffff, v7, v6;
	_ =	sdelay $0xd  }
0x2ff: {  	v6, _, _ =	vpop (xrf1)  }
0x300: {  	v7 =	vshra.s32 v6, $0xE  }
0x301: {  	v8 =	vxor.u32 $0xFFFE0000, v7  }
0x302: {  	v9 =	vperm.xlane v8, v4;
	_ =	sdelay $0x1  }
0x303: {  	vm1 =	vne.s32 v8, v9  }
0x304: {  	vm2 =	vne.s32 v6, $0xFFFFFFFF;
	v8 =	vsub.s32 v8, v1;
	vm1 =	vmor vm1, vm0  }
0x305: {  	v7 =	vand.u32 $0x7F, v7;
	v8 =	vand.u32 $0xFFFFFF80, v8;
	vm1 =	vmand vm2, vm1  }
0x306: {  	v7 =	vor.u32 v7, v8;
	_ =	sdelay $0x1  }
.Ltmp17:
0x307: {  	(pc) =	sbr.rel @p0 .LBB2_32-.Ltmp17, $4  }
0x308: {  	_ = 	snop  }
0x309: {  	v6 =	vand.u32 $0x3FFF, v6  }
0x30a: {  	s2 =	sadd.s32 $0x10, s2;
	[tilespmem:v7+s25+$0x0] =	vst.idx.msk vm1, v6  }
0x30b: {  	s1 =	sadd.s32 $0x10, s1;
	v6 =	vld [tilespmem:s2+$0x0]  }
0x30c: {  	_ =	sdelay $0x3  }
0x30d: {  	v7 =	vshll.u32 v6, $0xE  }
0x30e: {  	vm1 =	vge.s32 v6, v1;
	vm2 =	vlt.s32 v6, v0;
	v6 =	vadd.s32 s0, v7  }
0x30f: {  	vm1 =	vmand vm1, vm2;
	v6 =	vadd.s32 v3, v6  }
0x310: {  	v6 =	vnsel vm1, $0x7FFFFFFF, v6  }
0x311: {  	v7 =	vxor.u32 $0x80000000, v6  }
0x312: {  	(xrf1) =	vsort.ascd.msk.u32 $0xffff, v7, v6;
	_ =	sdelay $0xd  }
0x313: {  	v6, _, _ =	vpop (xrf1)  }
0x314: {  	v7 =	vshra.s32 v6, $0xE  }
0x315: {  	v8 =	vxor.u32 $0xFFFE0000, v7  }
0x316: {  	v9 =	vperm.xlane v8, v4;
	_ =	sdelay $0x1  }
0x317: {  	vm1 =	vne.s32 v8, v9  }
0x318: {  	vm2 =	vne.s32 v6, $0xFFFFFFFF;
	v8 =	vsub.s32 v8, v1;
	vm1 =	vmor vm1, vm0  }
0x319: {  	v7 =	vand.u32 $0x7F, v7;
	v8 =	vand.u32 $0xFFFFFF80, v8;
	vm1 =	vmand vm2, vm1  }
0x31a: {  	v7 =	vor.u32 v7, v8;
	_ =	sdelay $0x3  }
0x31b: {  	v6 =	vand.u32 $0x3FFF, v6  }
0x31c: {  	[tilespmem:v7+s25+$0x0] =	vst.idx.msk vm1, v6  }
0x31d: {  	_ =	swait.ge [sflag:s23], $0x8000  }
0x31e: {  	s12 =	sld [smem:$0x7DD]  }
0x31f: {  	[sflag:s23] =	ssyncset.done $0x0  }
0x320: {  	[sflag:s23] =	ssyncadd.s32 $0xFFFF8000  }
0x321: {  	[hbm4b:s12+s4] =	stream.linear.scatter [tilespmem:s24], [sflag:$0x1], $0x8000, $0x38;
	[tilespmem:$0x1E000] =	vst v63  }
0x322: {  	_ =	swait.ge [sflag:s26], $0x8000  }
0x323: {  	s31 =	sld [smem:$0x7DE]  }
0x324: {  	[sflag:s26] =	ssyncset.done $0x0  }
0x325: {  	s0 =	simm.s32 $0x1E00;
	[sflag:s26] =	ssyncadd.s32 $0xFFFF8000  }
0x326: {  	[tilespmem:s22], [sflag:$0x2] =	stream.linear.gather [hbm4b:s31+s4], $0x8000, $0x38;
	[tilespmem:$0x1E000] =	vst v63  }
0x327: {  	s1 =	simm.s32 $0x1E10;
	s2 =	simm.s32 $0x1E00;
	v6 =	vld [tilespmem:s0+$0x0]  }
.LBB2_34:
0x328: {  	p0 =	sne.s32 s1, $0x1FF0;
	_ =	sdelay $0x3  }
0x329: {  	v7 =	vshll.u32 v6, $0xE  }
0x32a: {  	vm1 =	vge.s32 v6, v1;
	vm2 =	vlt.s32 v6, v0;
	v6 =	vadd.s32 s0, v7;
	s0 =	smov.u32 s1  }
0x32b: {  	vm1 =	vmand vm1, vm2;
	v6 =	vadd.s32 v3, v6  }
0x32c: {  	v6 =	vnsel vm1, $0x7FFFFFFF, v6  }
0x32d: {  	v7 =	vxor.u32 $0x80000000, v6  }
0x32e: {  	(xrf1) =	vsort.ascd.msk.u32 $0xffff, v7, v6;
	_ =	sdelay $0xd  }
0x32f: {  	v6, _, _ =	vpop (xrf1)  }
0x330: {  	v7 =	vshra.s32 v6, $0xE  }
0x331: {  	v8 =	vxor.u32 $0xFFFE0000, v7  }
0x332: {  	v9 =	vperm.xlane v8, v4;
	_ =	sdelay $0x1  }
0x333: {  	vm1 =	vne.s32 v8, v9  }
0x334: {  	vm2 =	vne.s32 v6, $0xFFFFFFFF;
	v8 =	vsub.s32 v8, v1;
	vm1 =	vmor vm1, vm0  }
0x335: {  	v7 =	vand.u32 $0x7F, v7;
	v8 =	vand.u32 $0xFFFFFF80, v8;
	vm1 =	vmand vm2, vm1  }
0x336: {  	v7 =	vor.u32 v7, v8;
	_ =	sdelay $0x1  }
.Ltmp18:
0x337: {  	(pc) =	sbr.rel @p0 .LBB2_34-.Ltmp18, $4  }
0x338: {  	_ = 	snop  }
0x339: {  	v6 =	vand.u32 $0x3FFF, v6  }
0x33a: {  	s2 =	sadd.s32 $0x10, s2;
	[tilespmem:v7+s25+$0x0] =	vst.idx.msk vm1, v6  }
0x33b: {  	s1 =	sadd.s32 $0x10, s1;
	v6 =	vld [tilespmem:s2+$0x0]  }
0x33c: {  	_ =	sdelay $0x3  }
0x33d: {  	v7 =	vshll.u32 v6, $0xE  }
0x33e: {  	vm1 =	vge.s32 v6, v1;
	vm2 =	vlt.s32 v6, v0;
	v6 =	vadd.s32 s0, v7  }
0x33f: {  	vm1 =	vmand vm1, vm2;
	v6 =	vadd.s32 v3, v6  }
0x340: {  	v6 =	vnsel vm1, $0x7FFFFFFF, v6  }
0x341: {  	v7 =	vxor.u32 $0x80000000, v6  }
0x342: {  	(xrf1) =	vsort.ascd.msk.u32 $0xffff, v7, v6;
	_ =	sdelay $0xd  }
0x343: {  	v6, _, _ =	vpop (xrf1)  }
0x344: {  	v7 =	vshra.s32 v6, $0xE  }
0x345: {  	v8 =	vxor.u32 $0xFFFE0000, v7  }
0x346: {  	v9 =	vperm.xlane v8, v4;
	_ =	sdelay $0x1  }
0x347: {  	vm1 =	vne.s32 v8, v9  }
0x348: {  	vm2 =	vne.s32 v6, $0xFFFFFFFF;
	v8 =	vsub.s32 v8, v1;
	vm1 =	vmor vm1, vm0  }
0x349: {  	v7 =	vand.u32 $0x7F, v7;
	v8 =	vand.u32 $0xFFFFFF80, v8;
	vm1 =	vmand vm2, vm1  }
0x34a: {  	v7 =	vor.u32 v7, v8;
	_ =	sdelay $0x3  }
0x34b: {  	v6 =	vand.u32 $0x3FFF, v6  }
0x34c: {  	[tilespmem:v7+s25+$0x0] =	vst.idx.msk vm1, v6  }
0x34d: {  	_ =	swait.ge [sflag:s23], $0x8000  }
0x34e: {  	s12 =	sld [smem:$0x7DF]  }
0x34f: {  	[sflag:s23] =	ssyncset.done $0x0  }
0x350: {  	[sflag:s23] =	ssyncadd.s32 $0xFFFF8000  }
0x351: {  	[hbm4b:s12+s4] =	stream.linear.scatter [tilespmem:s22], [sflag:$0x1], $0x8000, $0x38;
	[tilespmem:$0x1E000] =	vst v63  }
0x352: {  	_ =	swait.ge [sflag:s26], $0x8000  }
0x353: {  	s31 =	sld [smem:$0x7E0]  }
0x354: {  	[sflag:s26] =	ssyncset.done $0x0  }
0x355: {  	s0 =	simm.s32 $0x2000;
	[sflag:s26] =	ssyncadd.s32 $0xFFFF8000  }
0x356: {  	[tilespmem:s24], [sflag:$0x2] =	stream.linear.gather [hbm4b:s31+s4], $0x8000, $0x38;
	[tilespmem:$0x1E000] =	vst v63  }
0x357: {  	s1 =	simm.s32 $0x2010;
	s2 =	simm.s32 $0x2000;
	v6 =	vld [tilespmem:s0+$0x0]  }
.LBB2_36:
0x358: {  	p0 =	sne.s32 s1, $0x21F0;
	_ =	sdelay $0x3  }
0x359: {  	v7 =	vshll.u32 v6, $0xE  }
0x35a: {  	vm1 =	vge.s32 v6, v1;
	vm2 =	vlt.s32 v6, v0;
	v6 =	vadd.s32 s0, v7;
	s0 =	smov.u32 s1  }
0x35b: {  	vm1 =	vmand vm1, vm2;
	v6 =	vadd.s32 v3, v6  }
0x35c: {  	v6 =	vnsel vm1, $0x7FFFFFFF, v6  }
0x35d: {  	v7 =	vxor.u32 $0x80000000, v6  }
0x35e: {  	(xrf1) =	vsort.ascd.msk.u32 $0xffff, v7, v6;
	_ =	sdelay $0xd  }
0x35f: {  	v6, _, _ =	vpop (xrf1)  }
0x360: {  	v7 =	vshra.s32 v6, $0xE  }
0x361: {  	v8 =	vxor.u32 $0xFFFE0000, v7  }
0x362: {  	v9 =	vperm.xlane v8, v4;
	_ =	sdelay $0x1  }
0x363: {  	vm1 =	vne.s32 v8, v9  }
0x364: {  	vm2 =	vne.s32 v6, $0xFFFFFFFF;
	v8 =	vsub.s32 v8, v1;
	vm1 =	vmor vm1, vm0  }
0x365: {  	v7 =	vand.u32 $0x7F, v7;
	v8 =	vand.u32 $0xFFFFFF80, v8;
	vm1 =	vmand vm2, vm1  }
0x366: {  	v7 =	vor.u32 v7, v8;
	_ =	sdelay $0x1  }
.Ltmp19:
0x367: {  	(pc) =	sbr.rel @p0 .LBB2_36-.Ltmp19, $4  }
0x368: {  	_ = 	snop  }
0x369: {  	v6 =	vand.u32 $0x3FFF, v6  }
0x36a: {  	s2 =	sadd.s32 $0x10, s2;
	[tilespmem:v7+s25+$0x0] =	vst.idx.msk vm1, v6  }
0x36b: {  	s1 =	sadd.s32 $0x10, s1;
	v6 =	vld [tilespmem:s2+$0x0]  }
0x36c: {  	_ =	sdelay $0x3  }
0x36d: {  	v7 =	vshll.u32 v6, $0xE  }
0x36e: {  	vm1 =	vge.s32 v6, v1;
	vm2 =	vlt.s32 v6, v0;
	v6 =	vadd.s32 s0, v7  }
0x36f: {  	vm1 =	vmand vm1, vm2;
	v6 =	vadd.s32 v3, v6  }
0x370: {  	v6 =	vnsel vm1, $0x7FFFFFFF, v6  }
0x371: {  	v7 =	vxor.u32 $0x80000000, v6  }
0x372: {  	(xrf1) =	vsort.ascd.msk.u32 $0xffff, v7, v6;
	_ =	sdelay $0xd  }
0x373: {  	v6, _, _ =	vpop (xrf1)  }
0x374: {  	v7 =	vshra.s32 v6, $0xE  }
0x375: {  	v8 =	vxor.u32 $0xFFFE0000, v7  }
0x376: {  	v9 =	vperm.xlane v8, v4;
	_ =	sdelay $0x1  }
0x377: {  	vm1 =	vne.s32 v8, v9  }
0x378: {  	vm2 =	vne.s32 v6, $0xFFFFFFFF;
	v8 =	vsub.s32 v8, v1;
	vm1 =	vmor vm1, vm0  }
0x379: {  	v7 =	vand.u32 $0x7F, v7;
	v8 =	vand.u32 $0xFFFFFF80, v8;
	vm1 =	vmand vm2, vm1  }
0x37a: {  	v7 =	vor.u32 v7, v8;
	_ =	sdelay $0x3  }
0x37b: {  	v6 =	vand.u32 $0x3FFF, v6  }
0x37c: {  	[tilespmem:v7+s25+$0x0] =	vst.idx.msk vm1, v6  }
0x37d: {  	_ =	swait.ge [sflag:s23], $0x8000  }
0x37e: {  	s12 =	sld [smem:$0x7E1]  }
0x37f: {  	[sflag:s23] =	ssyncset.done $0x0  }
0x380: {  	[sflag:s23] =	ssyncadd.s32 $0xFFFF8000  }
0x381: {  	[hbm4b:s12+s4] =	stream.linear.scatter [tilespmem:s24], [sflag:$0x1], $0x8000, $0x38;
	[tilespmem:$0x1E000] =	vst v63  }
0x382: {  	_ =	swait.ge [sflag:s26], $0x8000  }
0x383: {  	s31 =	sld [smem:$0x7E2]  }
0x384: {  	[sflag:s26] =	ssyncset.done $0x0  }
0x385: {  	s0 =	simm.s32 $0x2200;
	[sflag:s26] =	ssyncadd.s32 $0xFFFF8000  }
0x386: {  	[tilespmem:s22], [sflag:$0x2] =	stream.linear.gather [hbm4b:s31+s4], $0x8000, $0x38;
	[tilespmem:$0x1E000] =	vst v63  }
0x387: {  	s1 =	simm.s32 $0x2210;
	s2 =	simm.s32 $0x2200;
	v6 =	vld [tilespmem:s0+$0x0]  }
.LBB2_38:
0x388: {  	p0 =	sne.s32 s1, $0x23F0;
	_ =	sdelay $0x3  }
0x389: {  	v7 =	vshll.u32 v6, $0xE  }
0x38a: {  	vm1 =	vge.s32 v6, v1;
	vm2 =	vlt.s32 v6, v0;
	v6 =	vadd.s32 s0, v7;
	s0 =	smov.u32 s1  }
0x38b: {  	vm1 =	vmand vm1, vm2;
	v6 =	vadd.s32 v3, v6  }
0x38c: {  	v6 =	vnsel vm1, $0x7FFFFFFF, v6  }
0x38d: {  	v7 =	vxor.u32 $0x80000000, v6  }
0x38e: {  	(xrf1) =	vsort.ascd.msk.u32 $0xffff, v7, v6;
	_ =	sdelay $0xd  }
0x38f: {  	v6, _, _ =	vpop (xrf1)  }
0x390: {  	v7 =	vshra.s32 v6, $0xE  }
0x391: {  	v8 =	vxor.u32 $0xFFFE0000, v7  }
0x392: {  	v9 =	vperm.xlane v8, v4;
	_ =	sdelay $0x1  }
0x393: {  	vm1 =	vne.s32 v8, v9  }
0x394: {  	vm2 =	vne.s32 v6, $0xFFFFFFFF;
	v8 =	vsub.s32 v8, v1;
	vm1 =	vmor vm1, vm0  }
0x395: {  	v7 =	vand.u32 $0x7F, v7;
	v8 =	vand.u32 $0xFFFFFF80, v8;
	vm1 =	vmand vm2, vm1  }
0x396: {  	v7 =	vor.u32 v7, v8;
	_ =	sdelay $0x1  }
.Ltmp20:
0x397: {  	(pc) =	sbr.rel @p0 .LBB2_38-.Ltmp20, $4  }
0x398: {  	_ = 	snop  }
0x399: {  	v6 =	vand.u32 $0x3FFF, v6  }
0x39a: {  	s2 =	sadd.s32 $0x10, s2;
	[tilespmem:v7+s25+$0x0] =	vst.idx.msk vm1, v6  }
0x39b: {  	s1 =	sadd.s32 $0x10, s1;
	v6 =	vld [tilespmem:s2+$0x0]  }
0x39c: {  	_ =	sdelay $0x3  }
0x39d: {  	v7 =	vshll.u32 v6, $0xE  }
0x39e: {  	vm1 =	vge.s32 v6, v1;
	vm2 =	vlt.s32 v6, v0;
	v6 =	vadd.s32 s0, v7  }
0x39f: {  	vm1 =	vmand vm1, vm2;
	v6 =	vadd.s32 v3, v6  }
0x3a0: {  	v6 =	vnsel vm1, $0x7FFFFFFF, v6  }
0x3a1: {  	v7 =	vxor.u32 $0x80000000, v6  }
0x3a2: {  	(xrf1) =	vsort.ascd.msk.u32 $0xffff, v7, v6;
	_ =	sdelay $0xd  }
0x3a3: {  	v6, _, _ =	vpop (xrf1)  }
0x3a4: {  	v7 =	vshra.s32 v6, $0xE  }
0x3a5: {  	v8 =	vxor.u32 $0xFFFE0000, v7  }
0x3a6: {  	v9 =	vperm.xlane v8, v4;
	_ =	sdelay $0x1  }
0x3a7: {  	vm1 =	vne.s32 v8, v9  }
0x3a8: {  	vm2 =	vne.s32 v6, $0xFFFFFFFF;
	v8 =	vsub.s32 v8, v1;
	vm1 =	vmor vm1, vm0  }
0x3a9: {  	v7 =	vand.u32 $0x7F, v7;
	v8 =	vand.u32 $0xFFFFFF80, v8;
	vm1 =	vmand vm2, vm1  }
0x3aa: {  	v7 =	vor.u32 v7, v8;
	_ =	sdelay $0x3  }
0x3ab: {  	v6 =	vand.u32 $0x3FFF, v6  }
0x3ac: {  	[tilespmem:v7+s25+$0x0] =	vst.idx.msk vm1, v6  }
0x3ad: {  	_ =	swait.ge [sflag:s23], $0x8000  }
0x3ae: {  	s12 =	sld [smem:$0x7E3]  }
0x3af: {  	[sflag:s23] =	ssyncset.done $0x0  }
0x3b0: {  	[sflag:s23] =	ssyncadd.s32 $0xFFFF8000  }
0x3b1: {  	[hbm4b:s12+s4] =	stream.linear.scatter [tilespmem:s22], [sflag:$0x1], $0x8000, $0x38;
	[tilespmem:$0x1E000] =	vst v63  }
0x3b2: {  	_ =	swait.ge [sflag:s26], $0x8000  }
0x3b3: {  	s31 =	sld [smem:$0x7E4]  }
0x3b4: {  	[sflag:s26] =	ssyncset.done $0x0  }
0x3b5: {  	s0 =	simm.s32 $0x2400;
	[sflag:s26] =	ssyncadd.s32 $0xFFFF8000  }
0x3b6: {  	[tilespmem:s24], [sflag:$0x2] =	stream.linear.gather [hbm4b:s31+s4], $0x8000, $0x38;
	[tilespmem:$0x1E000] =	vst v63  }
0x3b7: {  	s1 =	simm.s32 $0x2410;
	s2 =	simm.s32 $0x2400;
	v6 =	vld [tilespmem:s0+$0x0]  }
.LBB2_40:
0x3b8: {  	p0 =	sne.s32 s1, $0x25F0;
	_ =	sdelay $0x3  }
0x3b9: {  	v7 =	vshll.u32 v6, $0xE  }
0x3ba: {  	vm1 =	vge.s32 v6, v1;
	vm2 =	vlt.s32 v6, v0;
	v6 =	vadd.s32 s0, v7;
	s0 =	smov.u32 s1  }
0x3bb: {  	vm1 =	vmand vm1, vm2;
	v6 =	vadd.s32 v3, v6  }
0x3bc: {  	v6 =	vnsel vm1, $0x7FFFFFFF, v6  }
0x3bd: {  	v7 =	vxor.u32 $0x80000000, v6  }
0x3be: {  	(xrf1) =	vsort.ascd.msk.u32 $0xffff, v7, v6;
	_ =	sdelay $0xd  }
0x3bf: {  	v6, _, _ =	vpop (xrf1)  }
0x3c0: {  	v7 =	vshra.s32 v6, $0xE  }
0x3c1: {  	v8 =	vxor.u32 $0xFFFE0000, v7  }
0x3c2: {  	v9 =	vperm.xlane v8, v4;
	_ =	sdelay $0x1  }
0x3c3: {  	vm1 =	vne.s32 v8, v9  }
0x3c4: {  	vm2 =	vne.s32 v6, $0xFFFFFFFF;
	v8 =	vsub.s32 v8, v1;
	vm1 =	vmor vm1, vm0  }
0x3c5: {  	v7 =	vand.u32 $0x7F, v7;
	v8 =	vand.u32 $0xFFFFFF80, v8;
	vm1 =	vmand vm2, vm1  }
0x3c6: {  	v7 =	vor.u32 v7, v8;
	_ =	sdelay $0x1  }
.Ltmp21:
0x3c7: {  	(pc) =	sbr.rel @p0 .LBB2_40-.Ltmp21, $4  }
0x3c8: {  	_ = 	snop  }
0x3c9: {  	v6 =	vand.u32 $0x3FFF, v6  }
0x3ca: {  	s2 =	sadd.s32 $0x10, s2;
	[tilespmem:v7+s25+$0x0] =	vst.idx.msk vm1, v6  }
0x3cb: {  	s1 =	sadd.s32 $0x10, s1;
	v6 =	vld [tilespmem:s2+$0x0]  }
0x3cc: {  	_ =	sdelay $0x3  }
0x3cd: {  	v7 =	vshll.u32 v6, $0xE  }
0x3ce: {  	vm1 =	vge.s32 v6, v1;
	vm2 =	vlt.s32 v6, v0;
	v6 =	vadd.s32 s0, v7  }
0x3cf: {  	vm1 =	vmand vm1, vm2;
	v6 =	vadd.s32 v3, v6  }
0x3d0: {  	v6 =	vnsel vm1, $0x7FFFFFFF, v6  }
0x3d1: {  	v7 =	vxor.u32 $0x80000000, v6  }
0x3d2: {  	(xrf1) =	vsort.ascd.msk.u32 $0xffff, v7, v6;
	_ =	sdelay $0xd  }
0x3d3: {  	v6, _, _ =	vpop (xrf1)  }
0x3d4: {  	v7 =	vshra.s32 v6, $0xE  }
0x3d5: {  	v8 =	vxor.u32 $0xFFFE0000, v7  }
0x3d6: {  	v9 =	vperm.xlane v8, v4;
	_ =	sdelay $0x1  }
0x3d7: {  	vm1 =	vne.s32 v8, v9  }
0x3d8: {  	vm2 =	vne.s32 v6, $0xFFFFFFFF;
	v8 =	vsub.s32 v8, v1;
	vm1 =	vmor vm1, vm0  }
0x3d9: {  	v7 =	vand.u32 $0x7F, v7;
	v8 =	vand.u32 $0xFFFFFF80, v8;
	vm1 =	vmand vm2, vm1  }
0x3da: {  	v7 =	vor.u32 v7, v8;
	_ =	sdelay $0x3  }
0x3db: {  	v6 =	vand.u32 $0x3FFF, v6  }
0x3dc: {  	[tilespmem:v7+s25+$0x0] =	vst.idx.msk vm1, v6  }
0x3dd: {  	_ =	swait.ge [sflag:s23], $0x8000  }
0x3de: {  	s12 =	sld [smem:$0x7E5]  }
0x3df: {  	[sflag:s23] =	ssyncset.done $0x0  }
0x3e0: {  	[sflag:s23] =	ssyncadd.s32 $0xFFFF8000  }
0x3e1: {  	[hbm4b:s12+s4] =	stream.linear.scatter [tilespmem:s24], [sflag:$0x1], $0x8000, $0x38;
	[tilespmem:$0x1E000] =	vst v63  }
0x3e2: {  	_ =	swait.ge [sflag:s26], $0x8000  }
0x3e3: {  	s31 =	sld [smem:$0x7E6]  }
0x3e4: {  	[sflag:s26] =	ssyncset.done $0x0  }
0x3e5: {  	s0 =	simm.s32 $0x2600;
	[sflag:s26] =	ssyncadd.s32 $0xFFFF8000  }
0x3e6: {  	[tilespmem:s22], [sflag:$0x2] =	stream.linear.gather [hbm4b:s31+s4], $0x8000, $0x38;
	[tilespmem:$0x1E000] =	vst v63  }
0x3e7: {  	s1 =	simm.s32 $0x2610;
	s2 =	simm.s32 $0x2600;
	v6 =	vld [tilespmem:s0+$0x0]  }
.LBB2_42:
0x3e8: {  	p0 =	sne.s32 s1, $0x27F0;
	_ =	sdelay $0x3  }
0x3e9: {  	v7 =	vshll.u32 v6, $0xE  }
0x3ea: {  	vm1 =	vge.s32 v6, v1;
	vm2 =	vlt.s32 v6, v0;
	v6 =	vadd.s32 s0, v7;
	s0 =	smov.u32 s1  }
0x3eb: {  	vm1 =	vmand vm1, vm2;
	v6 =	vadd.s32 v3, v6  }
0x3ec: {  	v6 =	vnsel vm1, $0x7FFFFFFF, v6  }
0x3ed: {  	v7 =	vxor.u32 $0x80000000, v6  }
0x3ee: {  	(xrf1) =	vsort.ascd.msk.u32 $0xffff, v7, v6;
	_ =	sdelay $0xd  }
0x3ef: {  	v6, _, _ =	vpop (xrf1)  }
0x3f0: {  	v7 =	vshra.s32 v6, $0xE  }
0x3f1: {  	v8 =	vxor.u32 $0xFFFE0000, v7  }
0x3f2: {  	v9 =	vperm.xlane v8, v4;
	_ =	sdelay $0x1  }
0x3f3: {  	vm1 =	vne.s32 v8, v9  }
0x3f4: {  	vm2 =	vne.s32 v6, $0xFFFFFFFF;
	v8 =	vsub.s32 v8, v1;
	vm1 =	vmor vm1, vm0  }
0x3f5: {  	v7 =	vand.u32 $0x7F, v7;
	v8 =	vand.u32 $0xFFFFFF80, v8;
	vm1 =	vmand vm2, vm1  }
0x3f6: {  	v7 =	vor.u32 v7, v8;
	_ =	sdelay $0x1  }
.Ltmp22:
0x3f7: {  	(pc) =	sbr.rel @p0 .LBB2_42-.Ltmp22, $4  }
0x3f8: {  	_ = 	snop  }
0x3f9: {  	v6 =	vand.u32 $0x3FFF, v6  }
0x3fa: {  	s2 =	sadd.s32 $0x10, s2;
	[tilespmem:v7+s25+$0x0] =	vst.idx.msk vm1, v6  }
0x3fb: {  	s1 =	sadd.s32 $0x10, s1;
	v6 =	vld [tilespmem:s2+$0x0]  }
0x3fc: {  	_ =	sdelay $0x3  }
0x3fd: {  	v7 =	vshll.u32 v6, $0xE  }
0x3fe: {  	vm1 =	vge.s32 v6, v1;
	vm2 =	vlt.s32 v6, v0;
	v6 =	vadd.s32 s0, v7  }
0x3ff: {  	vm1 =	vmand vm1, vm2;
	v6 =	vadd.s32 v3, v6  }
0x400: {  	v6 =	vnsel vm1, $0x7FFFFFFF, v6  }
0x401: {  	v7 =	vxor.u32 $0x80000000, v6  }
0x402: {  	(xrf1) =	vsort.ascd.msk.u32 $0xffff, v7, v6;
	_ =	sdelay $0xd  }
0x403: {  	v6, _, _ =	vpop (xrf1)  }
0x404: {  	v7 =	vshra.s32 v6, $0xE  }
0x405: {  	v8 =	vxor.u32 $0xFFFE0000, v7  }
0x406: {  	v9 =	vperm.xlane v8, v4;
	_ =	sdelay $0x1  }
0x407: {  	vm1 =	vne.s32 v8, v9  }
0x408: {  	vm2 =	vne.s32 v6, $0xFFFFFFFF;
	v8 =	vsub.s32 v8, v1;
	vm1 =	vmor vm1, vm0  }
0x409: {  	v7 =	vand.u32 $0x7F, v7;
	v8 =	vand.u32 $0xFFFFFF80, v8;
	vm1 =	vmand vm2, vm1  }
0x40a: {  	v7 =	vor.u32 v7, v8;
	_ =	sdelay $0x3  }
0x40b: {  	v6 =	vand.u32 $0x3FFF, v6  }
0x40c: {  	[tilespmem:v7+s25+$0x0] =	vst.idx.msk vm1, v6  }
0x40d: {  	_ =	swait.ge [sflag:s23], $0x8000  }
0x40e: {  	s12 =	sld [smem:$0x7E7]  }
0x40f: {  	[sflag:s23] =	ssyncset.done $0x0  }
0x410: {  	[sflag:s23] =	ssyncadd.s32 $0xFFFF8000  }
0x411: {  	[hbm4b:s12+s4] =	stream.linear.scatter [tilespmem:s22], [sflag:$0x1], $0x8000, $0x38;
	[tilespmem:$0x1E000] =	vst v63  }
0x412: {  	_ =	swait.ge [sflag:s26], $0x8000  }
0x413: {  	s31 =	sld [smem:$0x7E8]  }
0x414: {  	[sflag:s26] =	ssyncset.done $0x0  }
0x415: {  	s0 =	simm.s32 $0x2800;
	[sflag:s26] =	ssyncadd.s32 $0xFFFF8000  }
0x416: {  	[tilespmem:s24], [sflag:$0x2] =	stream.linear.gather [hbm4b:s31+s4], $0x8000, $0x38;
	[tilespmem:$0x1E000] =	vst v63  }
0x417: {  	s1 =	simm.s32 $0x2810;
	s2 =	simm.s32 $0x2800;
	v6 =	vld [tilespmem:s0+$0x0]  }
.LBB2_44:
0x418: {  	p0 =	sne.s32 s1, $0x29F0;
	_ =	sdelay $0x3  }
0x419: {  	v7 =	vshll.u32 v6, $0xE  }
0x41a: {  	vm1 =	vge.s32 v6, v1;
	vm2 =	vlt.s32 v6, v0;
	v6 =	vadd.s32 s0, v7;
	s0 =	smov.u32 s1  }
0x41b: {  	vm1 =	vmand vm1, vm2;
	v6 =	vadd.s32 v3, v6  }
0x41c: {  	v6 =	vnsel vm1, $0x7FFFFFFF, v6  }
0x41d: {  	v7 =	vxor.u32 $0x80000000, v6  }
0x41e: {  	(xrf1) =	vsort.ascd.msk.u32 $0xffff, v7, v6;
	_ =	sdelay $0xd  }
0x41f: {  	v6, _, _ =	vpop (xrf1)  }
0x420: {  	v7 =	vshra.s32 v6, $0xE  }
0x421: {  	v8 =	vxor.u32 $0xFFFE0000, v7  }
0x422: {  	v9 =	vperm.xlane v8, v4;
	_ =	sdelay $0x1  }
0x423: {  	vm1 =	vne.s32 v8, v9  }
0x424: {  	vm2 =	vne.s32 v6, $0xFFFFFFFF;
	v8 =	vsub.s32 v8, v1;
	vm1 =	vmor vm1, vm0  }
0x425: {  	v7 =	vand.u32 $0x7F, v7;
	v8 =	vand.u32 $0xFFFFFF80, v8;
	vm1 =	vmand vm2, vm1  }
0x426: {  	v7 =	vor.u32 v7, v8;
	_ =	sdelay $0x1  }
.Ltmp23:
0x427: {  	(pc) =	sbr.rel @p0 .LBB2_44-.Ltmp23, $4  }
0x428: {  	_ = 	snop  }
0x429: {  	v6 =	vand.u32 $0x3FFF, v6  }
0x42a: {  	s2 =	sadd.s32 $0x10, s2;
	[tilespmem:v7+s25+$0x0] =	vst.idx.msk vm1, v6  }
0x42b: {  	s1 =	sadd.s32 $0x10, s1;
	v6 =	vld [tilespmem:s2+$0x0]  }
0x42c: {  	_ =	sdelay $0x3  }
0x42d: {  	v7 =	vshll.u32 v6, $0xE  }
0x42e: {  	vm1 =	vge.s32 v6, v1;
	vm2 =	vlt.s32 v6, v0;
	v6 =	vadd.s32 s0, v7  }
0x42f: {  	vm1 =	vmand vm1, vm2;
	v6 =	vadd.s32 v3, v6  }
0x430: {  	v6 =	vnsel vm1, $0x7FFFFFFF, v6  }
0x431: {  	v7 =	vxor.u32 $0x80000000, v6  }
0x432: {  	(xrf1) =	vsort.ascd.msk.u32 $0xffff, v7, v6;
	_ =	sdelay $0xd  }
0x433: {  	v6, _, _ =	vpop (xrf1)  }
0x434: {  	v7 =	vshra.s32 v6, $0xE  }
0x435: {  	v8 =	vxor.u32 $0xFFFE0000, v7  }
0x436: {  	v9 =	vperm.xlane v8, v4;
	_ =	sdelay $0x1  }
0x437: {  	vm1 =	vne.s32 v8, v9  }
0x438: {  	vm2 =	vne.s32 v6, $0xFFFFFFFF;
	v8 =	vsub.s32 v8, v1;
	vm1 =	vmor vm1, vm0  }
0x439: {  	v7 =	vand.u32 $0x7F, v7;
	v8 =	vand.u32 $0xFFFFFF80, v8;
	vm1 =	vmand vm2, vm1  }
0x43a: {  	v7 =	vor.u32 v7, v8;
	_ =	sdelay $0x3  }
0x43b: {  	v6 =	vand.u32 $0x3FFF, v6  }
0x43c: {  	[tilespmem:v7+s25+$0x0] =	vst.idx.msk vm1, v6  }
0x43d: {  	_ =	swait.ge [sflag:s23], $0x8000  }
0x43e: {  	s12 =	sld [smem:$0x7E9]  }
0x43f: {  	[sflag:s23] =	ssyncset.done $0x0  }
0x440: {  	[sflag:s23] =	ssyncadd.s32 $0xFFFF8000  }
0x441: {  	[hbm4b:s12+s4] =	stream.linear.scatter [tilespmem:s24], [sflag:$0x1], $0x8000, $0x38;
	[tilespmem:$0x1E000] =	vst v63  }
0x442: {  	_ =	swait.ge [sflag:s26], $0x8000  }
0x443: {  	s31 =	sld [smem:$0x7EA]  }
0x444: {  	[sflag:s26] =	ssyncset.done $0x0  }
0x445: {  	s0 =	simm.s32 $0x2A00;
	[sflag:s26] =	ssyncadd.s32 $0xFFFF8000  }
0x446: {  	[tilespmem:s22], [sflag:$0x2] =	stream.linear.gather [hbm4b:s31+s4], $0x8000, $0x38;
	[tilespmem:$0x1E000] =	vst v63  }
0x447: {  	s1 =	simm.s32 $0x2A10;
	s2 =	simm.s32 $0x2A00;
	v6 =	vld [tilespmem:s0+$0x0]  }
.LBB2_46:
0x448: {  	p0 =	sne.s32 s1, $0x2BF0;
	_ =	sdelay $0x3  }
0x449: {  	v7 =	vshll.u32 v6, $0xE  }
0x44a: {  	vm1 =	vge.s32 v6, v1;
	vm2 =	vlt.s32 v6, v0;
	v6 =	vadd.s32 s0, v7;
	s0 =	smov.u32 s1  }
0x44b: {  	vm1 =	vmand vm1, vm2;
	v6 =	vadd.s32 v3, v6  }
0x44c: {  	v6 =	vnsel vm1, $0x7FFFFFFF, v6  }
0x44d: {  	v7 =	vxor.u32 $0x80000000, v6  }
0x44e: {  	(xrf1) =	vsort.ascd.msk.u32 $0xffff, v7, v6;
	_ =	sdelay $0xd  }
0x44f: {  	v6, _, _ =	vpop (xrf1)  }
0x450: {  	v7 =	vshra.s32 v6, $0xE  }
0x451: {  	v8 =	vxor.u32 $0xFFFE0000, v7  }
0x452: {  	v9 =	vperm.xlane v8, v4;
	_ =	sdelay $0x1  }
0x453: {  	vm1 =	vne.s32 v8, v9  }
0x454: {  	vm2 =	vne.s32 v6, $0xFFFFFFFF;
	v8 =	vsub.s32 v8, v1;
	vm1 =	vmor vm1, vm0  }
0x455: {  	v7 =	vand.u32 $0x7F, v7;
	v8 =	vand.u32 $0xFFFFFF80, v8;
	vm1 =	vmand vm2, vm1  }
0x456: {  	v7 =	vor.u32 v7, v8;
	_ =	sdelay $0x1  }
.Ltmp24:
0x457: {  	(pc) =	sbr.rel @p0 .LBB2_46-.Ltmp24, $4  }
0x458: {  	_ = 	snop  }
0x459: {  	v6 =	vand.u32 $0x3FFF, v6  }
0x45a: {  	s2 =	sadd.s32 $0x10, s2;
	[tilespmem:v7+s25+$0x0] =	vst.idx.msk vm1, v6  }
0x45b: {  	s1 =	sadd.s32 $0x10, s1;
	v6 =	vld [tilespmem:s2+$0x0]  }
0x45c: {  	_ =	sdelay $0x3  }
0x45d: {  	v7 =	vshll.u32 v6, $0xE  }
0x45e: {  	vm1 =	vge.s32 v6, v1;
	vm2 =	vlt.s32 v6, v0;
	v6 =	vadd.s32 s0, v7  }
0x45f: {  	vm1 =	vmand vm1, vm2;
	v6 =	vadd.s32 v3, v6  }
0x460: {  	v6 =	vnsel vm1, $0x7FFFFFFF, v6  }
0x461: {  	v7 =	vxor.u32 $0x80000000, v6  }
0x462: {  	(xrf1) =	vsort.ascd.msk.u32 $0xffff, v7, v6;
	_ =	sdelay $0xd  }
0x463: {  	v6, _, _ =	vpop (xrf1)  }
0x464: {  	v7 =	vshra.s32 v6, $0xE  }
0x465: {  	v8 =	vxor.u32 $0xFFFE0000, v7  }
0x466: {  	v9 =	vperm.xlane v8, v4;
	_ =	sdelay $0x1  }
0x467: {  	vm1 =	vne.s32 v8, v9  }
0x468: {  	vm2 =	vne.s32 v6, $0xFFFFFFFF;
	v8 =	vsub.s32 v8, v1;
	vm1 =	vmor vm1, vm0  }
0x469: {  	v7 =	vand.u32 $0x7F, v7;
	v8 =	vand.u32 $0xFFFFFF80, v8;
	vm1 =	vmand vm2, vm1  }
0x46a: {  	v7 =	vor.u32 v7, v8;
	_ =	sdelay $0x3  }
0x46b: {  	v6 =	vand.u32 $0x3FFF, v6  }
0x46c: {  	[tilespmem:v7+s25+$0x0] =	vst.idx.msk vm1, v6  }
0x46d: {  	_ =	swait.ge [sflag:s23], $0x8000  }
0x46e: {  	s12 =	sld [smem:$0x7EB]  }
0x46f: {  	[sflag:s23] =	ssyncset.done $0x0  }
0x470: {  	[sflag:s23] =	ssyncadd.s32 $0xFFFF8000  }
0x471: {  	[hbm4b:s12+s4] =	stream.linear.scatter [tilespmem:s22], [sflag:$0x1], $0x8000, $0x38;
	[tilespmem:$0x1E000] =	vst v63  }
0x472: {  	_ =	swait.ge [sflag:s26], $0x8000  }
0x473: {  	s31 =	sld [smem:$0x7EC]  }
0x474: {  	[sflag:s26] =	ssyncset.done $0x0  }
0x475: {  	s0 =	simm.s32 $0x2C00;
	[sflag:s26] =	ssyncadd.s32 $0xFFFF8000  }
0x476: {  	[tilespmem:s24], [sflag:$0x2] =	stream.linear.gather [hbm4b:s31+s4], $0x8000, $0x38;
	[tilespmem:$0x1E000] =	vst v63  }
0x477: {  	s1 =	simm.s32 $0x2C10;
	s2 =	simm.s32 $0x2C00;
	v6 =	vld [tilespmem:s0+$0x0]  }
.LBB2_48:
0x478: {  	p0 =	sne.s32 s1, $0x2DF0;
	_ =	sdelay $0x3  }
0x479: {  	v7 =	vshll.u32 v6, $0xE  }
0x47a: {  	vm1 =	vge.s32 v6, v1;
	vm2 =	vlt.s32 v6, v0;
	v6 =	vadd.s32 s0, v7;
	s0 =	smov.u32 s1  }
0x47b: {  	vm1 =	vmand vm1, vm2;
	v6 =	vadd.s32 v3, v6  }
0x47c: {  	v6 =	vnsel vm1, $0x7FFFFFFF, v6  }
0x47d: {  	v7 =	vxor.u32 $0x80000000, v6  }
0x47e: {  	(xrf1) =	vsort.ascd.msk.u32 $0xffff, v7, v6;
	_ =	sdelay $0xd  }
0x47f: {  	v6, _, _ =	vpop (xrf1)  }
0x480: {  	v7 =	vshra.s32 v6, $0xE  }
0x481: {  	v8 =	vxor.u32 $0xFFFE0000, v7  }
0x482: {  	v9 =	vperm.xlane v8, v4;
	_ =	sdelay $0x1  }
0x483: {  	vm1 =	vne.s32 v8, v9  }
0x484: {  	vm2 =	vne.s32 v6, $0xFFFFFFFF;
	v8 =	vsub.s32 v8, v1;
	vm1 =	vmor vm1, vm0  }
0x485: {  	v7 =	vand.u32 $0x7F, v7;
	v8 =	vand.u32 $0xFFFFFF80, v8;
	vm1 =	vmand vm2, vm1  }
0x486: {  	v7 =	vor.u32 v7, v8;
	_ =	sdelay $0x1  }
.Ltmp25:
0x487: {  	(pc) =	sbr.rel @p0 .LBB2_48-.Ltmp25, $4  }
0x488: {  	_ = 	snop  }
0x489: {  	v6 =	vand.u32 $0x3FFF, v6  }
0x48a: {  	s2 =	sadd.s32 $0x10, s2;
	[tilespmem:v7+s25+$0x0] =	vst.idx.msk vm1, v6  }
0x48b: {  	s1 =	sadd.s32 $0x10, s1;
	v6 =	vld [tilespmem:s2+$0x0]  }
0x48c: {  	_ =	sdelay $0x3  }
0x48d: {  	v7 =	vshll.u32 v6, $0xE  }
0x48e: {  	vm1 =	vge.s32 v6, v1;
	vm2 =	vlt.s32 v6, v0;
	v6 =	vadd.s32 s0, v7  }
0x48f: {  	vm1 =	vmand vm1, vm2;
	v6 =	vadd.s32 v3, v6  }
0x490: {  	v6 =	vnsel vm1, $0x7FFFFFFF, v6  }
0x491: {  	v7 =	vxor.u32 $0x80000000, v6  }
0x492: {  	(xrf1) =	vsort.ascd.msk.u32 $0xffff, v7, v6;
	_ =	sdelay $0xd  }
0x493: {  	v6, _, _ =	vpop (xrf1)  }
0x494: {  	v7 =	vshra.s32 v6, $0xE  }
0x495: {  	v8 =	vxor.u32 $0xFFFE0000, v7  }
0x496: {  	v9 =	vperm.xlane v8, v4;
	_ =	sdelay $0x1  }
0x497: {  	vm1 =	vne.s32 v8, v9  }
0x498: {  	vm2 =	vne.s32 v6, $0xFFFFFFFF;
	v8 =	vsub.s32 v8, v1;
	vm1 =	vmor vm1, vm0  }
0x499: {  	v7 =	vand.u32 $0x7F, v7;
	v8 =	vand.u32 $0xFFFFFF80, v8;
	vm1 =	vmand vm2, vm1  }
0x49a: {  	v7 =	vor.u32 v7, v8;
	_ =	sdelay $0x3  }
0x49b: {  	v6 =	vand.u32 $0x3FFF, v6  }
0x49c: {  	[tilespmem:v7+s25+$0x0] =	vst.idx.msk vm1, v6  }
0x49d: {  	_ =	swait.ge [sflag:s23], $0x8000  }
0x49e: {  	s12 =	sld [smem:$0x7ED]  }
0x49f: {  	[sflag:s23] =	ssyncset.done $0x0  }
0x4a0: {  	[sflag:s23] =	ssyncadd.s32 $0xFFFF8000  }
0x4a1: {  	[hbm4b:s12+s4] =	stream.linear.scatter [tilespmem:s24], [sflag:$0x1], $0x8000, $0x38;
	[tilespmem:$0x1E000] =	vst v63  }
0x4a2: {  	_ =	swait.ge [sflag:s26], $0x8000  }
0x4a3: {  	s31 =	sld [smem:$0x7EE]  }
0x4a4: {  	[sflag:s26] =	ssyncset.done $0x0  }
0x4a5: {  	s0 =	simm.s32 $0x2E00;
	[sflag:s26] =	ssyncadd.s32 $0xFFFF8000  }
0x4a6: {  	[tilespmem:s22], [sflag:$0x2] =	stream.linear.gather [hbm4b:s31+s4], $0x8000, $0x38;
	[tilespmem:$0x1E000] =	vst v63  }
0x4a7: {  	s1 =	simm.s32 $0x2E10;
	s2 =	simm.s32 $0x2E00;
	v6 =	vld [tilespmem:s0+$0x0]  }
.LBB2_50:
0x4a8: {  	p0 =	sne.s32 s1, $0x2FF0;
	_ =	sdelay $0x3  }
0x4a9: {  	v7 =	vshll.u32 v6, $0xE  }
0x4aa: {  	vm1 =	vge.s32 v6, v1;
	vm2 =	vlt.s32 v6, v0;
	v6 =	vadd.s32 s0, v7;
	s0 =	smov.u32 s1  }
0x4ab: {  	vm1 =	vmand vm1, vm2;
	v6 =	vadd.s32 v3, v6  }
0x4ac: {  	v6 =	vnsel vm1, $0x7FFFFFFF, v6  }
0x4ad: {  	v7 =	vxor.u32 $0x80000000, v6  }
0x4ae: {  	(xrf1) =	vsort.ascd.msk.u32 $0xffff, v7, v6;
	_ =	sdelay $0xd  }
0x4af: {  	v6, _, _ =	vpop (xrf1)  }
0x4b0: {  	v7 =	vshra.s32 v6, $0xE  }
0x4b1: {  	v8 =	vxor.u32 $0xFFFE0000, v7  }
0x4b2: {  	v9 =	vperm.xlane v8, v4;
	_ =	sdelay $0x1  }
0x4b3: {  	vm1 =	vne.s32 v8, v9  }
0x4b4: {  	vm2 =	vne.s32 v6, $0xFFFFFFFF;
	v8 =	vsub.s32 v8, v1;
	vm1 =	vmor vm1, vm0  }
0x4b5: {  	v7 =	vand.u32 $0x7F, v7;
	v8 =	vand.u32 $0xFFFFFF80, v8;
	vm1 =	vmand vm2, vm1  }
0x4b6: {  	v7 =	vor.u32 v7, v8;
	_ =	sdelay $0x1  }
.Ltmp26:
0x4b7: {  	(pc) =	sbr.rel @p0 .LBB2_50-.Ltmp26, $4  }
0x4b8: {  	_ = 	snop  }
0x4b9: {  	v6 =	vand.u32 $0x3FFF, v6  }
0x4ba: {  	s2 =	sadd.s32 $0x10, s2;
	[tilespmem:v7+s25+$0x0] =	vst.idx.msk vm1, v6  }
0x4bb: {  	s1 =	sadd.s32 $0x10, s1;
	v6 =	vld [tilespmem:s2+$0x0]  }
0x4bc: {  	_ =	sdelay $0x3  }
0x4bd: {  	v7 =	vshll.u32 v6, $0xE  }
0x4be: {  	vm1 =	vge.s32 v6, v1;
	vm2 =	vlt.s32 v6, v0;
	v6 =	vadd.s32 s0, v7  }
0x4bf: {  	vm1 =	vmand vm1, vm2;
	v6 =	vadd.s32 v3, v6  }
0x4c0: {  	v6 =	vnsel vm1, $0x7FFFFFFF, v6  }
0x4c1: {  	v7 =	vxor.u32 $0x80000000, v6  }
0x4c2: {  	(xrf1) =	vsort.ascd.msk.u32 $0xffff, v7, v6;
	_ =	sdelay $0xd  }
0x4c3: {  	v6, _, _ =	vpop (xrf1)  }
0x4c4: {  	v7 =	vshra.s32 v6, $0xE  }
0x4c5: {  	v8 =	vxor.u32 $0xFFFE0000, v7  }
0x4c6: {  	v9 =	vperm.xlane v8, v4;
	_ =	sdelay $0x1  }
0x4c7: {  	vm1 =	vne.s32 v8, v9  }
0x4c8: {  	vm2 =	vne.s32 v6, $0xFFFFFFFF;
	v8 =	vsub.s32 v8, v1;
	vm1 =	vmor vm1, vm0  }
0x4c9: {  	v7 =	vand.u32 $0x7F, v7;
	v8 =	vand.u32 $0xFFFFFF80, v8;
	vm1 =	vmand vm2, vm1  }
0x4ca: {  	v7 =	vor.u32 v7, v8;
	_ =	sdelay $0x3  }
0x4cb: {  	v6 =	vand.u32 $0x3FFF, v6  }
0x4cc: {  	[tilespmem:v7+s25+$0x0] =	vst.idx.msk vm1, v6  }
0x4cd: {  	_ =	swait.ge [sflag:s23], $0x8000  }
0x4ce: {  	s12 =	sld [smem:$0x7EF]  }
0x4cf: {  	[sflag:s23] =	ssyncset.done $0x0  }
0x4d0: {  	[sflag:s23] =	ssyncadd.s32 $0xFFFF8000  }
0x4d1: {  	[hbm4b:s12+s4] =	stream.linear.scatter [tilespmem:s22], [sflag:$0x1], $0x8000, $0x38;
	[tilespmem:$0x1E000] =	vst v63  }
0x4d2: {  	_ =	swait.ge [sflag:s26], $0x8000  }
0x4d3: {  	s31 =	sld [smem:$0x7F0]  }
0x4d4: {  	[sflag:s26] =	ssyncset.done $0x0  }
0x4d5: {  	s0 =	simm.s32 $0x3000;
	[sflag:s26] =	ssyncadd.s32 $0xFFFF8000  }
0x4d6: {  	[tilespmem:s24], [sflag:$0x2] =	stream.linear.gather [hbm4b:s31+s4], $0x8000, $0x38;
	[tilespmem:$0x1E000] =	vst v63  }
0x4d7: {  	s1 =	simm.s32 $0x3010;
	s2 =	simm.s32 $0x3000;
	v6 =	vld [tilespmem:s0+$0x0]  }
.LBB2_52:
0x4d8: {  	p0 =	sne.s32 s1, $0x31F0;
	_ =	sdelay $0x3  }
0x4d9: {  	v7 =	vshll.u32 v6, $0xE  }
0x4da: {  	vm1 =	vge.s32 v6, v1;
	vm2 =	vlt.s32 v6, v0;
	v6 =	vadd.s32 s0, v7;
	s0 =	smov.u32 s1  }
0x4db: {  	vm1 =	vmand vm1, vm2;
	v6 =	vadd.s32 v3, v6  }
0x4dc: {  	v6 =	vnsel vm1, $0x7FFFFFFF, v6  }
0x4dd: {  	v7 =	vxor.u32 $0x80000000, v6  }
0x4de: {  	(xrf1) =	vsort.ascd.msk.u32 $0xffff, v7, v6;
	_ =	sdelay $0xd  }
0x4df: {  	v6, _, _ =	vpop (xrf1)  }
0x4e0: {  	v7 =	vshra.s32 v6, $0xE  }
0x4e1: {  	v8 =	vxor.u32 $0xFFFE0000, v7  }
0x4e2: {  	v9 =	vperm.xlane v8, v4;
	_ =	sdelay $0x1  }
0x4e3: {  	vm1 =	vne.s32 v8, v9  }
0x4e4: {  	vm2 =	vne.s32 v6, $0xFFFFFFFF;
	v8 =	vsub.s32 v8, v1;
	vm1 =	vmor vm1, vm0  }
0x4e5: {  	v7 =	vand.u32 $0x7F, v7;
	v8 =	vand.u32 $0xFFFFFF80, v8;
	vm1 =	vmand vm2, vm1  }
0x4e6: {  	v7 =	vor.u32 v7, v8;
	_ =	sdelay $0x1  }
.Ltmp27:
0x4e7: {  	(pc) =	sbr.rel @p0 .LBB2_52-.Ltmp27, $4  }
0x4e8: {  	_ = 	snop  }
0x4e9: {  	v6 =	vand.u32 $0x3FFF, v6  }
0x4ea: {  	s2 =	sadd.s32 $0x10, s2;
	[tilespmem:v7+s25+$0x0] =	vst.idx.msk vm1, v6  }
0x4eb: {  	s1 =	sadd.s32 $0x10, s1;
	v6 =	vld [tilespmem:s2+$0x0]  }
0x4ec: {  	_ =	sdelay $0x3  }
0x4ed: {  	v7 =	vshll.u32 v6, $0xE  }
0x4ee: {  	vm1 =	vge.s32 v6, v1;
	vm2 =	vlt.s32 v6, v0;
	v6 =	vadd.s32 s0, v7  }
0x4ef: {  	vm1 =	vmand vm1, vm2;
	v6 =	vadd.s32 v3, v6  }
0x4f0: {  	v6 =	vnsel vm1, $0x7FFFFFFF, v6  }
0x4f1: {  	v7 =	vxor.u32 $0x80000000, v6  }
0x4f2: {  	(xrf1) =	vsort.ascd.msk.u32 $0xffff, v7, v6;
	_ =	sdelay $0xd  }
0x4f3: {  	v6, _, _ =	vpop (xrf1)  }
0x4f4: {  	v7 =	vshra.s32 v6, $0xE  }
0x4f5: {  	v8 =	vxor.u32 $0xFFFE0000, v7  }
0x4f6: {  	v9 =	vperm.xlane v8, v4;
	_ =	sdelay $0x1  }
0x4f7: {  	vm1 =	vne.s32 v8, v9  }
0x4f8: {  	vm2 =	vne.s32 v6, $0xFFFFFFFF;
	v8 =	vsub.s32 v8, v1;
	vm1 =	vmor vm1, vm0  }
0x4f9: {  	v7 =	vand.u32 $0x7F, v7;
	v8 =	vand.u32 $0xFFFFFF80, v8;
	vm1 =	vmand vm2, vm1  }
0x4fa: {  	v7 =	vor.u32 v7, v8;
	_ =	sdelay $0x3  }
0x4fb: {  	v6 =	vand.u32 $0x3FFF, v6  }
0x4fc: {  	[tilespmem:v7+s25+$0x0] =	vst.idx.msk vm1, v6  }
0x4fd: {  	_ =	swait.ge [sflag:s23], $0x8000  }
0x4fe: {  	s12 =	sld [smem:$0x7F1]  }
0x4ff: {  	[sflag:s23] =	ssyncset.done $0x0  }
0x500: {  	[sflag:s23] =	ssyncadd.s32 $0xFFFF8000  }
0x501: {  	[hbm4b:s12+s4] =	stream.linear.scatter [tilespmem:s24], [sflag:$0x1], $0x8000, $0x38;
	[tilespmem:$0x1E000] =	vst v63  }
0x502: {  	_ =	swait.ge [sflag:s26], $0x8000  }
0x503: {  	s31 =	sld [smem:$0x7F2]  }
0x504: {  	[sflag:s26] =	ssyncset.done $0x0  }
0x505: {  	s0 =	simm.s32 $0x3200;
	[sflag:s26] =	ssyncadd.s32 $0xFFFF8000  }
0x506: {  	[tilespmem:s22], [sflag:$0x2] =	stream.linear.gather [hbm4b:s31+s4], $0x8000, $0x38;
	[tilespmem:$0x1E000] =	vst v63  }
0x507: {  	s1 =	simm.s32 $0x3210;
	s2 =	simm.s32 $0x3200;
	v6 =	vld [tilespmem:s0+$0x0]  }
.LBB2_54:
0x508: {  	p0 =	sne.s32 s1, $0x33F0;
	_ =	sdelay $0x3  }
0x509: {  	v7 =	vshll.u32 v6, $0xE  }
0x50a: {  	vm1 =	vge.s32 v6, v1;
	vm2 =	vlt.s32 v6, v0;
	v6 =	vadd.s32 s0, v7;
	s0 =	smov.u32 s1  }
0x50b: {  	vm1 =	vmand vm1, vm2;
	v6 =	vadd.s32 v3, v6  }
0x50c: {  	v6 =	vnsel vm1, $0x7FFFFFFF, v6  }
0x50d: {  	v7 =	vxor.u32 $0x80000000, v6  }
0x50e: {  	(xrf1) =	vsort.ascd.msk.u32 $0xffff, v7, v6;
	_ =	sdelay $0xd  }
0x50f: {  	v6, _, _ =	vpop (xrf1)  }
0x510: {  	v7 =	vshra.s32 v6, $0xE  }
0x511: {  	v8 =	vxor.u32 $0xFFFE0000, v7  }
0x512: {  	v9 =	vperm.xlane v8, v4;
	_ =	sdelay $0x1  }
0x513: {  	vm1 =	vne.s32 v8, v9  }
0x514: {  	vm2 =	vne.s32 v6, $0xFFFFFFFF;
	v8 =	vsub.s32 v8, v1;
	vm1 =	vmor vm1, vm0  }
0x515: {  	v7 =	vand.u32 $0x7F, v7;
	v8 =	vand.u32 $0xFFFFFF80, v8;
	vm1 =	vmand vm2, vm1  }
0x516: {  	v7 =	vor.u32 v7, v8;
	_ =	sdelay $0x1  }
.Ltmp28:
0x517: {  	(pc) =	sbr.rel @p0 .LBB2_54-.Ltmp28, $4  }
0x518: {  	_ = 	snop  }
0x519: {  	v6 =	vand.u32 $0x3FFF, v6  }
0x51a: {  	s2 =	sadd.s32 $0x10, s2;
	[tilespmem:v7+s25+$0x0] =	vst.idx.msk vm1, v6  }
0x51b: {  	s1 =	sadd.s32 $0x10, s1;
	v6 =	vld [tilespmem:s2+$0x0]  }
0x51c: {  	_ =	sdelay $0x3  }
0x51d: {  	v7 =	vshll.u32 v6, $0xE  }
0x51e: {  	vm1 =	vge.s32 v6, v1;
	vm2 =	vlt.s32 v6, v0;
	v6 =	vadd.s32 s0, v7  }
0x51f: {  	vm1 =	vmand vm1, vm2;
	v6 =	vadd.s32 v3, v6  }
0x520: {  	v6 =	vnsel vm1, $0x7FFFFFFF, v6  }
0x521: {  	v7 =	vxor.u32 $0x80000000, v6  }
0x522: {  	(xrf1) =	vsort.ascd.msk.u32 $0xffff, v7, v6;
	_ =	sdelay $0xd  }
0x523: {  	v6, _, _ =	vpop (xrf1)  }
0x524: {  	v7 =	vshra.s32 v6, $0xE  }
0x525: {  	v8 =	vxor.u32 $0xFFFE0000, v7  }
0x526: {  	v9 =	vperm.xlane v8, v4;
	_ =	sdelay $0x1  }
0x527: {  	vm1 =	vne.s32 v8, v9  }
0x528: {  	vm2 =	vne.s32 v6, $0xFFFFFFFF;
	v8 =	vsub.s32 v8, v1;
	vm1 =	vmor vm1, vm0  }
0x529: {  	v7 =	vand.u32 $0x7F, v7;
	v8 =	vand.u32 $0xFFFFFF80, v8;
	vm1 =	vmand vm2, vm1  }
0x52a: {  	v7 =	vor.u32 v7, v8;
	_ =	sdelay $0x3  }
0x52b: {  	v6 =	vand.u32 $0x3FFF, v6  }
0x52c: {  	[tilespmem:v7+s25+$0x0] =	vst.idx.msk vm1, v6  }
0x52d: {  	_ =	swait.ge [sflag:s23], $0x8000  }
0x52e: {  	s12 =	sld [smem:$0x7F3]  }
0x52f: {  	[sflag:s23] =	ssyncset.done $0x0  }
0x530: {  	[sflag:s23] =	ssyncadd.s32 $0xFFFF8000  }
0x531: {  	[hbm4b:s12+s4] =	stream.linear.scatter [tilespmem:s22], [sflag:$0x1], $0x8000, $0x38;
	[tilespmem:$0x1E000] =	vst v63  }
0x532: {  	_ =	swait.ge [sflag:s26], $0x8000  }
0x533: {  	s31 =	sld [smem:$0x7F4]  }
0x534: {  	[sflag:s26] =	ssyncset.done $0x0  }
0x535: {  	s0 =	simm.s32 $0x3400;
	[sflag:s26] =	ssyncadd.s32 $0xFFFF8000  }
0x536: {  	[tilespmem:s24], [sflag:$0x2] =	stream.linear.gather [hbm4b:s31+s4], $0x8000, $0x38;
	[tilespmem:$0x1E000] =	vst v63  }
0x537: {  	s1 =	simm.s32 $0x3410;
	s2 =	simm.s32 $0x3400;
	v6 =	vld [tilespmem:s0+$0x0]  }
.LBB2_56:
0x538: {  	p0 =	sne.s32 s1, $0x35F0;
	_ =	sdelay $0x3  }
0x539: {  	v7 =	vshll.u32 v6, $0xE  }
0x53a: {  	vm1 =	vge.s32 v6, v1;
	vm2 =	vlt.s32 v6, v0;
	v6 =	vadd.s32 s0, v7;
	s0 =	smov.u32 s1  }
0x53b: {  	vm1 =	vmand vm1, vm2;
	v6 =	vadd.s32 v3, v6  }
0x53c: {  	v6 =	vnsel vm1, $0x7FFFFFFF, v6  }
0x53d: {  	v7 =	vxor.u32 $0x80000000, v6  }
0x53e: {  	(xrf1) =	vsort.ascd.msk.u32 $0xffff, v7, v6;
	_ =	sdelay $0xd  }
0x53f: {  	v6, _, _ =	vpop (xrf1)  }
0x540: {  	v7 =	vshra.s32 v6, $0xE  }
0x541: {  	v8 =	vxor.u32 $0xFFFE0000, v7  }
0x542: {  	v9 =	vperm.xlane v8, v4;
	_ =	sdelay $0x1  }
0x543: {  	vm1 =	vne.s32 v8, v9  }
0x544: {  	vm2 =	vne.s32 v6, $0xFFFFFFFF;
	v8 =	vsub.s32 v8, v1;
	vm1 =	vmor vm1, vm0  }
0x545: {  	v7 =	vand.u32 $0x7F, v7;
	v8 =	vand.u32 $0xFFFFFF80, v8;
	vm1 =	vmand vm2, vm1  }
0x546: {  	v7 =	vor.u32 v7, v8;
	_ =	sdelay $0x1  }
.Ltmp29:
0x547: {  	(pc) =	sbr.rel @p0 .LBB2_56-.Ltmp29, $4  }
0x548: {  	_ = 	snop  }
0x549: {  	v6 =	vand.u32 $0x3FFF, v6  }
0x54a: {  	s2 =	sadd.s32 $0x10, s2;
	[tilespmem:v7+s25+$0x0] =	vst.idx.msk vm1, v6  }
0x54b: {  	s1 =	sadd.s32 $0x10, s1;
	v6 =	vld [tilespmem:s2+$0x0]  }
0x54c: {  	_ =	sdelay $0x3  }
0x54d: {  	v7 =	vshll.u32 v6, $0xE  }
0x54e: {  	vm1 =	vge.s32 v6, v1;
	vm2 =	vlt.s32 v6, v0;
	v6 =	vadd.s32 s0, v7  }
0x54f: {  	vm1 =	vmand vm1, vm2;
	v6 =	vadd.s32 v3, v6  }
0x550: {  	v6 =	vnsel vm1, $0x7FFFFFFF, v6  }
0x551: {  	v7 =	vxor.u32 $0x80000000, v6  }
0x552: {  	(xrf1) =	vsort.ascd.msk.u32 $0xffff, v7, v6;
	_ =	sdelay $0xd  }
0x553: {  	v6, _, _ =	vpop (xrf1)  }
0x554: {  	v7 =	vshra.s32 v6, $0xE  }
0x555: {  	v8 =	vxor.u32 $0xFFFE0000, v7  }
0x556: {  	v9 =	vperm.xlane v8, v4;
	_ =	sdelay $0x1  }
0x557: {  	vm1 =	vne.s32 v8, v9  }
0x558: {  	vm2 =	vne.s32 v6, $0xFFFFFFFF;
	v8 =	vsub.s32 v8, v1;
	vm1 =	vmor vm1, vm0  }
0x559: {  	v7 =	vand.u32 $0x7F, v7;
	v8 =	vand.u32 $0xFFFFFF80, v8;
	vm1 =	vmand vm2, vm1  }
0x55a: {  	v7 =	vor.u32 v7, v8;
	_ =	sdelay $0x3  }
0x55b: {  	v6 =	vand.u32 $0x3FFF, v6  }
0x55c: {  	[tilespmem:v7+s25+$0x0] =	vst.idx.msk vm1, v6  }
0x55d: {  	_ =	swait.ge [sflag:s23], $0x8000  }
0x55e: {  	s12 =	sld [smem:$0x7F5]  }
0x55f: {  	[sflag:s23] =	ssyncset.done $0x0  }
0x560: {  	[sflag:s23] =	ssyncadd.s32 $0xFFFF8000  }
0x561: {  	[hbm4b:s12+s4] =	stream.linear.scatter [tilespmem:s24], [sflag:$0x1], $0x8000, $0x38;
	[tilespmem:$0x1E000] =	vst v63  }
0x562: {  	_ =	swait.ge [sflag:s26], $0x8000  }
0x563: {  	s31 =	sld [smem:$0x7F6]  }
0x564: {  	[sflag:s26] =	ssyncset.done $0x0  }
0x565: {  	s0 =	simm.s32 $0x3600;
	[sflag:s26] =	ssyncadd.s32 $0xFFFF8000  }
0x566: {  	[tilespmem:s22], [sflag:$0x2] =	stream.linear.gather [hbm4b:s31+s4], $0x8000, $0x38;
	[tilespmem:$0x1E000] =	vst v63  }
0x567: {  	s1 =	simm.s32 $0x3610;
	s2 =	simm.s32 $0x3600;
	v6 =	vld [tilespmem:s0+$0x0]  }
.LBB2_58:
0x568: {  	p0 =	sne.s32 s1, $0x37F0;
	_ =	sdelay $0x3  }
0x569: {  	v7 =	vshll.u32 v6, $0xE  }
0x56a: {  	vm1 =	vge.s32 v6, v1;
	vm2 =	vlt.s32 v6, v0;
	v6 =	vadd.s32 s0, v7;
	s0 =	smov.u32 s1  }
0x56b: {  	vm1 =	vmand vm1, vm2;
	v6 =	vadd.s32 v3, v6  }
0x56c: {  	v6 =	vnsel vm1, $0x7FFFFFFF, v6  }
0x56d: {  	v7 =	vxor.u32 $0x80000000, v6  }
0x56e: {  	(xrf1) =	vsort.ascd.msk.u32 $0xffff, v7, v6;
	_ =	sdelay $0xd  }
0x56f: {  	v6, _, _ =	vpop (xrf1)  }
0x570: {  	v7 =	vshra.s32 v6, $0xE  }
0x571: {  	v8 =	vxor.u32 $0xFFFE0000, v7  }
0x572: {  	v9 =	vperm.xlane v8, v4;
	_ =	sdelay $0x1  }
0x573: {  	vm1 =	vne.s32 v8, v9  }
0x574: {  	vm2 =	vne.s32 v6, $0xFFFFFFFF;
	v8 =	vsub.s32 v8, v1;
	vm1 =	vmor vm1, vm0  }
0x575: {  	v7 =	vand.u32 $0x7F, v7;
	v8 =	vand.u32 $0xFFFFFF80, v8;
	vm1 =	vmand vm2, vm1  }
0x576: {  	v7 =	vor.u32 v7, v8;
	_ =	sdelay $0x1  }
.Ltmp30:
0x577: {  	(pc) =	sbr.rel @p0 .LBB2_58-.Ltmp30, $4  }
0x578: {  	_ = 	snop  }
0x579: {  	v6 =	vand.u32 $0x3FFF, v6  }
0x57a: {  	s2 =	sadd.s32 $0x10, s2;
	[tilespmem:v7+s25+$0x0] =	vst.idx.msk vm1, v6  }
0x57b: {  	s1 =	sadd.s32 $0x10, s1;
	v6 =	vld [tilespmem:s2+$0x0]  }
0x57c: {  	_ =	sdelay $0x3  }
0x57d: {  	v7 =	vshll.u32 v6, $0xE  }
0x57e: {  	vm1 =	vge.s32 v6, v1;
	vm2 =	vlt.s32 v6, v0;
	v6 =	vadd.s32 s0, v7  }
0x57f: {  	vm1 =	vmand vm1, vm2;
	v6 =	vadd.s32 v3, v6  }
0x580: {  	v6 =	vnsel vm1, $0x7FFFFFFF, v6  }
0x581: {  	v7 =	vxor.u32 $0x80000000, v6  }
0x582: {  	(xrf1) =	vsort.ascd.msk.u32 $0xffff, v7, v6;
	_ =	sdelay $0xd  }
0x583: {  	v6, _, _ =	vpop (xrf1)  }
0x584: {  	v7 =	vshra.s32 v6, $0xE  }
0x585: {  	v8 =	vxor.u32 $0xFFFE0000, v7  }
0x586: {  	v9 =	vperm.xlane v8, v4;
	_ =	sdelay $0x1  }
0x587: {  	vm1 =	vne.s32 v8, v9  }
0x588: {  	vm2 =	vne.s32 v6, $0xFFFFFFFF;
	v8 =	vsub.s32 v8, v1;
	vm1 =	vmor vm1, vm0  }
0x589: {  	v7 =	vand.u32 $0x7F, v7;
	v8 =	vand.u32 $0xFFFFFF80, v8;
	vm1 =	vmand vm2, vm1  }
0x58a: {  	v7 =	vor.u32 v7, v8;
	_ =	sdelay $0x3  }
0x58b: {  	v6 =	vand.u32 $0x3FFF, v6  }
0x58c: {  	[tilespmem:v7+s25+$0x0] =	vst.idx.msk vm1, v6  }
0x58d: {  	_ =	swait.ge [sflag:s23], $0x8000  }
0x58e: {  	s12 =	sld [smem:$0x7F7]  }
0x58f: {  	[sflag:s23] =	ssyncset.done $0x0  }
0x590: {  	[sflag:s23] =	ssyncadd.s32 $0xFFFF8000  }
0x591: {  	[hbm4b:s12+s4] =	stream.linear.scatter [tilespmem:s22], [sflag:$0x1], $0x8000, $0x38;
	[tilespmem:$0x1E000] =	vst v63  }
0x592: {  	_ =	swait.ge [sflag:s26], $0x8000  }
0x593: {  	s31 =	sld [smem:$0x7F8]  }
0x594: {  	[sflag:s26] =	ssyncset.done $0x0  }
0x595: {  	s0 =	simm.s32 $0x3800;
	[sflag:s26] =	ssyncadd.s32 $0xFFFF8000  }
0x596: {  	[tilespmem:s24], [sflag:$0x2] =	stream.linear.gather [hbm4b:s31+s4], $0x8000, $0x38;
	[tilespmem:$0x1E000] =	vst v63  }
0x597: {  	s1 =	simm.s32 $0x3810;
	s2 =	simm.s32 $0x3800;
	v6 =	vld [tilespmem:s0+$0x0]  }
.LBB2_60:
0x598: {  	p0 =	sne.s32 s1, $0x39F0;
	_ =	sdelay $0x3  }
0x599: {  	v7 =	vshll.u32 v6, $0xE  }
0x59a: {  	vm1 =	vge.s32 v6, v1;
	vm2 =	vlt.s32 v6, v0;
	v6 =	vadd.s32 s0, v7;
	s0 =	smov.u32 s1  }
0x59b: {  	vm1 =	vmand vm1, vm2;
	v6 =	vadd.s32 v3, v6  }
0x59c: {  	v6 =	vnsel vm1, $0x7FFFFFFF, v6  }
0x59d: {  	v7 =	vxor.u32 $0x80000000, v6  }
0x59e: {  	(xrf1) =	vsort.ascd.msk.u32 $0xffff, v7, v6;
	_ =	sdelay $0xd  }
0x59f: {  	v6, _, _ =	vpop (xrf1)  }
0x5a0: {  	v7 =	vshra.s32 v6, $0xE  }
0x5a1: {  	v8 =	vxor.u32 $0xFFFE0000, v7  }
0x5a2: {  	v9 =	vperm.xlane v8, v4;
	_ =	sdelay $0x1  }
0x5a3: {  	vm1 =	vne.s32 v8, v9  }
0x5a4: {  	vm2 =	vne.s32 v6, $0xFFFFFFFF;
	v8 =	vsub.s32 v8, v1;
	vm1 =	vmor vm1, vm0  }
0x5a5: {  	v7 =	vand.u32 $0x7F, v7;
	v8 =	vand.u32 $0xFFFFFF80, v8;
	vm1 =	vmand vm2, vm1  }
0x5a6: {  	v7 =	vor.u32 v7, v8;
	_ =	sdelay $0x1  }
.Ltmp31:
0x5a7: {  	(pc) =	sbr.rel @p0 .LBB2_60-.Ltmp31, $4  }
0x5a8: {  	_ = 	snop  }
0x5a9: {  	v6 =	vand.u32 $0x3FFF, v6  }
0x5aa: {  	s2 =	sadd.s32 $0x10, s2;
	[tilespmem:v7+s25+$0x0] =	vst.idx.msk vm1, v6  }
0x5ab: {  	s1 =	sadd.s32 $0x10, s1;
	v6 =	vld [tilespmem:s2+$0x0]  }
0x5ac: {  	_ =	sdelay $0x3  }
0x5ad: {  	v7 =	vshll.u32 v6, $0xE  }
0x5ae: {  	vm1 =	vge.s32 v6, v1;
	vm2 =	vlt.s32 v6, v0;
	v6 =	vadd.s32 s0, v7  }
0x5af: {  	vm1 =	vmand vm1, vm2;
	v6 =	vadd.s32 v3, v6  }
0x5b0: {  	v6 =	vnsel vm1, $0x7FFFFFFF, v6  }
0x5b1: {  	v7 =	vxor.u32 $0x80000000, v6  }
0x5b2: {  	(xrf1) =	vsort.ascd.msk.u32 $0xffff, v7, v6;
	_ =	sdelay $0xd  }
0x5b3: {  	v6, _, _ =	vpop (xrf1)  }
0x5b4: {  	v7 =	vshra.s32 v6, $0xE  }
0x5b5: {  	v8 =	vxor.u32 $0xFFFE0000, v7  }
0x5b6: {  	v9 =	vperm.xlane v8, v4;
	_ =	sdelay $0x1  }
0x5b7: {  	vm1 =	vne.s32 v8, v9  }
0x5b8: {  	vm2 =	vne.s32 v6, $0xFFFFFFFF;
	v8 =	vsub.s32 v8, v1;
	vm1 =	vmor vm1, vm0  }
0x5b9: {  	v7 =	vand.u32 $0x7F, v7;
	v8 =	vand.u32 $0xFFFFFF80, v8;
	vm1 =	vmand vm2, vm1  }
0x5ba: {  	v7 =	vor.u32 v7, v8;
	_ =	sdelay $0x3  }
0x5bb: {  	v6 =	vand.u32 $0x3FFF, v6  }
0x5bc: {  	[tilespmem:v7+s25+$0x0] =	vst.idx.msk vm1, v6  }
0x5bd: {  	_ =	swait.ge [sflag:s23], $0x8000  }
0x5be: {  	s12 =	sld [smem:$0x7F9]  }
0x5bf: {  	[sflag:s23] =	ssyncset.done $0x0  }
0x5c0: {  	[sflag:s23] =	ssyncadd.s32 $0xFFFF8000  }
0x5c1: {  	[hbm4b:s12+s4] =	stream.linear.scatter [tilespmem:s24], [sflag:$0x1], $0x8000, $0x38;
	[tilespmem:$0x1E000] =	vst v63  }
0x5c2: {  	_ =	swait.ge [sflag:s26], $0x8000  }
0x5c3: {  	s31 =	sld [smem:$0x7FC]  }
0x5c4: {  	[sflag:s26] =	ssyncset.done $0x0  }
0x5c5: {  	s0 =	simm.s32 $0x3A00;
	[sflag:s26] =	ssyncadd.s32 $0xFFFF8000  }
0x5c6: {  	[tilespmem:s22], [sflag:$0x2] =	stream.linear.gather [hbm4b:s31+s4], $0x8000, $0x38;
	[tilespmem:$0x1E000] =	vst v63  }
0x5c7: {  	s1 =	simm.s32 $0x3A10;
	s2 =	simm.s32 $0x3A00;
	v6 =	vld [tilespmem:s0+$0x0]  }
.LBB2_62:
0x5c8: {  	p0 =	sne.s32 s1, $0x3BF0;
	_ =	sdelay $0x3  }
0x5c9: {  	v7 =	vshll.u32 v6, $0xE  }
0x5ca: {  	vm1 =	vge.s32 v6, v1;
	vm2 =	vlt.s32 v6, v0;
	v6 =	vadd.s32 s0, v7;
	s0 =	smov.u32 s1  }
0x5cb: {  	vm1 =	vmand vm1, vm2;
	v6 =	vadd.s32 v3, v6  }
0x5cc: {  	v6 =	vnsel vm1, $0x7FFFFFFF, v6  }
0x5cd: {  	v7 =	vxor.u32 $0x80000000, v6  }
0x5ce: {  	(xrf1) =	vsort.ascd.msk.u32 $0xffff, v7, v6;
	_ =	sdelay $0xd  }
0x5cf: {  	v6, _, _ =	vpop (xrf1)  }
0x5d0: {  	v7 =	vshra.s32 v6, $0xE  }
0x5d1: {  	v8 =	vxor.u32 $0xFFFE0000, v7  }
0x5d2: {  	v9 =	vperm.xlane v8, v4;
	_ =	sdelay $0x1  }
0x5d3: {  	vm1 =	vne.s32 v8, v9  }
0x5d4: {  	vm2 =	vne.s32 v6, $0xFFFFFFFF;
	v8 =	vsub.s32 v8, v1;
	vm1 =	vmor vm1, vm0  }
0x5d5: {  	v7 =	vand.u32 $0x7F, v7;
	v8 =	vand.u32 $0xFFFFFF80, v8;
	vm1 =	vmand vm2, vm1  }
0x5d6: {  	v7 =	vor.u32 v7, v8;
	_ =	sdelay $0x1  }
.Ltmp32:
0x5d7: {  	(pc) =	sbr.rel @p0 .LBB2_62-.Ltmp32, $4  }
0x5d8: {  	_ = 	snop  }
0x5d9: {  	v6 =	vand.u32 $0x3FFF, v6  }
0x5da: {  	s2 =	sadd.s32 $0x10, s2;
	[tilespmem:v7+s25+$0x0] =	vst.idx.msk vm1, v6  }
0x5db: {  	s1 =	sadd.s32 $0x10, s1;
	v6 =	vld [tilespmem:s2+$0x0]  }
0x5dc: {  	_ =	sdelay $0x3  }
0x5dd: {  	v7 =	vshll.u32 v6, $0xE  }
0x5de: {  	vm1 =	vge.s32 v6, v1;
	vm2 =	vlt.s32 v6, v0;
	v6 =	vadd.s32 s0, v7  }
0x5df: {  	vm1 =	vmand vm1, vm2;
	v6 =	vadd.s32 v3, v6  }
0x5e0: {  	v6 =	vnsel vm1, $0x7FFFFFFF, v6  }
0x5e1: {  	v7 =	vxor.u32 $0x80000000, v6  }
0x5e2: {  	(xrf1) =	vsort.ascd.msk.u32 $0xffff, v7, v6;
	_ =	sdelay $0xd  }
0x5e3: {  	v6, _, _ =	vpop (xrf1)  }
0x5e4: {  	v7 =	vshra.s32 v6, $0xE  }
0x5e5: {  	v8 =	vxor.u32 $0xFFFE0000, v7  }
0x5e6: {  	v9 =	vperm.xlane v8, v4;
	_ =	sdelay $0x1  }
0x5e7: {  	vm1 =	vne.s32 v8, v9  }
0x5e8: {  	vm2 =	vne.s32 v6, $0xFFFFFFFF;
	v8 =	vsub.s32 v8, v1;
	vm1 =	vmor vm1, vm0  }
0x5e9: {  	v7 =	vand.u32 $0x7F, v7;
	v8 =	vand.u32 $0xFFFFFF80, v8;
	vm1 =	vmand vm2, vm1  }
0x5ea: {  	v7 =	vor.u32 v7, v8;
	_ =	sdelay $0x3  }
0x5eb: {  	v6 =	vand.u32 $0x3FFF, v6  }
0x5ec: {  	[tilespmem:v7+s25+$0x0] =	vst.idx.msk vm1, v6  }
0x5ed: {  	_ =	swait.ge [sflag:s23], $0x8000  }
0x5ee: {  	s31 =	sld [smem:$0x7FD]  }
0x5ef: {  	[sflag:s23] =	ssyncset.done $0x0  }
0x5f0: {  	[sflag:s23] =	ssyncadd.s32 $0xFFFF8000  }
0x5f1: {  	[hbm4b:s31+s4] =	stream.linear.scatter [tilespmem:s22], [sflag:$0x1], $0x8000, $0x38;
	[tilespmem:$0x1E000] =	vst v63  }
0x5f2: {  	_ =	swait.ge [sflag:s26], $0x8000  }
0x5f3: {  	[sflag:s26] =	ssyncset.done $0x0  }
0x5f4: {  	s0 =	simm.s32 $0x3C00;
	[sflag:s26] =	ssyncadd.s32 $0xFFFF8000  }
0x5f5: {  	[tilespmem:s24], [sflag:$0x2] =	stream.linear.gather [hbm4b:s13+s4], $0x8000, $0x38;
	[tilespmem:$0x1E000] =	vst v63  }
0x5f6: {  	s1 =	simm.s32 $0x3C10;
	s2 =	simm.s32 $0x3C00;
	v6 =	vld [tilespmem:s0+$0x0]  }
.LBB2_64:
0x5f7: {  	p0 =	sne.s32 s1, $0x3DF0;
	_ =	sdelay $0x3  }
0x5f8: {  	v7 =	vshll.u32 v6, $0xE  }
0x5f9: {  	vm1 =	vge.s32 v6, v1;
	vm2 =	vlt.s32 v6, v0;
	v6 =	vadd.s32 s0, v7;
	s0 =	smov.u32 s1  }
0x5fa: {  	vm1 =	vmand vm1, vm2;
	v6 =	vadd.s32 v3, v6  }
0x5fb: {  	v6 =	vnsel vm1, $0x7FFFFFFF, v6  }
0x5fc: {  	v7 =	vxor.u32 $0x80000000, v6  }
0x5fd: {  	(xrf1) =	vsort.ascd.msk.u32 $0xffff, v7, v6;
	_ =	sdelay $0xd  }
0x5fe: {  	v6, _, _ =	vpop (xrf1)  }
0x5ff: {  	v7 =	vshra.s32 v6, $0xE  }
0x600: {  	v8 =	vxor.u32 $0xFFFE0000, v7  }
0x601: {  	v9 =	vperm.xlane v8, v4;
	_ =	sdelay $0x1  }
0x602: {  	vm1 =	vne.s32 v8, v9  }
0x603: {  	vm2 =	vne.s32 v6, $0xFFFFFFFF;
	v8 =	vsub.s32 v8, v1;
	vm1 =	vmor vm1, vm0  }
0x604: {  	v7 =	vand.u32 $0x7F, v7;
	v8 =	vand.u32 $0xFFFFFF80, v8;
	vm1 =	vmand vm2, vm1  }
0x605: {  	v7 =	vor.u32 v7, v8;
	_ =	sdelay $0x1  }
.Ltmp33:
0x606: {  	(pc) =	sbr.rel @p0 .LBB2_64-.Ltmp33, $4  }
0x607: {  	_ = 	snop  }
0x608: {  	v6 =	vand.u32 $0x3FFF, v6  }
0x609: {  	s2 =	sadd.s32 $0x10, s2;
	[tilespmem:v7+s25+$0x0] =	vst.idx.msk vm1, v6  }
0x60a: {  	s1 =	sadd.s32 $0x10, s1;
	v6 =	vld [tilespmem:s2+$0x0]  }
0x60b: {  	_ =	sdelay $0x3  }
0x60c: {  	v7 =	vshll.u32 v6, $0xE  }
0x60d: {  	vm1 =	vge.s32 v6, v1;
	vm2 =	vlt.s32 v6, v0;
	v6 =	vadd.s32 s0, v7  }
0x60e: {  	vm1 =	vmand vm1, vm2;
	v6 =	vadd.s32 v3, v6  }
0x60f: {  	v6 =	vnsel vm1, $0x7FFFFFFF, v6  }
0x610: {  	v7 =	vxor.u32 $0x80000000, v6  }
0x611: {  	(xrf1) =	vsort.ascd.msk.u32 $0xffff, v7, v6;
	_ =	sdelay $0xd  }
0x612: {  	v6, _, _ =	vpop (xrf1)  }
0x613: {  	v7 =	vshra.s32 v6, $0xE  }
0x614: {  	v8 =	vxor.u32 $0xFFFE0000, v7  }
0x615: {  	v9 =	vperm.xlane v8, v4;
	_ =	sdelay $0x1  }
0x616: {  	vm1 =	vne.s32 v8, v9  }
0x617: {  	vm2 =	vne.s32 v6, $0xFFFFFFFF;
	v8 =	vsub.s32 v8, v1;
	vm1 =	vmor vm1, vm0  }
0x618: {  	v7 =	vand.u32 $0x7F, v7;
	v8 =	vand.u32 $0xFFFFFF80, v8;
	vm1 =	vmand vm2, vm1  }
0x619: {  	v7 =	vor.u32 v7, v8;
	_ =	sdelay $0x3  }
0x61a: {  	v6 =	vand.u32 $0x3FFF, v6  }
0x61b: {  	[tilespmem:v7+s25+$0x0] =	vst.idx.msk vm1, v6  }
0x61c: {  	_ =	swait.ge [sflag:s23], $0x8000  }
0x61d: {  	[sflag:s23] =	ssyncset.done $0x0  }
0x61e: {  	s1 =	simm.s32 $0x3E00;
	s0 =	simm.s32 $0x3E00;
	[sflag:s23] =	ssyncadd.s32 $0xFFFF8000  }
0x61f: {  	[hbm4b:s14+s4] =	stream.linear.scatter [tilespmem:s24], [sflag:$0x1], $0x8000, $0x38;
	[tilespmem:$0x1E000] =	vst v63  }
.LBB2_66:
0x620: {  	v6 =	vld [tilespmem:s0+$0x0];
	_ =	sdelay $0x4  }
0x621: {  	v7 =	vshll.u32 v6, $0xE  }
0x622: {  	vm1 =	vge.s32 v6, v1;
	vm2 =	vlt.s32 v6, v0;
	v6 =	vadd.s32 s1, v7  }
0x623: {  	vm1 =	vmand vm1, vm2;
	v6 =	vadd.s32 v3, v6  }
0x624: {  	v6 =	vnsel vm1, $0x7FFFFFFF, v6  }
0x625: {  	v7 =	vxor.u32 $0x80000000, v6  }
0x626: {  	(xrf1) =	vsort.ascd.msk.u32 $0xffff, v7, v6;
	_ =	sdelay $0xd  }
0x627: {  	v6, _, _ =	vpop (xrf1)  }
0x628: {  	v7 =	vshra.s32 v6, $0xE  }
0x629: {  	v8 =	vxor.u32 $0xFFFE0000, v7  }
0x62a: {  	v9 =	vperm.xlane v8, v4;
	_ =	sdelay $0x1  }
0x62b: {  	vm1 =	vne.s32 v8, v9  }
0x62c: {  	vm2 =	vne.s32 v6, $0xFFFFFFFF;
	v8 =	vsub.s32 v8, v1;
	vm1 =	vmor vm1, vm0  }
0x62d: {  	v7 =	vand.u32 $0x7F, v7;
	v8 =	vand.u32 $0xFFFFFF80, v8;
	vm1 =	vmand vm2, vm1  }
0x62e: {  	p0 =	sne.s32 s1, $0x3FF0;
	v7 =	vor.u32 v7, v8  }
.Ltmp34:
0x62f: {  	_ = 	snop;
	(pc) =	sbr.rel @p0 .LBB2_66-.Ltmp34, $3  }
0x630: {  	_ =	sdelay $0x1  }
0x631: {  	v6 =	vand.u32 $0x3FFF, v6  }
0x632: {  	s0 =	sadd.s32 $0x10, s0;
	s1 =	sadd.s32 $0x10, s1;
	[tilespmem:v7+s25+$0x0] =	vst.idx.msk vm1, v6  }
0x633: {  	s0 =	simm.s32 $0x0  }
0x634: {  	v6 =	vld [tilespmem:s0+$0x8800];
	_ =	sdelay $0x4  }
0x635: {  	vm1 =	vgt.s32 v6, $0xFFFFFFFF;
	_ =	sdelay $0x4  }
0x636: {  	v8 =	vld [tilespmem:s0+$0x8000]  }
0x637: {  	v7 =	vld.idx.msk [tilespmem:v6+s21+$0x0], vm1;
	_ =	sdelay $0x4  }
0x638: {  	vm2 =	vlt.f32 v7, v8  }
0x639: {  	vm1 =	vmand vm1, vm2  }
0x63a: {  	v7 =	vsel vm1, $0x1, v5  }
0x63b: {  	(xrf0) =	vadd.scan.msk.s32 $0xffff, v7;
	_ =	sdelay $0x5  }
0x63c: {  	s0 =	simm.s32 $0x0;
	v8 =	vsel vm1, $0xFFFFFFFF, v5;
	v7, _, _ =	vpop (xrf0)  }
0x63d: {  	v8 =	vadd.s32 s0, v8;
	(v2sf) =	vpush v7, $0xF  }
0x63e: {  	v7 =	vadd.s32 v7, v8;
	_ =	sdelay $0x3  }
0x63f: {  	v8 =	vor.u32 s5, v3  }
0x640: {  	[tilespmem:v7+s28+$0x0] =	vst.idx.msk vm1, v8  }
0x641: {  	s2 =	simm.s32 $0x10;
	[tilespmem:v7+s29+$0x0] =	vst.idx.msk vm1, v6  }
0x642: {  	v6 =	vld [tilespmem:s2+$0x8800];
	_ =	sdelay $0x4  }
0x643: {  	vm1 =	vgt.s32 v6, $0xFFFFFFFF;
	_ =	sdelay $0x1  }
0x644: {  	s7 =	simm.s32 $0x80;
	s1 =	smov.u32 s5;
	s6 =	spop (v2sf)  }
.LBB2_68:
0x645: {  	s0 =	sadd.s32 s0, s6  }
0x646: {  	s1 =	sadd.s32 $0x10, s1;
	s6 =	smov.u32 s7;
	s8 =	sadd.s32 $0x40, s7  }
0x647: {  	p0 =	sne.s32 s7, $0x1FC0  }
0x648: {  	v7 =	vld.idx.msk [tilespmem:v6+s21+$0x0], vm1  }
0x649: {  	v8 =	vld [tilespmem:s2+$0x8000];
	_ =	sdelay $0x4  }
0x64a: {  	vm2 =	vlt.f32 v7, v8  }
0x64b: {  	vm1 =	vmand vm1, vm2  }
0x64c: {  	v7 =	vsel vm1, $0xFFFFFFFF, v5;
	v8 =	vsel vm1, $0x1, v5  }
0x64d: {  	(xrf0) =	vadd.scan.msk.s32 $0xffff, v8;
	_ =	sdelay $0x5  }
0x64e: {  	v7 =	vadd.s32 s0, v7;
	v8, _, _ =	vpop (xrf0)  }
0x64f: {  	v7 =	vadd.s32 v8, v7;
	(v2sf) =	vpush v8, $0xF;
	_ =	sdelay $0x3  }
0x650: {  	v8 =	vor.u32 s1, v3  }
0x651: {  	[tilespmem:v7+s28+$0x0] =	vst.idx.msk vm1, v8  }
0x652: {  	s2 =	sshra.s32 s6, $0x2;
	[tilespmem:v7+s29+$0x0] =	vst.idx.msk vm1, v6  }
0x653: {  	v6 =	vld [tilespmem:s2+$0x8800];
	_ =	sdelay $0x3  }
.Ltmp35:
0x654: {  	(pc) =	sbr.rel @p0 .LBB2_68-.Ltmp35, $2  }
0x655: {  	vm1 =	vgt.s32 v6, $0xFFFFFFFF;
	_ =	sdelay $0x2  }
0x656: {  	s7 =	smov.u32 s8;
	s6 =	spop (v2sf)  }
0x657: {  	_ =	sdelay $0x4  }
0x658: {  	v7 =	vld.idx.msk [tilespmem:v6+s21+$0x0], vm1  }
0x659: {  	v8 =	vld [tilespmem:s2+$0x8000];
	_ =	sdelay $0x4  }
0x65a: {  	vm2 =	vlt.f32 v7, v8  }
0x65b: {  	vm1 =	vmand vm1, vm2  }
0x65c: {  	v7 =	vsel vm1, $0x1, v5  }
0x65d: {  	(xrf0) =	vadd.scan.msk.s32 $0xffff, v7;
	_ =	sdelay $0x5  }
0x65e: {  	v7, _, _ =	vpop (xrf0)  }
0x65f: {  	(v2sf) =	vpush v7, $0xF;
	_ =	sdelay $0xe  }
0x660: {  	s0 =	sadd.s32 s0, s6;
	v62 =	vsel vm1, $0xFFFFFFFF, v5;
	s9 =	spop (v2sf)  }
0x661: {  	v8 =	vadd.s32 s0, v62;
	s0 =	sadd.s32 s0, s9  }
0x662: {  	s2 =	sadd.s32 $0xF, s0  }
0x663: {  	s10 =	sand.u32 $0xF, s2  }
0x664: {  	s11 =	sshra.s32 s2, $0x1F;
	p1 =	slt.s32 s2, $0x1;
	p0 =	sne.s32 s10, $0x0  }
0x665: {  	s1 =	sadd.s32 $0x10, s1;
	v7 =	vadd.s32 v7, v8;
	s12 =	sshrl.u32 s11, $0x1C;
	p0 =	por !p1, !p0  }
0x666: {  	v63 =	vor.u32 s1, v3;
	s1 =	sadd.s32 s12, s2;
	s2 =	simm.s32 $0x1;
	p0 =	por !p0, !p0  }
0x667: {  	s1 =	sshra.s32 s1, $0x4;
	s2 =	simm.s32 @!p0 $0x0  }
0x668: {  	s31 =	ssub.s32 s1, s2  }
0x669: {  	p0 =	slt.s32 s31, $0x1  }
.Ltmp36:
0x66a: {  	[tilespmem:v7+s28+$0x0] =	vst.idx.msk vm1, v63;
	(pc) =	sbr.rel @p0 .LBB2_73-.Ltmp36, $4  }
0x66b: {  	[tilespmem:v7+s29+$0x0] =	vst.idx.msk vm1, v6  }
0x66c: {  	_ =	swait.ge [sflag:s26], $0x8000  }
0x66d: {  	[sflag:s26] =	ssyncset.done $0x0  }
0x66e: {  	[sflag:s26] =	ssyncadd.s32 $0xFFFF8000  }
0x66f: {  	s1 =	simm.s32 $0x9800  }
0x670: {  	v7 =	vld [tilespmem:s1+$0x0];
	_ =	sdelay $0x3  }
0x671: {  	s10 =	simm.s32 $0x0  }
0x672: {  	v6 =	vmov s0;
	v8 =	vor.u32 s10, v3;
	v9 =	vperm.xlane v7, v5  }
0x673: {  	vm1 =	vlt.s32 v8, v6  }
0x674: {  	v7 =	vsel vm1, v7, v9  }
0x675: {  	v8 =	vshll.u32 v7, $0x2  }
0x676: {  	s11 =	simm.s32 $0x9000;
	v9 =	vand.u32 $0x7, v7;
	v8 =	vand.u32 $0xFFFFFFE0, v8  }
0x677: {  	v11 =	vshrl.u32 v3, $0x3;
	v10 =	vld [tilespmem:s11+$0x0];
	v7 =	vand.u32 $0x7, v3;
	v12 =	vor.u32 v9, v8  }
0x678: {  	v8 =	vmul.u32 $0x8, v11;
	v9 =	vperm.xlane v12, v7;
	_ =	sdelay $0x1  }
0x679: {  	p0 =	por $0x1, $0x1;
	v11 =	vadd.s32 v8, v9  }
0x67a: {  	s0 =	simm.s32 @!p0 $0x1;
	v9 =	vor.u32 $0x8, v3  }
0x67b: {  	_ =	swait.ge @!p0 [sflag:s0], $0x2000;
	v13 =	vperm.xlane v10, v5;
	v12 =	vperm.xlane v12, v9  }
0x67c: {  	s1 =	sand.u32 $0x2000, s10;
	[sflag:s0] =	ssyncset.done @!p0 $0x0  }
0x67d: {  	s12 =	sadd.s32 $0xA000, s1;
	[sflag:s0] =	ssyncadd.s32 @!p0 $0xFFFFE000;
	v10 =	vsel vm1, v10, v13;
	vm1 =	vmmov $0xffff;
	v12 =	vadd.s32 v8, v12  }
0x67e: {  	v13 =	vshll.u32 v10, $0x2;
	[tilespmem:s12], [sflag:$0x2] =	stream.indirect_vreg.gather [hbm4b:s16+s4], $0x80, v11, vm1, $0xb8;
	[tilespmem:$0x1E000] =	vst v63  }
0x67f: {  	s2 =	sadd.s32 $0xA800, s1;
	v10 =	vand.u32 $0x7, v10;
	v13 =	vand.u32 $0xFFFFFFE0, v13  }
0x680: {  	v10 =	vor.u32 v10, v13;
	[tilespmem:s2], [sflag:$0x2] =	stream.indirect_vreg.gather [hbm4b:s17+s4], $0x80, v11, vm1, $0xb8;
	[tilespmem:$0x1E000] =	vst v63  }
0x681: {  	s6 =	sadd.s32 $0xB000, s1;
	v11 =	vperm.xlane v10, v7  }
0x682: {  	[tilespmem:s6], [sflag:$0x2] =	stream.indirect_vreg.gather [hbm4b:s16+s4], $0x80, v12, vm1, $0xb8;
	[tilespmem:$0x1E000] =	vst v63  }
0x683: {  	s8 =	sadd.s32 $0xB800, s1;
	v11 =	vadd.s32 v8, v11  }
0x684: {  	[tilespmem:s8], [sflag:$0x2] =	stream.indirect_vreg.gather [hbm4b:s17+s4], $0x80, v12, vm1, $0xb8;
	[tilespmem:$0x1E000] =	vst v63  }
0x685: {  	v10 =	vperm.xlane v10, v9;
	_ =	swait.ge [sflag:s23], $0x2000  }
0x686: {  	[sflag:s23] =	ssyncset.done $0x0  }
0x687: {  	p0 =	sne.s32 s31, $0x1;
	v10 =	vadd.s32 v8, v10;
	[sflag:s23] =	ssyncadd.s32 $0xFFFFE000  }
0x688: {  	[hbm4b:s3+s4] =	stream.indirect_vreg.scatter [tilespmem:s12], [sflag:$0x1], $0x80, v11, vm1, $0xb8;
	[tilespmem:$0x1E000] =	vst v63  }
.Ltmp37:
0x689: {  	_ = 	snop;
	(pc) =	sbr.rel @!p0 .LBB2_72-.Ltmp37, $4  }
0x68a: {  	[hbm4b:s19+s4] =	stream.indirect_vreg.scatter [tilespmem:s2], [sflag:$0x1], $0x80, v11, vm1, $0xb8;
	[tilespmem:$0x1E000] =	vst v63  }
0x68b: {  	s7 =	simm.s32 $0x9810;
	s1 =	simm.s32 $0x2000  }
0x68c: {  	[hbm4b:s3+s4] =	stream.indirect_vreg.scatter [tilespmem:s6], [sflag:$0x1], $0x80, v10, vm1, $0xb8;
	[tilespmem:$0x1E000] =	vst v63  }
0x68d: {  	s0 =	simm.s32 $0x1;
	s2 =	simm.s32 $0x10;
	s6 =	simm.s32 $0x9010  }
.LBB2_71:
0x68e: {  	[hbm4b:s19+s4] =	stream.indirect_vreg.scatter [tilespmem:s8], [sflag:$0x1], $0x80, v10, vm1, $0xb8;
	[tilespmem:$0x1E000] =	vst v63  }
0x68f: {  	s8 =	smov.u32 s0;
	s0 =	sadd.s32 $0x1, s0;
	v10 =	vld [tilespmem:s7+$0x0]  }
0x690: {  	p0 =	sne.s32 s31, s0;
	v11 =	vld [tilespmem:s6+$0x0];
	_ =	sdelay $0x3  }
0x691: {  	v12 =	vor.u32 s2, v3;
	v13 =	vperm.xlane v10, v5  }
0x692: {  	vm2 =	vlt.s32 v12, v6;
	v12 =	vperm.xlane v11, v5  }
0x693: {  	v10 =	vsel vm2, v10, v13  }
0x694: {  	v11 =	vsel vm2, v11, v12;
	v12 =	vshll.u32 v10, $0x2  }
0x695: {  	v10 =	vand.u32 $0x7, v10;
	v12 =	vand.u32 $0xFFFFFFE0, v12;
	v13 =	vshll.u32 v11, $0x2  }
0x696: {  	v11 =	vand.u32 $0x7, v11;
	v10 =	vor.u32 v10, v12;
	v12 =	vand.u32 $0xFFFFFFE0, v13  }
0x697: {  	v13 =	vperm.xlane v10, v7;
	v10 =	vperm.xlane v10, v9;
	v11 =	vor.u32 v11, v12  }
0x698: {  	v12 =	vperm.xlane v11, v7;
	v11 =	vperm.xlane v11, v9  }
0x699: {  	p1 =	slt.u32 s8, $0x2;
	v13 =	vadd.s32 v8, v13  }
0x69a: {  	s8 =	simm.s32 @!p1 $0x1  }
0x69b: {  	_ =	swait.ge @!p1 [sflag:s8], $0x2000  }
0x69c: {  	s9 =	sand.u32 $0x2000, s1;
	[sflag:s8] =	ssyncset.done @!p1 $0x0  }
0x69d: {  	s10 =	sadd.s32 $0xA000, s9;
	v10 =	vadd.s32 v8, v10;
	[sflag:s8] =	ssyncadd.s32 @!p1 $0xFFFFE000  }
0x69e: {  	[tilespmem:s10], [sflag:$0x2] =	stream.indirect_vreg.gather [hbm4b:s16+s4], $0x80, v13, vm1, $0xb8;
	[tilespmem:$0x1E000] =	vst v63  }
0x69f: {  	s11 =	sadd.s32 $0xA800, s9  }
0x6a0: {  	[tilespmem:s11], [sflag:$0x2] =	stream.indirect_vreg.gather [hbm4b:s17+s4], $0x80, v13, vm1, $0xb8;
	[tilespmem:$0x1E000] =	vst v63  }
0x6a1: {  	s12 =	sadd.s32 $0xB000, s9  }
0x6a2: {  	[tilespmem:s12], [sflag:$0x2] =	stream.indirect_vreg.gather [hbm4b:s16+s4], $0x80, v10, vm1, $0xb8;
	[tilespmem:$0x1E000] =	vst v63  }
0x6a3: {  	v12 =	vadd.s32 v8, v12;
	s8 =	sadd.s32 $0xB800, s9  }
0x6a4: {  	[tilespmem:s8], [sflag:$0x2] =	stream.indirect_vreg.gather [hbm4b:s17+s4], $0x80, v10, vm1, $0xb8;
	[tilespmem:$0x1E000] =	vst v63  }
0x6a5: {  	_ =	swait.ge [sflag:s23], $0x2000  }
0x6a6: {  	[sflag:s23] =	ssyncset.done $0x0  }
0x6a7: {  	v10 =	vadd.s32 v8, v11;
	[sflag:s23] =	ssyncadd.s32 $0xFFFFE000  }
0x6a8: {  	[hbm4b:s3+s4] =	stream.indirect_vreg.scatter [tilespmem:s10], [sflag:$0x1], $0x80, v12, vm1, $0xb8;
	[tilespmem:$0x1E000] =	vst v63  }
.Ltmp38:
0x6a9: {  	(pc) =	sbr.rel @p0 .LBB2_71-.Ltmp38, $4  }
0x6aa: {  	[hbm4b:s19+s4] =	stream.indirect_vreg.scatter [tilespmem:s11], [sflag:$0x1], $0x80, v12, vm1, $0xb8;
	[tilespmem:$0x1E000] =	vst v63  }
0x6ab: {  	s2 =	sadd.s32 $0x10, s2  }
0x6ac: {  	[hbm4b:s3+s4] =	stream.indirect_vreg.scatter [tilespmem:s12], [sflag:$0x1], $0x80, v10, vm1, $0xb8;
	[tilespmem:$0x1E000] =	vst v63  }
0x6ad: {  	s1 =	sadd.s32 $0x2000, s1;
	s7 =	sadd.s32 $0x10, s7;
	s6 =	sadd.s32 $0x10, s6  }
.Ltmp39:
0x6ae: {  	_ = 	snop;
	(pc) =	sbr.rel .LBB2_72-.Ltmp39, $1  }
0x6af: {  	_ =	sdelay $0x3  }
.LBB2_74:
0x6b0: {  	_ =	sfence.sel $0x180000  }
0x6b1: {  	[bflag:$0x0] =	sbarrier.arrive $0xFFFF  }
0x6b2: {  	_ =	strace $0x90000047  }
0x6b3: {  	s0 =	stileid.u32;
	[bflag:$0x2] =	sbarrier.arrive $0xFFFF  }
0x6b4: {  	p0 =	sne.s32 s0, $0x0;
	s0 =	rddreg [dreg:$0x5]  }
0x6b5: {  	s0 =	sadd.s32 @!p0 $0x100000, s0  }
0x6b6: {  	[sflag:s0] =	ssyncadd.tile.s32 @!p0 $0x1;
	_ =	shalt  }
.Lfunc_end2:
_tile_overlayer_lowered:
.L_overlay_start_2:
0x6b7: {  	(tag) =	ssettag $0x2  }
0x6b8: {  	s0 =	rddreg [dreg:$0x0];
	s2 =	stileid.u32  }
0x6b9: {  	s1 =	rddreg [dreg:$0x1];
	p0 =	sne.s32 s2, $0x0  }
0x6ba: {  	s3 =	rddreg [dreg:$0x2];
	[bflag:$0x3] =	sbarrier.arrive $0xFFFF;
	s2 =	simm.s32 @!p0 $0x1C03  }
0x6bb: {  	[timem:s3], [sflag:s2] =	dma.local @!p0 [hbm:s0], s1  }
0x6bc: {  	s0 =	simm.s32 @!p0 $0x3  }
0x6bd: {  	_ =	swait.ge @!p0 [sflag:s0], s1  }
0x6be: {  	s1 =	ssub.s32 @!p0 $0x0, s1;
	[sflag:s0] =	ssyncset.done @!p0 $0x0  }
0x6bf: {  	[sflag:s0] =	ssyncadd.s32 @!p0 s1  }
0x6c0: {  	[bflag:$0x3] =	sbarrier.arrive $0xFFFF  }
0x6c1: {  	_ =	shalt  }

</sc_bundles>
